<compile_context>
chip_gen: v7x
topology: tpu7x:2x2x1
jax: 0.10.2.dev20260603
libtpu: 0.0.44.dev20260713+nightly
codegen_flags: <defaults>
</compile_context>

<pallas_src>
import functools

import jax
import jax.numpy as jnp
from jax import lax
from jax.experimental import pallas as pl
from jax.experimental.pallas import tpu as pltpu
from jax.experimental.pallas import tpu_sc as plsc

NNODE = 10000
NEDGE = 320000
NPAD = 10240
KPOOL = 5000
KPAD = 5120
DBLK = 128

NC = 2
NS = 16
NW = NC * NS
EPW = NEDGE // NW
ECHUNK = 100
NITER = EPW // ECHUNK
UNROLL = 1
NJ = NITER // UNROLL


def _make_sc_spmm(spad, npad):
    del spad
    rpt = npad // NS
    mesh = plsc.VectorSubcoreMesh(core_axis_name="c", subcore_axis_name="s")

    @functools.partial(
        pl.kernel,
        mesh=mesh,
        out_type=jax.ShapeDtypeStruct((2 * npad, DBLK), jnp.float32),
        scratch_types=[
            pltpu.VMEM_SHARED((npad, DBLK), jnp.float32),
            pltpu.VMEM((NITER, ECHUNK), jnp.int32),
            pltpu.VMEM((NITER, ECHUNK), jnp.int32),
        ] + [pltpu.VMEM((ECHUNK, DBLK), jnp.float32) for _ in range(UNROLL)]
          + [pltpu.SemaphoreType.DMA for _ in range(2 * UNROLL)],
    )
    def spmm(xa, rows3, cols3, zz, out, sh, ridx, cidx, *bufs):
        gbufs = bufs[:UNROLL]
        gsems = bufs[UNROLL:2 * UNROLL]
        ssems = bufs[2 * UNROLL:]
        c = lax.axis_index("c")
        s = lax.axis_index("s")
        wid = s * NC + c
        pltpu.sync_copy(rows3.at[wid], ridx)
        pltpu.sync_copy(cols3.at[wid], cidx)
        pltpu.sync_copy(zz.at[pl.ds(s * rpt, rpt)], sh.at[pl.ds(s * rpt, rpt)])
        plsc.subcore_barrier()

        def body(j, carry):
            base_i = j * UNROLL
            gh = [pltpu.async_copy(xa.at[cidx.at[base_i + k]], gbufs[k],
                                   gsems[k]) for k in range(UNROLL)]
            sh_h = []
            for k in range(UNROLL):
                gh[k].wait()
                sh_h.append(pltpu.async_copy(gbufs[k],
                                             sh.at[ridx.at[base_i + k]],
                                             ssems[k], add=True))
            for k in range(UNROLL):
                sh_h[k].wait()
            return carry

        lax.fori_loop(0, NJ, body, 0)
        plsc.subcore_barrier()
        obase = pl.multiple_of(c * npad + s * rpt, 8)
        pltpu.sync_copy(sh.at[pl.ds(s * rpt, rpt)], out.at[pl.ds(obase, rpt)])

    return spmm


def _make_sc_deg(npad):
    rpt = npad // NS
    mesh = plsc.VectorSubcoreMesh(core_axis_name="c", subcore_axis_name="s")

    @functools.partial(
        pl.kernel,
        mesh=mesh,
        out_type=jax.ShapeDtypeStruct((2 * npad, DBLK), jnp.float32),
        scratch_types=[
            pltpu.VMEM_SHARED((npad, DBLK), jnp.float32),
            pltpu.VMEM((NITER, ECHUNK), jnp.int32),
            pltpu.VMEM((ECHUNK, DBLK), jnp.float32),
        ] + [pltpu.SemaphoreType.DMA for _ in range(UNROLL)],
    )
    def deg(rows3, zz, out, sh, ridx, gbuf, *ssems):
        c = lax.axis_index("c")
        s = lax.axis_index("s")
        wid = s * NC + c
        pltpu.sync_copy(rows3.at[wid], ridx)
        pltpu.sync_copy(zz.at[pl.ds(s * rpt, rpt)], sh.at[pl.ds(s * rpt, rpt)])
        e0 = jnp.where(lax.iota(jnp.int32, 16) == 0,
                       jnp.float32(1.0), jnp.float32(0.0))
        zv = jnp.zeros((16,), jnp.float32)

        def fill(i, carry):
            for cb in range(16, DBLK, 16):
                gbuf[i, pl.ds(cb, 16)] = zv
            gbuf[i, pl.ds(0, 16)] = e0
            return carry

        lax.fori_loop(0, ECHUNK, fill, 0)
        plsc.subcore_barrier()

        def body(j, carry):
            base_i = j * UNROLL
            hs = [pltpu.async_copy(gbuf, sh.at[ridx.at[base_i + k]],
                                   ssems[k], add=True)
                  for k in range(UNROLL)]
            for h in hs:
                h.wait()
            return carry

        lax.fori_loop(0, NJ, body, 0)
        plsc.subcore_barrier()
        obase = pl.multiple_of(c * npad + s * rpt, 8)
        pltpu.sync_copy(sh.at[pl.ds(s * rpt, rpt)], out.at[pl.ds(obase, rpt)])

    return deg


_sc_spmm_n = _make_sc_spmm(NPAD, NPAD)
_sc_spmm_k = _make_sc_spmm(KPAD, KPAD)
_sc_deg_n = _make_sc_deg(NPAD)
_sc_deg_k = _make_sc_deg(KPAD)


def _spmm_full(feats, row, col, spad, npad, n_src, n_dst, sc_fn):
    d = feats.shape[1]
    zz = jnp.zeros((npad, DBLK), jnp.float32)
    rows3 = row.reshape(NW, NITER, ECHUNK)
    cols3 = col.reshape(NW, NITER, ECHUNK)
    halves = []
    for h0 in range(0, d, DBLK):
        xa = jnp.zeros((spad, DBLK), jnp.float32)
        xa = xa.at[:n_src].set(feats[:, h0:h0 + DBLK])
        o2 = sc_fn(xa, rows3, cols3, zz)
        halves.append((o2[:npad] + o2[npad:])[:n_dst])
    return jnp.concatenate(halves, axis=1) if len(halves) > 1 else halves[0]


def _degree(row, npad, n_dst, deg_fn):
    zz = jnp.zeros((npad, DBLK), jnp.float32)
    o2 = deg_fn(row.reshape(NW, NITER, ECHUNK), zz)
    return (o2[:npad, 0] + o2[npad:, 0])[:n_dst]


def _mm_body(x_ref, w_ref, o_ref):
    o_ref[...] = jnp.dot(x_ref[...], w_ref[...],
                         preferred_element_type=jnp.float32)


def _matmul(x, w, bm=1000):
    m, k = x.shape
    n = w.shape[1]
    return pl.pallas_call(
        _mm_body,
        grid=(m // bm,),
        in_specs=[
            pl.BlockSpec((bm, k), lambda i: (i, 0)),
            pl.BlockSpec((k, n), lambda i: (0, 0)),
        ],
        out_specs=pl.BlockSpec((bm, n), lambda i: (i, 0)),
        out_shape=jax.ShapeDtypeStruct((m, n), jnp.float32),
    )(x, w)


def kernel(x, edge_index, W0, b0, W1, b1, pw, pb, Wu, bu, Wf, bf):
    row = edge_index[0]
    col = edge_index[1]

    x0 = _matmul(x, W0) + b0
    deg = (_degree(row, NPAD, NNODE, _sc_deg_n) + 1.0)[:, None]
    s1 = _spmm_full(x0, row, col, NPAD, NPAD, NNODE, NNODE, _sc_spmm_n)
    h = jax.nn.relu((s1 + x0) / deg)

    pwp = jnp.zeros((pw.shape[0], 128), jnp.float32).at[:, 0].set(pw[:, 0])
    score_col = _matmul(h, pwp)[:, 0] + pb[0]
    score = score_col / jnp.sqrt(jnp.sum(score_col ** 2))
    score = jax.nn.sigmoid(score)
    vals, idx = jax.lax.top_k(score, KPOOL)
    hp = jnp.take(h, idx, axis=0) * vals[:, None]

    xp = _matmul(hp, W1, bm=1000) + b1
    node_map = jnp.full((NNODE,), -1, jnp.int32).at[idx].set(
        jnp.arange(KPOOL, dtype=jnp.int32))
    r2 = node_map[row]
    c2 = node_map[col]
    valid = (r2 >= 0) & (c2 >= 0)
    rp = jnp.where(valid, r2, KPAD - 1)
    cp = jnp.where(valid, c2, 0)
    degp = (_degree(rp, KPAD, KPOOL, _sc_deg_k) + 1.0)[:, None]
    s2 = _spmm_full(xp, rp, cp, KPAD, KPAD, KPOOL, KPOOL, _sc_spmm_k)
    h2 = jax.nn.relu((s2 + xp) / degp)

    g = _matmul(h2, Wu, bm=1000) + bu
    m3 = jnp.broadcast_to(bu, (NNODE, Wu.shape[1])).at[idx].set(g)
    s3 = _spmm_full(m3, row, col, NPAD, NPAD, NNODE, NNODE, _sc_spmm_n)
    h3 = jax.nn.relu((s3 + m3) / deg)

    m4 = _matmul(h3, Wf) + bf
    s4 = _spmm_full(m4, row, col, NPAD, NPAD, NNODE, NNODE, _sc_spmm_n)
    h4 = (s4 + m4) / deg
    return jax.nn.log_softmax(h4, axis=1)

# --- scband reference (transcript-rebuilt; emitter-appended) ---
"""Pipeline reference for scband-graph-unet-88364657147967 (READ-ONLY COPY).

The authoritative reference and input builder live on the scoring server;
editing this copy changes nothing except your own understanding.
"""

import jax, jax.numpy as jnp
import numpy as np

N = 10000
E = 320000
D_IN = 128
H = 256
K = 5000  # max(2, int(0.5 * N)) pooling_ratio=0.5
D_OUT = 128


def setup_inputs(seed: int = 0) -> dict:
    key = jax.random.key(seed)
    ks = jax.random.split(key, 12)
    x = jax.random.normal(ks[0], (N, D_IN), dtype=jnp.float32)
    edge_index = jax.random.randint(ks[1], (2, E), 0, N, dtype=jnp.int32)
    s = 0.05
    W0 = jax.random.normal(ks[2], (D_IN, H), dtype=jnp.float32) * s
    b0 = jnp.zeros((H,), dtype=jnp.float32)
    W1 = jax.random.normal(ks[3], (H, H), dtype=jnp.float32) * s
    b1 = jnp.zeros((H,), dtype=jnp.float32)
    pw = jax.random.normal(ks[4], (H, 1), dtype=jnp.float32) * s
    pb = jnp.zeros((1,), dtype=jnp.float32)
    Wu = jax.random.normal(ks[5], (H, H), dtype=jnp.float32) * s
    bu = jnp.zeros((H,), dtype=jnp.float32)
    Wf = jax.random.normal(ks[6], (H, D_OUT), dtype=jnp.float32) * s
    bf = jnp.zeros((D_OUT,), dtype=jnp.float32)
    return {"x": x, "edge_index": edge_index, "W0": W0, "b0": b0, "W1": W1, "b1": b1,
            "pw": pw, "pb": pb, "Wu": Wu, "bu": bu, "Wf": Wf, "bf": bf}


def _norm_spmm(x, row, col):
    # row-normalized adjacency with self-loops: D^-1 (A + I) x
    n = x.shape[0]
    deg = jnp.zeros((n,), x.dtype).at[row].add(1.0) + 1.0
    msg = jnp.take(x, col, axis=0) / deg[row][:, None]
    out = jnp.zeros_like(x).at[row].add(msg)
    return out + x / deg[:, None]


def _pooled_spmm(xp, row, col, idx):
    # spmm over the induced subgraph A[idx][:, idx] with self-loops, row-normalized
    k = xp.shape[0]
    node_map = jnp.full((N,), -1, dtype=jnp.int32).at[idx].set(jnp.arange(k, dtype=jnp.int32))
    r2 = node_map[row]
    c2 = node_map[col]
    valid = (r2 >= 0) & (c2 >= 0)
    w = valid.astype(xp.dtype)
    r_safe = jnp.where(valid, r2, k)
    c_safe = jnp.where(valid, c2, 0)
    deg = jnp.zeros((k + 1,), xp.dtype).at[r_safe].add(w)[:k] + 1.0
    msg = jnp.take(xp, c_safe, axis=0) * (w / deg[jnp.where(valid, r2, 0)])[:, None]
    out = jnp.zeros((k + 1, xp.shape[1]), xp.dtype).at[r_safe].add(msg)[:k]
    return out + xp / deg[:, None]


def reference(x, edge_index, W0, b0, W1, b1, pw, pb, Wu, bu, Wf, bf):
    row = edge_index[0]
    col = edge_index[1]
    # down GraphConv 0 (128 -> 256), ReLU
    h = jax.nn.relu(_norm_spmm(x @ W0 + b0, row, col))
    # gPool (ratio 0.5)
    score = h @ pw + pb
    score = score / jnp.sqrt(jnp.sum(score ** 2))
    score = jax.nn.sigmoid(score[:, 0])
    vals, idx = jax.lax.top_k(score, K)
    hp = jnp.take(h, idx, axis=0) * vals[:, None]
    # down GraphConv 1 on pooled graph (256 -> 256), ReLU
    h2 = jax.nn.relu(_pooled_spmm(hp @ W1 + b1, row, col, idx))
    # gUnpool back to N nodes
    hu = jnp.zeros((N, h2.shape[1]), h2.dtype).at[idx].set(h2)
    # up GraphConv (256 -> 256), ReLU, on original graph
    h3 = jax.nn.relu(_norm_spmm(hu @ Wu + bu, row, col))
    # final GraphConv (256 -> 128), identity activation
    h4 = _norm_spmm(h3 @ Wf + bf, row, col)
    return jax.nn.log_softmax(h4, axis=1)

if __name__ == "__main__":
    import jax
    _d = setup_inputs()
    print(jax.jit(kernel)(*tuple(_d.values())))

</pallas_src>

<mosaic_0001>
#map = affine_map<(d0, d1) -> (0, 0, 0)>
#map1 = affine_map<(d0, d1) -> (0, 0)>
module attributes {stable_mosaic.version = 14 : i64} {
  func.func @deg(%arg0: i32, %arg1: i32, %arg2: memref<32x100x100xi32, #tpu.memory_space<hbm>>, %arg3: memref<10240x128xf32, #tpu.memory_space<hbm>>, %arg4: memref<20480x128xf32, #tpu.memory_space<hbm>>, %arg5: memref<10240x128xf32, #tpu.memory_space<vmem_shared>>, %arg6: memref<100x100xi32, #tpu.memory_space<vmem>>, %arg7: memref<100x128xf32, #tpu.memory_space<vmem>>, %arg8: memref<!tpu.dma_semaphore, #tpu.memory_space<semaphore_mem>>) attributes {dimension_semantics = [#tpu.dimension_semantics<core_parallel>, #tpu.dimension_semantics<subcore_parallel>], iteration_bounds = array<i64: 2, 16>, scalar_prefetch = 0 : i64, scratch_operands = 4 : i64, tpu.core_type = #tpu.core_type<sc_vector_subcore>, window_params = [{transform_indices = #map}, {transform_indices = #map1}, {transform_indices = #map1}]} {
    %mul3A = arith.constant 2 : i32
    %mul3A_0 = arith.muli %arg1, %mul3A : i32
    %add3A = arith.addi %mul3A_0, %arg0 : i32
    "tpu.region"() ({
      %run_scoped3A = tpu.sem_alloc : memref<!tpu.dma_semaphore, #tpu.memory_space<semaphore_mem>>
      %dma_start3A = arith.constant 0 : i32
      %dma_start3A_30 = arith.constant 0 : i32
      %dma_start3A_31 = tpu.memref_slice %arg2[%add3A, %dma_start3A, %dma_start3A_30] : memref<32x100x100xi32, #tpu.memory_space<hbm>> -> memref<1x100x100xi32, #tpu.memory_space<hbm>>
      %dma_start3A_32 = tpu.memref_squeeze %dma_start3A_31 : memref<1x100x100xi32, #tpu.memory_space<hbm>> -> memref<100x100xi32, #tpu.memory_space<hbm>>
      %dma_start3A_33 = arith.constant 0 : i32
      %dma_start3A_34 = arith.constant 0 : i32
      %dma_start3A_35 = tpu.memref_slice %arg2[%add3A, %dma_start3A_33, %dma_start3A_34] : memref<32x100x100xi32, #tpu.memory_space<hbm>> -> memref<1x100x100xi32, #tpu.memory_space<hbm>>
      %dma_start3A_36 = tpu.memref_squeeze %dma_start3A_35 : memref<1x100x100xi32, #tpu.memory_space<hbm>> -> memref<100x100xi32, #tpu.memory_space<hbm>>
      tpu.enqueue_dma source(%dma_start3A_36 : memref<100x100xi32, #tpu.memory_space<hbm>>) target(%arg6 : memref<100x100xi32, #tpu.memory_space<vmem>>) target_semaphore(%run_scoped3A : memref<!tpu.dma_semaphore, #tpu.memory_space<semaphore_mem>>)
      %dma_wait3A = arith.constant 0 : i32
      %dma_wait3A_37 = arith.constant 0 : i32
      %dma_wait3A_38 = tpu.memref_slice %arg2[%add3A, %dma_wait3A, %dma_wait3A_37] : memref<32x100x100xi32, #tpu.memory_space<hbm>> -> memref<1x100x100xi32, #tpu.memory_space<hbm>>
      %dma_wait3A_39 = tpu.memref_squeeze %dma_wait3A_38 : memref<1x100x100xi32, #tpu.memory_space<hbm>> -> memref<100x100xi32, #tpu.memory_space<hbm>>
      %dma_wait3A_40 = arith.constant 0 : i32
      %dma_wait3A_41 = arith.constant 0 : i32
      %dma_wait3A_42 = tpu.memref_slice %arg2[%add3A, %dma_wait3A_40, %dma_wait3A_41] : memref<32x100x100xi32, #tpu.memory_space<hbm>> -> memref<1x100x100xi32, #tpu.memory_space<hbm>>
      %dma_wait3A_43 = tpu.memref_squeeze %dma_wait3A_42 : memref<1x100x100xi32, #tpu.memory_space<hbm>> -> memref<100x100xi32, #tpu.memory_space<hbm>>
      tpu.wait_dma2 semaphore(%run_scoped3A : memref<!tpu.dma_semaphore, #tpu.memory_space<semaphore_mem>>) src(%dma_wait3A_43 : memref<100x100xi32, #tpu.memory_space<hbm>>) dst(%arg6 : memref<100x100xi32, #tpu.memory_space<vmem>>)
      tpu.yield
    }) : () -> ()
    %mul3A_1 = arith.constant 640 : i32
    %mul3A_2 = arith.muli %arg1, %mul3A_1 : i32
    %mul3A_3 = arith.constant 640 : i32
    %mul3A_4 = arith.muli %arg1, %mul3A_3 : i32
    "tpu.region"() ({
      %run_scoped3A = tpu.sem_alloc : memref<!tpu.dma_semaphore, #tpu.memory_space<semaphore_mem>>
      %dma_start3A = arith.constant 0 : i32
      %dma_start3A_30 = tpu.memref_slice %arg5[%mul3A_4, %dma_start3A] : memref<10240x128xf32, #tpu.memory_space<vmem_shared>> -> memref<640x128xf32, #tpu.memory_space<vmem_shared>>
      %dma_start3A_31 = arith.constant 0 : i32
      %dma_start3A_32 = tpu.memref_slice %arg3[%mul3A_2, %dma_start3A_31] : memref<10240x128xf32, #tpu.memory_space<hbm>> -> memref<640x128xf32, #tpu.memory_space<hbm>>
      tpu.enqueue_dma source(%dma_start3A_32 : memref<640x128xf32, #tpu.memory_space<hbm>>) target(%dma_start3A_30 : memref<640x128xf32, #tpu.memory_space<vmem_shared>>) target_semaphore(%run_scoped3A : memref<!tpu.dma_semaphore, #tpu.memory_space<semaphore_mem>>)
      %dma_wait3A = arith.constant 0 : i32
      %dma_wait3A_33 = tpu.memref_slice %arg5[%mul3A_4, %dma_wait3A] : memref<10240x128xf32, #tpu.memory_space<vmem_shared>> -> memref<640x128xf32, #tpu.memory_space<vmem_shared>>
      %dma_wait3A_34 = arith.constant 0 : i32
      %dma_wait3A_35 = tpu.memref_slice %arg3[%mul3A_2, %dma_wait3A_34] : memref<10240x128xf32, #tpu.memory_space<hbm>> -> memref<640x128xf32, #tpu.memory_space<hbm>>
      tpu.wait_dma2 semaphore(%run_scoped3A : memref<!tpu.dma_semaphore, #tpu.memory_space<semaphore_mem>>) src(%dma_wait3A_35 : memref<640x128xf32, #tpu.memory_space<hbm>>) dst(%dma_wait3A_33 : memref<640x128xf32, #tpu.memory_space<vmem_shared>>)
      tpu.yield
    }) : () -> ()
    %iota3A = tpu.iota {dimensions = array<i32: 0>} : vector<16xi32>
    %eq3A = arith.constant 0 : i32
    %eq3A_5 = vector.broadcast %eq3A : i32 to vector<16xi32>
    %eq3A_6 = arith.cmpi eq, %iota3A, %eq3A_5 : vector<16xi32>
    %jit3A = arith.constant 1.000000e+00 : f32
    %jit3A_7 = arith.constant 0.000000e+00 : f32
    %broadcast_in_dim3A = vector.broadcast %jit3A : f32 to vector<16xf32>
    %broadcast_in_dim3A_8 = vector.broadcast %jit3A_7 : f32 to vector<16xf32>
    %select_n3A = arith.select %eq3A_6, %broadcast_in_dim3A, %broadcast_in_dim3A_8 : vector<16xi1>, vector<16xf32>
    %broadcast_in_dim3A_9 = arith.constant 0.000000e+00 : f32
    %broadcast_in_dim3A_10 = vector.broadcast %broadcast_in_dim3A_9 : f32 to vector<16xf32>
    %scan3A = arith.constant 0 : i32
    %scan3A_11 = arith.constant 0 : i32
    %scan3A_12 = arith.constant 100 : i32
    %scan3A_13 = arith.addi %scan3A_11, %scan3A_12 : i32
    %scan3A_14 = arith.constant 1 : i32
    scf.for %scan3A_30 = %scan3A_11 to %scan3A_13 step %scan3A_14  : i32 {
      %swap3A = arith.index_cast %scan3A_30 : i32 to index
      %swap3A_31 = arith.constant 16 : index
      %swap3A_32 = tpu.vector_load %arg7[%swap3A, %swap3A_31] {strides = array<i32>} : memref<100x128xf32, #tpu.memory_space<vmem>>, vector<1x16xf32>,
      %swap3A_33 = vector.shape_cast %swap3A_32 : vector<1x16xf32> to vector<16xf32>
      %swap3A_34 = vector.shape_cast %broadcast_in_dim3A_10 : vector<16xf32> to vector<1x16xf32>
      tpu.vector_store %arg7[%swap3A, %swap3A_31], %swap3A_34 {strides = array<i32>} : memref<100x128xf32, #tpu.memory_space<vmem>>, vector<1x16xf32>,
      %swap3A_35 = arith.index_cast %scan3A_30 : i32 to index
      %swap3A_36 = arith.constant 32 : index
      %swap3A_37 = tpu.vector_load %arg7[%swap3A_35, %swap3A_36] {strides = array<i32>} : memref<100x128xf32, #tpu.memory_space<vmem>>, vector<1x16xf32>,
      %swap3A_38 = vector.shape_cast %swap3A_37 : vector<1x16xf32> to vector<16xf32>
      %swap3A_39 = vector.shape_cast %broadcast_in_dim3A_10 : vector<16xf32> to vector<1x16xf32>
      tpu.vector_store %arg7[%swap3A_35, %swap3A_36], %swap3A_39 {strides = array<i32>} : memref<100x128xf32, #tpu.memory_space<vmem>>, vector<1x16xf32>,
      %swap3A_40 = arith.index_cast %scan3A_30 : i32 to index
      %swap3A_41 = arith.constant 48 : index
      %swap3A_42 = tpu.vector_load %arg7[%swap3A_40, %swap3A_41] {strides = array<i32>} : memref<100x128xf32, #tpu.memory_space<vmem>>, vector<1x16xf32>,
      %swap3A_43 = vector.shape_cast %swap3A_42 : vector<1x16xf32> to vector<16xf32>
      %swap3A_44 = vector.shape_cast %broadcast_in_dim3A_10 : vector<16xf32> to vector<1x16xf32>
      tpu.vector_store %arg7[%swap3A_40, %swap3A_41], %swap3A_44 {strides = array<i32>} : memref<100x128xf32, #tpu.memory_space<vmem>>, vector<1x16xf32>,
      %swap3A_45 = arith.index_cast %scan3A_30 : i32 to index
      %swap3A_46 = arith.constant 64 : index
      %swap3A_47 = tpu.vector_load %arg7[%swap3A_45, %swap3A_46] {strides = array<i32>} : memref<100x128xf32, #tpu.memory_space<vmem>>, vector<1x16xf32>,
      %swap3A_48 = vector.shape_cast %swap3A_47 : vector<1x16xf32> to vector<16xf32>
      %swap3A_49 = vector.shape_cast %broadcast_in_dim3A_10 : vector<16xf32> to vector<1x16xf32>
      tpu.vector_store %arg7[%swap3A_45, %swap3A_46], %swap3A_49 {strides = array<i32>} : memref<100x128xf32, #tpu.memory_space<vmem>>, vector<1x16xf32>,
      %swap3A_50 = arith.index_cast %scan3A_30 : i32 to index
      %swap3A_51 = arith.constant 80 : index
      %swap3A_52 = tpu.vector_load %arg7[%swap3A_50, %swap3A_51] {strides = array<i32>} : memref<100x128xf32, #tpu.memory_space<vmem>>, vector<1x16xf32>,
      %swap3A_53 = vector.shape_cast %swap3A_52 : vector<1x16xf32> to vector<16xf32>
      %swap3A_54 = vector.shape_cast %broadcast_in_dim3A_10 : vector<16xf32> to vector<1x16xf32>
      tpu.vector_store %arg7[%swap3A_50, %swap3A_51], %swap3A_54 {strides = array<i32>} : memref<100x128xf32, #tpu.memory_space<vmem>>, vector<1x16xf32>,
      %swap3A_55 = arith.index_cast %scan3A_30 : i32 to index
      %swap3A_56 = arith.constant 96 : index
      %swap3A_57 = tpu.vector_load %arg7[%swap3A_55, %swap3A_56] {strides = array<i32>} : memref<100x128xf32, #tpu.memory_space<vmem>>, vector<1x16xf32>,
      %swap3A_58 = vector.shape_cast %swap3A_57 : vector<1x16xf32> to vector<16xf32>
      %swap3A_59 = vector.shape_cast %broadcast_in_dim3A_10 : vector<16xf32> to vector<1x16xf32>
      tpu.vector_store %arg7[%swap3A_55, %swap3A_56], %swap3A_59 {strides = array<i32>} : memref<100x128xf32, #tpu.memory_space<vmem>>, vector<1x16xf32>,
      %swap3A_60 = arith.index_cast %scan3A_30 : i32 to index
      %swap3A_61 = arith.constant 112 : index
      %swap3A_62 = tpu.vector_load %arg7[%swap3A_60, %swap3A_61] {strides = array<i32>} : memref<100x128xf32, #tpu.memory_space<vmem>>, vector<1x16xf32>,
      %swap3A_63 = vector.shape_cast %swap3A_62 : vector<1x16xf32> to vector<16xf32>
      %swap3A_64 = vector.shape_cast %broadcast_in_dim3A_10 : vector<16xf32> to vector<1x16xf32>
      tpu.vector_store %arg7[%swap3A_60, %swap3A_61], %swap3A_64 {strides = array<i32>} : memref<100x128xf32, #tpu.memory_space<vmem>>, vector<1x16xf32>,
      %swap3A_65 = arith.index_cast %scan3A_30 : i32 to index
      %swap3A_66 = arith.constant 0 : index
      %swap3A_67 = tpu.vector_load %arg7[%swap3A_65, %swap3A_66] {strides = array<i32>} : memref<100x128xf32, #tpu.memory_space<vmem>>, vector<1x16xf32>,
      %swap3A_68 = vector.shape_cast %swap3A_67 : vector<1x16xf32> to vector<16xf32>
      %swap3A_69 = vector.shape_cast %select_n3A : vector<16xf32> to vector<1x16xf32>
      tpu.vector_store %arg7[%swap3A_65, %swap3A_66], %swap3A_69 {strides = array<i32>} : memref<100x128xf32, #tpu.memory_space<vmem>>, vector<1x16xf32>,
    }
    %scan3A_15 = arith.constant 100 : i32
    %barrier3A = arith.constant 0 : index
    tpu.barrier barrier_id(%barrier3A)
    %scan3A_16 = arith.constant 0 : i32
    %scan3A_17 = arith.constant 0 : i32
    %scan3A_18 = arith.constant 100 : i32
    %scan3A_19 = arith.addi %scan3A_17, %scan3A_18 : i32
    %scan3A_20 = arith.constant 1 : i32
    scf.for %scan3A_30 = %scan3A_17 to %scan3A_19 step %scan3A_20  : i32 {
      %mul3A_31 = arith.constant 1 : i32
      %mul3A_32 = arith.muli %scan3A_30, %mul3A_31 : i32
      %add3A_33 = arith.constant 0 : i32
      %add3A_34 = arith.addi %mul3A_32, %add3A_33 : i32
      %dma_start3A = arith.constant 0 : i32
      %dma_start3A_35 = tpu.memref_slice %arg6[%add3A_34, %dma_start3A] : memref<100x100xi32, #tpu.memory_space<vmem>> -> memref<1x100xi32, #tpu.memory_space<vmem>>
      %dma_start3A_36 = tpu.memref_squeeze %dma_start3A_35 : memref<1x100xi32, #tpu.memory_space<vmem>> -> memref<100xi32, #tpu.memory_space<vmem>>
      %dma_start3A_37 = arith.constant 0 : i32
      %dma_start3A_38 = arith.constant 0 : i32
      %dma_start3A_39 = tpu.memref_slice %arg5[%dma_start3A_37, %dma_start3A_38] : memref<10240x128xf32, #tpu.memory_space<vmem_shared>> -> memref<10240x128xf32, #tpu.memory_space<vmem_shared>>
      tpu.enqueue_indirect_dma source(%arg7 : memref<100x128xf32, #tpu.memory_space<vmem>>) target(%dma_start3A_39 : memref<10240x128xf32, #tpu.memory_space<vmem_shared>>) offsets(%dma_start3A_36 : memref<100xi32, #tpu.memory_space<vmem>>) semaphore(%arg8 : memref<!tpu.dma_semaphore, #tpu.memory_space<semaphore_mem>>) {add = true}
      %dma_wait3A = arith.constant 0 : i32
      %dma_wait3A_40 = tpu.memref_slice %arg6[%add3A_34, %dma_wait3A] : memref<100x100xi32, #tpu.memory_space<vmem>> -> memref<1x100xi32, #tpu.memory_space<vmem>>
      %dma_wait3A_41 = tpu.memref_squeeze %dma_wait3A_40 : memref<1x100xi32, #tpu.memory_space<vmem>> -> memref<100xi32, #tpu.memory_space<vmem>>
      %dma_wait3A_42 = arith.constant 0 : i32
      %dma_wait3A_43 = arith.constant 0 : i32
      %dma_wait3A_44 = tpu.memref_slice %arg5[%dma_wait3A_42, %dma_wait3A_43] : memref<10240x128xf32, #tpu.memory_space<vmem_shared>> -> memref<10240x128xf32, #tpu.memory_space<vmem_shared>>
      tpu.wait_indirect_dma semaphore(%arg8 : memref<!tpu.dma_semaphore, #tpu.memory_space<semaphore_mem>>) src(%arg7 : memref<100x128xf32, #tpu.memory_space<vmem>>) dst(%dma_wait3A_44 : memref<10240x128xf32, #tpu.memory_space<vmem_shared>>)
    }
    %scan3A_21 = arith.constant 100 : i32
    %barrier3A_22 = arith.constant 0 : index
    tpu.barrier barrier_id(%barrier3A_22)
    %mul3A_23 = arith.constant 10240 : i32
    %mul3A_24 = arith.muli %arg0, %mul3A_23 : i32
    %mul3A_25 = arith.constant 640 : i32
    %mul3A_26 = arith.muli %arg1, %mul3A_25 : i32
    %add3A_27 = arith.addi %mul3A_24, %mul3A_26 : i32
    %multiple_of3A = tpu.assume_multiple %add3A_27, 8 : i32
    %mul3A_28 = arith.constant 640 : i32
    %mul3A_29 = arith.muli %arg1, %mul3A_28 : i32
    "tpu.region"() ({
      %run_scoped3A = tpu.sem_alloc : memref<!tpu.dma_semaphore, #tpu.memory_space<semaphore_mem>>
      %dma_start3A = arith.constant 0 : i32
      %dma_start3A_30 = tpu.memref_slice %arg4[%multiple_of3A, %dma_start3A] : memref<20480x128xf32, #tpu.memory_space<hbm>> -> memref<640x128xf32, #tpu.memory_space<hbm>>
      %dma_start3A_31 = arith.constant 0 : i32
      %dma_start3A_32 = tpu.memref_slice %arg5[%mul3A_29, %dma_start3A_31] : memref<10240x128xf32, #tpu.memory_space<vmem_shared>> -> memref<640x128xf32, #tpu.memory_space<vmem_shared>>
      tpu.enqueue_dma source(%dma_start3A_32 : memref<640x128xf32, #tpu.memory_space<vmem_shared>>) target(%dma_start3A_30 : memref<640x128xf32, #tpu.memory_space<hbm>>) target_semaphore(%run_scoped3A : memref<!tpu.dma_semaphore, #tpu.memory_space<semaphore_mem>>)
      %dma_wait3A = arith.constant 0 : i32
      %dma_wait3A_33 = tpu.memref_slice %arg4[%multiple_of3A, %dma_wait3A] : memref<20480x128xf32, #tpu.memory_space<hbm>> -> memref<640x128xf32, #tpu.memory_space<hbm>>
      %dma_wait3A_34 = arith.constant 0 : i32
      %dma_wait3A_35 = tpu.memref_slice %arg5[%mul3A_29, %dma_wait3A_34] : memref<10240x128xf32, #tpu.memory_space<vmem_shared>> -> memref<640x128xf32, #tpu.memory_space<vmem_shared>>
      tpu.wait_dma2 semaphore(%run_scoped3A : memref<!tpu.dma_semaphore, #tpu.memory_space<semaphore_mem>>) src(%dma_wait3A_35 : memref<640x128xf32, #tpu.memory_space<vmem_shared>>) dst(%dma_wait3A_33 : memref<640x128xf32, #tpu.memory_space<hbm>>)
      tpu.yield
    }) : () -> ()
    return
  }
}

#map = affine_map<(d0, d1) -> (0, 0)>
#map1 = affine_map<(d0, d1) -> (0, 0, 0)>
module attributes {stable_mosaic.version = 14 : i64} {
  func.func @spmm(%arg0: i32, %arg1: i32, %arg2: memref<10240x128xf32, #tpu.memory_space<hbm>>, %arg3: memref<32x100x100xi32, #tpu.memory_space<hbm>>, %arg4: memref<32x100x100xi32, #tpu.memory_space<hbm>>, %arg5: memref<10240x128xf32, #tpu.memory_space<hbm>>, %arg6: memref<20480x128xf32, #tpu.memory_space<hbm>>, %arg7: memref<10240x128xf32, #tpu.memory_space<vmem_shared>>, %arg8: memref<100x100xi32, #tpu.memory_space<vmem>>, %arg9: memref<100x100xi32, #tpu.memory_space<vmem>>, %arg10: memref<100x128xf32, #tpu.memory_space<vmem>>, %arg11: memref<!tpu.dma_semaphore, #tpu.memory_space<semaphore_mem>>, %arg12: memref<!tpu.dma_semaphore, #tpu.memory_space<semaphore_mem>>) attributes {dimension_semantics = [#tpu.dimension_semantics<core_parallel>, #tpu.dimension_semantics<subcore_parallel>], iteration_bounds = array<i64: 2, 16>, scalar_prefetch = 0 : i64, scratch_operands = 6 : i64, tpu.core_type = #tpu.core_type<sc_vector_subcore>, window_params = [{transform_indices = #map}, {transform_indices = #map1}, {transform_indices = #map1}, {transform_indices = #map}, {transform_indices = #map}]} {
    %mul3A = arith.constant 2 : i32
    %mul3A_0 = arith.muli %arg1, %mul3A : i32
    %add3A = arith.addi %mul3A_0, %arg0 : i32
    "tpu.region"() ({
      %run_scoped3A = tpu.sem_alloc : memref<!tpu.dma_semaphore, #tpu.memory_space<semaphore_mem>>
      %dma_start3A = arith.constant 0 : i32
      %dma_start3A_18 = arith.constant 0 : i32
      %dma_start3A_19 = tpu.memref_slice %arg3[%add3A, %dma_start3A, %dma_start3A_18] : memref<32x100x100xi32, #tpu.memory_space<hbm>> -> memref<1x100x100xi32, #tpu.memory_space<hbm>>
      %dma_start3A_20 = tpu.memref_squeeze %dma_start3A_19 : memref<1x100x100xi32, #tpu.memory_space<hbm>> -> memref<100x100xi32, #tpu.memory_space<hbm>>
      %dma_start3A_21 = arith.constant 0 : i32
      %dma_start3A_22 = arith.constant 0 : i32
      %dma_start3A_23 = tpu.memref_slice %arg3[%add3A, %dma_start3A_21, %dma_start3A_22] : memref<32x100x100xi32, #tpu.memory_space<hbm>> -> memref<1x100x100xi32, #tpu.memory_space<hbm>>
      %dma_start3A_24 = tpu.memref_squeeze %dma_start3A_23 : memref<1x100x100xi32, #tpu.memory_space<hbm>> -> memref<100x100xi32, #tpu.memory_space<hbm>>
      tpu.enqueue_dma source(%dma_start3A_24 : memref<100x100xi32, #tpu.memory_space<hbm>>) target(%arg8 : memref<100x100xi32, #tpu.memory_space<vmem>>) target_semaphore(%run_scoped3A : memref<!tpu.dma_semaphore, #tpu.memory_space<semaphore_mem>>)
      %dma_wait3A = arith.constant 0 : i32
      %dma_wait3A_25 = arith.constant 0 : i32
      %dma_wait3A_26 = tpu.memref_slice %arg3[%add3A, %dma_wait3A, %dma_wait3A_25] : memref<32x100x100xi32, #tpu.memory_space<hbm>> -> memref<1x100x100xi32, #tpu.memory_space<hbm>>
      %dma_wait3A_27 = tpu.memref_squeeze %dma_wait3A_26 : memref<1x100x100xi32, #tpu.memory_space<hbm>> -> memref<100x100xi32, #tpu.memory_space<hbm>>
      %dma_wait3A_28 = arith.constant 0 : i32
      %dma_wait3A_29 = arith.constant 0 : i32
      %dma_wait3A_30 = tpu.memref_slice %arg3[%add3A, %dma_wait3A_28, %dma_wait3A_29] : memref<32x100x100xi32, #tpu.memory_space<hbm>> -> memref<1x100x100xi32, #tpu.memory_space<hbm>>
      %dma_wait3A_31 = tpu.memref_squeeze %dma_wait3A_30 : memref<1x100x100xi32, #tpu.memory_space<hbm>> -> memref<100x100xi32, #tpu.memory_space<hbm>>
      tpu.wait_dma2 semaphore(%run_scoped3A : memref<!tpu.dma_semaphore, #tpu.memory_space<semaphore_mem>>) src(%dma_wait3A_31 : memref<100x100xi32, #tpu.memory_space<hbm>>) dst(%arg8 : memref<100x100xi32, #tpu.memory_space<vmem>>)
      tpu.yield
    }) : () -> ()
    "tpu.region"() ({
      %run_scoped3A = tpu.sem_alloc : memref<!tpu.dma_semaphore, #tpu.memory_space<semaphore_mem>>
      %dma_start3A = arith.constant 0 : i32
      %dma_start3A_18 = arith.constant 0 : i32
      %dma_start3A_19 = tpu.memref_slice %arg4[%add3A, %dma_start3A, %dma_start3A_18] : memref<32x100x100xi32, #tpu.memory_space<hbm>> -> memref<1x100x100xi32, #tpu.memory_space<hbm>>
      %dma_start3A_20 = tpu.memref_squeeze %dma_start3A_19 : memref<1x100x100xi32, #tpu.memory_space<hbm>> -> memref<100x100xi32, #tpu.memory_space<hbm>>
      %dma_start3A_21 = arith.constant 0 : i32
      %dma_start3A_22 = arith.constant 0 : i32
      %dma_start3A_23 = tpu.memref_slice %arg4[%add3A, %dma_start3A_21, %dma_start3A_22] : memref<32x100x100xi32, #tpu.memory_space<hbm>> -> memref<1x100x100xi32, #tpu.memory_space<hbm>>
      %dma_start3A_24 = tpu.memref_squeeze %dma_start3A_23 : memref<1x100x100xi32, #tpu.memory_space<hbm>> -> memref<100x100xi32, #tpu.memory_space<hbm>>
      tpu.enqueue_dma source(%dma_start3A_24 : memref<100x100xi32, #tpu.memory_space<hbm>>) target(%arg9 : memref<100x100xi32, #tpu.memory_space<vmem>>) target_semaphore(%run_scoped3A : memref<!tpu.dma_semaphore, #tpu.memory_space<semaphore_mem>>)
      %dma_wait3A = arith.constant 0 : i32
      %dma_wait3A_25 = arith.constant 0 : i32
      %dma_wait3A_26 = tpu.memref_slice %arg4[%add3A, %dma_wait3A, %dma_wait3A_25] : memref<32x100x100xi32, #tpu.memory_space<hbm>> -> memref<1x100x100xi32, #tpu.memory_space<hbm>>
      %dma_wait3A_27 = tpu.memref_squeeze %dma_wait3A_26 : memref<1x100x100xi32, #tpu.memory_space<hbm>> -> memref<100x100xi32, #tpu.memory_space<hbm>>
      %dma_wait3A_28 = arith.constant 0 : i32
      %dma_wait3A_29 = arith.constant 0 : i32
      %dma_wait3A_30 = tpu.memref_slice %arg4[%add3A, %dma_wait3A_28, %dma_wait3A_29] : memref<32x100x100xi32, #tpu.memory_space<hbm>> -> memref<1x100x100xi32, #tpu.memory_space<hbm>>
      %dma_wait3A_31 = tpu.memref_squeeze %dma_wait3A_30 : memref<1x100x100xi32, #tpu.memory_space<hbm>> -> memref<100x100xi32, #tpu.memory_space<hbm>>
      tpu.wait_dma2 semaphore(%run_scoped3A : memref<!tpu.dma_semaphore, #tpu.memory_space<semaphore_mem>>) src(%dma_wait3A_31 : memref<100x100xi32, #tpu.memory_space<hbm>>) dst(%arg9 : memref<100x100xi32, #tpu.memory_space<vmem>>)
      tpu.yield
    }) : () -> ()
    %mul3A_1 = arith.constant 640 : i32
    %mul3A_2 = arith.muli %arg1, %mul3A_1 : i32
    %mul3A_3 = arith.constant 640 : i32
    %mul3A_4 = arith.muli %arg1, %mul3A_3 : i32
    "tpu.region"() ({
      %run_scoped3A = tpu.sem_alloc : memref<!tpu.dma_semaphore, #tpu.memory_space<semaphore_mem>>
      %dma_start3A = arith.constant 0 : i32
      %dma_start3A_18 = tpu.memref_slice %arg7[%mul3A_4, %dma_start3A] : memref<10240x128xf32, #tpu.memory_space<vmem_shared>> -> memref<640x128xf32, #tpu.memory_space<vmem_shared>>
      %dma_start3A_19 = arith.constant 0 : i32
      %dma_start3A_20 = tpu.memref_slice %arg5[%mul3A_2, %dma_start3A_19] : memref<10240x128xf32, #tpu.memory_space<hbm>> -> memref<640x128xf32, #tpu.memory_space<hbm>>
      tpu.enqueue_dma source(%dma_start3A_20 : memref<640x128xf32, #tpu.memory_space<hbm>>) target(%dma_start3A_18 : memref<640x128xf32, #tpu.memory_space<vmem_shared>>) target_semaphore(%run_scoped3A : memref<!tpu.dma_semaphore, #tpu.memory_space<semaphore_mem>>)
      %dma_wait3A = arith.constant 0 : i32
      %dma_wait3A_21 = tpu.memref_slice %arg7[%mul3A_4, %dma_wait3A] : memref<10240x128xf32, #tpu.memory_space<vmem_shared>> -> memref<640x128xf32, #tpu.memory_space<vmem_shared>>
      %dma_wait3A_22 = arith.constant 0 : i32
      %dma_wait3A_23 = tpu.memref_slice %arg5[%mul3A_2, %dma_wait3A_22] : memref<10240x128xf32, #tpu.memory_space<hbm>> -> memref<640x128xf32, #tpu.memory_space<hbm>>
      tpu.wait_dma2 semaphore(%run_scoped3A : memref<!tpu.dma_semaphore, #tpu.memory_space<semaphore_mem>>) src(%dma_wait3A_23 : memref<640x128xf32, #tpu.memory_space<hbm>>) dst(%dma_wait3A_21 : memref<640x128xf32, #tpu.memory_space<vmem_shared>>)
      tpu.yield
    }) : () -> ()
    %barrier3A = arith.constant 0 : index
    tpu.barrier barrier_id(%barrier3A)
    %scan3A = arith.constant 0 : i32
    %scan3A_5 = arith.constant 0 : i32
    %scan3A_6 = arith.constant 100 : i32
    %scan3A_7 = arith.addi %scan3A_5, %scan3A_6 : i32
    %scan3A_8 = arith.constant 1 : i32
    scf.for %scan3A_18 = %scan3A_5 to %scan3A_7 step %scan3A_8  : i32 {
      %mul3A_19 = arith.constant 1 : i32
      %mul3A_20 = arith.muli %scan3A_18, %mul3A_19 : i32
      %add3A_21 = arith.constant 0 : i32
      %add3A_22 = arith.addi %mul3A_20, %add3A_21 : i32
      %dma_start3A = arith.constant 0 : i32
      %dma_start3A_23 = tpu.memref_slice %arg9[%add3A_22, %dma_start3A] : memref<100x100xi32, #tpu.memory_space<vmem>> -> memref<1x100xi32, #tpu.memory_space<vmem>>
      %dma_start3A_24 = tpu.memref_squeeze %dma_start3A_23 : memref<1x100xi32, #tpu.memory_space<vmem>> -> memref<100xi32, #tpu.memory_space<vmem>>
      %dma_start3A_25 = arith.constant 0 : i32
      %dma_start3A_26 = arith.constant 0 : i32
      %dma_start3A_27 = tpu.memref_slice %arg2[%dma_start3A_25, %dma_start3A_26] : memref<10240x128xf32, #tpu.memory_space<hbm>> -> memref<10240x128xf32, #tpu.memory_space<hbm>>
      tpu.enqueue_indirect_dma source(%dma_start3A_27 : memref<10240x128xf32, #tpu.memory_space<hbm>>) target(%arg10 : memref<100x128xf32, #tpu.memory_space<vmem>>) offsets(%dma_start3A_24 : memref<100xi32, #tpu.memory_space<vmem>>) semaphore(%arg11 : memref<!tpu.dma_semaphore, #tpu.memory_space<semaphore_mem>>)
      %dma_wait3A = arith.constant 0 : i32
      %dma_wait3A_28 = tpu.memref_slice %arg9[%add3A_22, %dma_wait3A] : memref<100x100xi32, #tpu.memory_space<vmem>> -> memref<1x100xi32, #tpu.memory_space<vmem>>
      %dma_wait3A_29 = tpu.memref_squeeze %dma_wait3A_28 : memref<1x100xi32, #tpu.memory_space<vmem>> -> memref<100xi32, #tpu.memory_space<vmem>>
      %dma_wait3A_30 = arith.constant 0 : i32
      %dma_wait3A_31 = arith.constant 0 : i32
      %dma_wait3A_32 = tpu.memref_slice %arg2[%dma_wait3A_30, %dma_wait3A_31] : memref<10240x128xf32, #tpu.memory_space<hbm>> -> memref<10240x128xf32, #tpu.memory_space<hbm>>
      tpu.wait_indirect_dma semaphore(%arg11 : memref<!tpu.dma_semaphore, #tpu.memory_space<semaphore_mem>>) src(%dma_wait3A_32 : memref<10240x128xf32, #tpu.memory_space<hbm>>) dst(%arg10 : memref<100x128xf32, #tpu.memory_space<vmem>>)
      %add3A_33 = arith.constant 0 : i32
      %add3A_34 = arith.addi %mul3A_20, %add3A_33 : i32
      %dma_start3A_35 = arith.constant 0 : i32
      %dma_start3A_36 = tpu.memref_slice %arg8[%add3A_34, %dma_start3A_35] : memref<100x100xi32, #tpu.memory_space<vmem>> -> memref<1x100xi32, #tpu.memory_space<vmem>>
      %dma_start3A_37 = tpu.memref_squeeze %dma_start3A_36 : memref<1x100xi32, #tpu.memory_space<vmem>> -> memref<100xi32, #tpu.memory_space<vmem>>
      %dma_start3A_38 = arith.constant 0 : i32
      %dma_start3A_39 = arith.constant 0 : i32
      %dma_start3A_40 = tpu.memref_slice %arg7[%dma_start3A_38, %dma_start3A_39] : memref<10240x128xf32, #tpu.memory_space<vmem_shared>> -> memref<10240x128xf32, #tpu.memory_space<vmem_shared>>
      tpu.enqueue_indirect_dma source(%arg10 : memref<100x128xf32, #tpu.memory_space<vmem>>) target(%dma_start3A_40 : memref<10240x128xf32, #tpu.memory_space<vmem_shared>>) offsets(%dma_start3A_37 : memref<100xi32, #tpu.memory_space<vmem>>) semaphore(%arg12 : memref<!tpu.dma_semaphore, #tpu.memory_space<semaphore_mem>>) {add = true}
      %dma_wait3A_41 = arith.constant 0 : i32
      %dma_wait3A_42 = tpu.memref_slice %arg8[%add3A_34, %dma_wait3A_41] : memref<100x100xi32, #tpu.memory_space<vmem>> -> memref<1x100xi32, #tpu.memory_space<vmem>>
      %dma_wait3A_43 = tpu.memref_squeeze %dma_wait3A_42 : memref<1x100xi32, #tpu.memory_space<vmem>> -> memref<100xi32, #tpu.memory_space<vmem>>
      %dma_wait3A_44 = arith.constant 0 : i32
      %dma_wait3A_45 = arith.constant 0 : i32
      %dma_wait3A_46 = tpu.memref_slice %arg7[%dma_wait3A_44, %dma_wait3A_45] : memref<10240x128xf32, #tpu.memory_space<vmem_shared>> -> memref<10240x128xf32, #tpu.memory_space<vmem_shared>>
      tpu.wait_indirect_dma semaphore(%arg12 : memref<!tpu.dma_semaphore, #tpu.memory_space<semaphore_mem>>) src(%arg10 : memref<100x128xf32, #tpu.memory_space<vmem>>) dst(%dma_wait3A_46 : memref<10240x128xf32, #tpu.memory_space<vmem_shared>>)
    }
    %scan3A_9 = arith.constant 100 : i32
    %barrier3A_10 = arith.constant 0 : index
    tpu.barrier barrier_id(%barrier3A_10)
    %mul3A_11 = arith.constant 10240 : i32
    %mul3A_12 = arith.muli %arg0, %mul3A_11 : i32
    %mul3A_13 = arith.constant 640 : i32
    %mul3A_14 = arith.muli %arg1, %mul3A_13 : i32
    %add3A_15 = arith.addi %mul3A_12, %mul3A_14 : i32
    %multiple_of3A = tpu.assume_multiple %add3A_15, 8 : i32
    %mul3A_16 = arith.constant 640 : i32
    %mul3A_17 = arith.muli %arg1, %mul3A_16 : i32
    "tpu.region"() ({
      %run_scoped3A = tpu.sem_alloc : memref<!tpu.dma_semaphore, #tpu.memory_space<semaphore_mem>>
      %dma_start3A = arith.constant 0 : i32
      %dma_start3A_18 = tpu.memref_slice %arg6[%multiple_of3A, %dma_start3A] : memref<20480x128xf32, #tpu.memory_space<hbm>> -> memref<640x128xf32, #tpu.memory_space<hbm>>
      %dma_start3A_19 = arith.constant 0 : i32
      %dma_start3A_20 = tpu.memref_slice %arg7[%mul3A_17, %dma_start3A_19] : memref<10240x128xf32, #tpu.memory_space<vmem_shared>> -> memref<640x128xf32, #tpu.memory_space<vmem_shared>>
      tpu.enqueue_dma source(%dma_start3A_20 : memref<640x128xf32, #tpu.memory_space<vmem_shared>>) target(%dma_start3A_18 : memref<640x128xf32, #tpu.memory_space<hbm>>) target_semaphore(%run_scoped3A : memref<!tpu.dma_semaphore, #tpu.memory_space<semaphore_mem>>)
      %dma_wait3A = arith.constant 0 : i32
      %dma_wait3A_21 = tpu.memref_slice %arg6[%multiple_of3A, %dma_wait3A] : memref<20480x128xf32, #tpu.memory_space<hbm>> -> memref<640x128xf32, #tpu.memory_space<hbm>>
      %dma_wait3A_22 = arith.constant 0 : i32
      %dma_wait3A_23 = tpu.memref_slice %arg7[%mul3A_17, %dma_wait3A_22] : memref<10240x128xf32, #tpu.memory_space<vmem_shared>> -> memref<640x128xf32, #tpu.memory_space<vmem_shared>>
      tpu.wait_dma2 semaphore(%run_scoped3A : memref<!tpu.dma_semaphore, #tpu.memory_space<semaphore_mem>>) src(%dma_wait3A_23 : memref<640x128xf32, #tpu.memory_space<vmem_shared>>) dst(%dma_wait3A_21 : memref<640x128xf32, #tpu.memory_space<hbm>>)
      tpu.yield
    }) : () -> ()
    return
  }
}

#map = affine_map<(d0, d1) -> (0, 0)>
#map1 = affine_map<(d0, d1) -> (0, 0, 0)>
module attributes {stable_mosaic.version = 14 : i64} {
  func.func @spmm(%arg0: i32, %arg1: i32, %arg2: memref<10240x128xf32, #tpu.memory_space<hbm>>, %arg3: memref<32x100x100xi32, #tpu.memory_space<hbm>>, %arg4: memref<32x100x100xi32, #tpu.memory_space<hbm>>, %arg5: memref<10240x128xf32, #tpu.memory_space<hbm>>, %arg6: memref<20480x128xf32, #tpu.memory_space<hbm>>, %arg7: memref<10240x128xf32, #tpu.memory_space<vmem_shared>>, %arg8: memref<100x100xi32, #tpu.memory_space<vmem>>, %arg9: memref<100x100xi32, #tpu.memory_space<vmem>>, %arg10: memref<100x128xf32, #tpu.memory_space<vmem>>, %arg11: memref<!tpu.dma_semaphore, #tpu.memory_space<semaphore_mem>>, %arg12: memref<!tpu.dma_semaphore, #tpu.memory_space<semaphore_mem>>) attributes {dimension_semantics = [#tpu.dimension_semantics<core_parallel>, #tpu.dimension_semantics<subcore_parallel>], iteration_bounds = array<i64: 2, 16>, scalar_prefetch = 0 : i64, scratch_operands = 6 : i64, tpu.core_type = #tpu.core_type<sc_vector_subcore>, window_params = [{transform_indices = #map}, {transform_indices = #map1}, {transform_indices = #map1}, {transform_indices = #map}, {transform_indices = #map}]} {
    %mul3A = arith.constant 2 : i32
    %mul3A_0 = arith.muli %arg1, %mul3A : i32
    %add3A = arith.addi %mul3A_0, %arg0 : i32
    "tpu.region"() ({
      %run_scoped3A = tpu.sem_alloc : memref<!tpu.dma_semaphore, #tpu.memory_space<semaphore_mem>>
      %dma_start3A = arith.constant 0 : i32
      %dma_start3A_18 = arith.constant 0 : i32
      %dma_start3A_19 = tpu.memref_slice %arg3[%add3A, %dma_start3A, %dma_start3A_18] : memref<32x100x100xi32, #tpu.memory_space<hbm>> -> memref<1x100x100xi32, #tpu.memory_space<hbm>>
      %dma_start3A_20 = tpu.memref_squeeze %dma_start3A_19 : memref<1x100x100xi32, #tpu.memory_space<hbm>> -> memref<100x100xi32, #tpu.memory_space<hbm>>
      %dma_start3A_21 = arith.constant 0 : i32
      %dma_start3A_22 = arith.constant 0 : i32
      %dma_start3A_23 = tpu.memref_slice %arg3[%add3A, %dma_start3A_21, %dma_start3A_22] : memref<32x100x100xi32, #tpu.memory_space<hbm>> -> memref<1x100x100xi32, #tpu.memory_space<hbm>>
      %dma_start3A_24 = tpu.memref_squeeze %dma_start3A_23 : memref<1x100x100xi32, #tpu.memory_space<hbm>> -> memref<100x100xi32, #tpu.memory_space<hbm>>
      tpu.enqueue_dma source(%dma_start3A_24 : memref<100x100xi32, #tpu.memory_space<hbm>>) target(%arg8 : memref<100x100xi32, #tpu.memory_space<vmem>>) target_semaphore(%run_scoped3A : memref<!tpu.dma_semaphore, #tpu.memory_space<semaphore_mem>>)
      %dma_wait3A = arith.constant 0 : i32
      %dma_wait3A_25 = arith.constant 0 : i32
      %dma_wait3A_26 = tpu.memref_slice %arg3[%add3A, %dma_wait3A, %dma_wait3A_25] : memref<32x100x100xi32, #tpu.memory_space<hbm>> -> memref<1x100x100xi32, #tpu.memory_space<hbm>>
      %dma_wait3A_27 = tpu.memref_squeeze %dma_wait3A_26 : memref<1x100x100xi32, #tpu.memory_space<hbm>> -> memref<100x100xi32, #tpu.memory_space<hbm>>
      %dma_wait3A_28 = arith.constant 0 : i32
      %dma_wait3A_29 = arith.constant 0 : i32
      %dma_wait3A_30 = tpu.memref_slice %arg3[%add3A, %dma_wait3A_28, %dma_wait3A_29] : memref<32x100x100xi32, #tpu.memory_space<hbm>> -> memref<1x100x100xi32, #tpu.memory_space<hbm>>
      %dma_wait3A_31 = tpu.memref_squeeze %dma_wait3A_30 : memref<1x100x100xi32, #tpu.memory_space<hbm>> -> memref<100x100xi32, #tpu.memory_space<hbm>>
      tpu.wait_dma2 semaphore(%run_scoped3A : memref<!tpu.dma_semaphore, #tpu.memory_space<semaphore_mem>>) src(%dma_wait3A_31 : memref<100x100xi32, #tpu.memory_space<hbm>>) dst(%arg8 : memref<100x100xi32, #tpu.memory_space<vmem>>)
      tpu.yield
    }) : () -> ()
    "tpu.region"() ({
      %run_scoped3A = tpu.sem_alloc : memref<!tpu.dma_semaphore, #tpu.memory_space<semaphore_mem>>
      %dma_start3A = arith.constant 0 : i32
      %dma_start3A_18 = arith.constant 0 : i32
      %dma_start3A_19 = tpu.memref_slice %arg4[%add3A, %dma_start3A, %dma_start3A_18] : memref<32x100x100xi32, #tpu.memory_space<hbm>> -> memref<1x100x100xi32, #tpu.memory_space<hbm>>
      %dma_start3A_20 = tpu.memref_squeeze %dma_start3A_19 : memref<1x100x100xi32, #tpu.memory_space<hbm>> -> memref<100x100xi32, #tpu.memory_space<hbm>>
      %dma_start3A_21 = arith.constant 0 : i32
      %dma_start3A_22 = arith.constant 0 : i32
      %dma_start3A_23 = tpu.memref_slice %arg4[%add3A, %dma_start3A_21, %dma_start3A_22] : memref<32x100x100xi32, #tpu.memory_space<hbm>> -> memref<1x100x100xi32, #tpu.memory_space<hbm>>
      %dma_start3A_24 = tpu.memref_squeeze %dma_start3A_23 : memref<1x100x100xi32, #tpu.memory_space<hbm>> -> memref<100x100xi32, #tpu.memory_space<hbm>>
      tpu.enqueue_dma source(%dma_start3A_24 : memref<100x100xi32, #tpu.memory_space<hbm>>) target(%arg9 : memref<100x100xi32, #tpu.memory_space<vmem>>) target_semaphore(%run_scoped3A : memref<!tpu.dma_semaphore, #tpu.memory_space<semaphore_mem>>)
      %dma_wait3A = arith.constant 0 : i32
      %dma_wait3A_25 = arith.constant 0 : i32
      %dma_wait3A_26 = tpu.memref_slice %arg4[%add3A, %dma_wait3A, %dma_wait3A_25] : memref<32x100x100xi32, #tpu.memory_space<hbm>> -> memref<1x100x100xi32, #tpu.memory_space<hbm>>
      %dma_wait3A_27 = tpu.memref_squeeze %dma_wait3A_26 : memref<1x100x100xi32, #tpu.memory_space<hbm>> -> memref<100x100xi32, #tpu.memory_space<hbm>>
      %dma_wait3A_28 = arith.constant 0 : i32
      %dma_wait3A_29 = arith.constant 0 : i32
      %dma_wait3A_30 = tpu.memref_slice %arg4[%add3A, %dma_wait3A_28, %dma_wait3A_29] : memref<32x100x100xi32, #tpu.memory_space<hbm>> -> memref<1x100x100xi32, #tpu.memory_space<hbm>>
      %dma_wait3A_31 = tpu.memref_squeeze %dma_wait3A_30 : memref<1x100x100xi32, #tpu.memory_space<hbm>> -> memref<100x100xi32, #tpu.memory_space<hbm>>
      tpu.wait_dma2 semaphore(%run_scoped3A : memref<!tpu.dma_semaphore, #tpu.memory_space<semaphore_mem>>) src(%dma_wait3A_31 : memref<100x100xi32, #tpu.memory_space<hbm>>) dst(%arg9 : memref<100x100xi32, #tpu.memory_space<vmem>>)
      tpu.yield
    }) : () -> ()
    %mul3A_1 = arith.constant 640 : i32
    %mul3A_2 = arith.muli %arg1, %mul3A_1 : i32
    %mul3A_3 = arith.constant 640 : i32
    %mul3A_4 = arith.muli %arg1, %mul3A_3 : i32
    "tpu.region"() ({
      %run_scoped3A = tpu.sem_alloc : memref<!tpu.dma_semaphore, #tpu.memory_space<semaphore_mem>>
      %dma_start3A = arith.constant 0 : i32
      %dma_start3A_18 = tpu.memref_slice %arg7[%mul3A_4, %dma_start3A] : memref<10240x128xf32, #tpu.memory_space<vmem_shared>> -> memref<640x128xf32, #tpu.memory_space<vmem_shared>>
      %dma_start3A_19 = arith.constant 0 : i32
      %dma_start3A_20 = tpu.memref_slice %arg5[%mul3A_2, %dma_start3A_19] : memref<10240x128xf32, #tpu.memory_space<hbm>> -> memref<640x128xf32, #tpu.memory_space<hbm>>
      tpu.enqueue_dma source(%dma_start3A_20 : memref<640x128xf32, #tpu.memory_space<hbm>>) target(%dma_start3A_18 : memref<640x128xf32, #tpu.memory_space<vmem_shared>>) target_semaphore(%run_scoped3A : memref<!tpu.dma_semaphore, #tpu.memory_space<semaphore_mem>>)
      %dma_wait3A = arith.constant 0 : i32
      %dma_wait3A_21 = tpu.memref_slice %arg7[%mul3A_4, %dma_wait3A] : memref<10240x128xf32, #tpu.memory_space<vmem_shared>> -> memref<640x128xf32, #tpu.memory_space<vmem_shared>>
      %dma_wait3A_22 = arith.constant 0 : i32
      %dma_wait3A_23 = tpu.memref_slice %arg5[%mul3A_2, %dma_wait3A_22] : memref<10240x128xf32, #tpu.memory_space<hbm>> -> memref<640x128xf32, #tpu.memory_space<hbm>>
      tpu.wait_dma2 semaphore(%run_scoped3A : memref<!tpu.dma_semaphore, #tpu.memory_space<semaphore_mem>>) src(%dma_wait3A_23 : memref<640x128xf32, #tpu.memory_space<hbm>>) dst(%dma_wait3A_21 : memref<640x128xf32, #tpu.memory_space<vmem_shared>>)
      tpu.yield
    }) : () -> ()
    %barrier3A = arith.constant 0 : index
    tpu.barrier barrier_id(%barrier3A)
    %scan3A = arith.constant 0 : i32
    %scan3A_5 = arith.constant 0 : i32
    %scan3A_6 = arith.constant 100 : i32
    %scan3A_7 = arith.addi %scan3A_5, %scan3A_6 : i32
    %scan3A_8 = arith.constant 1 : i32
    scf.for %scan3A_18 = %scan3A_5 to %scan3A_7 step %scan3A_8  : i32 {
      %mul3A_19 = arith.constant 1 : i32
      %mul3A_20 = arith.muli %scan3A_18, %mul3A_19 : i32
      %add3A_21 = arith.constant 0 : i32
      %add3A_22 = arith.addi %mul3A_20, %add3A_21 : i32
      %dma_start3A = arith.constant 0 : i32
      %dma_start3A_23 = tpu.memref_slice %arg9[%add3A_22, %dma_start3A] : memref<100x100xi32, #tpu.memory_space<vmem>> -> memref<1x100xi32, #tpu.memory_space<vmem>>
      %dma_start3A_24 = tpu.memref_squeeze %dma_start3A_23 : memref<1x100xi32, #tpu.memory_space<vmem>> -> memref<100xi32, #tpu.memory_space<vmem>>
      %dma_start3A_25 = arith.constant 0 : i32
      %dma_start3A_26 = arith.constant 0 : i32
      %dma_start3A_27 = tpu.memref_slice %arg2[%dma_start3A_25, %dma_start3A_26] : memref<10240x128xf32, #tpu.memory_space<hbm>> -> memref<10240x128xf32, #tpu.memory_space<hbm>>
      tpu.enqueue_indirect_dma source(%dma_start3A_27 : memref<10240x128xf32, #tpu.memory_space<hbm>>) target(%arg10 : memref<100x128xf32, #tpu.memory_space<vmem>>) offsets(%dma_start3A_24 : memref<100xi32, #tpu.memory_space<vmem>>) semaphore(%arg11 : memref<!tpu.dma_semaphore, #tpu.memory_space<semaphore_mem>>)
      %dma_wait3A = arith.constant 0 : i32
      %dma_wait3A_28 = tpu.memref_slice %arg9[%add3A_22, %dma_wait3A] : memref<100x100xi32, #tpu.memory_space<vmem>> -> memref<1x100xi32, #tpu.memory_space<vmem>>
      %dma_wait3A_29 = tpu.memref_squeeze %dma_wait3A_28 : memref<1x100xi32, #tpu.memory_space<vmem>> -> memref<100xi32, #tpu.memory_space<vmem>>
      %dma_wait3A_30 = arith.constant 0 : i32
      %dma_wait3A_31 = arith.constant 0 : i32
      %dma_wait3A_32 = tpu.memref_slice %arg2[%dma_wait3A_30, %dma_wait3A_31] : memref<10240x128xf32, #tpu.memory_space<hbm>> -> memref<10240x128xf32, #tpu.memory_space<hbm>>
      tpu.wait_indirect_dma semaphore(%arg11 : memref<!tpu.dma_semaphore, #tpu.memory_space<semaphore_mem>>) src(%dma_wait3A_32 : memref<10240x128xf32, #tpu.memory_space<hbm>>) dst(%arg10 : memref<100x128xf32, #tpu.memory_space<vmem>>)
      %add3A_33 = arith.constant 0 : i32
      %add3A_34 = arith.addi %mul3A_20, %add3A_33 : i32
      %dma_start3A_35 = arith.constant 0 : i32
      %dma_start3A_36 = tpu.memref_slice %arg8[%add3A_34, %dma_start3A_35] : memref<100x100xi32, #tpu.memory_space<vmem>> -> memref<1x100xi32, #tpu.memory_space<vmem>>
      %dma_start3A_37 = tpu.memref_squeeze %dma_start3A_36 : memref<1x100xi32, #tpu.memory_space<vmem>> -> memref<100xi32, #tpu.memory_space<vmem>>
      %dma_start3A_38 = arith.constant 0 : i32
      %dma_start3A_39 = arith.constant 0 : i32
      %dma_start3A_40 = tpu.memref_slice %arg7[%dma_start3A_38, %dma_start3A_39] : memref<10240x128xf32, #tpu.memory_space<vmem_shared>> -> memref<10240x128xf32, #tpu.memory_space<vmem_shared>>
      tpu.enqueue_indirect_dma source(%arg10 : memref<100x128xf32, #tpu.memory_space<vmem>>) target(%dma_start3A_40 : memref<10240x128xf32, #tpu.memory_space<vmem_shared>>) offsets(%dma_start3A_37 : memref<100xi32, #tpu.memory_space<vmem>>) semaphore(%arg12 : memref<!tpu.dma_semaphore, #tpu.memory_space<semaphore_mem>>) {add = true}
      %dma_wait3A_41 = arith.constant 0 : i32
      %dma_wait3A_42 = tpu.memref_slice %arg8[%add3A_34, %dma_wait3A_41] : memref<100x100xi32, #tpu.memory_space<vmem>> -> memref<1x100xi32, #tpu.memory_space<vmem>>
      %dma_wait3A_43 = tpu.memref_squeeze %dma_wait3A_42 : memref<1x100xi32, #tpu.memory_space<vmem>> -> memref<100xi32, #tpu.memory_space<vmem>>
      %dma_wait3A_44 = arith.constant 0 : i32
      %dma_wait3A_45 = arith.constant 0 : i32
      %dma_wait3A_46 = tpu.memref_slice %arg7[%dma_wait3A_44, %dma_wait3A_45] : memref<10240x128xf32, #tpu.memory_space<vmem_shared>> -> memref<10240x128xf32, #tpu.memory_space<vmem_shared>>
      tpu.wait_indirect_dma semaphore(%arg12 : memref<!tpu.dma_semaphore, #tpu.memory_space<semaphore_mem>>) src(%arg10 : memref<100x128xf32, #tpu.memory_space<vmem>>) dst(%dma_wait3A_46 : memref<10240x128xf32, #tpu.memory_space<vmem_shared>>)
    }
    %scan3A_9 = arith.constant 100 : i32
    %barrier3A_10 = arith.constant 0 : index
    tpu.barrier barrier_id(%barrier3A_10)
    %mul3A_11 = arith.constant 10240 : i32
    %mul3A_12 = arith.muli %arg0, %mul3A_11 : i32
    %mul3A_13 = arith.constant 640 : i32
    %mul3A_14 = arith.muli %arg1, %mul3A_13 : i32
    %add3A_15 = arith.addi %mul3A_12, %mul3A_14 : i32
    %multiple_of3A = tpu.assume_multiple %add3A_15, 8 : i32
    %mul3A_16 = arith.constant 640 : i32
    %mul3A_17 = arith.muli %arg1, %mul3A_16 : i32
    "tpu.region"() ({
      %run_scoped3A = tpu.sem_alloc : memref<!tpu.dma_semaphore, #tpu.memory_space<semaphore_mem>>
      %dma_start3A = arith.constant 0 : i32
      %dma_start3A_18 = tpu.memref_slice %arg6[%multiple_of3A, %dma_start3A] : memref<20480x128xf32, #tpu.memory_space<hbm>> -> memref<640x128xf32, #tpu.memory_space<hbm>>
      %dma_start3A_19 = arith.constant 0 : i32
      %dma_start3A_20 = tpu.memref_slice %arg7[%mul3A_17, %dma_start3A_19] : memref<10240x128xf32, #tpu.memory_space<vmem_shared>> -> memref<640x128xf32, #tpu.memory_space<vmem_shared>>
      tpu.enqueue_dma source(%dma_start3A_20 : memref<640x128xf32, #tpu.memory_space<vmem_shared>>) target(%dma_start3A_18 : memref<640x128xf32, #tpu.memory_space<hbm>>) target_semaphore(%run_scoped3A : memref<!tpu.dma_semaphore, #tpu.memory_space<semaphore_mem>>)
      %dma_wait3A = arith.constant 0 : i32
      %dma_wait3A_21 = tpu.memref_slice %arg6[%multiple_of3A, %dma_wait3A] : memref<20480x128xf32, #tpu.memory_space<hbm>> -> memref<640x128xf32, #tpu.memory_space<hbm>>
      %dma_wait3A_22 = arith.constant 0 : i32
      %dma_wait3A_23 = tpu.memref_slice %arg7[%mul3A_17, %dma_wait3A_22] : memref<10240x128xf32, #tpu.memory_space<vmem_shared>> -> memref<640x128xf32, #tpu.memory_space<vmem_shared>>
      tpu.wait_dma2 semaphore(%run_scoped3A : memref<!tpu.dma_semaphore, #tpu.memory_space<semaphore_mem>>) src(%dma_wait3A_23 : memref<640x128xf32, #tpu.memory_space<vmem_shared>>) dst(%dma_wait3A_21 : memref<640x128xf32, #tpu.memory_space<hbm>>)
      tpu.yield
    }) : () -> ()
    return
  }
}

#map = affine_map<(d0, d1) -> (0, 0, 0)>
#map1 = affine_map<(d0, d1) -> (0, 0)>
module attributes {stable_mosaic.version = 14 : i64} {
  func.func @deg(%arg0: i32, %arg1: i32, %arg2: memref<32x100x100xi32, #tpu.memory_space<hbm>>, %arg3: memref<5120x128xf32, #tpu.memory_space<hbm>>, %arg4: memref<10240x128xf32, #tpu.memory_space<hbm>>, %arg5: memref<5120x128xf32, #tpu.memory_space<vmem_shared>>, %arg6: memref<100x100xi32, #tpu.memory_space<vmem>>, %arg7: memref<100x128xf32, #tpu.memory_space<vmem>>, %arg8: memref<!tpu.dma_semaphore, #tpu.memory_space<semaphore_mem>>) attributes {dimension_semantics = [#tpu.dimension_semantics<core_parallel>, #tpu.dimension_semantics<subcore_parallel>], iteration_bounds = array<i64: 2, 16>, scalar_prefetch = 0 : i64, scratch_operands = 4 : i64, tpu.core_type = #tpu.core_type<sc_vector_subcore>, window_params = [{transform_indices = #map}, {transform_indices = #map1}, {transform_indices = #map1}]} {
    %mul3A = arith.constant 2 : i32
    %mul3A_0 = arith.muli %arg1, %mul3A : i32
    %add3A = arith.addi %mul3A_0, %arg0 : i32
    "tpu.region"() ({
      %run_scoped3A = tpu.sem_alloc : memref<!tpu.dma_semaphore, #tpu.memory_space<semaphore_mem>>
      %dma_start3A = arith.constant 0 : i32
      %dma_start3A_30 = arith.constant 0 : i32
      %dma_start3A_31 = tpu.memref_slice %arg2[%add3A, %dma_start3A, %dma_start3A_30] : memref<32x100x100xi32, #tpu.memory_space<hbm>> -> memref<1x100x100xi32, #tpu.memory_space<hbm>>
      %dma_start3A_32 = tpu.memref_squeeze %dma_start3A_31 : memref<1x100x100xi32, #tpu.memory_space<hbm>> -> memref<100x100xi32, #tpu.memory_space<hbm>>
      %dma_start3A_33 = arith.constant 0 : i32
      %dma_start3A_34 = arith.constant 0 : i32
      %dma_start3A_35 = tpu.memref_slice %arg2[%add3A, %dma_start3A_33, %dma_start3A_34] : memref<32x100x100xi32, #tpu.memory_space<hbm>> -> memref<1x100x100xi32, #tpu.memory_space<hbm>>
      %dma_start3A_36 = tpu.memref_squeeze %dma_start3A_35 : memref<1x100x100xi32, #tpu.memory_space<hbm>> -> memref<100x100xi32, #tpu.memory_space<hbm>>
      tpu.enqueue_dma source(%dma_start3A_36 : memref<100x100xi32, #tpu.memory_space<hbm>>) target(%arg6 : memref<100x100xi32, #tpu.memory_space<vmem>>) target_semaphore(%run_scoped3A : memref<!tpu.dma_semaphore, #tpu.memory_space<semaphore_mem>>)
      %dma_wait3A = arith.constant 0 : i32
      %dma_wait3A_37 = arith.constant 0 : i32
      %dma_wait3A_38 = tpu.memref_slice %arg2[%add3A, %dma_wait3A, %dma_wait3A_37] : memref<32x100x100xi32, #tpu.memory_space<hbm>> -> memref<1x100x100xi32, #tpu.memory_space<hbm>>
      %dma_wait3A_39 = tpu.memref_squeeze %dma_wait3A_38 : memref<1x100x100xi32, #tpu.memory_space<hbm>> -> memref<100x100xi32, #tpu.memory_space<hbm>>
      %dma_wait3A_40 = arith.constant 0 : i32
      %dma_wait3A_41 = arith.constant 0 : i32
      %dma_wait3A_42 = tpu.memref_slice %arg2[%add3A, %dma_wait3A_40, %dma_wait3A_41] : memref<32x100x100xi32, #tpu.memory_space<hbm>> -> memref<1x100x100xi32, #tpu.memory_space<hbm>>
      %dma_wait3A_43 = tpu.memref_squeeze %dma_wait3A_42 : memref<1x100x100xi32, #tpu.memory_space<hbm>> -> memref<100x100xi32, #tpu.memory_space<hbm>>
      tpu.wait_dma2 semaphore(%run_scoped3A : memref<!tpu.dma_semaphore, #tpu.memory_space<semaphore_mem>>) src(%dma_wait3A_43 : memref<100x100xi32, #tpu.memory_space<hbm>>) dst(%arg6 : memref<100x100xi32, #tpu.memory_space<vmem>>)
      tpu.yield
    }) : () -> ()
    %mul3A_1 = arith.constant 320 : i32
    %mul3A_2 = arith.muli %arg1, %mul3A_1 : i32
    %mul3A_3 = arith.constant 320 : i32
    %mul3A_4 = arith.muli %arg1, %mul3A_3 : i32
    "tpu.region"() ({
      %run_scoped3A = tpu.sem_alloc : memref<!tpu.dma_semaphore, #tpu.memory_space<semaphore_mem>>
      %dma_start3A = arith.constant 0 : i32
      %dma_start3A_30 = tpu.memref_slice %arg5[%mul3A_4, %dma_start3A] : memref<5120x128xf32, #tpu.memory_space<vmem_shared>> -> memref<320x128xf32, #tpu.memory_space<vmem_shared>>
      %dma_start3A_31 = arith.constant 0 : i32
      %dma_start3A_32 = tpu.memref_slice %arg3[%mul3A_2, %dma_start3A_31] : memref<5120x128xf32, #tpu.memory_space<hbm>> -> memref<320x128xf32, #tpu.memory_space<hbm>>
      tpu.enqueue_dma source(%dma_start3A_32 : memref<320x128xf32, #tpu.memory_space<hbm>>) target(%dma_start3A_30 : memref<320x128xf32, #tpu.memory_space<vmem_shared>>) target_semaphore(%run_scoped3A : memref<!tpu.dma_semaphore, #tpu.memory_space<semaphore_mem>>)
      %dma_wait3A = arith.constant 0 : i32
      %dma_wait3A_33 = tpu.memref_slice %arg5[%mul3A_4, %dma_wait3A] : memref<5120x128xf32, #tpu.memory_space<vmem_shared>> -> memref<320x128xf32, #tpu.memory_space<vmem_shared>>
      %dma_wait3A_34 = arith.constant 0 : i32
      %dma_wait3A_35 = tpu.memref_slice %arg3[%mul3A_2, %dma_wait3A_34] : memref<5120x128xf32, #tpu.memory_space<hbm>> -> memref<320x128xf32, #tpu.memory_space<hbm>>
      tpu.wait_dma2 semaphore(%run_scoped3A : memref<!tpu.dma_semaphore, #tpu.memory_space<semaphore_mem>>) src(%dma_wait3A_35 : memref<320x128xf32, #tpu.memory_space<hbm>>) dst(%dma_wait3A_33 : memref<320x128xf32, #tpu.memory_space<vmem_shared>>)
      tpu.yield
    }) : () -> ()
    %iota3A = tpu.iota {dimensions = array<i32: 0>} : vector<16xi32>
    %eq3A = arith.constant 0 : i32
    %eq3A_5 = vector.broadcast %eq3A : i32 to vector<16xi32>
    %eq3A_6 = arith.cmpi eq, %iota3A, %eq3A_5 : vector<16xi32>
    %jit3A = arith.constant 1.000000e+00 : f32
    %jit3A_7 = arith.constant 0.000000e+00 : f32
    %broadcast_in_dim3A = vector.broadcast %jit3A : f32 to vector<16xf32>
    %broadcast_in_dim3A_8 = vector.broadcast %jit3A_7 : f32 to vector<16xf32>
    %select_n3A = arith.select %eq3A_6, %broadcast_in_dim3A, %broadcast_in_dim3A_8 : vector<16xi1>, vector<16xf32>
    %broadcast_in_dim3A_9 = arith.constant 0.000000e+00 : f32
    %broadcast_in_dim3A_10 = vector.broadcast %broadcast_in_dim3A_9 : f32 to vector<16xf32>
    %scan3A = arith.constant 0 : i32
    %scan3A_11 = arith.constant 0 : i32
    %scan3A_12 = arith.constant 100 : i32
    %scan3A_13 = arith.addi %scan3A_11, %scan3A_12 : i32
    %scan3A_14 = arith.constant 1 : i32
    scf.for %scan3A_30 = %scan3A_11 to %scan3A_13 step %scan3A_14  : i32 {
      %swap3A = arith.index_cast %scan3A_30 : i32 to index
      %swap3A_31 = arith.constant 16 : index
      %swap3A_32 = tpu.vector_load %arg7[%swap3A, %swap3A_31] {strides = array<i32>} : memref<100x128xf32, #tpu.memory_space<vmem>>, vector<1x16xf32>,
      %swap3A_33 = vector.shape_cast %swap3A_32 : vector<1x16xf32> to vector<16xf32>
      %swap3A_34 = vector.shape_cast %broadcast_in_dim3A_10 : vector<16xf32> to vector<1x16xf32>
      tpu.vector_store %arg7[%swap3A, %swap3A_31], %swap3A_34 {strides = array<i32>} : memref<100x128xf32, #tpu.memory_space<vmem>>, vector<1x16xf32>,
      %swap3A_35 = arith.index_cast %scan3A_30 : i32 to index
      %swap3A_36 = arith.constant 32 : index
      %swap3A_37 = tpu.vector_load %arg7[%swap3A_35, %swap3A_36] {strides = array<i32>} : memref<100x128xf32, #tpu.memory_space<vmem>>, vector<1x16xf32>,
      %swap3A_38 = vector.shape_cast %swap3A_37 : vector<1x16xf32> to vector<16xf32>
      %swap3A_39 = vector.shape_cast %broadcast_in_dim3A_10 : vector<16xf32> to vector<1x16xf32>
      tpu.vector_store %arg7[%swap3A_35, %swap3A_36], %swap3A_39 {strides = array<i32>} : memref<100x128xf32, #tpu.memory_space<vmem>>, vector<1x16xf32>,
      %swap3A_40 = arith.index_cast %scan3A_30 : i32 to index
      %swap3A_41 = arith.constant 48 : index
      %swap3A_42 = tpu.vector_load %arg7[%swap3A_40, %swap3A_41] {strides = array<i32>} : memref<100x128xf32, #tpu.memory_space<vmem>>, vector<1x16xf32>,
      %swap3A_43 = vector.shape_cast %swap3A_42 : vector<1x16xf32> to vector<16xf32>
      %swap3A_44 = vector.shape_cast %broadcast_in_dim3A_10 : vector<16xf32> to vector<1x16xf32>
      tpu.vector_store %arg7[%swap3A_40, %swap3A_41], %swap3A_44 {strides = array<i32>} : memref<100x128xf32, #tpu.memory_space<vmem>>, vector<1x16xf32>,
      %swap3A_45 = arith.index_cast %scan3A_30 : i32 to index
      %swap3A_46 = arith.constant 64 : index
      %swap3A_47 = tpu.vector_load %arg7[%swap3A_45, %swap3A_46] {strides = array<i32>} : memref<100x128xf32, #tpu.memory_space<vmem>>, vector<1x16xf32>,
      %swap3A_48 = vector.shape_cast %swap3A_47 : vector<1x16xf32> to vector<16xf32>
      %swap3A_49 = vector.shape_cast %broadcast_in_dim3A_10 : vector<16xf32> to vector<1x16xf32>
      tpu.vector_store %arg7[%swap3A_45, %swap3A_46], %swap3A_49 {strides = array<i32>} : memref<100x128xf32, #tpu.memory_space<vmem>>, vector<1x16xf32>,
      %swap3A_50 = arith.index_cast %scan3A_30 : i32 to index
      %swap3A_51 = arith.constant 80 : index
      %swap3A_52 = tpu.vector_load %arg7[%swap3A_50, %swap3A_51] {strides = array<i32>} : memref<100x128xf32, #tpu.memory_space<vmem>>, vector<1x16xf32>,
      %swap3A_53 = vector.shape_cast %swap3A_52 : vector<1x16xf32> to vector<16xf32>
      %swap3A_54 = vector.shape_cast %broadcast_in_dim3A_10 : vector<16xf32> to vector<1x16xf32>
      tpu.vector_store %arg7[%swap3A_50, %swap3A_51], %swap3A_54 {strides = array<i32>} : memref<100x128xf32, #tpu.memory_space<vmem>>, vector<1x16xf32>,
      %swap3A_55 = arith.index_cast %scan3A_30 : i32 to index
      %swap3A_56 = arith.constant 96 : index
      %swap3A_57 = tpu.vector_load %arg7[%swap3A_55, %swap3A_56] {strides = array<i32>} : memref<100x128xf32, #tpu.memory_space<vmem>>, vector<1x16xf32>,
      %swap3A_58 = vector.shape_cast %swap3A_57 : vector<1x16xf32> to vector<16xf32>
      %swap3A_59 = vector.shape_cast %broadcast_in_dim3A_10 : vector<16xf32> to vector<1x16xf32>
      tpu.vector_store %arg7[%swap3A_55, %swap3A_56], %swap3A_59 {strides = array<i32>} : memref<100x128xf32, #tpu.memory_space<vmem>>, vector<1x16xf32>,
      %swap3A_60 = arith.index_cast %scan3A_30 : i32 to index
      %swap3A_61 = arith.constant 112 : index
      %swap3A_62 = tpu.vector_load %arg7[%swap3A_60, %swap3A_61] {strides = array<i32>} : memref<100x128xf32, #tpu.memory_space<vmem>>, vector<1x16xf32>,
      %swap3A_63 = vector.shape_cast %swap3A_62 : vector<1x16xf32> to vector<16xf32>
      %swap3A_64 = vector.shape_cast %broadcast_in_dim3A_10 : vector<16xf32> to vector<1x16xf32>
      tpu.vector_store %arg7[%swap3A_60, %swap3A_61], %swap3A_64 {strides = array<i32>} : memref<100x128xf32, #tpu.memory_space<vmem>>, vector<1x16xf32>,
      %swap3A_65 = arith.index_cast %scan3A_30 : i32 to index
      %swap3A_66 = arith.constant 0 : index
      %swap3A_67 = tpu.vector_load %arg7[%swap3A_65, %swap3A_66] {strides = array<i32>} : memref<100x128xf32, #tpu.memory_space<vmem>>, vector<1x16xf32>,
      %swap3A_68 = vector.shape_cast %swap3A_67 : vector<1x16xf32> to vector<16xf32>
      %swap3A_69 = vector.shape_cast %select_n3A : vector<16xf32> to vector<1x16xf32>
      tpu.vector_store %arg7[%swap3A_65, %swap3A_66], %swap3A_69 {strides = array<i32>} : memref<100x128xf32, #tpu.memory_space<vmem>>, vector<1x16xf32>,
    }
    %scan3A_15 = arith.constant 100 : i32
    %barrier3A = arith.constant 0 : index
    tpu.barrier barrier_id(%barrier3A)
    %scan3A_16 = arith.constant 0 : i32
    %scan3A_17 = arith.constant 0 : i32
    %scan3A_18 = arith.constant 100 : i32
    %scan3A_19 = arith.addi %scan3A_17, %scan3A_18 : i32
    %scan3A_20 = arith.constant 1 : i32
    scf.for %scan3A_30 = %scan3A_17 to %scan3A_19 step %scan3A_20  : i32 {
      %mul3A_31 = arith.constant 1 : i32
      %mul3A_32 = arith.muli %scan3A_30, %mul3A_31 : i32
      %add3A_33 = arith.constant 0 : i32
      %add3A_34 = arith.addi %mul3A_32, %add3A_33 : i32
      %dma_start3A = arith.constant 0 : i32
      %dma_start3A_35 = tpu.memref_slice %arg6[%add3A_34, %dma_start3A] : memref<100x100xi32, #tpu.memory_space<vmem>> -> memref<1x100xi32, #tpu.memory_space<vmem>>
      %dma_start3A_36 = tpu.memref_squeeze %dma_start3A_35 : memref<1x100xi32, #tpu.memory_space<vmem>> -> memref<100xi32, #tpu.memory_space<vmem>>
      %dma_start3A_37 = arith.constant 0 : i32
      %dma_start3A_38 = arith.constant 0 : i32
      %dma_start3A_39 = tpu.memref_slice %arg5[%dma_start3A_37, %dma_start3A_38] : memref<5120x128xf32, #tpu.memory_space<vmem_shared>> -> memref<5120x128xf32, #tpu.memory_space<vmem_shared>>
      tpu.enqueue_indirect_dma source(%arg7 : memref<100x128xf32, #tpu.memory_space<vmem>>) target(%dma_start3A_39 : memref<5120x128xf32, #tpu.memory_space<vmem_shared>>) offsets(%dma_start3A_36 : memref<100xi32, #tpu.memory_space<vmem>>) semaphore(%arg8 : memref<!tpu.dma_semaphore, #tpu.memory_space<semaphore_mem>>) {add = true}
      %dma_wait3A = arith.constant 0 : i32
      %dma_wait3A_40 = tpu.memref_slice %arg6[%add3A_34, %dma_wait3A] : memref<100x100xi32, #tpu.memory_space<vmem>> -> memref<1x100xi32, #tpu.memory_space<vmem>>
      %dma_wait3A_41 = tpu.memref_squeeze %dma_wait3A_40 : memref<1x100xi32, #tpu.memory_space<vmem>> -> memref<100xi32, #tpu.memory_space<vmem>>
      %dma_wait3A_42 = arith.constant 0 : i32
      %dma_wait3A_43 = arith.constant 0 : i32
      %dma_wait3A_44 = tpu.memref_slice %arg5[%dma_wait3A_42, %dma_wait3A_43] : memref<5120x128xf32, #tpu.memory_space<vmem_shared>> -> memref<5120x128xf32, #tpu.memory_space<vmem_shared>>
      tpu.wait_indirect_dma semaphore(%arg8 : memref<!tpu.dma_semaphore, #tpu.memory_space<semaphore_mem>>) src(%arg7 : memref<100x128xf32, #tpu.memory_space<vmem>>) dst(%dma_wait3A_44 : memref<5120x128xf32, #tpu.memory_space<vmem_shared>>)
    }
    %scan3A_21 = arith.constant 100 : i32
    %barrier3A_22 = arith.constant 0 : index
    tpu.barrier barrier_id(%barrier3A_22)
    %mul3A_23 = arith.constant 5120 : i32
    %mul3A_24 = arith.muli %arg0, %mul3A_23 : i32
    %mul3A_25 = arith.constant 320 : i32
    %mul3A_26 = arith.muli %arg1, %mul3A_25 : i32
    %add3A_27 = arith.addi %mul3A_24, %mul3A_26 : i32
    %multiple_of3A = tpu.assume_multiple %add3A_27, 8 : i32
    %mul3A_28 = arith.constant 320 : i32
    %mul3A_29 = arith.muli %arg1, %mul3A_28 : i32
    "tpu.region"() ({
      %run_scoped3A = tpu.sem_alloc : memref<!tpu.dma_semaphore, #tpu.memory_space<semaphore_mem>>
      %dma_start3A = arith.constant 0 : i32
      %dma_start3A_30 = tpu.memref_slice %arg4[%multiple_of3A, %dma_start3A] : memref<10240x128xf32, #tpu.memory_space<hbm>> -> memref<320x128xf32, #tpu.memory_space<hbm>>
      %dma_start3A_31 = arith.constant 0 : i32
      %dma_start3A_32 = tpu.memref_slice %arg5[%mul3A_29, %dma_start3A_31] : memref<5120x128xf32, #tpu.memory_space<vmem_shared>> -> memref<320x128xf32, #tpu.memory_space<vmem_shared>>
      tpu.enqueue_dma source(%dma_start3A_32 : memref<320x128xf32, #tpu.memory_space<vmem_shared>>) target(%dma_start3A_30 : memref<320x128xf32, #tpu.memory_space<hbm>>) target_semaphore(%run_scoped3A : memref<!tpu.dma_semaphore, #tpu.memory_space<semaphore_mem>>)
      %dma_wait3A = arith.constant 0 : i32
      %dma_wait3A_33 = tpu.memref_slice %arg4[%multiple_of3A, %dma_wait3A] : memref<10240x128xf32, #tpu.memory_space<hbm>> -> memref<320x128xf32, #tpu.memory_space<hbm>>
      %dma_wait3A_34 = arith.constant 0 : i32
      %dma_wait3A_35 = tpu.memref_slice %arg5[%mul3A_29, %dma_wait3A_34] : memref<5120x128xf32, #tpu.memory_space<vmem_shared>> -> memref<320x128xf32, #tpu.memory_space<vmem_shared>>
      tpu.wait_dma2 semaphore(%run_scoped3A : memref<!tpu.dma_semaphore, #tpu.memory_space<semaphore_mem>>) src(%dma_wait3A_35 : memref<320x128xf32, #tpu.memory_space<vmem_shared>>) dst(%dma_wait3A_33 : memref<320x128xf32, #tpu.memory_space<hbm>>)
      tpu.yield
    }) : () -> ()
    return
  }
}

#map = affine_map<(d0, d1) -> (0, 0)>
#map1 = affine_map<(d0, d1) -> (0, 0, 0)>
module attributes {stable_mosaic.version = 14 : i64} {
  func.func @spmm(%arg0: i32, %arg1: i32, %arg2: memref<5120x128xf32, #tpu.memory_space<hbm>>, %arg3: memref<32x100x100xi32, #tpu.memory_space<hbm>>, %arg4: memref<32x100x100xi32, #tpu.memory_space<hbm>>, %arg5: memref<5120x128xf32, #tpu.memory_space<hbm>>, %arg6: memref<10240x128xf32, #tpu.memory_space<hbm>>, %arg7: memref<5120x128xf32, #tpu.memory_space<vmem_shared>>, %arg8: memref<100x100xi32, #tpu.memory_space<vmem>>, %arg9: memref<100x100xi32, #tpu.memory_space<vmem>>, %arg10: memref<100x128xf32, #tpu.memory_space<vmem>>, %arg11: memref<!tpu.dma_semaphore, #tpu.memory_space<semaphore_mem>>, %arg12: memref<!tpu.dma_semaphore, #tpu.memory_space<semaphore_mem>>) attributes {dimension_semantics = [#tpu.dimension_semantics<core_parallel>, #tpu.dimension_semantics<subcore_parallel>], iteration_bounds = array<i64: 2, 16>, scalar_prefetch = 0 : i64, scratch_operands = 6 : i64, tpu.core_type = #tpu.core_type<sc_vector_subcore>, window_params = [{transform_indices = #map}, {transform_indices = #map1}, {transform_indices = #map1}, {transform_indices = #map}, {transform_indices = #map}]} {
    %mul3A = arith.constant 2 : i32
    %mul3A_0 = arith.muli %arg1, %mul3A : i32
    %add3A = arith.addi %mul3A_0, %arg0 : i32
    "tpu.region"() ({
      %run_scoped3A = tpu.sem_alloc : memref<!tpu.dma_semaphore, #tpu.memory_space<semaphore_mem>>
      %dma_start3A = arith.constant 0 : i32
      %dma_start3A_18 = arith.constant 0 : i32
      %dma_start3A_19 = tpu.memref_slice %arg3[%add3A, %dma_start3A, %dma_start3A_18] : memref<32x100x100xi32, #tpu.memory_space<hbm>> -> memref<1x100x100xi32, #tpu.memory_space<hbm>>
      %dma_start3A_20 = tpu.memref_squeeze %dma_start3A_19 : memref<1x100x100xi32, #tpu.memory_space<hbm>> -> memref<100x100xi32, #tpu.memory_space<hbm>>
      %dma_start3A_21 = arith.constant 0 : i32
      %dma_start3A_22 = arith.constant 0 : i32
      %dma_start3A_23 = tpu.memref_slice %arg3[%add3A, %dma_start3A_21, %dma_start3A_22] : memref<32x100x100xi32, #tpu.memory_space<hbm>> -> memref<1x100x100xi32, #tpu.memory_space<hbm>>
      %dma_start3A_24 = tpu.memref_squeeze %dma_start3A_23 : memref<1x100x100xi32, #tpu.memory_space<hbm>> -> memref<100x100xi32, #tpu.memory_space<hbm>>
      tpu.enqueue_dma source(%dma_start3A_24 : memref<100x100xi32, #tpu.memory_space<hbm>>) target(%arg8 : memref<100x100xi32, #tpu.memory_space<vmem>>) target_semaphore(%run_scoped3A : memref<!tpu.dma_semaphore, #tpu.memory_space<semaphore_mem>>)
      %dma_wait3A = arith.constant 0 : i32
      %dma_wait3A_25 = arith.constant 0 : i32
      %dma_wait3A_26 = tpu.memref_slice %arg3[%add3A, %dma_wait3A, %dma_wait3A_25] : memref<32x100x100xi32, #tpu.memory_space<hbm>> -> memref<1x100x100xi32, #tpu.memory_space<hbm>>
      %dma_wait3A_27 = tpu.memref_squeeze %dma_wait3A_26 : memref<1x100x100xi32, #tpu.memory_space<hbm>> -> memref<100x100xi32, #tpu.memory_space<hbm>>
      %dma_wait3A_28 = arith.constant 0 : i32
      %dma_wait3A_29 = arith.constant 0 : i32
      %dma_wait3A_30 = tpu.memref_slice %arg3[%add3A, %dma_wait3A_28, %dma_wait3A_29] : memref<32x100x100xi32, #tpu.memory_space<hbm>> -> memref<1x100x100xi32, #tpu.memory_space<hbm>>
      %dma_wait3A_31 = tpu.memref_squeeze %dma_wait3A_30 : memref<1x100x100xi32, #tpu.memory_space<hbm>> -> memref<100x100xi32, #tpu.memory_space<hbm>>
      tpu.wait_dma2 semaphore(%run_scoped3A : memref<!tpu.dma_semaphore, #tpu.memory_space<semaphore_mem>>) src(%dma_wait3A_31 : memref<100x100xi32, #tpu.memory_space<hbm>>) dst(%arg8 : memref<100x100xi32, #tpu.memory_space<vmem>>)
      tpu.yield
    }) : () -> ()
    "tpu.region"() ({
      %run_scoped3A = tpu.sem_alloc : memref<!tpu.dma_semaphore, #tpu.memory_space<semaphore_mem>>
      %dma_start3A = arith.constant 0 : i32
      %dma_start3A_18 = arith.constant 0 : i32
      %dma_start3A_19 = tpu.memref_slice %arg4[%add3A, %dma_start3A, %dma_start3A_18] : memref<32x100x100xi32, #tpu.memory_space<hbm>> -> memref<1x100x100xi32, #tpu.memory_space<hbm>>
      %dma_start3A_20 = tpu.memref_squeeze %dma_start3A_19 : memref<1x100x100xi32, #tpu.memory_space<hbm>> -> memref<100x100xi32, #tpu.memory_space<hbm>>
      %dma_start3A_21 = arith.constant 0 : i32
      %dma_start3A_22 = arith.constant 0 : i32
      %dma_start3A_23 = tpu.memref_slice %arg4[%add3A, %dma_start3A_21, %dma_start3A_22] : memref<32x100x100xi32, #tpu.memory_space<hbm>> -> memref<1x100x100xi32, #tpu.memory_space<hbm>>
      %dma_start3A_24 = tpu.memref_squeeze %dma_start3A_23 : memref<1x100x100xi32, #tpu.memory_space<hbm>> -> memref<100x100xi32, #tpu.memory_space<hbm>>
      tpu.enqueue_dma source(%dma_start3A_24 : memref<100x100xi32, #tpu.memory_space<hbm>>) target(%arg9 : memref<100x100xi32, #tpu.memory_space<vmem>>) target_semaphore(%run_scoped3A : memref<!tpu.dma_semaphore, #tpu.memory_space<semaphore_mem>>)
      %dma_wait3A = arith.constant 0 : i32
      %dma_wait3A_25 = arith.constant 0 : i32
      %dma_wait3A_26 = tpu.memref_slice %arg4[%add3A, %dma_wait3A, %dma_wait3A_25] : memref<32x100x100xi32, #tpu.memory_space<hbm>> -> memref<1x100x100xi32, #tpu.memory_space<hbm>>
      %dma_wait3A_27 = tpu.memref_squeeze %dma_wait3A_26 : memref<1x100x100xi32, #tpu.memory_space<hbm>> -> memref<100x100xi32, #tpu.memory_space<hbm>>
      %dma_wait3A_28 = arith.constant 0 : i32
      %dma_wait3A_29 = arith.constant 0 : i32
      %dma_wait3A_30 = tpu.memref_slice %arg4[%add3A, %dma_wait3A_28, %dma_wait3A_29] : memref<32x100x100xi32, #tpu.memory_space<hbm>> -> memref<1x100x100xi32, #tpu.memory_space<hbm>>
      %dma_wait3A_31 = tpu.memref_squeeze %dma_wait3A_30 : memref<1x100x100xi32, #tpu.memory_space<hbm>> -> memref<100x100xi32, #tpu.memory_space<hbm>>
      tpu.wait_dma2 semaphore(%run_scoped3A : memref<!tpu.dma_semaphore, #tpu.memory_space<semaphore_mem>>) src(%dma_wait3A_31 : memref<100x100xi32, #tpu.memory_space<hbm>>) dst(%arg9 : memref<100x100xi32, #tpu.memory_space<vmem>>)
      tpu.yield
    }) : () -> ()
    %mul3A_1 = arith.constant 320 : i32
    %mul3A_2 = arith.muli %arg1, %mul3A_1 : i32
    %mul3A_3 = arith.constant 320 : i32
    %mul3A_4 = arith.muli %arg1, %mul3A_3 : i32
    "tpu.region"() ({
      %run_scoped3A = tpu.sem_alloc : memref<!tpu.dma_semaphore, #tpu.memory_space<semaphore_mem>>
      %dma_start3A = arith.constant 0 : i32
      %dma_start3A_18 = tpu.memref_slice %arg7[%mul3A_4, %dma_start3A] : memref<5120x128xf32, #tpu.memory_space<vmem_shared>> -> memref<320x128xf32, #tpu.memory_space<vmem_shared>>
      %dma_start3A_19 = arith.constant 0 : i32
      %dma_start3A_20 = tpu.memref_slice %arg5[%mul3A_2, %dma_start3A_19] : memref<5120x128xf32, #tpu.memory_space<hbm>> -> memref<320x128xf32, #tpu.memory_space<hbm>>
      tpu.enqueue_dma source(%dma_start3A_20 : memref<320x128xf32, #tpu.memory_space<hbm>>) target(%dma_start3A_18 : memref<320x128xf32, #tpu.memory_space<vmem_shared>>) target_semaphore(%run_scoped3A : memref<!tpu.dma_semaphore, #tpu.memory_space<semaphore_mem>>)
      %dma_wait3A = arith.constant 0 : i32
      %dma_wait3A_21 = tpu.memref_slice %arg7[%mul3A_4, %dma_wait3A] : memref<5120x128xf32, #tpu.memory_space<vmem_shared>> -> memref<320x128xf32, #tpu.memory_space<vmem_shared>>
      %dma_wait3A_22 = arith.constant 0 : i32
      %dma_wait3A_23 = tpu.memref_slice %arg5[%mul3A_2, %dma_wait3A_22] : memref<5120x128xf32, #tpu.memory_space<hbm>> -> memref<320x128xf32, #tpu.memory_space<hbm>>
      tpu.wait_dma2 semaphore(%run_scoped3A : memref<!tpu.dma_semaphore, #tpu.memory_space<semaphore_mem>>) src(%dma_wait3A_23 : memref<320x128xf32, #tpu.memory_space<hbm>>) dst(%dma_wait3A_21 : memref<320x128xf32, #tpu.memory_space<vmem_shared>>)
      tpu.yield
    }) : () -> ()
    %barrier3A = arith.constant 0 : index
    tpu.barrier barrier_id(%barrier3A)
    %scan3A = arith.constant 0 : i32
    %scan3A_5 = arith.constant 0 : i32
    %scan3A_6 = arith.constant 100 : i32
    %scan3A_7 = arith.addi %scan3A_5, %scan3A_6 : i32
    %scan3A_8 = arith.constant 1 : i32
    scf.for %scan3A_18 = %scan3A_5 to %scan3A_7 step %scan3A_8  : i32 {
      %mul3A_19 = arith.constant 1 : i32
      %mul3A_20 = arith.muli %scan3A_18, %mul3A_19 : i32
      %add3A_21 = arith.constant 0 : i32
      %add3A_22 = arith.addi %mul3A_20, %add3A_21 : i32
      %dma_start3A = arith.constant 0 : i32
      %dma_start3A_23 = tpu.memref_slice %arg9[%add3A_22, %dma_start3A] : memref<100x100xi32, #tpu.memory_space<vmem>> -> memref<1x100xi32, #tpu.memory_space<vmem>>
      %dma_start3A_24 = tpu.memref_squeeze %dma_start3A_23 : memref<1x100xi32, #tpu.memory_space<vmem>> -> memref<100xi32, #tpu.memory_space<vmem>>
      %dma_start3A_25 = arith.constant 0 : i32
      %dma_start3A_26 = arith.constant 0 : i32
      %dma_start3A_27 = tpu.memref_slice %arg2[%dma_start3A_25, %dma_start3A_26] : memref<5120x128xf32, #tpu.memory_space<hbm>> -> memref<5120x128xf32, #tpu.memory_space<hbm>>
      tpu.enqueue_indirect_dma source(%dma_start3A_27 : memref<5120x128xf32, #tpu.memory_space<hbm>>) target(%arg10 : memref<100x128xf32, #tpu.memory_space<vmem>>) offsets(%dma_start3A_24 : memref<100xi32, #tpu.memory_space<vmem>>) semaphore(%arg11 : memref<!tpu.dma_semaphore, #tpu.memory_space<semaphore_mem>>)
      %dma_wait3A = arith.constant 0 : i32
      %dma_wait3A_28 = tpu.memref_slice %arg9[%add3A_22, %dma_wait3A] : memref<100x100xi32, #tpu.memory_space<vmem>> -> memref<1x100xi32, #tpu.memory_space<vmem>>
      %dma_wait3A_29 = tpu.memref_squeeze %dma_wait3A_28 : memref<1x100xi32, #tpu.memory_space<vmem>> -> memref<100xi32, #tpu.memory_space<vmem>>
      %dma_wait3A_30 = arith.constant 0 : i32
      %dma_wait3A_31 = arith.constant 0 : i32
      %dma_wait3A_32 = tpu.memref_slice %arg2[%dma_wait3A_30, %dma_wait3A_31] : memref<5120x128xf32, #tpu.memory_space<hbm>> -> memref<5120x128xf32, #tpu.memory_space<hbm>>
      tpu.wait_indirect_dma semaphore(%arg11 : memref<!tpu.dma_semaphore, #tpu.memory_space<semaphore_mem>>) src(%dma_wait3A_32 : memref<5120x128xf32, #tpu.memory_space<hbm>>) dst(%arg10 : memref<100x128xf32, #tpu.memory_space<vmem>>)
      %add3A_33 = arith.constant 0 : i32
      %add3A_34 = arith.addi %mul3A_20, %add3A_33 : i32
      %dma_start3A_35 = arith.constant 0 : i32
      %dma_start3A_36 = tpu.memref_slice %arg8[%add3A_34, %dma_start3A_35] : memref<100x100xi32, #tpu.memory_space<vmem>> -> memref<1x100xi32, #tpu.memory_space<vmem>>
      %dma_start3A_37 = tpu.memref_squeeze %dma_start3A_36 : memref<1x100xi32, #tpu.memory_space<vmem>> -> memref<100xi32, #tpu.memory_space<vmem>>
      %dma_start3A_38 = arith.constant 0 : i32
      %dma_start3A_39 = arith.constant 0 : i32
      %dma_start3A_40 = tpu.memref_slice %arg7[%dma_start3A_38, %dma_start3A_39] : memref<5120x128xf32, #tpu.memory_space<vmem_shared>> -> memref<5120x128xf32, #tpu.memory_space<vmem_shared>>
      tpu.enqueue_indirect_dma source(%arg10 : memref<100x128xf32, #tpu.memory_space<vmem>>) target(%dma_start3A_40 : memref<5120x128xf32, #tpu.memory_space<vmem_shared>>) offsets(%dma_start3A_37 : memref<100xi32, #tpu.memory_space<vmem>>) semaphore(%arg12 : memref<!tpu.dma_semaphore, #tpu.memory_space<semaphore_mem>>) {add = true}
      %dma_wait3A_41 = arith.constant 0 : i32
      %dma_wait3A_42 = tpu.memref_slice %arg8[%add3A_34, %dma_wait3A_41] : memref<100x100xi32, #tpu.memory_space<vmem>> -> memref<1x100xi32, #tpu.memory_space<vmem>>
      %dma_wait3A_43 = tpu.memref_squeeze %dma_wait3A_42 : memref<1x100xi32, #tpu.memory_space<vmem>> -> memref<100xi32, #tpu.memory_space<vmem>>
      %dma_wait3A_44 = arith.constant 0 : i32
      %dma_wait3A_45 = arith.constant 0 : i32
      %dma_wait3A_46 = tpu.memref_slice %arg7[%dma_wait3A_44, %dma_wait3A_45] : memref<5120x128xf32, #tpu.memory_space<vmem_shared>> -> memref<5120x128xf32, #tpu.memory_space<vmem_shared>>
      tpu.wait_indirect_dma semaphore(%arg12 : memref<!tpu.dma_semaphore, #tpu.memory_space<semaphore_mem>>) src(%arg10 : memref<100x128xf32, #tpu.memory_space<vmem>>) dst(%dma_wait3A_46 : memref<5120x128xf32, #tpu.memory_space<vmem_shared>>)
    }
    %scan3A_9 = arith.constant 100 : i32
    %barrier3A_10 = arith.constant 0 : index
    tpu.barrier barrier_id(%barrier3A_10)
    %mul3A_11 = arith.constant 5120 : i32
    %mul3A_12 = arith.muli %arg0, %mul3A_11 : i32
    %mul3A_13 = arith.constant 320 : i32
    %mul3A_14 = arith.muli %arg1, %mul3A_13 : i32
    %add3A_15 = arith.addi %mul3A_12, %mul3A_14 : i32
    %multiple_of3A = tpu.assume_multiple %add3A_15, 8 : i32
    %mul3A_16 = arith.constant 320 : i32
    %mul3A_17 = arith.muli %arg1, %mul3A_16 : i32
    "tpu.region"() ({
      %run_scoped3A = tpu.sem_alloc : memref<!tpu.dma_semaphore, #tpu.memory_space<semaphore_mem>>
      %dma_start3A = arith.constant 0 : i32
      %dma_start3A_18 = tpu.memref_slice %arg6[%multiple_of3A, %dma_start3A] : memref<10240x128xf32, #tpu.memory_space<hbm>> -> memref<320x128xf32, #tpu.memory_space<hbm>>
      %dma_start3A_19 = arith.constant 0 : i32
      %dma_start3A_20 = tpu.memref_slice %arg7[%mul3A_17, %dma_start3A_19] : memref<5120x128xf32, #tpu.memory_space<vmem_shared>> -> memref<320x128xf32, #tpu.memory_space<vmem_shared>>
      tpu.enqueue_dma source(%dma_start3A_20 : memref<320x128xf32, #tpu.memory_space<vmem_shared>>) target(%dma_start3A_18 : memref<320x128xf32, #tpu.memory_space<hbm>>) target_semaphore(%run_scoped3A : memref<!tpu.dma_semaphore, #tpu.memory_space<semaphore_mem>>)
      %dma_wait3A = arith.constant 0 : i32
      %dma_wait3A_21 = tpu.memref_slice %arg6[%multiple_of3A, %dma_wait3A] : memref<10240x128xf32, #tpu.memory_space<hbm>> -> memref<320x128xf32, #tpu.memory_space<hbm>>
      %dma_wait3A_22 = arith.constant 0 : i32
      %dma_wait3A_23 = tpu.memref_slice %arg7[%mul3A_17, %dma_wait3A_22] : memref<5120x128xf32, #tpu.memory_space<vmem_shared>> -> memref<320x128xf32, #tpu.memory_space<vmem_shared>>
      tpu.wait_dma2 semaphore(%run_scoped3A : memref<!tpu.dma_semaphore, #tpu.memory_space<semaphore_mem>>) src(%dma_wait3A_23 : memref<320x128xf32, #tpu.memory_space<vmem_shared>>) dst(%dma_wait3A_21 : memref<320x128xf32, #tpu.memory_space<hbm>>)
      tpu.yield
    }) : () -> ()
    return
  }
}

#map = affine_map<(d0, d1) -> (0, 0)>
#map1 = affine_map<(d0, d1) -> (0, 0, 0)>
module attributes {stable_mosaic.version = 14 : i64} {
  func.func @spmm(%arg0: i32, %arg1: i32, %arg2: memref<5120x128xf32, #tpu.memory_space<hbm>>, %arg3: memref<32x100x100xi32, #tpu.memory_space<hbm>>, %arg4: memref<32x100x100xi32, #tpu.memory_space<hbm>>, %arg5: memref<5120x128xf32, #tpu.memory_space<hbm>>, %arg6: memref<10240x128xf32, #tpu.memory_space<hbm>>, %arg7: memref<5120x128xf32, #tpu.memory_space<vmem_shared>>, %arg8: memref<100x100xi32, #tpu.memory_space<vmem>>, %arg9: memref<100x100xi32, #tpu.memory_space<vmem>>, %arg10: memref<100x128xf32, #tpu.memory_space<vmem>>, %arg11: memref<!tpu.dma_semaphore, #tpu.memory_space<semaphore_mem>>, %arg12: memref<!tpu.dma_semaphore, #tpu.memory_space<semaphore_mem>>) attributes {dimension_semantics = [#tpu.dimension_semantics<core_parallel>, #tpu.dimension_semantics<subcore_parallel>], iteration_bounds = array<i64: 2, 16>, scalar_prefetch = 0 : i64, scratch_operands = 6 : i64, tpu.core_type = #tpu.core_type<sc_vector_subcore>, window_params = [{transform_indices = #map}, {transform_indices = #map1}, {transform_indices = #map1}, {transform_indices = #map}, {transform_indices = #map}]} {
    %mul3A = arith.constant 2 : i32
    %mul3A_0 = arith.muli %arg1, %mul3A : i32
    %add3A = arith.addi %mul3A_0, %arg0 : i32
    "tpu.region"() ({
      %run_scoped3A = tpu.sem_alloc : memref<!tpu.dma_semaphore, #tpu.memory_space<semaphore_mem>>
      %dma_start3A = arith.constant 0 : i32
      %dma_start3A_18 = arith.constant 0 : i32
      %dma_start3A_19 = tpu.memref_slice %arg3[%add3A, %dma_start3A, %dma_start3A_18] : memref<32x100x100xi32, #tpu.memory_space<hbm>> -> memref<1x100x100xi32, #tpu.memory_space<hbm>>
      %dma_start3A_20 = tpu.memref_squeeze %dma_start3A_19 : memref<1x100x100xi32, #tpu.memory_space<hbm>> -> memref<100x100xi32, #tpu.memory_space<hbm>>
      %dma_start3A_21 = arith.constant 0 : i32
      %dma_start3A_22 = arith.constant 0 : i32
      %dma_start3A_23 = tpu.memref_slice %arg3[%add3A, %dma_start3A_21, %dma_start3A_22] : memref<32x100x100xi32, #tpu.memory_space<hbm>> -> memref<1x100x100xi32, #tpu.memory_space<hbm>>
      %dma_start3A_24 = tpu.memref_squeeze %dma_start3A_23 : memref<1x100x100xi32, #tpu.memory_space<hbm>> -> memref<100x100xi32, #tpu.memory_space<hbm>>
      tpu.enqueue_dma source(%dma_start3A_24 : memref<100x100xi32, #tpu.memory_space<hbm>>) target(%arg8 : memref<100x100xi32, #tpu.memory_space<vmem>>) target_semaphore(%run_scoped3A : memref<!tpu.dma_semaphore, #tpu.memory_space<semaphore_mem>>)
      %dma_wait3A = arith.constant 0 : i32
      %dma_wait3A_25 = arith.constant 0 : i32
      %dma_wait3A_26 = tpu.memref_slice %arg3[%add3A, %dma_wait3A, %dma_wait3A_25] : memref<32x100x100xi32, #tpu.memory_space<hbm>> -> memref<1x100x100xi32, #tpu.memory_space<hbm>>
      %dma_wait3A_27 = tpu.memref_squeeze %dma_wait3A_26 : memref<1x100x100xi32, #tpu.memory_space<hbm>> -> memref<100x100xi32, #tpu.memory_space<hbm>>
      %dma_wait3A_28 = arith.constant 0 : i32
      %dma_wait3A_29 = arith.constant 0 : i32
      %dma_wait3A_30 = tpu.memref_slice %arg3[%add3A, %dma_wait3A_28, %dma_wait3A_29] : memref<32x100x100xi32, #tpu.memory_space<hbm>> -> memref<1x100x100xi32, #tpu.memory_space<hbm>>
      %dma_wait3A_31 = tpu.memref_squeeze %dma_wait3A_30 : memref<1x100x100xi32, #tpu.memory_space<hbm>> -> memref<100x100xi32, #tpu.memory_space<hbm>>
      tpu.wait_dma2 semaphore(%run_scoped3A : memref<!tpu.dma_semaphore, #tpu.memory_space<semaphore_mem>>) src(%dma_wait3A_31 : memref<100x100xi32, #tpu.memory_space<hbm>>) dst(%arg8 : memref<100x100xi32, #tpu.memory_space<vmem>>)
      tpu.yield
    }) : () -> ()
    "tpu.region"() ({
      %run_scoped3A = tpu.sem_alloc : memref<!tpu.dma_semaphore, #tpu.memory_space<semaphore_mem>>
      %dma_start3A = arith.constant 0 : i32
      %dma_start3A_18 = arith.constant 0 : i32
      %dma_start3A_19 = tpu.memref_slice %arg4[%add3A, %dma_start3A, %dma_start3A_18] : memref<32x100x100xi32, #tpu.memory_space<hbm>> -> memref<1x100x100xi32, #tpu.memory_space<hbm>>
      %dma_start3A_20 = tpu.memref_squeeze %dma_start3A_19 : memref<1x100x100xi32, #tpu.memory_space<hbm>> -> memref<100x100xi32, #tpu.memory_space<hbm>>
      %dma_start3A_21 = arith.constant 0 : i32
      %dma_start3A_22 = arith.constant 0 : i32
      %dma_start3A_23 = tpu.memref_slice %arg4[%add3A, %dma_start3A_21, %dma_start3A_22] : memref<32x100x100xi32, #tpu.memory_space<hbm>> -> memref<1x100x100xi32, #tpu.memory_space<hbm>>
      %dma_start3A_24 = tpu.memref_squeeze %dma_start3A_23 : memref<1x100x100xi32, #tpu.memory_space<hbm>> -> memref<100x100xi32, #tpu.memory_space<hbm>>
      tpu.enqueue_dma source(%dma_start3A_24 : memref<100x100xi32, #tpu.memory_space<hbm>>) target(%arg9 : memref<100x100xi32, #tpu.memory_space<vmem>>) target_semaphore(%run_scoped3A : memref<!tpu.dma_semaphore, #tpu.memory_space<semaphore_mem>>)
      %dma_wait3A = arith.constant 0 : i32
      %dma_wait3A_25 = arith.constant 0 : i32
      %dma_wait3A_26 = tpu.memref_slice %arg4[%add3A, %dma_wait3A, %dma_wait3A_25] : memref<32x100x100xi32, #tpu.memory_space<hbm>> -> memref<1x100x100xi32, #tpu.memory_space<hbm>>
      %dma_wait3A_27 = tpu.memref_squeeze %dma_wait3A_26 : memref<1x100x100xi32, #tpu.memory_space<hbm>> -> memref<100x100xi32, #tpu.memory_space<hbm>>
      %dma_wait3A_28 = arith.constant 0 : i32
      %dma_wait3A_29 = arith.constant 0 : i32
      %dma_wait3A_30 = tpu.memref_slice %arg4[%add3A, %dma_wait3A_28, %dma_wait3A_29] : memref<32x100x100xi32, #tpu.memory_space<hbm>> -> memref<1x100x100xi32, #tpu.memory_space<hbm>>
      %dma_wait3A_31 = tpu.memref_squeeze %dma_wait3A_30 : memref<1x100x100xi32, #tpu.memory_space<hbm>> -> memref<100x100xi32, #tpu.memory_space<hbm>>
      tpu.wait_dma2 semaphore(%run_scoped3A : memref<!tpu.dma_semaphore, #tpu.memory_space<semaphore_mem>>) src(%dma_wait3A_31 : memref<100x100xi32, #tpu.memory_space<hbm>>) dst(%arg9 : memref<100x100xi32, #tpu.memory_space<vmem>>)
      tpu.yield
    }) : () -> ()
    %mul3A_1 = arith.constant 320 : i32
    %mul3A_2 = arith.muli %arg1, %mul3A_1 : i32
    %mul3A_3 = arith.constant 320 : i32
    %mul3A_4 = arith.muli %arg1, %mul3A_3 : i32
    "tpu.region"() ({
      %run_scoped3A = tpu.sem_alloc : memref<!tpu.dma_semaphore, #tpu.memory_space<semaphore_mem>>
      %dma_start3A = arith.constant 0 : i32
      %dma_start3A_18 = tpu.memref_slice %arg7[%mul3A_4, %dma_start3A] : memref<5120x128xf32, #tpu.memory_space<vmem_shared>> -> memref<320x128xf32, #tpu.memory_space<vmem_shared>>
      %dma_start3A_19 = arith.constant 0 : i32
      %dma_start3A_20 = tpu.memref_slice %arg5[%mul3A_2, %dma_start3A_19] : memref<5120x128xf32, #tpu.memory_space<hbm>> -> memref<320x128xf32, #tpu.memory_space<hbm>>
      tpu.enqueue_dma source(%dma_start3A_20 : memref<320x128xf32, #tpu.memory_space<hbm>>) target(%dma_start3A_18 : memref<320x128xf32, #tpu.memory_space<vmem_shared>>) target_semaphore(%run_scoped3A : memref<!tpu.dma_semaphore, #tpu.memory_space<semaphore_mem>>)
      %dma_wait3A = arith.constant 0 : i32
      %dma_wait3A_21 = tpu.memref_slice %arg7[%mul3A_4, %dma_wait3A] : memref<5120x128xf32, #tpu.memory_space<vmem_shared>> -> memref<320x128xf32, #tpu.memory_space<vmem_shared>>
      %dma_wait3A_22 = arith.constant 0 : i32
      %dma_wait3A_23 = tpu.memref_slice %arg5[%mul3A_2, %dma_wait3A_22] : memref<5120x128xf32, #tpu.memory_space<hbm>> -> memref<320x128xf32, #tpu.memory_space<hbm>>
      tpu.wait_dma2 semaphore(%run_scoped3A : memref<!tpu.dma_semaphore, #tpu.memory_space<semaphore_mem>>) src(%dma_wait3A_23 : memref<320x128xf32, #tpu.memory_space<hbm>>) dst(%dma_wait3A_21 : memref<320x128xf32, #tpu.memory_space<vmem_shared>>)
      tpu.yield
    }) : () -> ()
    %barrier3A = arith.constant 0 : index
    tpu.barrier barrier_id(%barrier3A)
    %scan3A = arith.constant 0 : i32
    %scan3A_5 = arith.constant 0 : i32
    %scan3A_6 = arith.constant 100 : i32
    %scan3A_7 = arith.addi %scan3A_5, %scan3A_6 : i32
    %scan3A_8 = arith.constant 1 : i32
    scf.for %scan3A_18 = %scan3A_5 to %scan3A_7 step %scan3A_8  : i32 {
      %mul3A_19 = arith.constant 1 : i32
      %mul3A_20 = arith.muli %scan3A_18, %mul3A_19 : i32
      %add3A_21 = arith.constant 0 : i32
      %add3A_22 = arith.addi %mul3A_20, %add3A_21 : i32
      %dma_start3A = arith.constant 0 : i32
      %dma_start3A_23 = tpu.memref_slice %arg9[%add3A_22, %dma_start3A] : memref<100x100xi32, #tpu.memory_space<vmem>> -> memref<1x100xi32, #tpu.memory_space<vmem>>
      %dma_start3A_24 = tpu.memref_squeeze %dma_start3A_23 : memref<1x100xi32, #tpu.memory_space<vmem>> -> memref<100xi32, #tpu.memory_space<vmem>>
      %dma_start3A_25 = arith.constant 0 : i32
      %dma_start3A_26 = arith.constant 0 : i32
      %dma_start3A_27 = tpu.memref_slice %arg2[%dma_start3A_25, %dma_start3A_26] : memref<5120x128xf32, #tpu.memory_space<hbm>> -> memref<5120x128xf32, #tpu.memory_space<hbm>>
      tpu.enqueue_indirect_dma source(%dma_start3A_27 : memref<5120x128xf32, #tpu.memory_space<hbm>>) target(%arg10 : memref<100x128xf32, #tpu.memory_space<vmem>>) offsets(%dma_start3A_24 : memref<100xi32, #tpu.memory_space<vmem>>) semaphore(%arg11 : memref<!tpu.dma_semaphore, #tpu.memory_space<semaphore_mem>>)
      %dma_wait3A = arith.constant 0 : i32
      %dma_wait3A_28 = tpu.memref_slice %arg9[%add3A_22, %dma_wait3A] : memref<100x100xi32, #tpu.memory_space<vmem>> -> memref<1x100xi32, #tpu.memory_space<vmem>>
      %dma_wait3A_29 = tpu.memref_squeeze %dma_wait3A_28 : memref<1x100xi32, #tpu.memory_space<vmem>> -> memref<100xi32, #tpu.memory_space<vmem>>
      %dma_wait3A_30 = arith.constant 0 : i32
      %dma_wait3A_31 = arith.constant 0 : i32
      %dma_wait3A_32 = tpu.memref_slice %arg2[%dma_wait3A_30, %dma_wait3A_31] : memref<5120x128xf32, #tpu.memory_space<hbm>> -> memref<5120x128xf32, #tpu.memory_space<hbm>>
      tpu.wait_indirect_dma semaphore(%arg11 : memref<!tpu.dma_semaphore, #tpu.memory_space<semaphore_mem>>) src(%dma_wait3A_32 : memref<5120x128xf32, #tpu.memory_space<hbm>>) dst(%arg10 : memref<100x128xf32, #tpu.memory_space<vmem>>)
      %add3A_33 = arith.constant 0 : i32
      %add3A_34 = arith.addi %mul3A_20, %add3A_33 : i32
      %dma_start3A_35 = arith.constant 0 : i32
      %dma_start3A_36 = tpu.memref_slice %arg8[%add3A_34, %dma_start3A_35] : memref<100x100xi32, #tpu.memory_space<vmem>> -> memref<1x100xi32, #tpu.memory_space<vmem>>
      %dma_start3A_37 = tpu.memref_squeeze %dma_start3A_36 : memref<1x100xi32, #tpu.memory_space<vmem>> -> memref<100xi32, #tpu.memory_space<vmem>>
      %dma_start3A_38 = arith.constant 0 : i32
      %dma_start3A_39 = arith.constant 0 : i32
      %dma_start3A_40 = tpu.memref_slice %arg7[%dma_start3A_38, %dma_start3A_39] : memref<5120x128xf32, #tpu.memory_space<vmem_shared>> -> memref<5120x128xf32, #tpu.memory_space<vmem_shared>>
      tpu.enqueue_indirect_dma source(%arg10 : memref<100x128xf32, #tpu.memory_space<vmem>>) target(%dma_start3A_40 : memref<5120x128xf32, #tpu.memory_space<vmem_shared>>) offsets(%dma_start3A_37 : memref<100xi32, #tpu.memory_space<vmem>>) semaphore(%arg12 : memref<!tpu.dma_semaphore, #tpu.memory_space<semaphore_mem>>) {add = true}
      %dma_wait3A_41 = arith.constant 0 : i32
      %dma_wait3A_42 = tpu.memref_slice %arg8[%add3A_34, %dma_wait3A_41] : memref<100x100xi32, #tpu.memory_space<vmem>> -> memref<1x100xi32, #tpu.memory_space<vmem>>
      %dma_wait3A_43 = tpu.memref_squeeze %dma_wait3A_42 : memref<1x100xi32, #tpu.memory_space<vmem>> -> memref<100xi32, #tpu.memory_space<vmem>>
      %dma_wait3A_44 = arith.constant 0 : i32
      %dma_wait3A_45 = arith.constant 0 : i32
      %dma_wait3A_46 = tpu.memref_slice %arg7[%dma_wait3A_44, %dma_wait3A_45] : memref<5120x128xf32, #tpu.memory_space<vmem_shared>> -> memref<5120x128xf32, #tpu.memory_space<vmem_shared>>
      tpu.wait_indirect_dma semaphore(%arg12 : memref<!tpu.dma_semaphore, #tpu.memory_space<semaphore_mem>>) src(%arg10 : memref<100x128xf32, #tpu.memory_space<vmem>>) dst(%dma_wait3A_46 : memref<5120x128xf32, #tpu.memory_space<vmem_shared>>)
    }
    %scan3A_9 = arith.constant 100 : i32
    %barrier3A_10 = arith.constant 0 : index
    tpu.barrier barrier_id(%barrier3A_10)
    %mul3A_11 = arith.constant 5120 : i32
    %mul3A_12 = arith.muli %arg0, %mul3A_11 : i32
    %mul3A_13 = arith.constant 320 : i32
    %mul3A_14 = arith.muli %arg1, %mul3A_13 : i32
    %add3A_15 = arith.addi %mul3A_12, %mul3A_14 : i32
    %multiple_of3A = tpu.assume_multiple %add3A_15, 8 : i32
    %mul3A_16 = arith.constant 320 : i32
    %mul3A_17 = arith.muli %arg1, %mul3A_16 : i32
    "tpu.region"() ({
      %run_scoped3A = tpu.sem_alloc : memref<!tpu.dma_semaphore, #tpu.memory_space<semaphore_mem>>
      %dma_start3A = arith.constant 0 : i32
      %dma_start3A_18 = tpu.memref_slice %arg6[%multiple_of3A, %dma_start3A] : memref<10240x128xf32, #tpu.memory_space<hbm>> -> memref<320x128xf32, #tpu.memory_space<hbm>>
      %dma_start3A_19 = arith.constant 0 : i32
      %dma_start3A_20 = tpu.memref_slice %arg7[%mul3A_17, %dma_start3A_19] : memref<5120x128xf32, #tpu.memory_space<vmem_shared>> -> memref<320x128xf32, #tpu.memory_space<vmem_shared>>
      tpu.enqueue_dma source(%dma_start3A_20 : memref<320x128xf32, #tpu.memory_space<vmem_shared>>) target(%dma_start3A_18 : memref<320x128xf32, #tpu.memory_space<hbm>>) target_semaphore(%run_scoped3A : memref<!tpu.dma_semaphore, #tpu.memory_space<semaphore_mem>>)
      %dma_wait3A = arith.constant 0 : i32
      %dma_wait3A_21 = tpu.memref_slice %arg6[%multiple_of3A, %dma_wait3A] : memref<10240x128xf32, #tpu.memory_space<hbm>> -> memref<320x128xf32, #tpu.memory_space<hbm>>
      %dma_wait3A_22 = arith.constant 0 : i32
      %dma_wait3A_23 = tpu.memref_slice %arg7[%mul3A_17, %dma_wait3A_22] : memref<5120x128xf32, #tpu.memory_space<vmem_shared>> -> memref<320x128xf32, #tpu.memory_space<vmem_shared>>
      tpu.wait_dma2 semaphore(%run_scoped3A : memref<!tpu.dma_semaphore, #tpu.memory_space<semaphore_mem>>) src(%dma_wait3A_23 : memref<320x128xf32, #tpu.memory_space<vmem_shared>>) dst(%dma_wait3A_21 : memref<320x128xf32, #tpu.memory_space<hbm>>)
      tpu.yield
    }) : () -> ()
    return
  }
}

#map = affine_map<(d0, d1) -> (0, 0)>
#map1 = affine_map<(d0, d1) -> (0, 0, 0)>
module attributes {stable_mosaic.version = 14 : i64} {
  func.func @spmm(%arg0: i32, %arg1: i32, %arg2: memref<10240x128xf32, #tpu.memory_space<hbm>>, %arg3: memref<32x100x100xi32, #tpu.memory_space<hbm>>, %arg4: memref<32x100x100xi32, #tpu.memory_space<hbm>>, %arg5: memref<10240x128xf32, #tpu.memory_space<hbm>>, %arg6: memref<20480x128xf32, #tpu.memory_space<hbm>>, %arg7: memref<10240x128xf32, #tpu.memory_space<vmem_shared>>, %arg8: memref<100x100xi32, #tpu.memory_space<vmem>>, %arg9: memref<100x100xi32, #tpu.memory_space<vmem>>, %arg10: memref<100x128xf32, #tpu.memory_space<vmem>>, %arg11: memref<!tpu.dma_semaphore, #tpu.memory_space<semaphore_mem>>, %arg12: memref<!tpu.dma_semaphore, #tpu.memory_space<semaphore_mem>>) attributes {dimension_semantics = [#tpu.dimension_semantics<core_parallel>, #tpu.dimension_semantics<subcore_parallel>], iteration_bounds = array<i64: 2, 16>, scalar_prefetch = 0 : i64, scratch_operands = 6 : i64, tpu.core_type = #tpu.core_type<sc_vector_subcore>, window_params = [{transform_indices = #map}, {transform_indices = #map1}, {transform_indices = #map1}, {transform_indices = #map}, {transform_indices = #map}]} {
    %mul3A = arith.constant 2 : i32
    %mul3A_0 = arith.muli %arg1, %mul3A : i32
    %add3A = arith.addi %mul3A_0, %arg0 : i32
    "tpu.region"() ({
      %run_scoped3A = tpu.sem_alloc : memref<!tpu.dma_semaphore, #tpu.memory_space<semaphore_mem>>
      %dma_start3A = arith.constant 0 : i32
      %dma_start3A_18 = arith.constant 0 : i32
      %dma_start3A_19 = tpu.memref_slice %arg3[%add3A, %dma_start3A, %dma_start3A_18] : memref<32x100x100xi32, #tpu.memory_space<hbm>> -> memref<1x100x100xi32, #tpu.memory_space<hbm>>
      %dma_start3A_20 = tpu.memref_squeeze %dma_start3A_19 : memref<1x100x100xi32, #tpu.memory_space<hbm>> -> memref<100x100xi32, #tpu.memory_space<hbm>>
      %dma_start3A_21 = arith.constant 0 : i32
      %dma_start3A_22 = arith.constant 0 : i32
      %dma_start3A_23 = tpu.memref_slice %arg3[%add3A, %dma_start3A_21, %dma_start3A_22] : memref<32x100x100xi32, #tpu.memory_space<hbm>> -> memref<1x100x100xi32, #tpu.memory_space<hbm>>
      %dma_start3A_24 = tpu.memref_squeeze %dma_start3A_23 : memref<1x100x100xi32, #tpu.memory_space<hbm>> -> memref<100x100xi32, #tpu.memory_space<hbm>>
      tpu.enqueue_dma source(%dma_start3A_24 : memref<100x100xi32, #tpu.memory_space<hbm>>) target(%arg8 : memref<100x100xi32, #tpu.memory_space<vmem>>) target_semaphore(%run_scoped3A : memref<!tpu.dma_semaphore, #tpu.memory_space<semaphore_mem>>)
      %dma_wait3A = arith.constant 0 : i32
      %dma_wait3A_25 = arith.constant 0 : i32
      %dma_wait3A_26 = tpu.memref_slice %arg3[%add3A, %dma_wait3A, %dma_wait3A_25] : memref<32x100x100xi32, #tpu.memory_space<hbm>> -> memref<1x100x100xi32, #tpu.memory_space<hbm>>
      %dma_wait3A_27 = tpu.memref_squeeze %dma_wait3A_26 : memref<1x100x100xi32, #tpu.memory_space<hbm>> -> memref<100x100xi32, #tpu.memory_space<hbm>>
      %dma_wait3A_28 = arith.constant 0 : i32
      %dma_wait3A_29 = arith.constant 0 : i32
      %dma_wait3A_30 = tpu.memref_slice %arg3[%add3A, %dma_wait3A_28, %dma_wait3A_29] : memref<32x100x100xi32, #tpu.memory_space<hbm>> -> memref<1x100x100xi32, #tpu.memory_space<hbm>>
      %dma_wait3A_31 = tpu.memref_squeeze %dma_wait3A_30 : memref<1x100x100xi32, #tpu.memory_space<hbm>> -> memref<100x100xi32, #tpu.memory_space<hbm>>
      tpu.wait_dma2 semaphore(%run_scoped3A : memref<!tpu.dma_semaphore, #tpu.memory_space<semaphore_mem>>) src(%dma_wait3A_31 : memref<100x100xi32, #tpu.memory_space<hbm>>) dst(%arg8 : memref<100x100xi32, #tpu.memory_space<vmem>>)
      tpu.yield
    }) : () -> ()
    "tpu.region"() ({
      %run_scoped3A = tpu.sem_alloc : memref<!tpu.dma_semaphore, #tpu.memory_space<semaphore_mem>>
      %dma_start3A = arith.constant 0 : i32
      %dma_start3A_18 = arith.constant 0 : i32
      %dma_start3A_19 = tpu.memref_slice %arg4[%add3A, %dma_start3A, %dma_start3A_18] : memref<32x100x100xi32, #tpu.memory_space<hbm>> -> memref<1x100x100xi32, #tpu.memory_space<hbm>>
      %dma_start3A_20 = tpu.memref_squeeze %dma_start3A_19 : memref<1x100x100xi32, #tpu.memory_space<hbm>> -> memref<100x100xi32, #tpu.memory_space<hbm>>
      %dma_start3A_21 = arith.constant 0 : i32
      %dma_start3A_22 = arith.constant 0 : i32
      %dma_start3A_23 = tpu.memref_slice %arg4[%add3A, %dma_start3A_21, %dma_start3A_22] : memref<32x100x100xi32, #tpu.memory_space<hbm>> -> memref<1x100x100xi32, #tpu.memory_space<hbm>>
      %dma_start3A_24 = tpu.memref_squeeze %dma_start3A_23 : memref<1x100x100xi32, #tpu.memory_space<hbm>> -> memref<100x100xi32, #tpu.memory_space<hbm>>
      tpu.enqueue_dma source(%dma_start3A_24 : memref<100x100xi32, #tpu.memory_space<hbm>>) target(%arg9 : memref<100x100xi32, #tpu.memory_space<vmem>>) target_semaphore(%run_scoped3A : memref<!tpu.dma_semaphore, #tpu.memory_space<semaphore_mem>>)
      %dma_wait3A = arith.constant 0 : i32
      %dma_wait3A_25 = arith.constant 0 : i32
      %dma_wait3A_26 = tpu.memref_slice %arg4[%add3A, %dma_wait3A, %dma_wait3A_25] : memref<32x100x100xi32, #tpu.memory_space<hbm>> -> memref<1x100x100xi32, #tpu.memory_space<hbm>>
      %dma_wait3A_27 = tpu.memref_squeeze %dma_wait3A_26 : memref<1x100x100xi32, #tpu.memory_space<hbm>> -> memref<100x100xi32, #tpu.memory_space<hbm>>
      %dma_wait3A_28 = arith.constant 0 : i32
      %dma_wait3A_29 = arith.constant 0 : i32
      %dma_wait3A_30 = tpu.memref_slice %arg4[%add3A, %dma_wait3A_28, %dma_wait3A_29] : memref<32x100x100xi32, #tpu.memory_space<hbm>> -> memref<1x100x100xi32, #tpu.memory_space<hbm>>
      %dma_wait3A_31 = tpu.memref_squeeze %dma_wait3A_30 : memref<1x100x100xi32, #tpu.memory_space<hbm>> -> memref<100x100xi32, #tpu.memory_space<hbm>>
      tpu.wait_dma2 semaphore(%run_scoped3A : memref<!tpu.dma_semaphore, #tpu.memory_space<semaphore_mem>>) src(%dma_wait3A_31 : memref<100x100xi32, #tpu.memory_space<hbm>>) dst(%arg9 : memref<100x100xi32, #tpu.memory_space<vmem>>)
      tpu.yield
    }) : () -> ()
    %mul3A_1 = arith.constant 640 : i32
    %mul3A_2 = arith.muli %arg1, %mul3A_1 : i32
    %mul3A_3 = arith.constant 640 : i32
    %mul3A_4 = arith.muli %arg1, %mul3A_3 : i32
    "tpu.region"() ({
      %run_scoped3A = tpu.sem_alloc : memref<!tpu.dma_semaphore, #tpu.memory_space<semaphore_mem>>
      %dma_start3A = arith.constant 0 : i32
      %dma_start3A_18 = tpu.memref_slice %arg7[%mul3A_4, %dma_start3A] : memref<10240x128xf32, #tpu.memory_space<vmem_shared>> -> memref<640x128xf32, #tpu.memory_space<vmem_shared>>
      %dma_start3A_19 = arith.constant 0 : i32
      %dma_start3A_20 = tpu.memref_slice %arg5[%mul3A_2, %dma_start3A_19] : memref<10240x128xf32, #tpu.memory_space<hbm>> -> memref<640x128xf32, #tpu.memory_space<hbm>>
      tpu.enqueue_dma source(%dma_start3A_20 : memref<640x128xf32, #tpu.memory_space<hbm>>) target(%dma_start3A_18 : memref<640x128xf32, #tpu.memory_space<vmem_shared>>) target_semaphore(%run_scoped3A : memref<!tpu.dma_semaphore, #tpu.memory_space<semaphore_mem>>)
      %dma_wait3A = arith.constant 0 : i32
      %dma_wait3A_21 = tpu.memref_slice %arg7[%mul3A_4, %dma_wait3A] : memref<10240x128xf32, #tpu.memory_space<vmem_shared>> -> memref<640x128xf32, #tpu.memory_space<vmem_shared>>
      %dma_wait3A_22 = arith.constant 0 : i32
      %dma_wait3A_23 = tpu.memref_slice %arg5[%mul3A_2, %dma_wait3A_22] : memref<10240x128xf32, #tpu.memory_space<hbm>> -> memref<640x128xf32, #tpu.memory_space<hbm>>
      tpu.wait_dma2 semaphore(%run_scoped3A : memref<!tpu.dma_semaphore, #tpu.memory_space<semaphore_mem>>) src(%dma_wait3A_23 : memref<640x128xf32, #tpu.memory_space<hbm>>) dst(%dma_wait3A_21 : memref<640x128xf32, #tpu.memory_space<vmem_shared>>)
      tpu.yield
    }) : () -> ()
    %barrier3A = arith.constant 0 : index
    tpu.barrier barrier_id(%barrier3A)
    %scan3A = arith.constant 0 : i32
    %scan3A_5 = arith.constant 0 : i32
    %scan3A_6 = arith.constant 100 : i32
    %scan3A_7 = arith.addi %scan3A_5, %scan3A_6 : i32
    %scan3A_8 = arith.constant 1 : i32
    scf.for %scan3A_18 = %scan3A_5 to %scan3A_7 step %scan3A_8  : i32 {
      %mul3A_19 = arith.constant 1 : i32
      %mul3A_20 = arith.muli %scan3A_18, %mul3A_19 : i32
      %add3A_21 = arith.constant 0 : i32
      %add3A_22 = arith.addi %mul3A_20, %add3A_21 : i32
      %dma_start3A = arith.constant 0 : i32
      %dma_start3A_23 = tpu.memref_slice %arg9[%add3A_22, %dma_start3A] : memref<100x100xi32, #tpu.memory_space<vmem>> -> memref<1x100xi32, #tpu.memory_space<vmem>>
      %dma_start3A_24 = tpu.memref_squeeze %dma_start3A_23 : memref<1x100xi32, #tpu.memory_space<vmem>> -> memref<100xi32, #tpu.memory_space<vmem>>
      %dma_start3A_25 = arith.constant 0 : i32
      %dma_start3A_26 = arith.constant 0 : i32
      %dma_start3A_27 = tpu.memref_slice %arg2[%dma_start3A_25, %dma_start3A_26] : memref<10240x128xf32, #tpu.memory_space<hbm>> -> memref<10240x128xf32, #tpu.memory_space<hbm>>
      tpu.enqueue_indirect_dma source(%dma_start3A_27 : memref<10240x128xf32, #tpu.memory_space<hbm>>) target(%arg10 : memref<100x128xf32, #tpu.memory_space<vmem>>) offsets(%dma_start3A_24 : memref<100xi32, #tpu.memory_space<vmem>>) semaphore(%arg11 : memref<!tpu.dma_semaphore, #tpu.memory_space<semaphore_mem>>)
      %dma_wait3A = arith.constant 0 : i32
      %dma_wait3A_28 = tpu.memref_slice %arg9[%add3A_22, %dma_wait3A] : memref<100x100xi32, #tpu.memory_space<vmem>> -> memref<1x100xi32, #tpu.memory_space<vmem>>
      %dma_wait3A_29 = tpu.memref_squeeze %dma_wait3A_28 : memref<1x100xi32, #tpu.memory_space<vmem>> -> memref<100xi32, #tpu.memory_space<vmem>>
      %dma_wait3A_30 = arith.constant 0 : i32
      %dma_wait3A_31 = arith.constant 0 : i32
      %dma_wait3A_32 = tpu.memref_slice %arg2[%dma_wait3A_30, %dma_wait3A_31] : memref<10240x128xf32, #tpu.memory_space<hbm>> -> memref<10240x128xf32, #tpu.memory_space<hbm>>
      tpu.wait_indirect_dma semaphore(%arg11 : memref<!tpu.dma_semaphore, #tpu.memory_space<semaphore_mem>>) src(%dma_wait3A_32 : memref<10240x128xf32, #tpu.memory_space<hbm>>) dst(%arg10 : memref<100x128xf32, #tpu.memory_space<vmem>>)
      %add3A_33 = arith.constant 0 : i32
      %add3A_34 = arith.addi %mul3A_20, %add3A_33 : i32
      %dma_start3A_35 = arith.constant 0 : i32
      %dma_start3A_36 = tpu.memref_slice %arg8[%add3A_34, %dma_start3A_35] : memref<100x100xi32, #tpu.memory_space<vmem>> -> memref<1x100xi32, #tpu.memory_space<vmem>>
      %dma_start3A_37 = tpu.memref_squeeze %dma_start3A_36 : memref<1x100xi32, #tpu.memory_space<vmem>> -> memref<100xi32, #tpu.memory_space<vmem>>
      %dma_start3A_38 = arith.constant 0 : i32
      %dma_start3A_39 = arith.constant 0 : i32
      %dma_start3A_40 = tpu.memref_slice %arg7[%dma_start3A_38, %dma_start3A_39] : memref<10240x128xf32, #tpu.memory_space<vmem_shared>> -> memref<10240x128xf32, #tpu.memory_space<vmem_shared>>
      tpu.enqueue_indirect_dma source(%arg10 : memref<100x128xf32, #tpu.memory_space<vmem>>) target(%dma_start3A_40 : memref<10240x128xf32, #tpu.memory_space<vmem_shared>>) offsets(%dma_start3A_37 : memref<100xi32, #tpu.memory_space<vmem>>) semaphore(%arg12 : memref<!tpu.dma_semaphore, #tpu.memory_space<semaphore_mem>>) {add = true}
      %dma_wait3A_41 = arith.constant 0 : i32
      %dma_wait3A_42 = tpu.memref_slice %arg8[%add3A_34, %dma_wait3A_41] : memref<100x100xi32, #tpu.memory_space<vmem>> -> memref<1x100xi32, #tpu.memory_space<vmem>>
      %dma_wait3A_43 = tpu.memref_squeeze %dma_wait3A_42 : memref<1x100xi32, #tpu.memory_space<vmem>> -> memref<100xi32, #tpu.memory_space<vmem>>
      %dma_wait3A_44 = arith.constant 0 : i32
      %dma_wait3A_45 = arith.constant 0 : i32
      %dma_wait3A_46 = tpu.memref_slice %arg7[%dma_wait3A_44, %dma_wait3A_45] : memref<10240x128xf32, #tpu.memory_space<vmem_shared>> -> memref<10240x128xf32, #tpu.memory_space<vmem_shared>>
      tpu.wait_indirect_dma semaphore(%arg12 : memref<!tpu.dma_semaphore, #tpu.memory_space<semaphore_mem>>) src(%arg10 : memref<100x128xf32, #tpu.memory_space<vmem>>) dst(%dma_wait3A_46 : memref<10240x128xf32, #tpu.memory_space<vmem_shared>>)
    }
    %scan3A_9 = arith.constant 100 : i32
    %barrier3A_10 = arith.constant 0 : index
    tpu.barrier barrier_id(%barrier3A_10)
    %mul3A_11 = arith.constant 10240 : i32
    %mul3A_12 = arith.muli %arg0, %mul3A_11 : i32
    %mul3A_13 = arith.constant 640 : i32
    %mul3A_14 = arith.muli %arg1, %mul3A_13 : i32
    %add3A_15 = arith.addi %mul3A_12, %mul3A_14 : i32
    %multiple_of3A = tpu.assume_multiple %add3A_15, 8 : i32
    %mul3A_16 = arith.constant 640 : i32
    %mul3A_17 = arith.muli %arg1, %mul3A_16 : i32
    "tpu.region"() ({
      %run_scoped3A = tpu.sem_alloc : memref<!tpu.dma_semaphore, #tpu.memory_space<semaphore_mem>>
      %dma_start3A = arith.constant 0 : i32
      %dma_start3A_18 = tpu.memref_slice %arg6[%multiple_of3A, %dma_start3A] : memref<20480x128xf32, #tpu.memory_space<hbm>> -> memref<640x128xf32, #tpu.memory_space<hbm>>
      %dma_start3A_19 = arith.constant 0 : i32
      %dma_start3A_20 = tpu.memref_slice %arg7[%mul3A_17, %dma_start3A_19] : memref<10240x128xf32, #tpu.memory_space<vmem_shared>> -> memref<640x128xf32, #tpu.memory_space<vmem_shared>>
      tpu.enqueue_dma source(%dma_start3A_20 : memref<640x128xf32, #tpu.memory_space<vmem_shared>>) target(%dma_start3A_18 : memref<640x128xf32, #tpu.memory_space<hbm>>) target_semaphore(%run_scoped3A : memref<!tpu.dma_semaphore, #tpu.memory_space<semaphore_mem>>)
      %dma_wait3A = arith.constant 0 : i32
      %dma_wait3A_21 = tpu.memref_slice %arg6[%multiple_of3A, %dma_wait3A] : memref<20480x128xf32, #tpu.memory_space<hbm>> -> memref<640x128xf32, #tpu.memory_space<hbm>>
      %dma_wait3A_22 = arith.constant 0 : i32
      %dma_wait3A_23 = tpu.memref_slice %arg7[%mul3A_17, %dma_wait3A_22] : memref<10240x128xf32, #tpu.memory_space<vmem_shared>> -> memref<640x128xf32, #tpu.memory_space<vmem_shared>>
      tpu.wait_dma2 semaphore(%run_scoped3A : memref<!tpu.dma_semaphore, #tpu.memory_space<semaphore_mem>>) src(%dma_wait3A_23 : memref<640x128xf32, #tpu.memory_space<vmem_shared>>) dst(%dma_wait3A_21 : memref<640x128xf32, #tpu.memory_space<hbm>>)
      tpu.yield
    }) : () -> ()
    return
  }
}

#map = affine_map<(d0, d1) -> (0, 0)>
#map1 = affine_map<(d0, d1) -> (0, 0, 0)>
module attributes {stable_mosaic.version = 14 : i64} {
  func.func @spmm(%arg0: i32, %arg1: i32, %arg2: memref<10240x128xf32, #tpu.memory_space<hbm>>, %arg3: memref<32x100x100xi32, #tpu.memory_space<hbm>>, %arg4: memref<32x100x100xi32, #tpu.memory_space<hbm>>, %arg5: memref<10240x128xf32, #tpu.memory_space<hbm>>, %arg6: memref<20480x128xf32, #tpu.memory_space<hbm>>, %arg7: memref<10240x128xf32, #tpu.memory_space<vmem_shared>>, %arg8: memref<100x100xi32, #tpu.memory_space<vmem>>, %arg9: memref<100x100xi32, #tpu.memory_space<vmem>>, %arg10: memref<100x128xf32, #tpu.memory_space<vmem>>, %arg11: memref<!tpu.dma_semaphore, #tpu.memory_space<semaphore_mem>>, %arg12: memref<!tpu.dma_semaphore, #tpu.memory_space<semaphore_mem>>) attributes {dimension_semantics = [#tpu.dimension_semantics<core_parallel>, #tpu.dimension_semantics<subcore_parallel>], iteration_bounds = array<i64: 2, 16>, scalar_prefetch = 0 : i64, scratch_operands = 6 : i64, tpu.core_type = #tpu.core_type<sc_vector_subcore>, window_params = [{transform_indices = #map}, {transform_indices = #map1}, {transform_indices = #map1}, {transform_indices = #map}, {transform_indices = #map}]} {
    %mul3A = arith.constant 2 : i32
    %mul3A_0 = arith.muli %arg1, %mul3A : i32
    %add3A = arith.addi %mul3A_0, %arg0 : i32
    "tpu.region"() ({
      %run_scoped3A = tpu.sem_alloc : memref<!tpu.dma_semaphore, #tpu.memory_space<semaphore_mem>>
      %dma_start3A = arith.constant 0 : i32
      %dma_start3A_18 = arith.constant 0 : i32
      %dma_start3A_19 = tpu.memref_slice %arg3[%add3A, %dma_start3A, %dma_start3A_18] : memref<32x100x100xi32, #tpu.memory_space<hbm>> -> memref<1x100x100xi32, #tpu.memory_space<hbm>>
      %dma_start3A_20 = tpu.memref_squeeze %dma_start3A_19 : memref<1x100x100xi32, #tpu.memory_space<hbm>> -> memref<100x100xi32, #tpu.memory_space<hbm>>
      %dma_start3A_21 = arith.constant 0 : i32
      %dma_start3A_22 = arith.constant 0 : i32
      %dma_start3A_23 = tpu.memref_slice %arg3[%add3A, %dma_start3A_21, %dma_start3A_22] : memref<32x100x100xi32, #tpu.memory_space<hbm>> -> memref<1x100x100xi32, #tpu.memory_space<hbm>>
      %dma_start3A_24 = tpu.memref_squeeze %dma_start3A_23 : memref<1x100x100xi32, #tpu.memory_space<hbm>> -> memref<100x100xi32, #tpu.memory_space<hbm>>
      tpu.enqueue_dma source(%dma_start3A_24 : memref<100x100xi32, #tpu.memory_space<hbm>>) target(%arg8 : memref<100x100xi32, #tpu.memory_space<vmem>>) target_semaphore(%run_scoped3A : memref<!tpu.dma_semaphore, #tpu.memory_space<semaphore_mem>>)
      %dma_wait3A = arith.constant 0 : i32
      %dma_wait3A_25 = arith.constant 0 : i32
      %dma_wait3A_26 = tpu.memref_slice %arg3[%add3A, %dma_wait3A, %dma_wait3A_25] : memref<32x100x100xi32, #tpu.memory_space<hbm>> -> memref<1x100x100xi32, #tpu.memory_space<hbm>>
      %dma_wait3A_27 = tpu.memref_squeeze %dma_wait3A_26 : memref<1x100x100xi32, #tpu.memory_space<hbm>> -> memref<100x100xi32, #tpu.memory_space<hbm>>
      %dma_wait3A_28 = arith.constant 0 : i32
      %dma_wait3A_29 = arith.constant 0 : i32
      %dma_wait3A_30 = tpu.memref_slice %arg3[%add3A, %dma_wait3A_28, %dma_wait3A_29] : memref<32x100x100xi32, #tpu.memory_space<hbm>> -> memref<1x100x100xi32, #tpu.memory_space<hbm>>
      %dma_wait3A_31 = tpu.memref_squeeze %dma_wait3A_30 : memref<1x100x100xi32, #tpu.memory_space<hbm>> -> memref<100x100xi32, #tpu.memory_space<hbm>>
      tpu.wait_dma2 semaphore(%run_scoped3A : memref<!tpu.dma_semaphore, #tpu.memory_space<semaphore_mem>>) src(%dma_wait3A_31 : memref<100x100xi32, #tpu.memory_space<hbm>>) dst(%arg8 : memref<100x100xi32, #tpu.memory_space<vmem>>)
      tpu.yield
    }) : () -> ()
    "tpu.region"() ({
      %run_scoped3A = tpu.sem_alloc : memref<!tpu.dma_semaphore, #tpu.memory_space<semaphore_mem>>
      %dma_start3A = arith.constant 0 : i32
      %dma_start3A_18 = arith.constant 0 : i32
      %dma_start3A_19 = tpu.memref_slice %arg4[%add3A, %dma_start3A, %dma_start3A_18] : memref<32x100x100xi32, #tpu.memory_space<hbm>> -> memref<1x100x100xi32, #tpu.memory_space<hbm>>
      %dma_start3A_20 = tpu.memref_squeeze %dma_start3A_19 : memref<1x100x100xi32, #tpu.memory_space<hbm>> -> memref<100x100xi32, #tpu.memory_space<hbm>>
      %dma_start3A_21 = arith.constant 0 : i32
      %dma_start3A_22 = arith.constant 0 : i32
      %dma_start3A_23 = tpu.memref_slice %arg4[%add3A, %dma_start3A_21, %dma_start3A_22] : memref<32x100x100xi32, #tpu.memory_space<hbm>> -> memref<1x100x100xi32, #tpu.memory_space<hbm>>
      %dma_start3A_24 = tpu.memref_squeeze %dma_start3A_23 : memref<1x100x100xi32, #tpu.memory_space<hbm>> -> memref<100x100xi32, #tpu.memory_space<hbm>>
      tpu.enqueue_dma source(%dma_start3A_24 : memref<100x100xi32, #tpu.memory_space<hbm>>) target(%arg9 : memref<100x100xi32, #tpu.memory_space<vmem>>) target_semaphore(%run_scoped3A : memref<!tpu.dma_semaphore, #tpu.memory_space<semaphore_mem>>)
      %dma_wait3A = arith.constant 0 : i32
      %dma_wait3A_25 = arith.constant 0 : i32
      %dma_wait3A_26 = tpu.memref_slice %arg4[%add3A, %dma_wait3A, %dma_wait3A_25] : memref<32x100x100xi32, #tpu.memory_space<hbm>> -> memref<1x100x100xi32, #tpu.memory_space<hbm>>
      %dma_wait3A_27 = tpu.memref_squeeze %dma_wait3A_26 : memref<1x100x100xi32, #tpu.memory_space<hbm>> -> memref<100x100xi32, #tpu.memory_space<hbm>>
      %dma_wait3A_28 = arith.constant 0 : i32
      %dma_wait3A_29 = arith.constant 0 : i32
      %dma_wait3A_30 = tpu.memref_slice %arg4[%add3A, %dma_wait3A_28, %dma_wait3A_29] : memref<32x100x100xi32, #tpu.memory_space<hbm>> -> memref<1x100x100xi32, #tpu.memory_space<hbm>>
      %dma_wait3A_31 = tpu.memref_squeeze %dma_wait3A_30 : memref<1x100x100xi32, #tpu.memory_space<hbm>> -> memref<100x100xi32, #tpu.memory_space<hbm>>
      tpu.wait_dma2 semaphore(%run_scoped3A : memref<!tpu.dma_semaphore, #tpu.memory_space<semaphore_mem>>) src(%dma_wait3A_31 : memref<100x100xi32, #tpu.memory_space<hbm>>) dst(%arg9 : memref<100x100xi32, #tpu.memory_space<vmem>>)
      tpu.yield
    }) : () -> ()
    %mul3A_1 = arith.constant 640 : i32
    %mul3A_2 = arith.muli %arg1, %mul3A_1 : i32
    %mul3A_3 = arith.constant 640 : i32
    %mul3A_4 = arith.muli %arg1, %mul3A_3 : i32
    "tpu.region"() ({
      %run_scoped3A = tpu.sem_alloc : memref<!tpu.dma_semaphore, #tpu.memory_space<semaphore_mem>>
      %dma_start3A = arith.constant 0 : i32
      %dma_start3A_18 = tpu.memref_slice %arg7[%mul3A_4, %dma_start3A] : memref<10240x128xf32, #tpu.memory_space<vmem_shared>> -> memref<640x128xf32, #tpu.memory_space<vmem_shared>>
      %dma_start3A_19 = arith.constant 0 : i32
      %dma_start3A_20 = tpu.memref_slice %arg5[%mul3A_2, %dma_start3A_19] : memref<10240x128xf32, #tpu.memory_space<hbm>> -> memref<640x128xf32, #tpu.memory_space<hbm>>
      tpu.enqueue_dma source(%dma_start3A_20 : memref<640x128xf32, #tpu.memory_space<hbm>>) target(%dma_start3A_18 : memref<640x128xf32, #tpu.memory_space<vmem_shared>>) target_semaphore(%run_scoped3A : memref<!tpu.dma_semaphore, #tpu.memory_space<semaphore_mem>>)
      %dma_wait3A = arith.constant 0 : i32
      %dma_wait3A_21 = tpu.memref_slice %arg7[%mul3A_4, %dma_wait3A] : memref<10240x128xf32, #tpu.memory_space<vmem_shared>> -> memref<640x128xf32, #tpu.memory_space<vmem_shared>>
      %dma_wait3A_22 = arith.constant 0 : i32
      %dma_wait3A_23 = tpu.memref_slice %arg5[%mul3A_2, %dma_wait3A_22] : memref<10240x128xf32, #tpu.memory_space<hbm>> -> memref<640x128xf32, #tpu.memory_space<hbm>>
      tpu.wait_dma2 semaphore(%run_scoped3A : memref<!tpu.dma_semaphore, #tpu.memory_space<semaphore_mem>>) src(%dma_wait3A_23 : memref<640x128xf32, #tpu.memory_space<hbm>>) dst(%dma_wait3A_21 : memref<640x128xf32, #tpu.memory_space<vmem_shared>>)
      tpu.yield
    }) : () -> ()
    %barrier3A = arith.constant 0 : index
    tpu.barrier barrier_id(%barrier3A)
    %scan3A = arith.constant 0 : i32
    %scan3A_5 = arith.constant 0 : i32
    %scan3A_6 = arith.constant 100 : i32
    %scan3A_7 = arith.addi %scan3A_5, %scan3A_6 : i32
    %scan3A_8 = arith.constant 1 : i32
    scf.for %scan3A_18 = %scan3A_5 to %scan3A_7 step %scan3A_8  : i32 {
      %mul3A_19 = arith.constant 1 : i32
      %mul3A_20 = arith.muli %scan3A_18, %mul3A_19 : i32
      %add3A_21 = arith.constant 0 : i32
      %add3A_22 = arith.addi %mul3A_20, %add3A_21 : i32
      %dma_start3A = arith.constant 0 : i32
      %dma_start3A_23 = tpu.memref_slice %arg9[%add3A_22, %dma_start3A] : memref<100x100xi32, #tpu.memory_space<vmem>> -> memref<1x100xi32, #tpu.memory_space<vmem>>
      %dma_start3A_24 = tpu.memref_squeeze %dma_start3A_23 : memref<1x100xi32, #tpu.memory_space<vmem>> -> memref<100xi32, #tpu.memory_space<vmem>>
      %dma_start3A_25 = arith.constant 0 : i32
      %dma_start3A_26 = arith.constant 0 : i32
      %dma_start3A_27 = tpu.memref_slice %arg2[%dma_start3A_25, %dma_start3A_26] : memref<10240x128xf32, #tpu.memory_space<hbm>> -> memref<10240x128xf32, #tpu.memory_space<hbm>>
      tpu.enqueue_indirect_dma source(%dma_start3A_27 : memref<10240x128xf32, #tpu.memory_space<hbm>>) target(%arg10 : memref<100x128xf32, #tpu.memory_space<vmem>>) offsets(%dma_start3A_24 : memref<100xi32, #tpu.memory_space<vmem>>) semaphore(%arg11 : memref<!tpu.dma_semaphore, #tpu.memory_space<semaphore_mem>>)
      %dma_wait3A = arith.constant 0 : i32
      %dma_wait3A_28 = tpu.memref_slice %arg9[%add3A_22, %dma_wait3A] : memref<100x100xi32, #tpu.memory_space<vmem>> -> memref<1x100xi32, #tpu.memory_space<vmem>>
      %dma_wait3A_29 = tpu.memref_squeeze %dma_wait3A_28 : memref<1x100xi32, #tpu.memory_space<vmem>> -> memref<100xi32, #tpu.memory_space<vmem>>
      %dma_wait3A_30 = arith.constant 0 : i32
      %dma_wait3A_31 = arith.constant 0 : i32
      %dma_wait3A_32 = tpu.memref_slice %arg2[%dma_wait3A_30, %dma_wait3A_31] : memref<10240x128xf32, #tpu.memory_space<hbm>> -> memref<10240x128xf32, #tpu.memory_space<hbm>>
      tpu.wait_indirect_dma semaphore(%arg11 : memref<!tpu.dma_semaphore, #tpu.memory_space<semaphore_mem>>) src(%dma_wait3A_32 : memref<10240x128xf32, #tpu.memory_space<hbm>>) dst(%arg10 : memref<100x128xf32, #tpu.memory_space<vmem>>)
      %add3A_33 = arith.constant 0 : i32
      %add3A_34 = arith.addi %mul3A_20, %add3A_33 : i32
      %dma_start3A_35 = arith.constant 0 : i32
      %dma_start3A_36 = tpu.memref_slice %arg8[%add3A_34, %dma_start3A_35] : memref<100x100xi32, #tpu.memory_space<vmem>> -> memref<1x100xi32, #tpu.memory_space<vmem>>
      %dma_start3A_37 = tpu.memref_squeeze %dma_start3A_36 : memref<1x100xi32, #tpu.memory_space<vmem>> -> memref<100xi32, #tpu.memory_space<vmem>>
      %dma_start3A_38 = arith.constant 0 : i32
      %dma_start3A_39 = arith.constant 0 : i32
      %dma_start3A_40 = tpu.memref_slice %arg7[%dma_start3A_38, %dma_start3A_39] : memref<10240x128xf32, #tpu.memory_space<vmem_shared>> -> memref<10240x128xf32, #tpu.memory_space<vmem_shared>>
      tpu.enqueue_indirect_dma source(%arg10 : memref<100x128xf32, #tpu.memory_space<vmem>>) target(%dma_start3A_40 : memref<10240x128xf32, #tpu.memory_space<vmem_shared>>) offsets(%dma_start3A_37 : memref<100xi32, #tpu.memory_space<vmem>>) semaphore(%arg12 : memref<!tpu.dma_semaphore, #tpu.memory_space<semaphore_mem>>) {add = true}
      %dma_wait3A_41 = arith.constant 0 : i32
      %dma_wait3A_42 = tpu.memref_slice %arg8[%add3A_34, %dma_wait3A_41] : memref<100x100xi32, #tpu.memory_space<vmem>> -> memref<1x100xi32, #tpu.memory_space<vmem>>
      %dma_wait3A_43 = tpu.memref_squeeze %dma_wait3A_42 : memref<1x100xi32, #tpu.memory_space<vmem>> -> memref<100xi32, #tpu.memory_space<vmem>>
      %dma_wait3A_44 = arith.constant 0 : i32
      %dma_wait3A_45 = arith.constant 0 : i32
      %dma_wait3A_46 = tpu.memref_slice %arg7[%dma_wait3A_44, %dma_wait3A_45] : memref<10240x128xf32, #tpu.memory_space<vmem_shared>> -> memref<10240x128xf32, #tpu.memory_space<vmem_shared>>
      tpu.wait_indirect_dma semaphore(%arg12 : memref<!tpu.dma_semaphore, #tpu.memory_space<semaphore_mem>>) src(%arg10 : memref<100x128xf32, #tpu.memory_space<vmem>>) dst(%dma_wait3A_46 : memref<10240x128xf32, #tpu.memory_space<vmem_shared>>)
    }
    %scan3A_9 = arith.constant 100 : i32
    %barrier3A_10 = arith.constant 0 : index
    tpu.barrier barrier_id(%barrier3A_10)
    %mul3A_11 = arith.constant 10240 : i32
    %mul3A_12 = arith.muli %arg0, %mul3A_11 : i32
    %mul3A_13 = arith.constant 640 : i32
    %mul3A_14 = arith.muli %arg1, %mul3A_13 : i32
    %add3A_15 = arith.addi %mul3A_12, %mul3A_14 : i32
    %multiple_of3A = tpu.assume_multiple %add3A_15, 8 : i32
    %mul3A_16 = arith.constant 640 : i32
    %mul3A_17 = arith.muli %arg1, %mul3A_16 : i32
    "tpu.region"() ({
      %run_scoped3A = tpu.sem_alloc : memref<!tpu.dma_semaphore, #tpu.memory_space<semaphore_mem>>
      %dma_start3A = arith.constant 0 : i32
      %dma_start3A_18 = tpu.memref_slice %arg6[%multiple_of3A, %dma_start3A] : memref<20480x128xf32, #tpu.memory_space<hbm>> -> memref<640x128xf32, #tpu.memory_space<hbm>>
      %dma_start3A_19 = arith.constant 0 : i32
      %dma_start3A_20 = tpu.memref_slice %arg7[%mul3A_17, %dma_start3A_19] : memref<10240x128xf32, #tpu.memory_space<vmem_shared>> -> memref<640x128xf32, #tpu.memory_space<vmem_shared>>
      tpu.enqueue_dma source(%dma_start3A_20 : memref<640x128xf32, #tpu.memory_space<vmem_shared>>) target(%dma_start3A_18 : memref<640x128xf32, #tpu.memory_space<hbm>>) target_semaphore(%run_scoped3A : memref<!tpu.dma_semaphore, #tpu.memory_space<semaphore_mem>>)
      %dma_wait3A = arith.constant 0 : i32
      %dma_wait3A_21 = tpu.memref_slice %arg6[%multiple_of3A, %dma_wait3A] : memref<20480x128xf32, #tpu.memory_space<hbm>> -> memref<640x128xf32, #tpu.memory_space<hbm>>
      %dma_wait3A_22 = arith.constant 0 : i32
      %dma_wait3A_23 = tpu.memref_slice %arg7[%mul3A_17, %dma_wait3A_22] : memref<10240x128xf32, #tpu.memory_space<vmem_shared>> -> memref<640x128xf32, #tpu.memory_space<vmem_shared>>
      tpu.wait_dma2 semaphore(%run_scoped3A : memref<!tpu.dma_semaphore, #tpu.memory_space<semaphore_mem>>) src(%dma_wait3A_23 : memref<640x128xf32, #tpu.memory_space<vmem_shared>>) dst(%dma_wait3A_21 : memref<640x128xf32, #tpu.memory_space<hbm>>)
      tpu.yield
    }) : () -> ()
    return
  }
}

#map = affine_map<(d0, d1) -> (0, 0)>
#map1 = affine_map<(d0, d1) -> (0, 0, 0)>
module attributes {stable_mosaic.version = 14 : i64} {
  func.func @spmm(%arg0: i32, %arg1: i32, %arg2: memref<10240x128xf32, #tpu.memory_space<hbm>>, %arg3: memref<32x100x100xi32, #tpu.memory_space<hbm>>, %arg4: memref<32x100x100xi32, #tpu.memory_space<hbm>>, %arg5: memref<10240x128xf32, #tpu.memory_space<hbm>>, %arg6: memref<20480x128xf32, #tpu.memory_space<hbm>>, %arg7: memref<10240x128xf32, #tpu.memory_space<vmem_shared>>, %arg8: memref<100x100xi32, #tpu.memory_space<vmem>>, %arg9: memref<100x100xi32, #tpu.memory_space<vmem>>, %arg10: memref<100x128xf32, #tpu.memory_space<vmem>>, %arg11: memref<!tpu.dma_semaphore, #tpu.memory_space<semaphore_mem>>, %arg12: memref<!tpu.dma_semaphore, #tpu.memory_space<semaphore_mem>>) attributes {dimension_semantics = [#tpu.dimension_semantics<core_parallel>, #tpu.dimension_semantics<subcore_parallel>], iteration_bounds = array<i64: 2, 16>, scalar_prefetch = 0 : i64, scratch_operands = 6 : i64, tpu.core_type = #tpu.core_type<sc_vector_subcore>, window_params = [{transform_indices = #map}, {transform_indices = #map1}, {transform_indices = #map1}, {transform_indices = #map}, {transform_indices = #map}]} {
    %mul3A = arith.constant 2 : i32
    %mul3A_0 = arith.muli %arg1, %mul3A : i32
    %add3A = arith.addi %mul3A_0, %arg0 : i32
    "tpu.region"() ({
      %run_scoped3A = tpu.sem_alloc : memref<!tpu.dma_semaphore, #tpu.memory_space<semaphore_mem>>
      %dma_start3A = arith.constant 0 : i32
      %dma_start3A_18 = arith.constant 0 : i32
      %dma_start3A_19 = tpu.memref_slice %arg3[%add3A, %dma_start3A, %dma_start3A_18] : memref<32x100x100xi32, #tpu.memory_space<hbm>> -> memref<1x100x100xi32, #tpu.memory_space<hbm>>
      %dma_start3A_20 = tpu.memref_squeeze %dma_start3A_19 : memref<1x100x100xi32, #tpu.memory_space<hbm>> -> memref<100x100xi32, #tpu.memory_space<hbm>>
      %dma_start3A_21 = arith.constant 0 : i32
      %dma_start3A_22 = arith.constant 0 : i32
      %dma_start3A_23 = tpu.memref_slice %arg3[%add3A, %dma_start3A_21, %dma_start3A_22] : memref<32x100x100xi32, #tpu.memory_space<hbm>> -> memref<1x100x100xi32, #tpu.memory_space<hbm>>
      %dma_start3A_24 = tpu.memref_squeeze %dma_start3A_23 : memref<1x100x100xi32, #tpu.memory_space<hbm>> -> memref<100x100xi32, #tpu.memory_space<hbm>>
      tpu.enqueue_dma source(%dma_start3A_24 : memref<100x100xi32, #tpu.memory_space<hbm>>) target(%arg8 : memref<100x100xi32, #tpu.memory_space<vmem>>) target_semaphore(%run_scoped3A : memref<!tpu.dma_semaphore, #tpu.memory_space<semaphore_mem>>)
      %dma_wait3A = arith.constant 0 : i32
      %dma_wait3A_25 = arith.constant 0 : i32
      %dma_wait3A_26 = tpu.memref_slice %arg3[%add3A, %dma_wait3A, %dma_wait3A_25] : memref<32x100x100xi32, #tpu.memory_space<hbm>> -> memref<1x100x100xi32, #tpu.memory_space<hbm>>
      %dma_wait3A_27 = tpu.memref_squeeze %dma_wait3A_26 : memref<1x100x100xi32, #tpu.memory_space<hbm>> -> memref<100x100xi32, #tpu.memory_space<hbm>>
      %dma_wait3A_28 = arith.constant 0 : i32
      %dma_wait3A_29 = arith.constant 0 : i32
      %dma_wait3A_30 = tpu.memref_slice %arg3[%add3A, %dma_wait3A_28, %dma_wait3A_29] : memref<32x100x100xi32, #tpu.memory_space<hbm>> -> memref<1x100x100xi32, #tpu.memory_space<hbm>>
      %dma_wait3A_31 = tpu.memref_squeeze %dma_wait3A_30 : memref<1x100x100xi32, #tpu.memory_space<hbm>> -> memref<100x100xi32, #tpu.memory_space<hbm>>
      tpu.wait_dma2 semaphore(%run_scoped3A : memref<!tpu.dma_semaphore, #tpu.memory_space<semaphore_mem>>) src(%dma_wait3A_31 : memref<100x100xi32, #tpu.memory_space<hbm>>) dst(%arg8 : memref<100x100xi32, #tpu.memory_space<vmem>>)
      tpu.yield
    }) : () -> ()
    "tpu.region"() ({
      %run_scoped3A = tpu.sem_alloc : memref<!tpu.dma_semaphore, #tpu.memory_space<semaphore_mem>>
      %dma_start3A = arith.constant 0 : i32
      %dma_start3A_18 = arith.constant 0 : i32
      %dma_start3A_19 = tpu.memref_slice %arg4[%add3A, %dma_start3A, %dma_start3A_18] : memref<32x100x100xi32, #tpu.memory_space<hbm>> -> memref<1x100x100xi32, #tpu.memory_space<hbm>>
      %dma_start3A_20 = tpu.memref_squeeze %dma_start3A_19 : memref<1x100x100xi32, #tpu.memory_space<hbm>> -> memref<100x100xi32, #tpu.memory_space<hbm>>
      %dma_start3A_21 = arith.constant 0 : i32
      %dma_start3A_22 = arith.constant 0 : i32
      %dma_start3A_23 = tpu.memref_slice %arg4[%add3A, %dma_start3A_21, %dma_start3A_22] : memref<32x100x100xi32, #tpu.memory_space<hbm>> -> memref<1x100x100xi32, #tpu.memory_space<hbm>>
      %dma_start3A_24 = tpu.memref_squeeze %dma_start3A_23 : memref<1x100x100xi32, #tpu.memory_space<hbm>> -> memref<100x100xi32, #tpu.memory_space<hbm>>
      tpu.enqueue_dma source(%dma_start3A_24 : memref<100x100xi32, #tpu.memory_space<hbm>>) target(%arg9 : memref<100x100xi32, #tpu.memory_space<vmem>>) target_semaphore(%run_scoped3A : memref<!tpu.dma_semaphore, #tpu.memory_space<semaphore_mem>>)
      %dma_wait3A = arith.constant 0 : i32
      %dma_wait3A_25 = arith.constant 0 : i32
      %dma_wait3A_26 = tpu.memref_slice %arg4[%add3A, %dma_wait3A, %dma_wait3A_25] : memref<32x100x100xi32, #tpu.memory_space<hbm>> -> memref<1x100x100xi32, #tpu.memory_space<hbm>>
      %dma_wait3A_27 = tpu.memref_squeeze %dma_wait3A_26 : memref<1x100x100xi32, #tpu.memory_space<hbm>> -> memref<100x100xi32, #tpu.memory_space<hbm>>
      %dma_wait3A_28 = arith.constant 0 : i32
      %dma_wait3A_29 = arith.constant 0 : i32
      %dma_wait3A_30 = tpu.memref_slice %arg4[%add3A, %dma_wait3A_28, %dma_wait3A_29] : memref<32x100x100xi32, #tpu.memory_space<hbm>> -> memref<1x100x100xi32, #tpu.memory_space<hbm>>
      %dma_wait3A_31 = tpu.memref_squeeze %dma_wait3A_30 : memref<1x100x100xi32, #tpu.memory_space<hbm>> -> memref<100x100xi32, #tpu.memory_space<hbm>>
      tpu.wait_dma2 semaphore(%run_scoped3A : memref<!tpu.dma_semaphore, #tpu.memory_space<semaphore_mem>>) src(%dma_wait3A_31 : memref<100x100xi32, #tpu.memory_space<hbm>>) dst(%arg9 : memref<100x100xi32, #tpu.memory_space<vmem>>)
      tpu.yield
    }) : () -> ()
    %mul3A_1 = arith.constant 640 : i32
    %mul3A_2 = arith.muli %arg1, %mul3A_1 : i32
    %mul3A_3 = arith.constant 640 : i32
    %mul3A_4 = arith.muli %arg1, %mul3A_3 : i32
    "tpu.region"() ({
      %run_scoped3A = tpu.sem_alloc : memref<!tpu.dma_semaphore, #tpu.memory_space<semaphore_mem>>
      %dma_start3A = arith.constant 0 : i32
      %dma_start3A_18 = tpu.memref_slice %arg7[%mul3A_4, %dma_start3A] : memref<10240x128xf32, #tpu.memory_space<vmem_shared>> -> memref<640x128xf32, #tpu.memory_space<vmem_shared>>
      %dma_start3A_19 = arith.constant 0 : i32
      %dma_start3A_20 = tpu.memref_slice %arg5[%mul3A_2, %dma_start3A_19] : memref<10240x128xf32, #tpu.memory_space<hbm>> -> memref<640x128xf32, #tpu.memory_space<hbm>>
      tpu.enqueue_dma source(%dma_start3A_20 : memref<640x128xf32, #tpu.memory_space<hbm>>) target(%dma_start3A_18 : memref<640x128xf32, #tpu.memory_space<vmem_shared>>) target_semaphore(%run_scoped3A : memref<!tpu.dma_semaphore, #tpu.memory_space<semaphore_mem>>)
      %dma_wait3A = arith.constant 0 : i32
      %dma_wait3A_21 = tpu.memref_slice %arg7[%mul3A_4, %dma_wait3A] : memref<10240x128xf32, #tpu.memory_space<vmem_shared>> -> memref<640x128xf32, #tpu.memory_space<vmem_shared>>
      %dma_wait3A_22 = arith.constant 0 : i32
      %dma_wait3A_23 = tpu.memref_slice %arg5[%mul3A_2, %dma_wait3A_22] : memref<10240x128xf32, #tpu.memory_space<hbm>> -> memref<640x128xf32, #tpu.memory_space<hbm>>
      tpu.wait_dma2 semaphore(%run_scoped3A : memref<!tpu.dma_semaphore, #tpu.memory_space<semaphore_mem>>) src(%dma_wait3A_23 : memref<640x128xf32, #tpu.memory_space<hbm>>) dst(%dma_wait3A_21 : memref<640x128xf32, #tpu.memory_space<vmem_shared>>)
      tpu.yield
    }) : () -> ()
    %barrier3A = arith.constant 0 : index
    tpu.barrier barrier_id(%barrier3A)
    %scan3A = arith.constant 0 : i32
    %scan3A_5 = arith.constant 0 : i32
    %scan3A_6 = arith.constant 100 : i32
    %scan3A_7 = arith.addi %scan3A_5, %scan3A_6 : i32
    %scan3A_8 = arith.constant 1 : i32
    scf.for %scan3A_18 = %scan3A_5 to %scan3A_7 step %scan3A_8  : i32 {
      %mul3A_19 = arith.constant 1 : i32
      %mul3A_20 = arith.muli %scan3A_18, %mul3A_19 : i32
      %add3A_21 = arith.constant 0 : i32
      %add3A_22 = arith.addi %mul3A_20, %add3A_21 : i32
      %dma_start3A = arith.constant 0 : i32
      %dma_start3A_23 = tpu.memref_slice %arg9[%add3A_22, %dma_start3A] : memref<100x100xi32, #tpu.memory_space<vmem>> -> memref<1x100xi32, #tpu.memory_space<vmem>>
      %dma_start3A_24 = tpu.memref_squeeze %dma_start3A_23 : memref<1x100xi32, #tpu.memory_space<vmem>> -> memref<100xi32, #tpu.memory_space<vmem>>
      %dma_start3A_25 = arith.constant 0 : i32
      %dma_start3A_26 = arith.constant 0 : i32
      %dma_start3A_27 = tpu.memref_slice %arg2[%dma_start3A_25, %dma_start3A_26] : memref<10240x128xf32, #tpu.memory_space<hbm>> -> memref<10240x128xf32, #tpu.memory_space<hbm>>
      tpu.enqueue_indirect_dma source(%dma_start3A_27 : memref<10240x128xf32, #tpu.memory_space<hbm>>) target(%arg10 : memref<100x128xf32, #tpu.memory_space<vmem>>) offsets(%dma_start3A_24 : memref<100xi32, #tpu.memory_space<vmem>>) semaphore(%arg11 : memref<!tpu.dma_semaphore, #tpu.memory_space<semaphore_mem>>)
      %dma_wait3A = arith.constant 0 : i32
      %dma_wait3A_28 = tpu.memref_slice %arg9[%add3A_22, %dma_wait3A] : memref<100x100xi32, #tpu.memory_space<vmem>> -> memref<1x100xi32, #tpu.memory_space<vmem>>
      %dma_wait3A_29 = tpu.memref_squeeze %dma_wait3A_28 : memref<1x100xi32, #tpu.memory_space<vmem>> -> memref<100xi32, #tpu.memory_space<vmem>>
      %dma_wait3A_30 = arith.constant 0 : i32
      %dma_wait3A_31 = arith.constant 0 : i32
      %dma_wait3A_32 = tpu.memref_slice %arg2[%dma_wait3A_30, %dma_wait3A_31] : memref<10240x128xf32, #tpu.memory_space<hbm>> -> memref<10240x128xf32, #tpu.memory_space<hbm>>
      tpu.wait_indirect_dma semaphore(%arg11 : memref<!tpu.dma_semaphore, #tpu.memory_space<semaphore_mem>>) src(%dma_wait3A_32 : memref<10240x128xf32, #tpu.memory_space<hbm>>) dst(%arg10 : memref<100x128xf32, #tpu.memory_space<vmem>>)
      %add3A_33 = arith.constant 0 : i32
      %add3A_34 = arith.addi %mul3A_20, %add3A_33 : i32
      %dma_start3A_35 = arith.constant 0 : i32
      %dma_start3A_36 = tpu.memref_slice %arg8[%add3A_34, %dma_start3A_35] : memref<100x100xi32, #tpu.memory_space<vmem>> -> memref<1x100xi32, #tpu.memory_space<vmem>>
      %dma_start3A_37 = tpu.memref_squeeze %dma_start3A_36 : memref<1x100xi32, #tpu.memory_space<vmem>> -> memref<100xi32, #tpu.memory_space<vmem>>
      %dma_start3A_38 = arith.constant 0 : i32
      %dma_start3A_39 = arith.constant 0 : i32
      %dma_start3A_40 = tpu.memref_slice %arg7[%dma_start3A_38, %dma_start3A_39] : memref<10240x128xf32, #tpu.memory_space<vmem_shared>> -> memref<10240x128xf32, #tpu.memory_space<vmem_shared>>
      tpu.enqueue_indirect_dma source(%arg10 : memref<100x128xf32, #tpu.memory_space<vmem>>) target(%dma_start3A_40 : memref<10240x128xf32, #tpu.memory_space<vmem_shared>>) offsets(%dma_start3A_37 : memref<100xi32, #tpu.memory_space<vmem>>) semaphore(%arg12 : memref<!tpu.dma_semaphore, #tpu.memory_space<semaphore_mem>>) {add = true}
      %dma_wait3A_41 = arith.constant 0 : i32
      %dma_wait3A_42 = tpu.memref_slice %arg8[%add3A_34, %dma_wait3A_41] : memref<100x100xi32, #tpu.memory_space<vmem>> -> memref<1x100xi32, #tpu.memory_space<vmem>>
      %dma_wait3A_43 = tpu.memref_squeeze %dma_wait3A_42 : memref<1x100xi32, #tpu.memory_space<vmem>> -> memref<100xi32, #tpu.memory_space<vmem>>
      %dma_wait3A_44 = arith.constant 0 : i32
      %dma_wait3A_45 = arith.constant 0 : i32
      %dma_wait3A_46 = tpu.memref_slice %arg7[%dma_wait3A_44, %dma_wait3A_45] : memref<10240x128xf32, #tpu.memory_space<vmem_shared>> -> memref<10240x128xf32, #tpu.memory_space<vmem_shared>>
      tpu.wait_indirect_dma semaphore(%arg12 : memref<!tpu.dma_semaphore, #tpu.memory_space<semaphore_mem>>) src(%arg10 : memref<100x128xf32, #tpu.memory_space<vmem>>) dst(%dma_wait3A_46 : memref<10240x128xf32, #tpu.memory_space<vmem_shared>>)
    }
    %scan3A_9 = arith.constant 100 : i32
    %barrier3A_10 = arith.constant 0 : index
    tpu.barrier barrier_id(%barrier3A_10)
    %mul3A_11 = arith.constant 10240 : i32
    %mul3A_12 = arith.muli %arg0, %mul3A_11 : i32
    %mul3A_13 = arith.constant 640 : i32
    %mul3A_14 = arith.muli %arg1, %mul3A_13 : i32
    %add3A_15 = arith.addi %mul3A_12, %mul3A_14 : i32
    %multiple_of3A = tpu.assume_multiple %add3A_15, 8 : i32
    %mul3A_16 = arith.constant 640 : i32
    %mul3A_17 = arith.muli %arg1, %mul3A_16 : i32
    "tpu.region"() ({
      %run_scoped3A = tpu.sem_alloc : memref<!tpu.dma_semaphore, #tpu.memory_space<semaphore_mem>>
      %dma_start3A = arith.constant 0 : i32
      %dma_start3A_18 = tpu.memref_slice %arg6[%multiple_of3A, %dma_start3A] : memref<20480x128xf32, #tpu.memory_space<hbm>> -> memref<640x128xf32, #tpu.memory_space<hbm>>
      %dma_start3A_19 = arith.constant 0 : i32
      %dma_start3A_20 = tpu.memref_slice %arg7[%mul3A_17, %dma_start3A_19] : memref<10240x128xf32, #tpu.memory_space<vmem_shared>> -> memref<640x128xf32, #tpu.memory_space<vmem_shared>>
      tpu.enqueue_dma source(%dma_start3A_20 : memref<640x128xf32, #tpu.memory_space<vmem_shared>>) target(%dma_start3A_18 : memref<640x128xf32, #tpu.memory_space<hbm>>) target_semaphore(%run_scoped3A : memref<!tpu.dma_semaphore, #tpu.memory_space<semaphore_mem>>)
      %dma_wait3A = arith.constant 0 : i32
      %dma_wait3A_21 = tpu.memref_slice %arg6[%multiple_of3A, %dma_wait3A] : memref<20480x128xf32, #tpu.memory_space<hbm>> -> memref<640x128xf32, #tpu.memory_space<hbm>>
      %dma_wait3A_22 = arith.constant 0 : i32
      %dma_wait3A_23 = tpu.memref_slice %arg7[%mul3A_17, %dma_wait3A_22] : memref<10240x128xf32, #tpu.memory_space<vmem_shared>> -> memref<640x128xf32, #tpu.memory_space<vmem_shared>>
      tpu.wait_dma2 semaphore(%run_scoped3A : memref<!tpu.dma_semaphore, #tpu.memory_space<semaphore_mem>>) src(%dma_wait3A_23 : memref<640x128xf32, #tpu.memory_space<vmem_shared>>) dst(%dma_wait3A_21 : memref<640x128xf32, #tpu.memory_space<hbm>>)
      tpu.yield
    }) : () -> ()
    return
  }
}

module attributes {stable_mosaic.version = 14 : i64} {
  func.func @_mm_body(%arg0: i32, %arg1: memref<1000x128xf32, #tpu.memory_space<vmem>>, %arg2: memref<128x256xf32, #tpu.memory_space<vmem>>, %arg3: memref<1000x256xf32, #tpu.memory_space<vmem>>) attributes {dimension_semantics = [#tpu.dimension_semantics<arbitrary>], iteration_bounds = array<i64: 10>, scalar_prefetch = 0 : i64, scratch_operands = 0 : i64, tpu.core_type = #tpu.core_type<tc>, window_params = [{transform_indices = @transform_0, window_bounds = array<i64: 1000, 128>}, {pipeline_mode = #tpu.pipeline_mode<synchronous>, transform_indices = @transform_1, window_bounds = array<i64: 128, 256>}, {transform_indices = @transform_2, window_bounds = array<i64: 1000, 256>}]} {
    %get3A = arith.constant 0 : index
    %get3A_0 = arith.constant 0 : index
    %get3A_1 = vector.load %arg1[%get3A, %get3A_0] : memref<1000x128xf32, #tpu.memory_space<vmem>>, vector<1000x128xf32>
    %get3A_2 = arith.constant 0 : index
    %get3A_3 = arith.constant 0 : index
    %get3A_4 = vector.load %arg2[%get3A_2, %get3A_3] : memref<128x256xf32, #tpu.memory_space<vmem>>, vector<128x256xf32>
    %dot_general3A = arith.constant dense<0.000000e+00> : vector<1000x256xf32>
    %dot_general3A_5 = tpu.matmul %get3A_1, %get3A_4, %dot_general3A {dimension_numbers = #tpu.dot_dimension_numbers<[1], [0], [0], [1], [0, 0, 1, 1], [], []>, transpose_lhs_hint = false} : vector<1000x128xf32>, vector<128x256xf32>, vector<1000x256xf32> -> vector<1000x256xf32>
    %swap3A = arith.constant 0 : index
    %swap3A_6 = arith.constant 0 : index
    %swap3A_7 = vector.load %arg3[%swap3A, %swap3A_6] : memref<1000x256xf32, #tpu.memory_space<vmem>>, vector<1000x256xf32>
    tpu.vector_store %arg3[%swap3A, %swap3A_6], %dot_general3A_5 {strides = array<i32>} : memref<1000x256xf32, #tpu.memory_space<vmem>>, vector<1000x256xf32>,
    return
  }
  func.func @transform_0(%arg0: i32) -> (i32, i32) {
    %c0_i32 = arith.constant 0 : i32
    %c0_i32_0 = arith.constant 0 : i32
    return %arg0, %c0_i32 : i32, i32
  }
  func.func @transform_1(%arg0: i32) -> (i32, i32) {
    %c0_i32 = arith.constant 0 : i32
    %c0_i32_0 = arith.constant 0 : i32
    %c0_i32_1 = arith.constant 0 : i32
    return %c0_i32, %c0_i32_0 : i32, i32
  }
  func.func @transform_2(%arg0: i32) -> (i32, i32) {
    %c0_i32 = arith.constant 0 : i32
    %c0_i32_0 = arith.constant 0 : i32
    return %arg0, %c0_i32 : i32, i32
  }
}

module attributes {stable_mosaic.version = 14 : i64} {
  func.func @_mm_body(%arg0: i32, %arg1: memref<1000x256xf32, #tpu.memory_space<vmem>>, %arg2: memref<256x128xf32, #tpu.memory_space<vmem>>, %arg3: memref<1000x128xf32, #tpu.memory_space<vmem>>) attributes {dimension_semantics = [#tpu.dimension_semantics<arbitrary>], iteration_bounds = array<i64: 10>, scalar_prefetch = 0 : i64, scratch_operands = 0 : i64, tpu.core_type = #tpu.core_type<tc>, window_params = [{transform_indices = @transform_0, window_bounds = array<i64: 1000, 256>}, {pipeline_mode = #tpu.pipeline_mode<synchronous>, transform_indices = @transform_1, window_bounds = array<i64: 256, 128>}, {transform_indices = @transform_2, window_bounds = array<i64: 1000, 128>}]} {
    %get3A = arith.constant 0 : index
    %get3A_0 = arith.constant 0 : index
    %get3A_1 = vector.load %arg1[%get3A, %get3A_0] : memref<1000x256xf32, #tpu.memory_space<vmem>>, vector<1000x256xf32>
    %get3A_2 = arith.constant 0 : index
    %get3A_3 = arith.constant 0 : index
    %get3A_4 = vector.load %arg2[%get3A_2, %get3A_3] : memref<256x128xf32, #tpu.memory_space<vmem>>, vector<256x128xf32>
    %dot_general3A = arith.constant dense<0.000000e+00> : vector<1000x128xf32>
    %dot_general3A_5 = tpu.matmul %get3A_1, %get3A_4, %dot_general3A {dimension_numbers = #tpu.dot_dimension_numbers<[1], [0], [0], [1], [0, 0, 1, 1], [], []>, transpose_lhs_hint = false} : vector<1000x256xf32>, vector<256x128xf32>, vector<1000x128xf32> -> vector<1000x128xf32>
    %swap3A = arith.constant 0 : index
    %swap3A_6 = arith.constant 0 : index
    %swap3A_7 = vector.load %arg3[%swap3A, %swap3A_6] : memref<1000x128xf32, #tpu.memory_space<vmem>>, vector<1000x128xf32>
    tpu.vector_store %arg3[%swap3A, %swap3A_6], %dot_general3A_5 {strides = array<i32>} : memref<1000x128xf32, #tpu.memory_space<vmem>>, vector<1000x128xf32>,
    return
  }
  func.func @transform_0(%arg0: i32) -> (i32, i32) {
    %c0_i32 = arith.constant 0 : i32
    %c0_i32_0 = arith.constant 0 : i32
    return %arg0, %c0_i32 : i32, i32
  }
  func.func @transform_1(%arg0: i32) -> (i32, i32) {
    %c0_i32 = arith.constant 0 : i32
    %c0_i32_0 = arith.constant 0 : i32
    %c0_i32_1 = arith.constant 0 : i32
    return %c0_i32, %c0_i32_0 : i32, i32
  }
  func.func @transform_2(%arg0: i32) -> (i32, i32) {
    %c0_i32 = arith.constant 0 : i32
    %c0_i32_0 = arith.constant 0 : i32
    return %arg0, %c0_i32 : i32, i32
  }
}

module attributes {stable_mosaic.version = 14 : i64} {
  func.func @_mm_body(%arg0: i32, %arg1: memref<1000x256xf32, #tpu.memory_space<vmem>>, %arg2: memref<256x256xf32, #tpu.memory_space<vmem>>, %arg3: memref<1000x256xf32, #tpu.memory_space<vmem>>) attributes {dimension_semantics = [#tpu.dimension_semantics<arbitrary>], iteration_bounds = array<i64: 5>, scalar_prefetch = 0 : i64, scratch_operands = 0 : i64, tpu.core_type = #tpu.core_type<tc>, window_params = [{transform_indices = @transform_0, window_bounds = array<i64: 1000, 256>}, {pipeline_mode = #tpu.pipeline_mode<synchronous>, transform_indices = @transform_1, window_bounds = array<i64: 256, 256>}, {transform_indices = @transform_2, window_bounds = array<i64: 1000, 256>}]} {
    %get3A = arith.constant 0 : index
    %get3A_0 = arith.constant 0 : index
    %get3A_1 = vector.load %arg1[%get3A, %get3A_0] : memref<1000x256xf32, #tpu.memory_space<vmem>>, vector<1000x256xf32>
    %get3A_2 = arith.constant 0 : index
    %get3A_3 = arith.constant 0 : index
    %get3A_4 = vector.load %arg2[%get3A_2, %get3A_3] : memref<256x256xf32, #tpu.memory_space<vmem>>, vector<256x256xf32>
    %dot_general3A = arith.constant dense<0.000000e+00> : vector<1000x256xf32>
    %dot_general3A_5 = tpu.matmul %get3A_1, %get3A_4, %dot_general3A {dimension_numbers = #tpu.dot_dimension_numbers<[1], [0], [0], [1], [0, 0, 1, 1], [], []>, transpose_lhs_hint = false} : vector<1000x256xf32>, vector<256x256xf32>, vector<1000x256xf32> -> vector<1000x256xf32>
    %swap3A = arith.constant 0 : index
    %swap3A_6 = arith.constant 0 : index
    %swap3A_7 = vector.load %arg3[%swap3A, %swap3A_6] : memref<1000x256xf32, #tpu.memory_space<vmem>>, vector<1000x256xf32>
    tpu.vector_store %arg3[%swap3A, %swap3A_6], %dot_general3A_5 {strides = array<i32>} : memref<1000x256xf32, #tpu.memory_space<vmem>>, vector<1000x256xf32>,
    return
  }
  func.func @transform_0(%arg0: i32) -> (i32, i32) {
    %c0_i32 = arith.constant 0 : i32
    %c0_i32_0 = arith.constant 0 : i32
    return %arg0, %c0_i32 : i32, i32
  }
  func.func @transform_1(%arg0: i32) -> (i32, i32) {
    %c0_i32 = arith.constant 0 : i32
    %c0_i32_0 = arith.constant 0 : i32
    %c0_i32_1 = arith.constant 0 : i32
    return %c0_i32, %c0_i32_0 : i32, i32
  }
  func.func @transform_2(%arg0: i32) -> (i32, i32) {
    %c0_i32 = arith.constant 0 : i32
    %c0_i32_0 = arith.constant 0 : i32
    return %arg0, %c0_i32 : i32, i32
  }
}

</mosaic_0001>

<sc_bundles>
// kernel: gather_offload_async_start
scs
__scs_entry_jumppad:
0x0: {  	(pc) =	sbr.rel $0x88, $3  }
0x1: {  	(tag) =	ssettag $0x0;
	lr =	simm.s32 $0x1  }
0x2: {  	[smem:$0x3F95] =	sst lr;
	_ =	strace $0xD0000000  }
0x3: {  	_ = 	snop  }
0x4: {  	_ = 	snop  }
0x5: {  	_ = 	snop  }
0x6: {  	_ = 	snop  }
0x7: {  	_ = 	snop  }
__scs_overlays_trampoline_lowered:
0x8: {  	[smem:$0x3FA4] =	sst s0  }
0x9: {  	[smem:$0x3FA5] =	sst s1  }
0xa: {  	[smem:$0x3FA6] =	sst s2  }
0xb: {  	[smem:$0x3FA7] =	sst s3  }
0xc: {  	[smem:$0x3FA8] =	sst s4  }
0xd: {  	[smem:$0x3FA9] =	sst s5  }
0xe: {  	[smem:$0x3FAA] =	sst s6  }
0xf: {  	[smem:$0x3FAB] =	sst s7  }
0x10: {  	[smem:$0x3FAC] =	sst s8  }
0x11: {  	[smem:$0x3FAD] =	sst s9;
	s0 =	simm.s32 @!p0 $0x0  }
0x12: {  	s1 =	sld [smem:$0x3F93];
	s0 =	simm.s32 @p0 $0x1  }
0x13: {  	[smem:$0x3FAE] =	sst s0;
	s0 =	simm.s32 @!p1 $0x0  }
0x14: {  	s2 =	sld [smem:$0x3F92];
	s0 =	simm.s32 @p1 $0x1  }
0x15: {  	[smem:$0x3FAF] =	sst s0;
	s0 =	simm.s32 @!p2 $0x0  }
0x16: {  	s3 =	sld [smem:$0x3FDB];
	s0 =	simm.s32 @p2 $0x1  }
0x17: {  	s4 =	simm.s32 $0x1BF5;
	[smem:$0x3FB1] =	sst s0  }
0x18: {  	s0 =	sld [smem:$0x3F94];
	_ =	swait.ge [sflag:s4], $0x0  }
0x19: {  	s7 =	sld [smem:$0x3F95]  }
0x1a: {  	s8 =	sadd.s32 $0xFFFFE003, lr  }
0x1b: {  	s9 =	sadd.s32 $0xFFFFFEF7, lr;
	s5 =	simm.s32 $0xFFFFFFFF;
	p2 =	slt.u32 s8, $0xFFFFF086  }
0x1c: {  	p1 =	slt.u32 s9, $0xF7A;
	s5 =	simm.s32 @!p2 $0x0  }
0x1d: {  	s5 =	simm.s32 @p1 $0x1;
	p0 =	seq.s32 s7, s2  }
0x1e: {  	s7 =	smul.u32 @!p0 $0xF7A, s2;
	p2 =	seq.s32 @!p0 s5, $0x0  }
0x1f: {  	s9 =	smul.u32 $0xF7A, s1;
	s8 =	simm.s32 @!p0 $0x1BF5;
	p2 =	por !p2, p0  }
0x20: {  	[sflag:s8] =	ssyncset.s32 @!p0 $0xFFFFF086;
	s6 =	sadd.s32 @!p0 s3, s7;
	s7 =	simm.s32 @!p0 $0x108  }
0x21: {  	s3 =	sadd.s32 s3, s9;
	s6 =	sadd.s32 @!p0 $0x88, s6;
	s7 =	simm.s32 @p2 $0x1082  }
0x22: {  	[simem:s7], [sflag:s8] =	dma.local @!p0 [hbm:s6], $0xF7A  }
0x23: {  	s9 =	sor.u32 $0xD0000000, s2;
	s6 =	simm.s32 $0x108;
	_ =	swait.ge @!p0 [sflag:s8], $0x0  }
0x24: {  	s3 =	sadd.s32 $0x88, s3;
	s6 =	simm.s32 @!p1 $0x1082;
	[sflag:s4] =	ssyncset.s32 $0xFFFFF086  }
0x25: {  	[simem:s6], [sflag:s4] =	dma.local [hbm:s3], $0xF7A  }
0x26: {  	[smem:$0x3F95] =	sst s1;
	(tag) =	ssettag s2;
	_ =	strace s9  }
0x27: {  	s1 =	sld [smem:$0x3FA5]  }
0x28: {  	s2 =	sld [smem:$0x3FA6]  }
0x29: {  	s4 =	sld [smem:$0x3FA8]  }
0x2a: {  	p0 =	seq.s32 s5, $0x0;
	s5 =	sld [smem:$0x3FA9]  }
0x2b: {  	s6 =	sld [smem:$0x3FAA]  }
0x2c: {  	s7 =	sld [smem:$0x3FAB]  }
0x2d: {  	s3 =	simm.s32 $0x108;
	s8 =	sld [smem:$0x3FAC]  }
0x2e: {  	s3 =	simm.s32 @!p0 $0x1082;
	s9 =	sld [smem:$0x3FAD]  }
0x2f: {  	lr =	sadd.s32 s0, s3;
	s0 =	sld [smem:$0x3FA4]  }
0x30: {  	s3 =	sld [smem:$0x3FA7]  }
0x31: {  	[smem:$0x3FB0] =	sst s10  }
0x32: {  	s10 =	sld [smem:$0x3FAE];
	_ =	sdelay $0x3  }
0x33: {  	p0 =	seq.s32 s10, $0x1;
	s10 =	sld [smem:$0x3FB0];
	_ =	sdelay $0x3  }
0x34: {  	[smem:$0x3FB0] =	sst s10  }
0x35: {  	s10 =	sld [smem:$0x3FAF];
	_ =	sdelay $0x3  }
0x36: {  	p1 =	seq.s32 s10, $0x1;
	s10 =	sld [smem:$0x3FB0];
	_ =	sdelay $0x3  }
0x37: {  	[smem:$0x3FB0] =	sst s10  }
0x38: {  	s10 =	sld [smem:$0x3FB1]  }
0x39: {  	_ = 	snop;
	(pc) =	sbr.ind lr, $3  }
0x3a: {  	_ = 	snop  }
0x3b: {  	_ = 	snop  }
0x3c: {  	p2 =	seq.s32 s10, $0x1;
	s10 =	sld [smem:$0x3FB0]  }
0x3d: {  	_ =	shalt  }
0x3e: {  	_ =	shalt  }
0x3f: {  	_ =	shalt  }
0x40: {  	_ =	shalt  }
0x41: {  	_ =	shalt  }
0x42: {  	_ =	shalt  }
0x43: {  	_ =	shalt  }
0x44: {  	_ =	shalt  }
0x45: {  	_ =	shalt  }
0x46: {  	_ =	shalt  }
0x47: {  	_ =	shalt  }
0x48: {  	_ =	shalt  }
0x49: {  	_ =	shalt  }
0x4a: {  	_ =	shalt  }
0x4b: {  	_ =	shalt  }
0x4c: {  	_ =	shalt  }
0x4d: {  	_ =	shalt  }
0x4e: {  	_ =	shalt  }
0x4f: {  	_ =	shalt  }
0x50: {  	_ =	shalt  }
0x51: {  	_ =	shalt  }
0x52: {  	_ =	shalt  }
0x53: {  	_ =	shalt  }
0x54: {  	_ =	shalt  }
0x55: {  	_ =	shalt  }
0x56: {  	_ =	shalt  }
0x57: {  	_ =	shalt  }
0x58: {  	_ =	shalt  }
0x59: {  	_ =	shalt  }
0x5a: {  	_ =	shalt  }
0x5b: {  	_ =	shalt  }
0x5c: {  	_ =	shalt  }
0x5d: {  	_ =	shalt  }
0x5e: {  	_ =	shalt  }
0x5f: {  	_ =	shalt  }
0x60: {  	_ =	shalt  }
0x61: {  	_ =	shalt  }
0x62: {  	_ =	shalt  }
0x63: {  	_ =	shalt  }
0x64: {  	_ =	shalt  }
0x65: {  	_ =	shalt  }
0x66: {  	_ =	shalt  }
0x67: {  	_ =	shalt  }
0x68: {  	_ =	shalt  }
0x69: {  	_ =	shalt  }
0x6a: {  	_ =	shalt  }
0x6b: {  	_ =	shalt  }
0x6c: {  	_ =	shalt  }
0x6d: {  	_ =	shalt  }
0x6e: {  	_ =	shalt  }
0x6f: {  	_ =	shalt  }
0x70: {  	_ =	shalt  }
0x71: {  	_ =	shalt  }
0x72: {  	_ =	shalt  }
0x73: {  	_ =	shalt  }
0x74: {  	_ =	shalt  }
0x75: {  	_ =	shalt  }
0x76: {  	_ =	shalt  }
0x77: {  	_ =	shalt  }
0x78: {  	_ =	shalt  }
0x79: {  	_ =	shalt  }
0x7a: {  	_ =	shalt  }
0x7b: {  	_ =	shalt  }
0x7c: {  	_ =	shalt  }
0x7d: {  	_ =	shalt  }
0x7e: {  	_ =	shalt  }
0x7f: {  	_ =	shalt  }
0x80: {  	_ =	shalt  }
0x81: {  	_ =	shalt  }
0x82: {  	_ =	shalt  }
0x83: {  	_ =	shalt  }
0x84: {  	_ =	shalt  }
0x85: {  	_ =	shalt  }
0x86: {  	_ =	shalt  }
0x87: {  	_ =	shalt  }
.Lfunc_end0:
.L_simem_size_0:
called_computation_lowered:
.L_overlay_start_0:
0x88: {  	s0 =	sld [smem:$0x3FD9]  }
0x89: {  	s1 =	sld [smem:$0x3FFE];
	_ =	sdelay $0x3  }
0x8a: {  	s0 =	sadd.s32 s1, s0  }
0x8b: {  	[smem:$0x3FBC] =	sst s0  }
0x8c: {  	_ = 	snop  }
0x8d: {  	s0 =	sld [smem:$0x3FD0];
	(tm) =	ssettm $0x1  }
0x8e: {  	s16 =	sld [smem:$0x3FFB];
	_ =	sdelay $0x3  }
0x8f: {  	_ =	strace s16  }
0x90: {  	s1 =	sld [smem:$0x3FFC];
	_ =	sdelay $0x3  }
0x91: {  	_ =	strace s1  }
0x92: {  	s1 =	sld [smem:$0x3FFD];
	_ =	sdelay $0x3  }
0x93: {  	_ =	strace s1  }
0x94: {  	_ =	strace $0x8FFFFFFF  }
0x95: {  	s17 =	sld [smem:$0x3FDB];
	_ =	sdelay $0x1  }
0x96: {  	s2 =	simm.s32 $_scs_section_size  }
0x97: {  	s3 =	simm.s32 $_size__tile_overlayer_lowered;
	s4 =	simm.s32 $_tile_overlayer_lowered  }
0x98: {  	s20 =	simm.s32 $0x1BFF;
	s19 =	sshll.u32 s4, $0x1;
	s1 =	sadd.s32 s2, s17  }
0x99: {  	s5 =	simm.s32 $0x0;
	s18 =	sshll.u32 s3, $0x1;
	s3 =	sadd.s32 s19, s1  }
0x9a: {  	[timem:s5], [sflag:s20] =	dma.local [hbm:s3], s18  }
0x9b: {  	_ =	swait.ge [sflag:s20], s18  }
0x9c: {  	s2 =	ssub.s32 $0x0, s18;
	[sflag:s20] =	ssyncset.done $0x0  }
0x9d: {  	[sflag:s20] =	ssyncadd.s32 s2;
	_ =	sdelay $0x1  }
0x9e: {  	s21 =	simm.s32 $0x1B8B  }
0x9f: {  	_ =	swait.ge [sflag:s21], $0x1  }
0xa0: {  	[sflag:s21] =	ssyncset.done $0x0  }
0xa1: {  	s23 =	simm.s32 $0x1B8E;
	s22 =	sld [smem:$0x3FFE];
	[sflag:s21] =	ssyncadd.s32 $0xFFFFFFFF  }
0xa2: {  	s24 =	simm.s32 $execute0_lowered;
	[smem:$0x3FD2] =	sst s23  }
0xa3: {  	s3 =	sshll.u32 s24, $0x1;
	_ =	strace $0x8000004F;
	[dreg:$0x1] =	wrdreg $0xFFFFFFFF  }
0xa4: {  	s25 =	simm.s32 $_size_execute0_lowered;
	s1 =	sadd.s32 s1, s3;
	[dreg:$0x0] =	wrdreg $0x0  }
0xa5: {  	s3 =	sshll.u32 s25, $0x1;
	[dreg:$0x2] =	wrdreg s1  }
0xa6: {  	[dreg:$0x3] =	wrdreg s3  }
0xa7: {  	[dreg:$0x4] =	wrdreg $0xC0  }
0xa8: {  	_ =	task [dreg:s5], $0x5FFFF  }
0xa9: {  	[dreg:$0x1] =	wrdreg $0xFFFFFFFF  }
0xaa: {  	[dreg:$0x0] =	wrdreg $0x60  }
0xab: {  	[dreg:$0x2] =	wrdreg s22  }
0xac: {  	[dreg:$0x3] =	wrdreg s0  }
0xad: {  	[dreg:$0x4] =	wrdreg $0xA  }
0xae: {  	_ =	task.clear_ibuf [dreg:s5], $0x5FFFF;
	_ =	strace $0x9000004F  }
0xaf: {  	s26 =	simm.s32 $0xA;
	_ =	strace $0x80000051  }
0xb0: {  	_ =	swait.ge [sflag:s26], $0x1  }
0xb1: {  	[sflag:s26] =	ssyncadd.s32 $0xFFFFFFFF  }
0xb2: {  	_ =	strace $0x90000051  }
0xb3: {  	_ =	sfence  }
0xb4: {  	s28 =	sld [smem:$0x0];
	_ =	sdelay $0x1  }
0xb5: {  	s29 =	srdreg.scid  }
0xb6: {  	s30 =	sshll.u32 s29, $0xD;
	s31 =	sshrl.u32 s29, $0x2  }
0xb7: {  	s2 =	sand.u32 $0x4000, s30;
	s1 =	sand.u32 $0x1, s29;
	s0 =	sadd.s32 s31, s28  }
0xb8: {  	s1 =	sor.u32 s2, s1;
	s0 =	sshll.u32 s0, $0x11  }
0xb9: {  	s0 =	sor.u32 s0, s1  }
0xba: {  	s0 =	sadd.s32 $0x8F2B, s0  }
0xbb: {  	[sflag:s0] =	ssyncadd.remote.s32 $0x1  }
0xbc: {  	_ =	sfence.sel $0xFFFF  }
0xbd: {  	[dreg:$0x0] =	wrdreg $0xFFFFFFFF;
	(pc) =	sbr.abs _section_cstart, $3  }
0xbe: {  	[dreg:$0x1] =	wrdreg $0xFFFFFFFF  }
0xbf: {  	_ =	task.clear_ibuf [dreg:s5], $0x2FFFF;
	_ =	strace $0x9FFFFFFF  }
0xc0: {  	(tm) =	ssettm $0x7FFFFFFF  }
0xc1: {  	_ =	shalt  }
tec
execute0_lowered:
.L_overlay_start_1:
0x0: {  	(tag) =	ssettag $0x1  }
0x1: {  	s0 =	stileid.u32  }
0x2: {  	s1 =	smin.u32 s0, $0x9  }
0x3: {  	s1 =	sadd.s32 s0, s1  }
0x4: {  	s2 =	simm.s32 $0x190;
	p0 =	slt.u32 s0, $0x9;
	s1 =	smul.u32 $0xC8, s1  }
0x5: {  	s2 =	simm.s32 @!p0 $0xC8  }
0x6: {  	s2 =	sadd.s32 s2, s1  }
0x7: {  	s3 =	smin.u32 s2, $0x1388  }
0x8: {  	s7 =	ssub.s32 s3, s1  }
0x9: {  	p0 =	sgt.s32 s7, $0x0  }
0xa: {  	s7 =	simm.s32 @!p0 $0x0  }
0xb: {  	s31 =	sand.u32 $0xFFF8, s7  }
0xc: {  	s2 =	sshrl.u32 s31, $0x3  }
0xd: {  	s9 =	rddreg [dreg:$0x0];
	s2 =	smul.u32 $0x147B, s2  }
0xe: {  	s4 =	rddreg [dreg:$0x1];
	s6 =	simm.s32 $0x1  }
0xf: {  	s11 =	simm.s32 $0x3;
	s13 =	simm.s32 $0x0;
	s8 =	sshrl.u32 s2, $0x11  }
0x10: {  	s12 =	simm.s32 $0x0;
	s5 =	sadd.s32 $0x36600, s9;
	s10 =	smul.u32 $0xC8, s8  }
.Ltmp0:
0x11: {  	s9 =	sadd.s32 $0x85800, s9;
	s2 =	rddreg [dreg:$0x2];
	(pc) =	sbr.rel .LBB2_1-.Ltmp0, $4  }
0x12: {  	_ =	strace $0x80000050;
	p0 =	sne.s32 s7, s10;
	s10 =	simm.s32 $0x1  }
0x13: {  	[sflag:s6] =	ssyncpa.u1 $0x0;
	s7 =	simm.s32 $0x2;
	s10 =	simm.s32 @!p0 $0x0  }
0x14: {  	[sflag:s7] =	ssyncpa.u1 $0x0;
	p0 =	por $0x0, $0x0;
	s8 =	sadd.s32 s8, s10  }
0x15: {  	vm0 =	vmmov $0xff;
	vm1 =	vcmask $0x3F20;
	[sflag:s11] =	ssyncpa.u1 $0x0;
	s11 =	smov.u32 s1;
	s10 =	sadd.s32 $0x1, s8  }
.LBB2_10:
0x16: {  	[hbm:s17] =	stream.linear.scatter [tilespmem:s14], [sflag:$0x3], $0x800, $0x38;
	[tilespmem:$0x19190] =	vst v63  }
.LBB2_11:
0x17: {  	s13 =	sadd.s32 $0xC8, s11  }
0x18: {  	s15 =	smov.u32 s1;
	p2 =	slt.s32 s13, s3  }
0x19: {  	s15 =	smov.u32 @p2 s13;
	p2 =	sne.s32 s12, s10  }
.Ltmp1:
0x1a: {  	p1 =	slt.u32 s12, $0x2;
	(pc) =	sbr.rel @!p2 .LBB2_12-.Ltmp1, $4  }
0x1b: {  	s14 =	simm.s32 @!p1 $0x3  }
0x1c: {  	s16 =	sadd.s32 $0x1, s12;
	_ =	swait.ge @!p1 [sflag:s14], $0xC800  }
0x1d: {  	p0 =	por !p0, !p0;
	s13 =	smov.u32 s11;
	[sflag:s14] =	ssyncset.done @!p1 $0x0  }
0x1e: {  	s12 =	smov.u32 s16;
	s11 =	smov.u32 s15;
	[sflag:s14] =	ssyncadd.s32 @!p1 $0xFFFF3800  }
.LBB2_1:
0x1f: {  	p1 =	sge.u32 s12, s8  }
0x20: {  	s14 =	sxor.u32 @!p1 $0xFFFFFFFF, s12  }
0x21: {  	s14 =	sand.u32 @!p1 $0x1, s14  }
0x22: {  	s14 =	smul.u32 @!p1 $0x320, s14  }
0x23: {  	s31 =	sadd.s32 $0xFFFFFFFF, s12;
	s15 =	sshrl.u32 @!p1 s11, $0x3  }
0x24: {  	s16 =	sand.u32 @!p1 $0x7, s11;
	s15 =	sadd.s32 @!p1 s9, s15;
	s14 =	sshrl.u32 @!p1 s14, $0x2  }
0x25: {  	[tilespmem:s14], [sflag:$0x2] =	stream.linear.gather @!p1 [hbm4b:s15+s16], $0xC8, $0x38;
	[tilespmem:$0x19190] =	vst v63  }
0x26: {  	p1 =	sge.u32 s31, s8  }
.Ltmp2:
0x27: {  	_ = 	snop;
	(pc) =	sbr.rel @p1 .LBB2_11-.Ltmp2, $1  }
0x28: {  	_ =	sdelay $0x3  }
0x29: {  	s15 =	sand.u32 $0x1, s12  }
0x2a: {  	s14 =	simm.s32 $0x1;
	s16 =	smul.u32 $0x32000, s15  }
0x2b: {  	_ =	swait.ge [sflag:s7], $0xC8;
	s14 =	simm.s32 @!p0 $0x0;
	s15 =	smul.u32 $0x320, s15  }
0x2c: {  	[sflag:s7] =	ssyncset.done $0x0;
	s14 =	smul.u32 $0x32000, s14  }
0x2d: {  	[sflag:s7] =	ssyncadd.s32 $0xFFFFFF38  }
0x2e: {  	s17 =	sshrl.u32 s16, $0x2;
	s16 =	sshrl.u32 s15, $0x2;
	s14 =	sshrl.u32 s14, $0x2  }
0x2f: {  	s15 =	sor.u32 $0x190, s17;
	s17 =	simm.s32 $0x0;
	s14 =	sor.u32 $0x190, s14  }
.LBB2_3:
0x30: {  	s18 =	sshll.u32 s17, $0x4  }
0x31: {  	s18 =	sand.u32 $0x3FFFFFF0, s18  }
0x32: {  	s18 =	sadd.s32 s18, s16  }
0x33: {  	v0 =	vld.msk [tilespmem:s18+$0x0 ss:$0x1], $0xffff;
	_ =	sdelay $0x4  }
0x34: {  	vm2 =	vgt.s32 v0, $0x0  }
0x35: {  	v0 =	vnsel vm2, $0x0, v0  }
0x36: {  	v0 =	vmin.u32 v0, $0x270F  }
0x37: {  	s31 =	sshll.u32 s17, $0xC;
	v1 =	vshll.u32 v0, $0x5;
	v0 =	vshll.u32 v0, $0x4  }
0x38: {  	s18 =	sand.u32 $0x3FFFF000, s31;
	v1 =	vand.u32 $0x7FF00, v1;
	v0 =	vand.u32 $0x70, v0  }
0x39: {  	p1 =	por $0x1, $0x1;
	s19 =	simm.s32 $0x0;
	s18 =	sadd.s32 s18, s15;
	v0 =	vor.u32 v0, v1  }
.LBB2_4:
0x3a: {  	_ =	sdelay $0x1  }
0x3b: {  	s19 =	sshra.s32 s19, $0x2;
	p2 =	por p1, p1  }
.Ltmp3:
0x3c: {  	s19 =	sadd.s32 s19, s18;
	(pc) =	sbr.rel @p2 .LBB2_4-.Ltmp3, $4  }
0x3d: {  	[tilespmem:s19], [sflag:$0x1] =	stream.indirect_vreg.gather [hbm:s5], $0x80, v0, vm0, $0x38;
	[tilespmem:$0x19190] =	vst v63  }
0x3e: {  	s19 =	sadd.s32 $0x800, s19  }
0x3f: {  	[tilespmem:s19], [sflag:$0x1] =	stream.indirect_vreg.gather [hbm:s5], $0x80, v0, vm1, $0x38;
	[tilespmem:$0x19190] =	vst v63  }
0x40: {  	p1 =	por $0x0, $0x0;
	v0 =	vadd.s32 $0x80, v0;
	s19 =	simm.s32 $0x1000  }
0x41: {  	s17 =	sadd.s32 $0x1, s17  }
0x42: {  	p1 =	sne.s32 s17, $0xC  }
.Ltmp4:
0x43: {  	_ = 	snop;
	(pc) =	sbr.rel @p1 .LBB2_3-.Ltmp4, $1  }
0x44: {  	_ =	sdelay $0x3  }
0x45: {  	v0 =	vld.msk [tilespmem:s16+$0xC0 ss:$0x1], $0xff;
	_ =	sdelay $0x4  }
0x46: {  	vm2 =	vgt.s32 v0, $0x0  }
0x47: {  	v0 =	vnsel vm2, $0x0, v0  }
0x48: {  	v0 =	vmin.u32 v0, $0x270F  }
0x49: {  	v1 =	vshll.u32 v0, $0x5;
	v0 =	vshll.u32 v0, $0x4  }
0x4a: {  	v1 =	vand.u32 $0x7FF00, v1;
	v0 =	vand.u32 $0x70, v0  }
0x4b: {  	s16 =	simm.s32 $0x0;
	p1 =	por $0x1, $0x1;
	v0 =	vor.u32 v0, v1  }
.LBB2_7:
0x4c: {  	p2 =	por p1, p1  }
.Ltmp5:
0x4d: {  	s16 =	sshra.s32 s16, $0x2;
	(pc) =	sbr.rel @p2 .LBB2_7-.Ltmp5, $4  }
0x4e: {  	s16 =	sadd.s32 s16, s15  }
0x4f: {  	s16 =	sadd.s32 $0xC000, s16  }
0x50: {  	[tilespmem:s16], [sflag:$0x1] =	stream.indirect_vreg.gather [hbm:s5], $0x80, v0, vm0, $0x38;
	[tilespmem:$0x19190] =	vst v63  }
0x51: {  	p1 =	por $0x0, $0x0;
	v0 =	vadd.s32 $0x80, v0;
	s16 =	simm.s32 $0x1000  }
0x52: {  	s15 =	sshll.u32 s13, $0x5  }
0x53: {  	s31 =	sshll.u32 s13, $0x4;
	s15 =	sand.u32 $0xFFFFFF00, s15  }
0x54: {  	_ =	swait.ge [sflag:s6], $0xC800;
	s13 =	sand.u32 $0x70, s31;
	s15 =	sadd.s32 s15, s4  }
0x55: {  	s16 =	sadd.s32 $0x800, s14;
	[sflag:s6] =	ssyncset.done $0x0;
	s13 =	sadd.s32 s13, s15  }
0x56: {  	[sflag:s6] =	ssyncadd.s32 $0xFFFF3800;
	s15 =	simm.s32 $0x100;
	s17 =	sadd.s32 $0x0, s13  }
.LBB2_9:
0x57: {  	[hbm:s17] =	stream.linear.scatter [tilespmem:s14], [sflag:$0x3], $0x800, $0x38;
	[tilespmem:$0x19190] =	vst v63  }
0x58: {  	s17 =	smov.u32 s15;
	s14 =	smov.u32 s16;
	p1 =	sne.s32 s15, $0x1800  }
.Ltmp6:
0x59: {  	s15 =	sadd.s32 $0x100, s15;
	(pc) =	sbr.rel @p1 .LBB2_9-.Ltmp6, $2  }
0x5a: {  	_ =	sdelay $0x2  }
0x5b: {  	s16 =	sadd.s32 $0x800, s16;
	s17 =	sadd.s32 s17, s13  }
.Ltmp7:
0x5c: {  	_ = 	snop;
	(pc) =	sbr.rel .LBB2_10-.Ltmp7, $1  }
0x5d: {  	_ =	sdelay $0x3  }
.LBB2_12:
0x5e: {  	_ =	sfence.sel $0x180000  }
0x5f: {  	s1 =	simm.s32 $0x2;
	[bflag:$0x0] =	sbarrier.arrive $0xFFFF  }
0x60: {  	s30 =	simm.s32 $0x3;
	[sflag:s1] =	ssyncpa.u1 $0x1  }
0x61: {  	s31 =	simm.s32 $0x1;
	[sflag:s30] =	ssyncpa.u1 $0x1  }
0x62: {  	[sflag:s31] =	ssyncpa.u1 $0x1  }
0x63: {  	p0 =	sne.s32 s0, $0x0;
	_ =	strace $0x90000050  }
0x64: {  	s0 =	sadd.s32 @!p0 $0x100000, s2;
	[bflag:$0x2] =	sbarrier.arrive $0xFFFF  }
0x65: {  	[sflag:s0] =	ssyncadd.tile.s32 @!p0 $0x1;
	_ =	shalt  }
.Lfunc_end2:
_tile_overlayer_lowered:
.L_overlay_start_2:
0x66: {  	(tag) =	ssettag $0x2  }
0x67: {  	s0 =	rddreg [dreg:$0x0];
	s2 =	stileid.u32  }
0x68: {  	s1 =	rddreg [dreg:$0x1];
	p0 =	sne.s32 s2, $0x0  }
0x69: {  	s3 =	rddreg [dreg:$0x2];
	[bflag:$0x3] =	sbarrier.arrive $0xFFFF;
	s2 =	simm.s32 @!p0 $0x1C01  }
0x6a: {  	[timem:s3], [sflag:s2] =	dma.local @!p0 [hbm:s0], s1  }
0x6b: {  	s0 =	simm.s32 @!p0 $0x1  }
0x6c: {  	_ =	swait.ge @!p0 [sflag:s0], s1  }
0x6d: {  	s1 =	ssub.s32 @!p0 $0x0, s1;
	[sflag:s0] =	ssyncset.done @!p0 $0x0  }
0x6e: {  	[sflag:s0] =	ssyncadd.s32 @!p0 s1  }
0x6f: {  	[bflag:$0x3] =	sbarrier.arrive $0xFFFF  }
0x70: {  	_ =	shalt  }

// kernel: kernel.16.cloned.1.call-start
scs
__scs_entry_jumppad:
0x0: {  	(pc) =	sbr.rel $0x88, $3  }
0x1: {  	(tag) =	ssettag $0x0;
	lr =	simm.s32 $0x1  }
0x2: {  	[smem:$0x3F95] =	sst lr;
	_ =	strace $0xD0000000  }
0x3: {  	_ = 	snop  }
0x4: {  	_ = 	snop  }
0x5: {  	_ = 	snop  }
0x6: {  	_ = 	snop  }
0x7: {  	_ = 	snop  }
__scs_overlays_trampoline_lowered:
0x8: {  	[smem:$0x3FA4] =	sst s0  }
0x9: {  	[smem:$0x3FA5] =	sst s1  }
0xa: {  	[smem:$0x3FA6] =	sst s2  }
0xb: {  	[smem:$0x3FA7] =	sst s3  }
0xc: {  	[smem:$0x3FA8] =	sst s4  }
0xd: {  	[smem:$0x3FA9] =	sst s5  }
0xe: {  	[smem:$0x3FAA] =	sst s6  }
0xf: {  	[smem:$0x3FAB] =	sst s7  }
0x10: {  	[smem:$0x3FAC] =	sst s8  }
0x11: {  	[smem:$0x3FAD] =	sst s9;
	s0 =	simm.s32 @!p0 $0x0  }
0x12: {  	s1 =	sld [smem:$0x3F93];
	s0 =	simm.s32 @p0 $0x1  }
0x13: {  	[smem:$0x3FAE] =	sst s0;
	s0 =	simm.s32 @!p1 $0x0  }
0x14: {  	s2 =	sld [smem:$0x3F92];
	s0 =	simm.s32 @p1 $0x1  }
0x15: {  	[smem:$0x3FAF] =	sst s0;
	s0 =	simm.s32 @!p2 $0x0  }
0x16: {  	s3 =	sld [smem:$0x3FDB];
	s0 =	simm.s32 @p2 $0x1  }
0x17: {  	s4 =	simm.s32 $0x1BF5;
	[smem:$0x3FB1] =	sst s0  }
0x18: {  	s0 =	sld [smem:$0x3F94];
	_ =	swait.ge [sflag:s4], $0x0  }
0x19: {  	s7 =	sld [smem:$0x3F95]  }
0x1a: {  	s8 =	sadd.s32 $0xFFFFE003, lr  }
0x1b: {  	s9 =	sadd.s32 $0xFFFFFEF7, lr;
	s5 =	simm.s32 $0xFFFFFFFF;
	p2 =	slt.u32 s8, $0xFFFFF086  }
0x1c: {  	p1 =	slt.u32 s9, $0xF7A;
	s5 =	simm.s32 @!p2 $0x0  }
0x1d: {  	s5 =	simm.s32 @p1 $0x1;
	p0 =	seq.s32 s7, s2  }
0x1e: {  	s7 =	smul.u32 @!p0 $0xF7A, s2;
	p2 =	seq.s32 @!p0 s5, $0x0  }
0x1f: {  	s9 =	smul.u32 $0xF7A, s1;
	s8 =	simm.s32 @!p0 $0x1BF5;
	p2 =	por !p2, p0  }
0x20: {  	[sflag:s8] =	ssyncset.s32 @!p0 $0xFFFFF086;
	s6 =	sadd.s32 @!p0 s3, s7;
	s7 =	simm.s32 @!p0 $0x108  }
0x21: {  	s3 =	sadd.s32 s3, s9;
	s6 =	sadd.s32 @!p0 $0x88, s6;
	s7 =	simm.s32 @p2 $0x1082  }
0x22: {  	[simem:s7], [sflag:s8] =	dma.local @!p0 [hbm:s6], $0xF7A  }
0x23: {  	s9 =	sor.u32 $0xD0000000, s2;
	s6 =	simm.s32 $0x108;
	_ =	swait.ge @!p0 [sflag:s8], $0x0  }
0x24: {  	s3 =	sadd.s32 $0x88, s3;
	s6 =	simm.s32 @!p1 $0x1082;
	[sflag:s4] =	ssyncset.s32 $0xFFFFF086  }
0x25: {  	[simem:s6], [sflag:s4] =	dma.local [hbm:s3], $0xF7A  }
0x26: {  	[smem:$0x3F95] =	sst s1;
	(tag) =	ssettag s2;
	_ =	strace s9  }
0x27: {  	s1 =	sld [smem:$0x3FA5]  }
0x28: {  	s2 =	sld [smem:$0x3FA6]  }
0x29: {  	s4 =	sld [smem:$0x3FA8]  }
0x2a: {  	p0 =	seq.s32 s5, $0x0;
	s5 =	sld [smem:$0x3FA9]  }
0x2b: {  	s6 =	sld [smem:$0x3FAA]  }
0x2c: {  	s7 =	sld [smem:$0x3FAB]  }
0x2d: {  	s3 =	simm.s32 $0x108;
	s8 =	sld [smem:$0x3FAC]  }
0x2e: {  	s3 =	simm.s32 @!p0 $0x1082;
	s9 =	sld [smem:$0x3FAD]  }
0x2f: {  	lr =	sadd.s32 s0, s3;
	s0 =	sld [smem:$0x3FA4]  }
0x30: {  	s3 =	sld [smem:$0x3FA7]  }
0x31: {  	[smem:$0x3FB0] =	sst s10  }
0x32: {  	s10 =	sld [smem:$0x3FAE];
	_ =	sdelay $0x3  }
0x33: {  	p0 =	seq.s32 s10, $0x1;
	s10 =	sld [smem:$0x3FB0];
	_ =	sdelay $0x3  }
0x34: {  	[smem:$0x3FB0] =	sst s10  }
0x35: {  	s10 =	sld [smem:$0x3FAF];
	_ =	sdelay $0x3  }
0x36: {  	p1 =	seq.s32 s10, $0x1;
	s10 =	sld [smem:$0x3FB0];
	_ =	sdelay $0x3  }
0x37: {  	[smem:$0x3FB0] =	sst s10  }
0x38: {  	s10 =	sld [smem:$0x3FB1]  }
0x39: {  	_ = 	snop;
	(pc) =	sbr.ind lr, $3  }
0x3a: {  	_ = 	snop  }
0x3b: {  	_ = 	snop  }
0x3c: {  	p2 =	seq.s32 s10, $0x1;
	s10 =	sld [smem:$0x3FB0]  }
0x3d: {  	_ =	shalt  }
0x3e: {  	_ =	shalt  }
0x3f: {  	_ =	shalt  }
0x40: {  	_ =	shalt  }
0x41: {  	_ =	shalt  }
0x42: {  	_ =	shalt  }
0x43: {  	_ =	shalt  }
0x44: {  	_ =	shalt  }
0x45: {  	_ =	shalt  }
0x46: {  	_ =	shalt  }
0x47: {  	_ =	shalt  }
0x48: {  	_ =	shalt  }
0x49: {  	_ =	shalt  }
0x4a: {  	_ =	shalt  }
0x4b: {  	_ =	shalt  }
0x4c: {  	_ =	shalt  }
0x4d: {  	_ =	shalt  }
0x4e: {  	_ =	shalt  }
0x4f: {  	_ =	shalt  }
0x50: {  	_ =	shalt  }
0x51: {  	_ =	shalt  }
0x52: {  	_ =	shalt  }
0x53: {  	_ =	shalt  }
0x54: {  	_ =	shalt  }
0x55: {  	_ =	shalt  }
0x56: {  	_ =	shalt  }
0x57: {  	_ =	shalt  }
0x58: {  	_ =	shalt  }
0x59: {  	_ =	shalt  }
0x5a: {  	_ =	shalt  }
0x5b: {  	_ =	shalt  }
0x5c: {  	_ =	shalt  }
0x5d: {  	_ =	shalt  }
0x5e: {  	_ =	shalt  }
0x5f: {  	_ =	shalt  }
0x60: {  	_ =	shalt  }
0x61: {  	_ =	shalt  }
0x62: {  	_ =	shalt  }
0x63: {  	_ =	shalt  }
0x64: {  	_ =	shalt  }
0x65: {  	_ =	shalt  }
0x66: {  	_ =	shalt  }
0x67: {  	_ =	shalt  }
0x68: {  	_ =	shalt  }
0x69: {  	_ =	shalt  }
0x6a: {  	_ =	shalt  }
0x6b: {  	_ =	shalt  }
0x6c: {  	_ =	shalt  }
0x6d: {  	_ =	shalt  }
0x6e: {  	_ =	shalt  }
0x6f: {  	_ =	shalt  }
0x70: {  	_ =	shalt  }
0x71: {  	_ =	shalt  }
0x72: {  	_ =	shalt  }
0x73: {  	_ =	shalt  }
0x74: {  	_ =	shalt  }
0x75: {  	_ =	shalt  }
0x76: {  	_ =	shalt  }
0x77: {  	_ =	shalt  }
0x78: {  	_ =	shalt  }
0x79: {  	_ =	shalt  }
0x7a: {  	_ =	shalt  }
0x7b: {  	_ =	shalt  }
0x7c: {  	_ =	shalt  }
0x7d: {  	_ =	shalt  }
0x7e: {  	_ =	shalt  }
0x7f: {  	_ =	shalt  }
0x80: {  	_ =	shalt  }
0x81: {  	_ =	shalt  }
0x82: {  	_ =	shalt  }
0x83: {  	_ =	shalt  }
0x84: {  	_ =	shalt  }
0x85: {  	_ =	shalt  }
0x86: {  	_ =	shalt  }
0x87: {  	_ =	shalt  }
.Lfunc_end0:
.L_simem_size_0:
called_computation.1_lowered:
.L_overlay_start_0:
0x88: {  	s2 =	sld [smem:$0x3FD9]  }
0x89: {  	s3 =	sld [smem:$0x3FFE];
	_ =	sdelay $0x1  }
0x8a: {  	s1 =	srdreg.scid  }
0x8b: {  	s0 =	sand.u32 $0x1, s1  }
0x8c: {  	s16 =	sshll.u32 s0, $0xA;
	s2 =	sadd.s32 s3, s2  }
0x8d: {  	s2 =	sadd.s32 s2, s16  }
0x8e: {  	[smem:$0x3FBC] =	sst s2  }
0x8f: {  	_ = 	snop  }
0x90: {  	(tm) =	ssettm $0x1  }
0x91: {  	s17 =	sld [smem:$0x3FFB];
	_ =	sdelay $0x3  }
0x92: {  	_ =	strace s17  }
0x93: {  	s2 =	sld [smem:$0x3FFC];
	_ =	sdelay $0x3  }
0x94: {  	_ =	strace s2  }
0x95: {  	s2 =	sld [smem:$0x3FFD];
	_ =	sdelay $0x3  }
0x96: {  	_ =	strace s2  }
0x97: {  	_ =	strace $0x8FFFFFFF  }
0x98: {  	s18 =	sld [smem:$0x3FDB];
	_ =	sdelay $0x1  }
0x99: {  	s19 =	simm.s32 $_scs_section_size  }
0x9a: {  	s4 =	simm.s32 $_size__tile_overlayer_lowered;
	s5 =	simm.s32 $_tile_overlayer_lowered  }
0x9b: {  	s22 =	simm.s32 $0x1BFF;
	s21 =	sshll.u32 s5, $0x1;
	s2 =	sadd.s32 s19, s18  }
0x9c: {  	s6 =	simm.s32 $0x0;
	s20 =	sshll.u32 s4, $0x1;
	s4 =	sadd.s32 s21, s2  }
0x9d: {  	[timem:s6], [sflag:s22] =	dma.local [hbm:s4], s20  }
0x9e: {  	_ =	swait.ge [sflag:s22], s20  }
0x9f: {  	s3 =	ssub.s32 $0x0, s20;
	[sflag:s22] =	ssyncset.done $0x0  }
0xa0: {  	[sflag:s22] =	ssyncadd.s32 s3;
	_ =	sdelay $0x1  }
0xa1: {  	s23 =	simm.s32 $0x1B8B  }
0xa2: {  	_ =	swait.ge [sflag:s23], $0x1  }
0xa3: {  	[sflag:s23] =	ssyncset.done $0x0  }
0xa4: {  	s25 =	simm.s32 $0x1B8E;
	s24 =	sld [smem:$0x3FFE];
	[sflag:s23] =	ssyncadd.s32 $0xFFFFFFFF  }
0xa5: {  	s26 =	simm.s32 $execute0_lowered;
	[smem:$0x3FD2] =	sst s25  }
0xa6: {  	s4 =	sshll.u32 s26, $0x1;
	_ =	strace $0x80000046;
	[dreg:$0x1] =	wrdreg $0xFFFFFFFF  }
0xa7: {  	s28 =	simm.s32 $_size_execute0_lowered;
	s2 =	sadd.s32 s2, s4;
	[dreg:$0x0] =	wrdreg $0x0  }
0xa8: {  	s4 =	sshll.u32 s28, $0x1;
	[dreg:$0x2] =	wrdreg s2  }
0xa9: {  	[dreg:$0x3] =	wrdreg s4  }
0xaa: {  	[dreg:$0x4] =	wrdreg $0xC0  }
0xab: {  	_ =	task [dreg:s6], $0x5FFFF  }
0xac: {  	[dreg:$0x1] =	wrdreg $0xFFFFFFFF  }
0xad: {  	[dreg:$0x0] =	wrdreg $0x60  }
0xae: {  	[dreg:$0x2] =	wrdreg s24  }
0xaf: {  	[dreg:$0x3] =	wrdreg $0x0  }
0xb0: {  	[dreg:$0x4] =	wrdreg $0x9  }
0xb1: {  	_ =	task.clear_ibuf [dreg:s6], $0x5FFFF;
	_ =	strace $0x90000046  }
0xb2: {  	s29 =	simm.s32 $0x9;
	_ =	strace $0x80000048  }
0xb3: {  	_ =	swait.ge [sflag:s29], $0x1  }
0xb4: {  	[sflag:s29] =	ssyncadd.s32 $0xFFFFFFFF  }
0xb5: {  	_ =	strace $0x90000048  }
0xb6: {  	_ =	sfence  }
0xb7: {  	s30 =	sld [smem:$0x0];
	_ =	sdelay $0x2  }
0xb8: {  	s31 =	sshll.u32 s1, $0xD;
	s1 =	sshrl.u32 s1, $0x2  }
0xb9: {  	s3 =	sand.u32 $0x4000, s31;
	s1 =	sadd.s32 s1, s30  }
0xba: {  	s0 =	sor.u32 s3, s0;
	s1 =	sshll.u32 s1, $0x11  }
0xbb: {  	s0 =	sor.u32 s1, s0  }
0xbc: {  	s0 =	sadd.s32 $0x8F2B, s0  }
0xbd: {  	[sflag:s0] =	ssyncadd.remote.s32 $0x1  }
0xbe: {  	_ =	sfence.sel $0xFFFF  }
0xbf: {  	[dreg:$0x0] =	wrdreg $0xFFFFFFFF;
	(pc) =	sbr.abs _section_cstart, $3  }
0xc0: {  	[dreg:$0x1] =	wrdreg $0xFFFFFFFF  }
0xc1: {  	_ =	task.clear_ibuf [dreg:s6], $0x2FFFF;
	_ =	strace $0x9FFFFFFF  }
0xc2: {  	(tm) =	ssettm $0x7FFFFFFF  }
0xc3: {  	_ =	shalt  }
tec
execute0_lowered:
.L_overlay_start_1:
0x0: {  	(tag) =	ssettag $0x1  }
0x1: {  	s1 =	srdreg.scid;
	s5 =	rddreg [dreg:$0x0]  }
0x2: {  	s0 =	stileid.u32;
	s2 =	rddreg [dreg:$0x1]  }
0x3: {  	s3 =	simm.s32 $0x0;
	s12 =	simm.s32 $0x64;
	s13 =	simm.s32 $0x17400  }
0x4: {  	s14 =	simm.s32 $0x1;
	s15 =	simm.s32 $0x0;
	s7 =	smul.u32 $0x2800, s0  }
0x5: {  	s4 =	sand.u32 $0x1, s1;
	s26 =	sshll.u32 s0, $0x1;
	s9 =	smul.u32 $0x50000, s0  }
0x6: {  	[smem:$0x7FF] =	sst s3;
	s1 =	sor.u32 s4, s26;
	s8 =	smul.u32 $0x28000, s4  }
0x7: {  	s31 =	sshll.u32 s0, $0x6;
	s4 =	ssub.s32 $0x2, s4;
	s6 =	smul.u32 $0x680, s1  }
0x8: {  	s1 =	rddreg [dreg:$0x2];
	_ =	strace $0x80000047;
	s10 =	sadd.s32 s7, s5  }
0x9: {  	s28 =	sshrl.u32 s4, $0x1;
	s29 =	sshrl.u32 s9, $0x2;
	s9 =	simm.s32 $0x2  }
0xa: {  	s7 =	sadd.s32 s7, s8;
	s30 =	ssub.s32 s4, s28;
	s11 =	sadd.s32 s29, s2  }
0xb: {  	s8 =	simm.s32 $0x14000;
	s6 =	sadd.s32 s6, s5;
	s7 =	sadd.s32 s7, s5  }
0xc: {  	v0 =	vimm.f32 $0.0e+00;
	vm0 =	vcmask $0x300;
	s5 =	sadd.s32 $0xE000, s10;
	s10 =	sor.u32 $0x1C02, s31;
	s11 =	sshrl.u32 s11, $0x3  }
0xd: {  	v1 =	vsel vm0, $0x3F800000, v0;
	s4 =	sadd.s32 $0x1000, s6;
	s6 =	sadd.s32 $0x36000, s7;
	s7 =	smax.u32 s30, $0x1  }
.LBB2_1:
0xe: {  	[tilespmem:s8], [sflag:$0x2] =	stream.linear.gather [hbm4b:s4+s3], $0x3200, $0x38;
	[tilespmem:$0x1A800] =	vst v63  }
0xf: {  	_ =	swait.ge [sflag:s9], $0x3200  }
0x10: {  	[sflag:s9] =	ssyncset.done $0x0  }
0x11: {  	[sflag:s9] =	ssyncadd.s32 $0xFFFFCE00  }
0x12: {  	[spmem:s11], [sflag:s10] =	dma.local [hbm:s5], $0x2800  }
0x13: {  	_ =	swait.ge [sflag:s9], $0x2800  }
0x14: {  	[sflag:s9] =	ssyncset.done $0x0  }
0x15: {  	s16 =	simm.s32 $0x0;
	s17 =	simm.s32 $0x200;
	[sflag:s9] =	ssyncadd.s32 $0xFFFFD800  }
.LBB2_2:
0x16: {  	p0 =	sne.s32 s17, $0xC600;
	[tilespmem:s16+$0x17400] =	vst v1  }
0x17: {  	[tilespmem:s16+$0x17410] =	vst v0  }
0x18: {  	[tilespmem:s16+$0x17420] =	vst v0  }
.Ltmp0:
0x19: {  	[tilespmem:s16+$0x17430] =	vst v0;
	(pc) =	sbr.rel @p0 .LBB2_2-.Ltmp0, $4  }
0x1a: {  	[tilespmem:s16+$0x17440] =	vst v0  }
0x1b: {  	[tilespmem:s16+$0x17450] =	vst v0  }
0x1c: {  	[tilespmem:s16+$0x17460] =	vst v0  }
0x1d: {  	[tilespmem:s16+$0x17470] =	vst v0;
	s16 =	sshra.s32 s17, $0x2;
	s17 =	sadd.s32 $0x200, s17  }
0x1e: {  	[tilespmem:s16+$0x17400] =	vst v1  }
0x1f: {  	[tilespmem:s16+$0x17410] =	vst v0  }
0x20: {  	[tilespmem:s16+$0x17420] =	vst v0  }
0x21: {  	[tilespmem:s16+$0x17430] =	vst v0  }
0x22: {  	[tilespmem:s16+$0x17440] =	vst v0  }
0x23: {  	[tilespmem:s16+$0x17450] =	vst v0  }
0x24: {  	[tilespmem:s16+$0x17460] =	vst v0  }
0x25: {  	[tilespmem:s16+$0x17470] =	vst v0  }
0x26: {  	s31 =	simm.s32 $0x14000;
	[bflag:$0x0] =	sbarrier.arrive $0xFFFF  }
0x27: {  	[spmem:s2] =	stream.indirect.scatter.add.f32 [tilespmem:s13], [sflag:$0x1], $0x80, s31, s12, $0xb8;
	[tilespmem:$0x1A800] =	vst v63  }
0x28: {  	s16 =	simm.s32 $0x200;
	_ =	swait.ge [sflag:s14], $0x3200  }
.LBB2_4:
0x29: {  	s17 =	sshra.s32 s16, $0x2;
	[sflag:s14] =	ssyncset.done $0x0;
	p0 =	sne.s32 s16, $0xC600  }
.Ltmp1:
0x2a: {  	s17 =	sadd.s32 $0x14000, s17;
	[sflag:s14] =	ssyncadd.s32 $0xFFFFCE00;
	(pc) =	sbr.rel @p0 .LBB2_4-.Ltmp1, $3  }
0x2b: {  	[spmem:s2] =	stream.indirect.scatter.add.f32 [tilespmem:s13], [sflag:$0x1], $0x80, s17, s12, $0xb8;
	[tilespmem:$0x1A800] =	vst v63  }
0x2c: {  	s16 =	sadd.s32 $0x200, s16;
	_ =	sdelay $0x1  }
0x2d: {  	_ =	swait.ge [sflag:s14], $0x3200  }
0x2e: {  	[sflag:s14] =	ssyncset.done $0x0;
	s15 =	sadd.s32 $0x1, s15  }
0x2f: {  	[sflag:s14] =	ssyncadd.s32 $0xFFFFCE00;
	p0 =	sne.s32 s15, s7  }
.Ltmp2:
0x30: {  	[bflag:$0x0] =	sbarrier.arrive $0xFFFF;
	(pc) =	sbr.rel @p0 .LBB2_1-.Ltmp2, $4  }
0x31: {  	[hbm:s6], [sflag:s10] =	dma.local [spmem:s11], $0x2800  }
0x32: {  	_ =	swait.ge [sflag:s9], $0x2800  }
0x33: {  	[sflag:s9] =	ssyncset.done $0x0  }
0x34: {  	[sflag:s9] =	ssyncadd.s32 $0xFFFFD800  }
0x35: {  	_ =	sfence.sel $0x180000  }
0x36: {  	[bflag:$0x0] =	sbarrier.arrive $0xFFFF  }
0x37: {  	p0 =	sne.s32 s0, $0x0;
	_ =	strace $0x90000047  }
0x38: {  	s0 =	sadd.s32 @!p0 $0x100000, s1;
	[bflag:$0x2] =	sbarrier.arrive $0xFFFF  }
0x39: {  	[sflag:s0] =	ssyncadd.tile.s32 @!p0 $0x1;
	_ =	shalt  }
.Lfunc_end2:
_tile_overlayer_lowered:
.L_overlay_start_2:
0x3a: {  	(tag) =	ssettag $0x2  }
0x3b: {  	s0 =	rddreg [dreg:$0x0];
	s2 =	stileid.u32  }
0x3c: {  	s1 =	rddreg [dreg:$0x1];
	p0 =	sne.s32 s2, $0x0  }
0x3d: {  	s3 =	rddreg [dreg:$0x2];
	[bflag:$0x3] =	sbarrier.arrive $0xFFFF;
	s2 =	simm.s32 @!p0 $0x1C02  }
0x3e: {  	[timem:s3], [sflag:s2] =	dma.local @!p0 [hbm:s0], s1  }
0x3f: {  	s0 =	simm.s32 @!p0 $0x2  }
0x40: {  	_ =	swait.ge @!p0 [sflag:s0], s1  }
0x41: {  	s1 =	ssub.s32 @!p0 $0x0, s1;
	[sflag:s0] =	ssyncset.done @!p0 $0x0  }
0x42: {  	[sflag:s0] =	ssyncadd.s32 @!p0 s1  }
0x43: {  	[bflag:$0x3] =	sbarrier.arrive $0xFFFF  }
0x44: {  	_ =	shalt  }

// kernel: kernel.19.cloned.1.call-start
scs
__scs_entry_jumppad:
0x0: {  	(pc) =	sbr.rel $0x88, $3  }
0x1: {  	(tag) =	ssettag $0x0;
	lr =	simm.s32 $0x1  }
0x2: {  	[smem:$0x3F95] =	sst lr;
	_ =	strace $0xD0000000  }
0x3: {  	_ = 	snop  }
0x4: {  	_ = 	snop  }
0x5: {  	_ = 	snop  }
0x6: {  	_ = 	snop  }
0x7: {  	_ = 	snop  }
__scs_overlays_trampoline_lowered:
0x8: {  	[smem:$0x3FA4] =	sst s0  }
0x9: {  	[smem:$0x3FA5] =	sst s1  }
0xa: {  	[smem:$0x3FA6] =	sst s2  }
0xb: {  	[smem:$0x3FA7] =	sst s3  }
0xc: {  	[smem:$0x3FA8] =	sst s4  }
0xd: {  	[smem:$0x3FA9] =	sst s5  }
0xe: {  	[smem:$0x3FAA] =	sst s6  }
0xf: {  	[smem:$0x3FAB] =	sst s7  }
0x10: {  	[smem:$0x3FAC] =	sst s8  }
0x11: {  	[smem:$0x3FAD] =	sst s9;
	s0 =	simm.s32 @!p0 $0x0  }
0x12: {  	s1 =	sld [smem:$0x3F93];
	s0 =	simm.s32 @p0 $0x1  }
0x13: {  	[smem:$0x3FAE] =	sst s0;
	s0 =	simm.s32 @!p1 $0x0  }
0x14: {  	s2 =	sld [smem:$0x3F92];
	s0 =	simm.s32 @p1 $0x1  }
0x15: {  	[smem:$0x3FAF] =	sst s0;
	s0 =	simm.s32 @!p2 $0x0  }
0x16: {  	s3 =	sld [smem:$0x3FDB];
	s0 =	simm.s32 @p2 $0x1  }
0x17: {  	s4 =	simm.s32 $0x1BF5;
	[smem:$0x3FB1] =	sst s0  }
0x18: {  	s0 =	sld [smem:$0x3F94];
	_ =	swait.ge [sflag:s4], $0x0  }
0x19: {  	s7 =	sld [smem:$0x3F95]  }
0x1a: {  	s8 =	sadd.s32 $0xFFFFE003, lr  }
0x1b: {  	s9 =	sadd.s32 $0xFFFFFEF7, lr;
	s5 =	simm.s32 $0xFFFFFFFF;
	p2 =	slt.u32 s8, $0xFFFFF086  }
0x1c: {  	p1 =	slt.u32 s9, $0xF7A;
	s5 =	simm.s32 @!p2 $0x0  }
0x1d: {  	s5 =	simm.s32 @p1 $0x1;
	p0 =	seq.s32 s7, s2  }
0x1e: {  	s7 =	smul.u32 @!p0 $0xF7A, s2;
	p2 =	seq.s32 @!p0 s5, $0x0  }
0x1f: {  	s9 =	smul.u32 $0xF7A, s1;
	s8 =	simm.s32 @!p0 $0x1BF5;
	p2 =	por !p2, p0  }
0x20: {  	[sflag:s8] =	ssyncset.s32 @!p0 $0xFFFFF086;
	s6 =	sadd.s32 @!p0 s3, s7;
	s7 =	simm.s32 @!p0 $0x108  }
0x21: {  	s3 =	sadd.s32 s3, s9;
	s6 =	sadd.s32 @!p0 $0x88, s6;
	s7 =	simm.s32 @p2 $0x1082  }
0x22: {  	[simem:s7], [sflag:s8] =	dma.local @!p0 [hbm:s6], $0xF7A  }
0x23: {  	s9 =	sor.u32 $0xD0000000, s2;
	s6 =	simm.s32 $0x108;
	_ =	swait.ge @!p0 [sflag:s8], $0x0  }
0x24: {  	s3 =	sadd.s32 $0x88, s3;
	s6 =	simm.s32 @!p1 $0x1082;
	[sflag:s4] =	ssyncset.s32 $0xFFFFF086  }
0x25: {  	[simem:s6], [sflag:s4] =	dma.local [hbm:s3], $0xF7A  }
0x26: {  	[smem:$0x3F95] =	sst s1;
	(tag) =	ssettag s2;
	_ =	strace s9  }
0x27: {  	s1 =	sld [smem:$0x3FA5]  }
0x28: {  	s2 =	sld [smem:$0x3FA6]  }
0x29: {  	s4 =	sld [smem:$0x3FA8]  }
0x2a: {  	p0 =	seq.s32 s5, $0x0;
	s5 =	sld [smem:$0x3FA9]  }
0x2b: {  	s6 =	sld [smem:$0x3FAA]  }
0x2c: {  	s7 =	sld [smem:$0x3FAB]  }
0x2d: {  	s3 =	simm.s32 $0x108;
	s8 =	sld [smem:$0x3FAC]  }
0x2e: {  	s3 =	simm.s32 @!p0 $0x1082;
	s9 =	sld [smem:$0x3FAD]  }
0x2f: {  	lr =	sadd.s32 s0, s3;
	s0 =	sld [smem:$0x3FA4]  }
0x30: {  	s3 =	sld [smem:$0x3FA7]  }
0x31: {  	[smem:$0x3FB0] =	sst s10  }
0x32: {  	s10 =	sld [smem:$0x3FAE];
	_ =	sdelay $0x3  }
0x33: {  	p0 =	seq.s32 s10, $0x1;
	s10 =	sld [smem:$0x3FB0];
	_ =	sdelay $0x3  }
0x34: {  	[smem:$0x3FB0] =	sst s10  }
0x35: {  	s10 =	sld [smem:$0x3FAF];
	_ =	sdelay $0x3  }
0x36: {  	p1 =	seq.s32 s10, $0x1;
	s10 =	sld [smem:$0x3FB0];
	_ =	sdelay $0x3  }
0x37: {  	[smem:$0x3FB0] =	sst s10  }
0x38: {  	s10 =	sld [smem:$0x3FB1]  }
0x39: {  	_ = 	snop;
	(pc) =	sbr.ind lr, $3  }
0x3a: {  	_ = 	snop  }
0x3b: {  	_ = 	snop  }
0x3c: {  	p2 =	seq.s32 s10, $0x1;
	s10 =	sld [smem:$0x3FB0]  }
0x3d: {  	_ =	shalt  }
0x3e: {  	_ =	shalt  }
0x3f: {  	_ =	shalt  }
0x40: {  	_ =	shalt  }
0x41: {  	_ =	shalt  }
0x42: {  	_ =	shalt  }
0x43: {  	_ =	shalt  }
0x44: {  	_ =	shalt  }
0x45: {  	_ =	shalt  }
0x46: {  	_ =	shalt  }
0x47: {  	_ =	shalt  }
0x48: {  	_ =	shalt  }
0x49: {  	_ =	shalt  }
0x4a: {  	_ =	shalt  }
0x4b: {  	_ =	shalt  }
0x4c: {  	_ =	shalt  }
0x4d: {  	_ =	shalt  }
0x4e: {  	_ =	shalt  }
0x4f: {  	_ =	shalt  }
0x50: {  	_ =	shalt  }
0x51: {  	_ =	shalt  }
0x52: {  	_ =	shalt  }
0x53: {  	_ =	shalt  }
0x54: {  	_ =	shalt  }
0x55: {  	_ =	shalt  }
0x56: {  	_ =	shalt  }
0x57: {  	_ =	shalt  }
0x58: {  	_ =	shalt  }
0x59: {  	_ =	shalt  }
0x5a: {  	_ =	shalt  }
0x5b: {  	_ =	shalt  }
0x5c: {  	_ =	shalt  }
0x5d: {  	_ =	shalt  }
0x5e: {  	_ =	shalt  }
0x5f: {  	_ =	shalt  }
0x60: {  	_ =	shalt  }
0x61: {  	_ =	shalt  }
0x62: {  	_ =	shalt  }
0x63: {  	_ =	shalt  }
0x64: {  	_ =	shalt  }
0x65: {  	_ =	shalt  }
0x66: {  	_ =	shalt  }
0x67: {  	_ =	shalt  }
0x68: {  	_ =	shalt  }
0x69: {  	_ =	shalt  }
0x6a: {  	_ =	shalt  }
0x6b: {  	_ =	shalt  }
0x6c: {  	_ =	shalt  }
0x6d: {  	_ =	shalt  }
0x6e: {  	_ =	shalt  }
0x6f: {  	_ =	shalt  }
0x70: {  	_ =	shalt  }
0x71: {  	_ =	shalt  }
0x72: {  	_ =	shalt  }
0x73: {  	_ =	shalt  }
0x74: {  	_ =	shalt  }
0x75: {  	_ =	shalt  }
0x76: {  	_ =	shalt  }
0x77: {  	_ =	shalt  }
0x78: {  	_ =	shalt  }
0x79: {  	_ =	shalt  }
0x7a: {  	_ =	shalt  }
0x7b: {  	_ =	shalt  }
0x7c: {  	_ =	shalt  }
0x7d: {  	_ =	shalt  }
0x7e: {  	_ =	shalt  }
0x7f: {  	_ =	shalt  }
0x80: {  	_ =	shalt  }
0x81: {  	_ =	shalt  }
0x82: {  	_ =	shalt  }
0x83: {  	_ =	shalt  }
0x84: {  	_ =	shalt  }
0x85: {  	_ =	shalt  }
0x86: {  	_ =	shalt  }
0x87: {  	_ =	shalt  }
.Lfunc_end0:
.L_simem_size_0:
called_computation.2_lowered:
.L_overlay_start_0:
0x88: {  	s2 =	sld [smem:$0x3FD9]  }
0x89: {  	s3 =	sld [smem:$0x3FFE];
	_ =	sdelay $0x1  }
0x8a: {  	s1 =	srdreg.scid  }
0x8b: {  	s0 =	sand.u32 $0x1, s1  }
0x8c: {  	s17 =	sshll.u32 s0, $0xA;
	s2 =	sadd.s32 s3, s2  }
0x8d: {  	s2 =	sadd.s32 s2, s17  }
0x8e: {  	[smem:$0x3FBC] =	sst s2  }
0x8f: {  	_ = 	snop  }
0x90: {  	(tm) =	ssettm $0x1  }
0x91: {  	s18 =	sld [smem:$0x3FFB];
	_ =	sdelay $0x3  }
0x92: {  	_ =	strace s18  }
0x93: {  	s2 =	sld [smem:$0x3FFC];
	_ =	sdelay $0x3  }
0x94: {  	_ =	strace s2  }
0x95: {  	s2 =	sld [smem:$0x3FFD];
	_ =	sdelay $0x3  }
0x96: {  	_ =	strace s2  }
0x97: {  	_ =	strace $0x8FFFFFFF  }
0x98: {  	s19 =	sld [smem:$0x3FDB];
	_ =	sdelay $0x1  }
0x99: {  	s20 =	simm.s32 $_scs_section_size  }
0x9a: {  	s4 =	simm.s32 $_size__tile_overlayer_lowered;
	s5 =	simm.s32 $_tile_overlayer_lowered  }
0x9b: {  	s6 =	simm.s32 $0x1BFF;
	s21 =	sshll.u32 s5, $0x1;
	s3 =	sadd.s32 s20, s19  }
0x9c: {  	s22 =	simm.s32 $0x0;
	s4 =	sshll.u32 s4, $0x1;
	s5 =	sadd.s32 s21, s3  }
0x9d: {  	[timem:s22], [sflag:s6] =	dma.local [hbm:s5], s4  }
0x9e: {  	_ =	swait.ge [sflag:s6], s4  }
0x9f: {  	s4 =	ssub.s32 $0x0, s4;
	[sflag:s6] =	ssyncset.done $0x0  }
0xa0: {  	[sflag:s6] =	ssyncadd.s32 s4;
	_ =	sdelay $0x1  }
0xa1: {  	s23 =	simm.s32 $0x1B8B  }
0xa2: {  	_ =	swait.ge [sflag:s23], $0x1  }
0xa3: {  	[sflag:s23] =	ssyncset.done $0x0  }
0xa4: {  	[sflag:s23] =	ssyncadd.s32 $0xFFFFFFFF  }
0xa5: {  	s4 =	sld [smem:$0x0]  }
0xa6: {  	s5 =	sand.u32 $0xFFFFFFFE, s1  }
0xa7: {  	p0 =	sne.s32 s1, s5  }
0xa8: {  	s5 =	sshll.u32 @p0 s5, $0xE  }
0xa9: {  	s5 =	sadd.s32 @p0 $0x11B8D, s5;
	s6 =	sshll.u32 @p0 s4, $0x11  }
0xaa: {  	s5 =	sor.u32 @p0 s6, s5  }
0xab: {  	[sflag:s5] =	ssyncadd.remote.s32 @p0 $0x1;
	_ =	sdelay $0x1  }
0xac: {  	s5 =	simm.s32 @p0 $0x1B8D  }
0xad: {  	_ =	swait.eq @p0 [sflag:s5], $0x1  }
0xae: {  	[sflag:s5] =	ssyncadd.s32 @p0 $0xFFFFFFFF  }
0xaf: {  	s6 =	sshll.u32 @!p0 s1, $0xE  }
0xb0: {  	s6 =	sor.u32 @!p0 $0x4000, s6;
	s5 =	simm.s32 @!p0 $0x1B8D  }
0xb1: {  	s4 =	sshll.u32 @!p0 s4, $0x11;
	s6 =	sadd.s32 @!p0 $0x11B8D, s6;
	_ =	swait.eq @!p0 [sflag:s5], $0x1  }
0xb2: {  	s4 =	sor.u32 @!p0 s4, s6;
	[sflag:s5] =	ssyncadd.s32 @!p0 $0xFFFFFFFF  }
0xb3: {  	s25 =	simm.s32 $0x1B8E;
	s24 =	sld [smem:$0x3FFE];
	[sflag:s4] =	ssyncadd.remote.s32 @!p0 $0x1  }
0xb4: {  	s26 =	simm.s32 $execute0_lowered;
	[smem:$0x3FD2] =	sst s25  }
0xb5: {  	s5 =	sshll.u32 s26, $0x1;
	_ =	strace $0x80000049;
	[dreg:$0x1] =	wrdreg $0xFFFFFFFF  }
0xb6: {  	s28 =	simm.s32 $_size_execute0_lowered;
	s3 =	sadd.s32 s3, s5;
	[dreg:$0x0] =	wrdreg $0x0  }
0xb7: {  	s5 =	sshll.u32 s28, $0x1;
	[dreg:$0x2] =	wrdreg s3  }
0xb8: {  	[dreg:$0x3] =	wrdreg s5  }
0xb9: {  	[dreg:$0x4] =	wrdreg $0xC0  }
0xba: {  	_ =	task [dreg:s22], $0x5FFFF  }
0xbb: {  	[dreg:$0x1] =	wrdreg $0xFFFFFFFF  }
0xbc: {  	[dreg:$0x0] =	wrdreg $0x60  }
0xbd: {  	[dreg:$0x2] =	wrdreg s24  }
0xbe: {  	[dreg:$0x3] =	wrdreg $0x0  }
0xbf: {  	[dreg:$0x4] =	wrdreg $0xA  }
0xc0: {  	_ =	task.clear_ibuf [dreg:s22], $0x5FFFF;
	_ =	strace $0x90000049  }
0xc1: {  	s29 =	simm.s32 $0xA;
	_ =	strace $0x8000004B  }
0xc2: {  	_ =	swait.ge [sflag:s29], $0x1  }
0xc3: {  	[sflag:s29] =	ssyncadd.s32 $0xFFFFFFFF  }
0xc4: {  	_ =	strace $0x9000004B  }
0xc5: {  	_ =	sfence  }
0xc6: {  	s30 =	sld [smem:$0x0];
	_ =	sdelay $0x2  }
0xc7: {  	s31 =	sshll.u32 s1, $0xD;
	s1 =	sshrl.u32 s1, $0x2  }
0xc8: {  	s4 =	sand.u32 $0x4000, s31;
	s1 =	sadd.s32 s1, s30  }
0xc9: {  	s0 =	sor.u32 s4, s0;
	s1 =	sshll.u32 s1, $0x11  }
0xca: {  	s0 =	sor.u32 s1, s0  }
0xcb: {  	s0 =	sadd.s32 $0x8F2B, s0  }
0xcc: {  	[sflag:s0] =	ssyncadd.remote.s32 $0x1  }
0xcd: {  	_ =	sfence.sel $0xFFFF  }
0xce: {  	[dreg:$0x0] =	wrdreg $0xFFFFFFFF;
	(pc) =	sbr.abs _section_cstart, $3  }
0xcf: {  	[dreg:$0x1] =	wrdreg $0xFFFFFFFF  }
0xd0: {  	_ =	task.clear_ibuf [dreg:s22], $0x2FFFF;
	_ =	strace $0x9FFFFFFF  }
0xd1: {  	(tm) =	ssettm $0x7FFFFFFF  }
tec
execute0_lowered:
.L_overlay_start_1:
0x0: {  	(tag) =	ssettag $0x1  }
0x1: {  	s1 =	srdreg.scid;
	s5 =	rddreg [dreg:$0x0]  }
0x2: {  	s0 =	stileid.u32;
	s2 =	rddreg [dreg:$0x1];
	s3 =	simm.s32 $0x0  }
0x3: {  	s12 =	simm.s32 $0x17400;
	s15 =	simm.s32 $0x64;
	s16 =	simm.s32 $0x1A800  }
0x4: {  	s17 =	simm.s32 $0x1;
	s18 =	simm.s32 $0x2;
	s19 =	simm.s32 $0x0  }
0x5: {  	s6 =	sand.u32 $0x1, s1;
	s1 =	rddreg [dreg:$0x2];
	s8 =	smul.u32 $0x2800, s0  }
0x6: {  	s30 =	sshll.u32 s0, $0x1;
	[smem:$0x7FF] =	sst s3;
	s11 =	smul.u32 $0x50000, s0  }
0x7: {  	s13 =	sshll.u32 s0, $0x6;
	s4 =	sor.u32 s6, s30;
	_ =	strace $0x8000004A  }
0x8: {  	s9 =	smul.u32 $0x28000, s6;
	s6 =	ssub.s32 $0x2, s6;
	s13 =	sor.u32 $0x1C03, s13  }
0x9: {  	s7 =	smul.u32 $0x680, s4;
	s4 =	sadd.s32 $0x93000, s5;
	s10 =	sshrl.u32 s6, $0x1  }
0xa: {  	s31 =	sshrl.u32 s11, $0x2;
	s11 =	simm.s32 $0x3;
	s9 =	sadd.s32 s8, s9  }
0xb: {  	s8 =	sadd.s32 s8, s5;
	s10 =	ssub.s32 s6, s10;
	s14 =	sadd.s32 s31, s2  }
0xc: {  	s7 =	sadd.s32 s7, s5;
	s9 =	sadd.s32 s9, s5;
	s14 =	sshrl.u32 s14, $0x3  }
0xd: {  	s5 =	sadd.s32 $0x1000, s7;
	s6 =	sadd.s32 $0x86000, s7;
	s7 =	sadd.s32 $0xE000, s8  }
0xe: {  	s8 =	sadd.s32 $0xBB000, s9;
	s9 =	smax.u32 s10, $0x1;
	s10 =	simm.s32 $0x14000  }
.LBB2_1:
0xf: {  	[tilespmem:s10], [sflag:$0x3] =	stream.linear.gather [hbm4b:s5+s3], $0x3200, $0x38;
	[tilespmem:$0x1DC00] =	vst v63  }
0x10: {  	_ =	swait.ge [sflag:s11], $0x3200  }
0x11: {  	[sflag:s11] =	ssyncset.done $0x0  }
0x12: {  	[sflag:s11] =	ssyncadd.s32 $0xFFFFCE00  }
0x13: {  	[tilespmem:s12], [sflag:$0x3] =	stream.linear.gather [hbm4b:s6+s3], $0x3200, $0x38;
	[tilespmem:$0x1DC00] =	vst v63  }
0x14: {  	_ =	swait.ge [sflag:s11], $0x3200  }
0x15: {  	[sflag:s11] =	ssyncset.done $0x0  }
0x16: {  	[sflag:s11] =	ssyncadd.s32 $0xFFFFCE00  }
0x17: {  	[spmem:s14], [sflag:s13] =	dma.local [hbm:s7], $0x2800  }
0x18: {  	_ =	swait.ge [sflag:s11], $0x2800  }
0x19: {  	[sflag:s11] =	ssyncset.done $0x0  }
0x1a: {  	[sflag:s11] =	ssyncadd.s32 $0xFFFFD800  }
0x1b: {  	s20 =	simm.s32 $0x17400;
	[bflag:$0x0] =	sbarrier.arrive $0xFFFF  }
0x1c: {  	[tilespmem:s16], [sflag:$0x1] =	stream.indirect.gather [hbm4b:s4+s15], $0x80, s20, s15, $0xb8;
	[tilespmem:$0x1DC00] =	vst v63  }
0x1d: {  	_ =	swait.ge [sflag:s17], $0x3200  }
0x1e: {  	[sflag:s17] =	ssyncset.done $0x0  }
0x1f: {  	s31 =	simm.s32 $0x14000;
	[sflag:s17] =	ssyncadd.s32 $0xFFFFCE00  }
0x20: {  	[spmem:s2] =	stream.indirect.scatter.add.f32 [tilespmem:s16], [sflag:$0x2], $0x80, s31, s15, $0xb8;
	[tilespmem:$0x1DC00] =	vst v63  }
0x21: {  	_ =	swait.ge [sflag:s18], $0x3200  }
0x22: {  	s21 =	simm.s32 $0x400;
	s20 =	simm.s32 $0x80;
	[sflag:s18] =	ssyncset.done $0x0  }
.LBB2_2:
0x23: {  	s22 =	sadd.s32 $0x17400, s20  }
0x24: {  	[sflag:s18] =	ssyncadd.s32 $0xFFFFCE00;
	s23 =	smov.u32 s21;
	s24 =	sadd.s32 $0x200, s21  }
0x25: {  	[tilespmem:s16], [sflag:$0x1] =	stream.indirect.gather [hbm4b:s4+s15], $0x80, s22, s15, $0xb8;
	[tilespmem:$0x1DC00] =	vst v63  }
0x26: {  	p0 =	sne.s32 s21, $0xC600;
	_ =	swait.ge [sflag:s17], $0x3200  }
.Ltmp0:
0x27: {  	[sflag:s17] =	ssyncset.done $0x0;
	(pc) =	sbr.rel @p0 .LBB2_2-.Ltmp0, $4  }
0x28: {  	s20 =	sadd.s32 $0x14000, s20;
	[sflag:s17] =	ssyncadd.s32 $0xFFFFCE00  }
0x29: {  	[spmem:s2] =	stream.indirect.scatter.add.f32 [tilespmem:s16], [sflag:$0x2], $0x80, s20, s15, $0xb8;
	[tilespmem:$0x1DC00] =	vst v63  }
0x2a: {  	_ =	swait.ge [sflag:s18], $0x3200  }
0x2b: {  	s21 =	smov.u32 s24;
	s20 =	sshra.s32 s23, $0x2;
	[sflag:s18] =	ssyncset.done $0x0  }
0x2c: {  	s21 =	sadd.s32 $0x17400, s20;
	[sflag:s18] =	ssyncadd.s32 $0xFFFFCE00  }
0x2d: {  	[tilespmem:s16], [sflag:$0x1] =	stream.indirect.gather [hbm4b:s4+s15], $0x80, s21, s15, $0xb8;
	[tilespmem:$0x1DC00] =	vst v63  }
0x2e: {  	_ =	swait.ge [sflag:s17], $0x3200  }
0x2f: {  	[sflag:s17] =	ssyncset.done $0x0  }
0x30: {  	s31 =	sadd.s32 $0x14000, s20;
	[sflag:s17] =	ssyncadd.s32 $0xFFFFCE00  }
0x31: {  	[spmem:s2] =	stream.indirect.scatter.add.f32 [tilespmem:s16], [sflag:$0x2], $0x80, s31, s15, $0xb8;
	[tilespmem:$0x1DC00] =	vst v63  }
0x32: {  	_ =	swait.ge [sflag:s18], $0x3200  }
0x33: {  	s19 =	sadd.s32 $0x1, s19;
	[sflag:s18] =	ssyncset.done $0x0  }
0x34: {  	p0 =	sne.s32 s19, s9;
	[sflag:s18] =	ssyncadd.s32 $0xFFFFCE00  }
.Ltmp1:
0x35: {  	[bflag:$0x0] =	sbarrier.arrive $0xFFFF;
	(pc) =	sbr.rel @p0 .LBB2_1-.Ltmp1, $4  }
0x36: {  	[hbm:s8], [sflag:s13] =	dma.local [spmem:s14], $0x2800  }
0x37: {  	_ =	swait.ge [sflag:s11], $0x2800  }
0x38: {  	[sflag:s11] =	ssyncset.done $0x0  }
0x39: {  	[sflag:s11] =	ssyncadd.s32 $0xFFFFD800  }
0x3a: {  	_ =	sfence.sel $0x180000  }
0x3b: {  	[bflag:$0x0] =	sbarrier.arrive $0xFFFF  }
0x3c: {  	p0 =	sne.s32 s0, $0x0;
	_ =	strace $0x9000004A  }
0x3d: {  	s0 =	sadd.s32 @!p0 $0x100000, s1;
	[bflag:$0x2] =	sbarrier.arrive $0xFFFF  }
0x3e: {  	[sflag:s0] =	ssyncadd.tile.s32 @!p0 $0x1;
	_ =	shalt  }
.Lfunc_end2:
_tile_overlayer_lowered:
.L_overlay_start_2:
0x3f: {  	(tag) =	ssettag $0x2  }
0x40: {  	s0 =	rddreg [dreg:$0x0];
	s2 =	stileid.u32  }
0x41: {  	s1 =	rddreg [dreg:$0x1];
	p0 =	sne.s32 s2, $0x0  }
0x42: {  	s3 =	rddreg [dreg:$0x2];
	[bflag:$0x3] =	sbarrier.arrive $0xFFFF;
	s2 =	simm.s32 @!p0 $0x1C03  }
0x43: {  	[timem:s3], [sflag:s2] =	dma.local @!p0 [hbm:s0], s1  }
0x44: {  	s0 =	simm.s32 @!p0 $0x3  }
0x45: {  	_ =	swait.ge @!p0 [sflag:s0], s1  }
0x46: {  	s1 =	ssub.s32 @!p0 $0x0, s1;
	[sflag:s0] =	ssyncset.done @!p0 $0x0  }
0x47: {  	[sflag:s0] =	ssyncadd.s32 @!p0 s1  }
0x48: {  	[bflag:$0x3] =	sbarrier.arrive $0xFFFF  }
0x49: {  	_ =	shalt  }

// kernel: kernel.22.cloned.1.call-start
scs
__scs_entry_jumppad:
0x0: {  	(pc) =	sbr.rel $0x88, $3  }
0x1: {  	(tag) =	ssettag $0x0;
	lr =	simm.s32 $0x1  }
0x2: {  	[smem:$0x3F95] =	sst lr;
	_ =	strace $0xD0000000  }
0x3: {  	_ = 	snop  }
0x4: {  	_ = 	snop  }
0x5: {  	_ = 	snop  }
0x6: {  	_ = 	snop  }
0x7: {  	_ = 	snop  }
__scs_overlays_trampoline_lowered:
0x8: {  	[smem:$0x3FA4] =	sst s0  }
0x9: {  	[smem:$0x3FA5] =	sst s1  }
0xa: {  	[smem:$0x3FA6] =	sst s2  }
0xb: {  	[smem:$0x3FA7] =	sst s3  }
0xc: {  	[smem:$0x3FA8] =	sst s4  }
0xd: {  	[smem:$0x3FA9] =	sst s5  }
0xe: {  	[smem:$0x3FAA] =	sst s6  }
0xf: {  	[smem:$0x3FAB] =	sst s7  }
0x10: {  	[smem:$0x3FAC] =	sst s8  }
0x11: {  	[smem:$0x3FAD] =	sst s9;
	s0 =	simm.s32 @!p0 $0x0  }
0x12: {  	s1 =	sld [smem:$0x3F93];
	s0 =	simm.s32 @p0 $0x1  }
0x13: {  	[smem:$0x3FAE] =	sst s0;
	s0 =	simm.s32 @!p1 $0x0  }
0x14: {  	s2 =	sld [smem:$0x3F92];
	s0 =	simm.s32 @p1 $0x1  }
0x15: {  	[smem:$0x3FAF] =	sst s0;
	s0 =	simm.s32 @!p2 $0x0  }
0x16: {  	s3 =	sld [smem:$0x3FDB];
	s0 =	simm.s32 @p2 $0x1  }
0x17: {  	s4 =	simm.s32 $0x1BF5;
	[smem:$0x3FB1] =	sst s0  }
0x18: {  	s0 =	sld [smem:$0x3F94];
	_ =	swait.ge [sflag:s4], $0x0  }
0x19: {  	s7 =	sld [smem:$0x3F95]  }
0x1a: {  	s8 =	sadd.s32 $0xFFFFE003, lr  }
0x1b: {  	s9 =	sadd.s32 $0xFFFFFEF7, lr;
	s5 =	simm.s32 $0xFFFFFFFF;
	p2 =	slt.u32 s8, $0xFFFFF086  }
0x1c: {  	p1 =	slt.u32 s9, $0xF7A;
	s5 =	simm.s32 @!p2 $0x0  }
0x1d: {  	s5 =	simm.s32 @p1 $0x1;
	p0 =	seq.s32 s7, s2  }
0x1e: {  	s7 =	smul.u32 @!p0 $0xF7A, s2;
	p2 =	seq.s32 @!p0 s5, $0x0  }
0x1f: {  	s9 =	smul.u32 $0xF7A, s1;
	s8 =	simm.s32 @!p0 $0x1BF5;
	p2 =	por !p2, p0  }
0x20: {  	[sflag:s8] =	ssyncset.s32 @!p0 $0xFFFFF086;
	s6 =	sadd.s32 @!p0 s3, s7;
	s7 =	simm.s32 @!p0 $0x108  }
0x21: {  	s3 =	sadd.s32 s3, s9;
	s6 =	sadd.s32 @!p0 $0x88, s6;
	s7 =	simm.s32 @p2 $0x1082  }
0x22: {  	[simem:s7], [sflag:s8] =	dma.local @!p0 [hbm:s6], $0xF7A  }
0x23: {  	s9 =	sor.u32 $0xD0000000, s2;
	s6 =	simm.s32 $0x108;
	_ =	swait.ge @!p0 [sflag:s8], $0x0  }
0x24: {  	s3 =	sadd.s32 $0x88, s3;
	s6 =	simm.s32 @!p1 $0x1082;
	[sflag:s4] =	ssyncset.s32 $0xFFFFF086  }
0x25: {  	[simem:s6], [sflag:s4] =	dma.local [hbm:s3], $0xF7A  }
0x26: {  	[smem:$0x3F95] =	sst s1;
	(tag) =	ssettag s2;
	_ =	strace s9  }
0x27: {  	s1 =	sld [smem:$0x3FA5]  }
0x28: {  	s2 =	sld [smem:$0x3FA6]  }
0x29: {  	s4 =	sld [smem:$0x3FA8]  }
0x2a: {  	p0 =	seq.s32 s5, $0x0;
	s5 =	sld [smem:$0x3FA9]  }
0x2b: {  	s6 =	sld [smem:$0x3FAA]  }
0x2c: {  	s7 =	sld [smem:$0x3FAB]  }
0x2d: {  	s3 =	simm.s32 $0x108;
	s8 =	sld [smem:$0x3FAC]  }
0x2e: {  	s3 =	simm.s32 @!p0 $0x1082;
	s9 =	sld [smem:$0x3FAD]  }
0x2f: {  	lr =	sadd.s32 s0, s3;
	s0 =	sld [smem:$0x3FA4]  }
0x30: {  	s3 =	sld [smem:$0x3FA7]  }
0x31: {  	[smem:$0x3FB0] =	sst s10  }
0x32: {  	s10 =	sld [smem:$0x3FAE];
	_ =	sdelay $0x3  }
0x33: {  	p0 =	seq.s32 s10, $0x1;
	s10 =	sld [smem:$0x3FB0];
	_ =	sdelay $0x3  }
0x34: {  	[smem:$0x3FB0] =	sst s10  }
0x35: {  	s10 =	sld [smem:$0x3FAF];
	_ =	sdelay $0x3  }
0x36: {  	p1 =	seq.s32 s10, $0x1;
	s10 =	sld [smem:$0x3FB0];
	_ =	sdelay $0x3  }
0x37: {  	[smem:$0x3FB0] =	sst s10  }
0x38: {  	s10 =	sld [smem:$0x3FB1]  }
0x39: {  	_ = 	snop;
	(pc) =	sbr.ind lr, $3  }
0x3a: {  	_ = 	snop  }
0x3b: {  	_ = 	snop  }
0x3c: {  	p2 =	seq.s32 s10, $0x1;
	s10 =	sld [smem:$0x3FB0]  }
0x3d: {  	_ =	shalt  }
0x3e: {  	_ =	shalt  }
0x3f: {  	_ =	shalt  }
0x40: {  	_ =	shalt  }
0x41: {  	_ =	shalt  }
0x42: {  	_ =	shalt  }
0x43: {  	_ =	shalt  }
0x44: {  	_ =	shalt  }
0x45: {  	_ =	shalt  }
0x46: {  	_ =	shalt  }
0x47: {  	_ =	shalt  }
0x48: {  	_ =	shalt  }
0x49: {  	_ =	shalt  }
0x4a: {  	_ =	shalt  }
0x4b: {  	_ =	shalt  }
0x4c: {  	_ =	shalt  }
0x4d: {  	_ =	shalt  }
0x4e: {  	_ =	shalt  }
0x4f: {  	_ =	shalt  }
0x50: {  	_ =	shalt  }
0x51: {  	_ =	shalt  }
0x52: {  	_ =	shalt  }
0x53: {  	_ =	shalt  }
0x54: {  	_ =	shalt  }
0x55: {  	_ =	shalt  }
0x56: {  	_ =	shalt  }
0x57: {  	_ =	shalt  }
0x58: {  	_ =	shalt  }
0x59: {  	_ =	shalt  }
0x5a: {  	_ =	shalt  }
0x5b: {  	_ =	shalt  }
0x5c: {  	_ =	shalt  }
0x5d: {  	_ =	shalt  }
0x5e: {  	_ =	shalt  }
0x5f: {  	_ =	shalt  }
0x60: {  	_ =	shalt  }
0x61: {  	_ =	shalt  }
0x62: {  	_ =	shalt  }
0x63: {  	_ =	shalt  }
0x64: {  	_ =	shalt  }
0x65: {  	_ =	shalt  }
0x66: {  	_ =	shalt  }
0x67: {  	_ =	shalt  }
0x68: {  	_ =	shalt  }
0x69: {  	_ =	shalt  }
0x6a: {  	_ =	shalt  }
0x6b: {  	_ =	shalt  }
0x6c: {  	_ =	shalt  }
0x6d: {  	_ =	shalt  }
0x6e: {  	_ =	shalt  }
0x6f: {  	_ =	shalt  }
0x70: {  	_ =	shalt  }
0x71: {  	_ =	shalt  }
0x72: {  	_ =	shalt  }
0x73: {  	_ =	shalt  }
0x74: {  	_ =	shalt  }
0x75: {  	_ =	shalt  }
0x76: {  	_ =	shalt  }
0x77: {  	_ =	shalt  }
0x78: {  	_ =	shalt  }
0x79: {  	_ =	shalt  }
0x7a: {  	_ =	shalt  }
0x7b: {  	_ =	shalt  }
0x7c: {  	_ =	shalt  }
0x7d: {  	_ =	shalt  }
0x7e: {  	_ =	shalt  }
0x7f: {  	_ =	shalt  }
0x80: {  	_ =	shalt  }
0x81: {  	_ =	shalt  }
0x82: {  	_ =	shalt  }
0x83: {  	_ =	shalt  }
0x84: {  	_ =	shalt  }
0x85: {  	_ =	shalt  }
0x86: {  	_ =	shalt  }
0x87: {  	_ =	shalt  }
.Lfunc_end0:
.L_simem_size_0:
called_computation.3_lowered:
.L_overlay_start_0:
0x88: {  	s2 =	sld [smem:$0x3FD9]  }
0x89: {  	s3 =	sld [smem:$0x3FFE];
	_ =	sdelay $0x1  }
0x8a: {  	s1 =	srdreg.scid  }
0x8b: {  	s0 =	sand.u32 $0x1, s1  }
0x8c: {  	s17 =	sshll.u32 s0, $0xA;
	s2 =	sadd.s32 s3, s2  }
0x8d: {  	s2 =	sadd.s32 s2, s17  }
0x8e: {  	[smem:$0x3FBC] =	sst s2  }
0x8f: {  	_ = 	snop  }
0x90: {  	(tm) =	ssettm $0x1  }
0x91: {  	s18 =	sld [smem:$0x3FFB];
	_ =	sdelay $0x3  }
0x92: {  	_ =	strace s18  }
0x93: {  	s2 =	sld [smem:$0x3FFC];
	_ =	sdelay $0x3  }
0x94: {  	_ =	strace s2  }
0x95: {  	s2 =	sld [smem:$0x3FFD];
	_ =	sdelay $0x3  }
0x96: {  	_ =	strace s2  }
0x97: {  	_ =	strace $0x8FFFFFFF  }
0x98: {  	s19 =	sld [smem:$0x3FDB];
	_ =	sdelay $0x1  }
0x99: {  	s20 =	simm.s32 $_scs_section_size  }
0x9a: {  	s4 =	simm.s32 $_size__tile_overlayer_lowered;
	s5 =	simm.s32 $_tile_overlayer_lowered  }
0x9b: {  	s6 =	simm.s32 $0x1BFF;
	s21 =	sshll.u32 s5, $0x1;
	s3 =	sadd.s32 s20, s19  }
0x9c: {  	s22 =	simm.s32 $0x0;
	s4 =	sshll.u32 s4, $0x1;
	s5 =	sadd.s32 s21, s3  }
0x9d: {  	[timem:s22], [sflag:s6] =	dma.local [hbm:s5], s4  }
0x9e: {  	_ =	swait.ge [sflag:s6], s4  }
0x9f: {  	s4 =	ssub.s32 $0x0, s4;
	[sflag:s6] =	ssyncset.done $0x0  }
0xa0: {  	[sflag:s6] =	ssyncadd.s32 s4;
	_ =	sdelay $0x1  }
0xa1: {  	s23 =	simm.s32 $0x1B8B  }
0xa2: {  	_ =	swait.ge [sflag:s23], $0x1  }
0xa3: {  	[sflag:s23] =	ssyncset.done $0x0  }
0xa4: {  	[sflag:s23] =	ssyncadd.s32 $0xFFFFFFFF  }
0xa5: {  	s4 =	sld [smem:$0x0]  }
0xa6: {  	s5 =	sand.u32 $0xFFFFFFFE, s1  }
0xa7: {  	p0 =	sne.s32 s1, s5  }
0xa8: {  	s5 =	sshll.u32 @p0 s5, $0xE  }
0xa9: {  	s5 =	sadd.s32 @p0 $0x11B8D, s5;
	s6 =	sshll.u32 @p0 s4, $0x11  }
0xaa: {  	s5 =	sor.u32 @p0 s6, s5  }
0xab: {  	[sflag:s5] =	ssyncadd.remote.s32 @p0 $0x1;
	_ =	sdelay $0x1  }
0xac: {  	s5 =	simm.s32 @p0 $0x1B8D  }
0xad: {  	_ =	swait.eq @p0 [sflag:s5], $0x1  }
0xae: {  	[sflag:s5] =	ssyncadd.s32 @p0 $0xFFFFFFFF  }
0xaf: {  	s6 =	sshll.u32 @!p0 s1, $0xE  }
0xb0: {  	s6 =	sor.u32 @!p0 $0x4000, s6;
	s5 =	simm.s32 @!p0 $0x1B8D  }
0xb1: {  	s4 =	sshll.u32 @!p0 s4, $0x11;
	s6 =	sadd.s32 @!p0 $0x11B8D, s6;
	_ =	swait.eq @!p0 [sflag:s5], $0x1  }
0xb2: {  	s4 =	sor.u32 @!p0 s4, s6;
	[sflag:s5] =	ssyncadd.s32 @!p0 $0xFFFFFFFF  }
0xb3: {  	s25 =	simm.s32 $0x1B8E;
	s24 =	sld [smem:$0x3FFE];
	[sflag:s4] =	ssyncadd.remote.s32 @!p0 $0x1  }
0xb4: {  	s26 =	simm.s32 $execute0_lowered;
	[smem:$0x3FD2] =	sst s25  }
0xb5: {  	s5 =	sshll.u32 s26, $0x1;
	_ =	strace $0x8000004C;
	[dreg:$0x1] =	wrdreg $0xFFFFFFFF  }
0xb6: {  	s28 =	simm.s32 $_size_execute0_lowered;
	s3 =	sadd.s32 s3, s5;
	[dreg:$0x0] =	wrdreg $0x0  }
0xb7: {  	s5 =	sshll.u32 s28, $0x1;
	[dreg:$0x2] =	wrdreg s3  }
0xb8: {  	[dreg:$0x3] =	wrdreg s5  }
0xb9: {  	[dreg:$0x4] =	wrdreg $0xC0  }
0xba: {  	_ =	task [dreg:s22], $0x5FFFF  }
0xbb: {  	[dreg:$0x1] =	wrdreg $0xFFFFFFFF  }
0xbc: {  	[dreg:$0x0] =	wrdreg $0x60  }
0xbd: {  	[dreg:$0x2] =	wrdreg s24  }
0xbe: {  	[dreg:$0x3] =	wrdreg $0x0  }
0xbf: {  	[dreg:$0x4] =	wrdreg $0xB  }
0xc0: {  	_ =	task.clear_ibuf [dreg:s22], $0x5FFFF;
	_ =	strace $0x9000004C  }
0xc1: {  	s29 =	simm.s32 $0xB;
	_ =	strace $0x8000004E  }
0xc2: {  	_ =	swait.ge [sflag:s29], $0x1  }
0xc3: {  	[sflag:s29] =	ssyncadd.s32 $0xFFFFFFFF  }
0xc4: {  	_ =	strace $0x9000004E  }
0xc5: {  	_ =	sfence  }
0xc6: {  	s30 =	sld [smem:$0x0];
	_ =	sdelay $0x2  }
0xc7: {  	s31 =	sshll.u32 s1, $0xD;
	s1 =	sshrl.u32 s1, $0x2  }
0xc8: {  	s4 =	sand.u32 $0x4000, s31;
	s1 =	sadd.s32 s1, s30  }
0xc9: {  	s0 =	sor.u32 s4, s0;
	s1 =	sshll.u32 s1, $0x11  }
0xca: {  	s0 =	sor.u32 s1, s0  }
0xcb: {  	s0 =	sadd.s32 $0x8F2B, s0  }
0xcc: {  	[sflag:s0] =	ssyncadd.remote.s32 $0x1  }
0xcd: {  	_ =	sfence.sel $0xFFFF  }
0xce: {  	[dreg:$0x0] =	wrdreg $0xFFFFFFFF;
	(pc) =	sbr.abs _section_cstart, $3  }
0xcf: {  	[dreg:$0x1] =	wrdreg $0xFFFFFFFF  }
0xd0: {  	_ =	task.clear_ibuf [dreg:s22], $0x2FFFF;
	_ =	strace $0x9FFFFFFF  }
0xd1: {  	(tm) =	ssettm $0x7FFFFFFF  }
tec
execute0_lowered:
.L_overlay_start_1:
0x0: {  	(tag) =	ssettag $0x1  }
0x1: {  	s1 =	srdreg.scid;
	s5 =	rddreg [dreg:$0x0]  }
0x2: {  	s0 =	stileid.u32;
	s2 =	rddreg [dreg:$0x1];
	s3 =	simm.s32 $0x0  }
0x3: {  	s12 =	simm.s32 $0x17400;
	s15 =	simm.s32 $0x64;
	s16 =	simm.s32 $0x1A800  }
0x4: {  	s17 =	simm.s32 $0x1;
	s18 =	simm.s32 $0x2;
	s19 =	simm.s32 $0x0  }
0x5: {  	s6 =	sand.u32 $0x1, s1;
	s1 =	rddreg [dreg:$0x2];
	s8 =	smul.u32 $0x2800, s0  }
0x6: {  	s30 =	sshll.u32 s0, $0x1;
	[smem:$0x7FF] =	sst s3;
	s11 =	smul.u32 $0x50000, s0  }
0x7: {  	s13 =	sshll.u32 s0, $0x6;
	s4 =	sor.u32 s6, s30;
	_ =	strace $0x8000004D  }
0x8: {  	s9 =	smul.u32 $0x28000, s6;
	s6 =	ssub.s32 $0x2, s6;
	s13 =	sor.u32 $0x1C03, s13  }
0x9: {  	s7 =	smul.u32 $0x680, s4;
	s4 =	sadd.s32 $0x10B000, s5;
	s10 =	sshrl.u32 s6, $0x1  }
0xa: {  	s31 =	sshrl.u32 s11, $0x2;
	s11 =	simm.s32 $0x3;
	s9 =	sadd.s32 s8, s9  }
0xb: {  	s8 =	sadd.s32 s8, s5;
	s10 =	ssub.s32 s6, s10;
	s14 =	sadd.s32 s31, s2  }
0xc: {  	s7 =	sadd.s32 s7, s5;
	s9 =	sadd.s32 s9, s5;
	s14 =	sshrl.u32 s14, $0x3  }
0xd: {  	s5 =	sadd.s32 $0x1000, s7;
	s6 =	sadd.s32 $0x86000, s7;
	s7 =	sadd.s32 $0xE000, s8  }
0xe: {  	s8 =	sadd.s32 $0x133000, s9;
	s9 =	smax.u32 s10, $0x1;
	s10 =	simm.s32 $0x14000  }
.LBB2_1:
0xf: {  	[tilespmem:s10], [sflag:$0x3] =	stream.linear.gather [hbm4b:s5+s3], $0x3200, $0x38;
	[tilespmem:$0x1DC00] =	vst v63  }
0x10: {  	_ =	swait.ge [sflag:s11], $0x3200  }
0x11: {  	[sflag:s11] =	ssyncset.done $0x0  }
0x12: {  	[sflag:s11] =	ssyncadd.s32 $0xFFFFCE00  }
0x13: {  	[tilespmem:s12], [sflag:$0x3] =	stream.linear.gather [hbm4b:s6+s3], $0x3200, $0x38;
	[tilespmem:$0x1DC00] =	vst v63  }
0x14: {  	_ =	swait.ge [sflag:s11], $0x3200  }
0x15: {  	[sflag:s11] =	ssyncset.done $0x0  }
0x16: {  	[sflag:s11] =	ssyncadd.s32 $0xFFFFCE00  }
0x17: {  	[spmem:s14], [sflag:s13] =	dma.local [hbm:s7], $0x2800  }
0x18: {  	_ =	swait.ge [sflag:s11], $0x2800  }
0x19: {  	[sflag:s11] =	ssyncset.done $0x0  }
0x1a: {  	[sflag:s11] =	ssyncadd.s32 $0xFFFFD800  }
0x1b: {  	s20 =	simm.s32 $0x17400;
	[bflag:$0x0] =	sbarrier.arrive $0xFFFF  }
0x1c: {  	[tilespmem:s16], [sflag:$0x1] =	stream.indirect.gather [hbm4b:s4+s15], $0x80, s20, s15, $0xb8;
	[tilespmem:$0x1DC00] =	vst v63  }
0x1d: {  	_ =	swait.ge [sflag:s17], $0x3200  }
0x1e: {  	[sflag:s17] =	ssyncset.done $0x0  }
0x1f: {  	s31 =	simm.s32 $0x14000;
	[sflag:s17] =	ssyncadd.s32 $0xFFFFCE00  }
0x20: {  	[spmem:s2] =	stream.indirect.scatter.add.f32 [tilespmem:s16], [sflag:$0x2], $0x80, s31, s15, $0xb8;
	[tilespmem:$0x1DC00] =	vst v63  }
0x21: {  	_ =	swait.ge [sflag:s18], $0x3200  }
0x22: {  	s21 =	simm.s32 $0x400;
	s20 =	simm.s32 $0x80;
	[sflag:s18] =	ssyncset.done $0x0  }
.LBB2_2:
0x23: {  	s22 =	sadd.s32 $0x17400, s20  }
0x24: {  	[sflag:s18] =	ssyncadd.s32 $0xFFFFCE00;
	s23 =	smov.u32 s21;
	s24 =	sadd.s32 $0x200, s21  }
0x25: {  	[tilespmem:s16], [sflag:$0x1] =	stream.indirect.gather [hbm4b:s4+s15], $0x80, s22, s15, $0xb8;
	[tilespmem:$0x1DC00] =	vst v63  }
0x26: {  	p0 =	sne.s32 s21, $0xC600;
	_ =	swait.ge [sflag:s17], $0x3200  }
.Ltmp0:
0x27: {  	[sflag:s17] =	ssyncset.done $0x0;
	(pc) =	sbr.rel @p0 .LBB2_2-.Ltmp0, $4  }
0x28: {  	s20 =	sadd.s32 $0x14000, s20;
	[sflag:s17] =	ssyncadd.s32 $0xFFFFCE00  }
0x29: {  	[spmem:s2] =	stream.indirect.scatter.add.f32 [tilespmem:s16], [sflag:$0x2], $0x80, s20, s15, $0xb8;
	[tilespmem:$0x1DC00] =	vst v63  }
0x2a: {  	_ =	swait.ge [sflag:s18], $0x3200  }
0x2b: {  	s21 =	smov.u32 s24;
	s20 =	sshra.s32 s23, $0x2;
	[sflag:s18] =	ssyncset.done $0x0  }
0x2c: {  	s21 =	sadd.s32 $0x17400, s20;
	[sflag:s18] =	ssyncadd.s32 $0xFFFFCE00  }
0x2d: {  	[tilespmem:s16], [sflag:$0x1] =	stream.indirect.gather [hbm4b:s4+s15], $0x80, s21, s15, $0xb8;
	[tilespmem:$0x1DC00] =	vst v63  }
0x2e: {  	_ =	swait.ge [sflag:s17], $0x3200  }
0x2f: {  	[sflag:s17] =	ssyncset.done $0x0  }
0x30: {  	s31 =	sadd.s32 $0x14000, s20;
	[sflag:s17] =	ssyncadd.s32 $0xFFFFCE00  }
0x31: {  	[spmem:s2] =	stream.indirect.scatter.add.f32 [tilespmem:s16], [sflag:$0x2], $0x80, s31, s15, $0xb8;
	[tilespmem:$0x1DC00] =	vst v63  }
0x32: {  	_ =	swait.ge [sflag:s18], $0x3200  }
0x33: {  	s19 =	sadd.s32 $0x1, s19;
	[sflag:s18] =	ssyncset.done $0x0  }
0x34: {  	p0 =	sne.s32 s19, s9;
	[sflag:s18] =	ssyncadd.s32 $0xFFFFCE00  }
.Ltmp1:
0x35: {  	[bflag:$0x0] =	sbarrier.arrive $0xFFFF;
	(pc) =	sbr.rel @p0 .LBB2_1-.Ltmp1, $4  }
0x36: {  	[hbm:s8], [sflag:s13] =	dma.local [spmem:s14], $0x2800  }
0x37: {  	_ =	swait.ge [sflag:s11], $0x2800  }
0x38: {  	[sflag:s11] =	ssyncset.done $0x0  }
0x39: {  	[sflag:s11] =	ssyncadd.s32 $0xFFFFD800  }
0x3a: {  	_ =	sfence.sel $0x180000  }
0x3b: {  	[bflag:$0x0] =	sbarrier.arrive $0xFFFF  }
0x3c: {  	p0 =	sne.s32 s0, $0x0;
	_ =	strace $0x9000004D  }
0x3d: {  	s0 =	sadd.s32 @!p0 $0x100000, s1;
	[bflag:$0x2] =	sbarrier.arrive $0xFFFF  }
0x3e: {  	[sflag:s0] =	ssyncadd.tile.s32 @!p0 $0x1;
	_ =	shalt  }
.Lfunc_end2:
_tile_overlayer_lowered:
.L_overlay_start_2:
0x3f: {  	(tag) =	ssettag $0x2  }
0x40: {  	s0 =	rddreg [dreg:$0x0];
	s2 =	stileid.u32  }
0x41: {  	s1 =	rddreg [dreg:$0x1];
	p0 =	sne.s32 s2, $0x0  }
0x42: {  	s3 =	rddreg [dreg:$0x2];
	[bflag:$0x3] =	sbarrier.arrive $0xFFFF;
	s2 =	simm.s32 @!p0 $0x1C03  }
0x43: {  	[timem:s3], [sflag:s2] =	dma.local @!p0 [hbm:s0], s1  }
0x44: {  	s0 =	simm.s32 @!p0 $0x3  }
0x45: {  	_ =	swait.ge @!p0 [sflag:s0], s1  }
0x46: {  	s1 =	ssub.s32 @!p0 $0x0, s1;
	[sflag:s0] =	ssyncset.done @!p0 $0x0  }
0x47: {  	[sflag:s0] =	ssyncadd.s32 @!p0 s1  }
0x48: {  	[bflag:$0x3] =	sbarrier.arrive $0xFFFF  }
0x49: {  	_ =	shalt  }

// kernel: kernel.25.cloned.1.call-start
scs
__scs_entry_jumppad:
0x0: {  	(pc) =	sbr.rel $0x88, $3  }
0x1: {  	(tag) =	ssettag $0x0;
	lr =	simm.s32 $0x1  }
0x2: {  	[smem:$0x3F95] =	sst lr;
	_ =	strace $0xD0000000  }
0x3: {  	_ = 	snop  }
0x4: {  	_ = 	snop  }
0x5: {  	_ = 	snop  }
0x6: {  	_ = 	snop  }
0x7: {  	_ = 	snop  }
__scs_overlays_trampoline_lowered:
0x8: {  	[smem:$0x3FA4] =	sst s0  }
0x9: {  	[smem:$0x3FA5] =	sst s1  }
0xa: {  	[smem:$0x3FA6] =	sst s2  }
0xb: {  	[smem:$0x3FA7] =	sst s3  }
0xc: {  	[smem:$0x3FA8] =	sst s4  }
0xd: {  	[smem:$0x3FA9] =	sst s5  }
0xe: {  	[smem:$0x3FAA] =	sst s6  }
0xf: {  	[smem:$0x3FAB] =	sst s7  }
0x10: {  	[smem:$0x3FAC] =	sst s8  }
0x11: {  	[smem:$0x3FAD] =	sst s9;
	s0 =	simm.s32 @!p0 $0x0  }
0x12: {  	s1 =	sld [smem:$0x3F93];
	s0 =	simm.s32 @p0 $0x1  }
0x13: {  	[smem:$0x3FAE] =	sst s0;
	s0 =	simm.s32 @!p1 $0x0  }
0x14: {  	s2 =	sld [smem:$0x3F92];
	s0 =	simm.s32 @p1 $0x1  }
0x15: {  	[smem:$0x3FAF] =	sst s0;
	s0 =	simm.s32 @!p2 $0x0  }
0x16: {  	s3 =	sld [smem:$0x3FDB];
	s0 =	simm.s32 @p2 $0x1  }
0x17: {  	s4 =	simm.s32 $0x1BF5;
	[smem:$0x3FB1] =	sst s0  }
0x18: {  	s0 =	sld [smem:$0x3F94];
	_ =	swait.ge [sflag:s4], $0x0  }
0x19: {  	s7 =	sld [smem:$0x3F95]  }
0x1a: {  	s8 =	sadd.s32 $0xFFFFE003, lr  }
0x1b: {  	s9 =	sadd.s32 $0xFFFFFEF7, lr;
	s5 =	simm.s32 $0xFFFFFFFF;
	p2 =	slt.u32 s8, $0xFFFFF086  }
0x1c: {  	p1 =	slt.u32 s9, $0xF7A;
	s5 =	simm.s32 @!p2 $0x0  }
0x1d: {  	s5 =	simm.s32 @p1 $0x1;
	p0 =	seq.s32 s7, s2  }
0x1e: {  	s7 =	smul.u32 @!p0 $0xF7A, s2;
	p2 =	seq.s32 @!p0 s5, $0x0  }
0x1f: {  	s9 =	smul.u32 $0xF7A, s1;
	s8 =	simm.s32 @!p0 $0x1BF5;
	p2 =	por !p2, p0  }
0x20: {  	[sflag:s8] =	ssyncset.s32 @!p0 $0xFFFFF086;
	s6 =	sadd.s32 @!p0 s3, s7;
	s7 =	simm.s32 @!p0 $0x108  }
0x21: {  	s3 =	sadd.s32 s3, s9;
	s6 =	sadd.s32 @!p0 $0x88, s6;
	s7 =	simm.s32 @p2 $0x1082  }
0x22: {  	[simem:s7], [sflag:s8] =	dma.local @!p0 [hbm:s6], $0xF7A  }
0x23: {  	s9 =	sor.u32 $0xD0000000, s2;
	s6 =	simm.s32 $0x108;
	_ =	swait.ge @!p0 [sflag:s8], $0x0  }
0x24: {  	s3 =	sadd.s32 $0x88, s3;
	s6 =	simm.s32 @!p1 $0x1082;
	[sflag:s4] =	ssyncset.s32 $0xFFFFF086  }
0x25: {  	[simem:s6], [sflag:s4] =	dma.local [hbm:s3], $0xF7A  }
0x26: {  	[smem:$0x3F95] =	sst s1;
	(tag) =	ssettag s2;
	_ =	strace s9  }
0x27: {  	s1 =	sld [smem:$0x3FA5]  }
0x28: {  	s2 =	sld [smem:$0x3FA6]  }
0x29: {  	s4 =	sld [smem:$0x3FA8]  }
0x2a: {  	p0 =	seq.s32 s5, $0x0;
	s5 =	sld [smem:$0x3FA9]  }
0x2b: {  	s6 =	sld [smem:$0x3FAA]  }
0x2c: {  	s7 =	sld [smem:$0x3FAB]  }
0x2d: {  	s3 =	simm.s32 $0x108;
	s8 =	sld [smem:$0x3FAC]  }
0x2e: {  	s3 =	simm.s32 @!p0 $0x1082;
	s9 =	sld [smem:$0x3FAD]  }
0x2f: {  	lr =	sadd.s32 s0, s3;
	s0 =	sld [smem:$0x3FA4]  }
0x30: {  	s3 =	sld [smem:$0x3FA7]  }
0x31: {  	[smem:$0x3FB0] =	sst s10  }
0x32: {  	s10 =	sld [smem:$0x3FAE];
	_ =	sdelay $0x3  }
0x33: {  	p0 =	seq.s32 s10, $0x1;
	s10 =	sld [smem:$0x3FB0];
	_ =	sdelay $0x3  }
0x34: {  	[smem:$0x3FB0] =	sst s10  }
0x35: {  	s10 =	sld [smem:$0x3FAF];
	_ =	sdelay $0x3  }
0x36: {  	p1 =	seq.s32 s10, $0x1;
	s10 =	sld [smem:$0x3FB0];
	_ =	sdelay $0x3  }
0x37: {  	[smem:$0x3FB0] =	sst s10  }
0x38: {  	s10 =	sld [smem:$0x3FB1]  }
0x39: {  	_ = 	snop;
	(pc) =	sbr.ind lr, $3  }
0x3a: {  	_ = 	snop  }
0x3b: {  	_ = 	snop  }
0x3c: {  	p2 =	seq.s32 s10, $0x1;
	s10 =	sld [smem:$0x3FB0]  }
0x3d: {  	_ =	shalt  }
0x3e: {  	_ =	shalt  }
0x3f: {  	_ =	shalt  }
0x40: {  	_ =	shalt  }
0x41: {  	_ =	shalt  }
0x42: {  	_ =	shalt  }
0x43: {  	_ =	shalt  }
0x44: {  	_ =	shalt  }
0x45: {  	_ =	shalt  }
0x46: {  	_ =	shalt  }
0x47: {  	_ =	shalt  }
0x48: {  	_ =	shalt  }
0x49: {  	_ =	shalt  }
0x4a: {  	_ =	shalt  }
0x4b: {  	_ =	shalt  }
0x4c: {  	_ =	shalt  }
0x4d: {  	_ =	shalt  }
0x4e: {  	_ =	shalt  }
0x4f: {  	_ =	shalt  }
0x50: {  	_ =	shalt  }
0x51: {  	_ =	shalt  }
0x52: {  	_ =	shalt  }
0x53: {  	_ =	shalt  }
0x54: {  	_ =	shalt  }
0x55: {  	_ =	shalt  }
0x56: {  	_ =	shalt  }
0x57: {  	_ =	shalt  }
0x58: {  	_ =	shalt  }
0x59: {  	_ =	shalt  }
0x5a: {  	_ =	shalt  }
0x5b: {  	_ =	shalt  }
0x5c: {  	_ =	shalt  }
0x5d: {  	_ =	shalt  }
0x5e: {  	_ =	shalt  }
0x5f: {  	_ =	shalt  }
0x60: {  	_ =	shalt  }
0x61: {  	_ =	shalt  }
0x62: {  	_ =	shalt  }
0x63: {  	_ =	shalt  }
0x64: {  	_ =	shalt  }
0x65: {  	_ =	shalt  }
0x66: {  	_ =	shalt  }
0x67: {  	_ =	shalt  }
0x68: {  	_ =	shalt  }
0x69: {  	_ =	shalt  }
0x6a: {  	_ =	shalt  }
0x6b: {  	_ =	shalt  }
0x6c: {  	_ =	shalt  }
0x6d: {  	_ =	shalt  }
0x6e: {  	_ =	shalt  }
0x6f: {  	_ =	shalt  }
0x70: {  	_ =	shalt  }
0x71: {  	_ =	shalt  }
0x72: {  	_ =	shalt  }
0x73: {  	_ =	shalt  }
0x74: {  	_ =	shalt  }
0x75: {  	_ =	shalt  }
0x76: {  	_ =	shalt  }
0x77: {  	_ =	shalt  }
0x78: {  	_ =	shalt  }
0x79: {  	_ =	shalt  }
0x7a: {  	_ =	shalt  }
0x7b: {  	_ =	shalt  }
0x7c: {  	_ =	shalt  }
0x7d: {  	_ =	shalt  }
0x7e: {  	_ =	shalt  }
0x7f: {  	_ =	shalt  }
0x80: {  	_ =	shalt  }
0x81: {  	_ =	shalt  }
0x82: {  	_ =	shalt  }
0x83: {  	_ =	shalt  }
0x84: {  	_ =	shalt  }
0x85: {  	_ =	shalt  }
0x86: {  	_ =	shalt  }
0x87: {  	_ =	shalt  }
.Lfunc_end0:
.L_simem_size_0:
called_computation.4_lowered:
.L_overlay_start_0:
0x88: {  	s2 =	sld [smem:$0x3FD9]  }
0x89: {  	s3 =	sld [smem:$0x3FFE];
	_ =	sdelay $0x1  }
0x8a: {  	s1 =	srdreg.scid  }
0x8b: {  	s0 =	sand.u32 $0x1, s1  }
0x8c: {  	s17 =	sshll.u32 s0, $0xA;
	s2 =	sadd.s32 s3, s2  }
0x8d: {  	s2 =	sadd.s32 s2, s17  }
0x8e: {  	[smem:$0x3FBC] =	sst s2  }
0x8f: {  	_ = 	snop  }
0x90: {  	(tm) =	ssettm $0x1  }
0x91: {  	s18 =	sld [smem:$0x3FFB];
	_ =	sdelay $0x3  }
0x92: {  	_ =	strace s18  }
0x93: {  	s2 =	sld [smem:$0x3FFC];
	_ =	sdelay $0x3  }
0x94: {  	_ =	strace s2  }
0x95: {  	s2 =	sld [smem:$0x3FFD];
	_ =	sdelay $0x3  }
0x96: {  	_ =	strace s2  }
0x97: {  	_ =	strace $0x8FFFFFFF  }
0x98: {  	s19 =	sld [smem:$0x3FDB];
	_ =	sdelay $0x1  }
0x99: {  	s20 =	simm.s32 $_scs_section_size  }
0x9a: {  	s4 =	simm.s32 $_size__tile_overlayer_lowered;
	s5 =	simm.s32 $_tile_overlayer_lowered  }
0x9b: {  	s6 =	simm.s32 $0x1BFF;
	s21 =	sshll.u32 s5, $0x1;
	s3 =	sadd.s32 s20, s19  }
0x9c: {  	s22 =	simm.s32 $0x0;
	s4 =	sshll.u32 s4, $0x1;
	s5 =	sadd.s32 s21, s3  }
0x9d: {  	[timem:s22], [sflag:s6] =	dma.local [hbm:s5], s4  }
0x9e: {  	_ =	swait.ge [sflag:s6], s4  }
0x9f: {  	s4 =	ssub.s32 $0x0, s4;
	[sflag:s6] =	ssyncset.done $0x0  }
0xa0: {  	[sflag:s6] =	ssyncadd.s32 s4;
	_ =	sdelay $0x1  }
0xa1: {  	s23 =	simm.s32 $0x1B8B  }
0xa2: {  	_ =	swait.ge [sflag:s23], $0x1  }
0xa3: {  	[sflag:s23] =	ssyncset.done $0x0  }
0xa4: {  	[sflag:s23] =	ssyncadd.s32 $0xFFFFFFFF  }
0xa5: {  	s4 =	sld [smem:$0x0]  }
0xa6: {  	s5 =	sand.u32 $0xFFFFFFFE, s1  }
0xa7: {  	p0 =	sne.s32 s1, s5  }
0xa8: {  	s5 =	sshll.u32 @p0 s5, $0xE  }
0xa9: {  	s5 =	sadd.s32 @p0 $0x11B8D, s5;
	s6 =	sshll.u32 @p0 s4, $0x11  }
0xaa: {  	s5 =	sor.u32 @p0 s6, s5  }
0xab: {  	[sflag:s5] =	ssyncadd.remote.s32 @p0 $0x1;
	_ =	sdelay $0x1  }
0xac: {  	s5 =	simm.s32 @p0 $0x1B8D  }
0xad: {  	_ =	swait.eq @p0 [sflag:s5], $0x1  }
0xae: {  	[sflag:s5] =	ssyncadd.s32 @p0 $0xFFFFFFFF  }
0xaf: {  	s6 =	sshll.u32 @!p0 s1, $0xE  }
0xb0: {  	s6 =	sor.u32 @!p0 $0x4000, s6;
	s5 =	simm.s32 @!p0 $0x1B8D  }
0xb1: {  	s4 =	sshll.u32 @!p0 s4, $0x11;
	s6 =	sadd.s32 @!p0 $0x11B8D, s6;
	_ =	swait.eq @!p0 [sflag:s5], $0x1  }
0xb2: {  	s4 =	sor.u32 @!p0 s4, s6;
	[sflag:s5] =	ssyncadd.s32 @!p0 $0xFFFFFFFF  }
0xb3: {  	s25 =	simm.s32 $0x1B8E;
	s24 =	sld [smem:$0x3FFE];
	[sflag:s4] =	ssyncadd.remote.s32 @!p0 $0x1  }
0xb4: {  	s26 =	simm.s32 $execute0_lowered;
	[smem:$0x3FD2] =	sst s25  }
0xb5: {  	s5 =	sshll.u32 s26, $0x1;
	_ =	strace $0x80000052;
	[dreg:$0x1] =	wrdreg $0xFFFFFFFF  }
0xb6: {  	s28 =	simm.s32 $_size_execute0_lowered;
	s3 =	sadd.s32 s3, s5;
	[dreg:$0x0] =	wrdreg $0x0  }
0xb7: {  	s5 =	sshll.u32 s28, $0x1;
	[dreg:$0x2] =	wrdreg s3  }
0xb8: {  	[dreg:$0x3] =	wrdreg s5  }
0xb9: {  	[dreg:$0x4] =	wrdreg $0xC0  }
0xba: {  	_ =	task [dreg:s22], $0x5FFFF  }
0xbb: {  	[dreg:$0x1] =	wrdreg $0xFFFFFFFF  }
0xbc: {  	[dreg:$0x0] =	wrdreg $0x60  }
0xbd: {  	[dreg:$0x2] =	wrdreg s24  }
0xbe: {  	[dreg:$0x3] =	wrdreg $0x0  }
0xbf: {  	[dreg:$0x4] =	wrdreg $0x9  }
0xc0: {  	_ =	task.clear_ibuf [dreg:s22], $0x5FFFF;
	_ =	strace $0x90000052  }
0xc1: {  	s29 =	simm.s32 $0x9;
	_ =	strace $0x80000054  }
0xc2: {  	_ =	swait.ge [sflag:s29], $0x1  }
0xc3: {  	[sflag:s29] =	ssyncadd.s32 $0xFFFFFFFF  }
0xc4: {  	_ =	strace $0x90000054  }
0xc5: {  	_ =	sfence  }
0xc6: {  	s30 =	sld [smem:$0x0];
	_ =	sdelay $0x2  }
0xc7: {  	s31 =	sshll.u32 s1, $0xD;
	s1 =	sshrl.u32 s1, $0x2  }
0xc8: {  	s4 =	sand.u32 $0x4000, s31;
	s1 =	sadd.s32 s1, s30  }
0xc9: {  	s0 =	sor.u32 s4, s0;
	s1 =	sshll.u32 s1, $0x11  }
0xca: {  	s0 =	sor.u32 s1, s0  }
0xcb: {  	s0 =	sadd.s32 $0x8F2B, s0  }
0xcc: {  	[sflag:s0] =	ssyncadd.remote.s32 $0x1  }
0xcd: {  	_ =	sfence.sel $0xFFFF  }
0xce: {  	[dreg:$0x0] =	wrdreg $0xFFFFFFFF;
	(pc) =	sbr.abs _section_cstart, $3  }
0xcf: {  	[dreg:$0x1] =	wrdreg $0xFFFFFFFF  }
0xd0: {  	_ =	task.clear_ibuf [dreg:s22], $0x2FFFF;
	_ =	strace $0x9FFFFFFF  }
0xd1: {  	(tm) =	ssettm $0x7FFFFFFF  }
tec
execute0_lowered:
.L_overlay_start_1:
0x0: {  	(tag) =	ssettag $0x1  }
0x1: {  	s1 =	srdreg.scid;
	s5 =	rddreg [dreg:$0x0]  }
0x2: {  	s0 =	stileid.u32;
	s2 =	rddreg [dreg:$0x1]  }
0x3: {  	s3 =	simm.s32 $0x0;
	s12 =	simm.s32 $0x64;
	s13 =	simm.s32 $0xD400  }
0x4: {  	s14 =	simm.s32 $0x1;
	s15 =	simm.s32 $0x0;
	s7 =	smul.u32 $0x1400, s0  }
0x5: {  	s4 =	sand.u32 $0x1, s1;
	s26 =	sshll.u32 s0, $0x1;
	s9 =	smul.u32 $0x28000, s0  }
0x6: {  	[smem:$0x7FF] =	sst s3;
	s1 =	sor.u32 s4, s26;
	s8 =	smul.u32 $0x14000, s4  }
0x7: {  	s31 =	sshll.u32 s0, $0x6;
	s4 =	ssub.s32 $0x2, s4;
	s6 =	smul.u32 $0x680, s1  }
0x8: {  	s1 =	rddreg [dreg:$0x2];
	_ =	strace $0x80000053;
	s10 =	sadd.s32 s7, s5  }
0x9: {  	s28 =	sshrl.u32 s4, $0x1;
	s29 =	sshrl.u32 s9, $0x2;
	s9 =	simm.s32 $0x2  }
0xa: {  	s7 =	sadd.s32 s7, s8;
	s30 =	ssub.s32 s4, s28;
	s11 =	sadd.s32 s29, s2  }
0xb: {  	s8 =	simm.s32 $0xA000;
	s6 =	sadd.s32 s6, s5;
	s7 =	sadd.s32 s7, s5  }
0xc: {  	v0 =	vimm.f32 $0.0e+00;
	vm0 =	vcmask $0x300;
	s5 =	sadd.s32 $0xAD000, s10;
	s10 =	sor.u32 $0x1C02, s31;
	s11 =	sshrl.u32 s11, $0x3  }
0xd: {  	v1 =	vsel vm0, $0x3F800000, v0;
	s4 =	sadd.s32 $0xA0000, s6;
	s6 =	sadd.s32 $0xC1000, s7;
	s7 =	smax.u32 s30, $0x1  }
.LBB2_1:
0xe: {  	[tilespmem:s8], [sflag:$0x2] =	stream.linear.gather [hbm4b:s4+s3], $0x3200, $0x38;
	[tilespmem:$0x10800] =	vst v63  }
0xf: {  	_ =	swait.ge [sflag:s9], $0x3200  }
0x10: {  	[sflag:s9] =	ssyncset.done $0x0  }
0x11: {  	[sflag:s9] =	ssyncadd.s32 $0xFFFFCE00  }
0x12: {  	[spmem:s11], [sflag:s10] =	dma.local [hbm:s5], $0x1400  }
0x13: {  	_ =	swait.ge [sflag:s9], $0x1400  }
0x14: {  	[sflag:s9] =	ssyncset.done $0x0  }
0x15: {  	s16 =	simm.s32 $0x0;
	s17 =	simm.s32 $0x200;
	[sflag:s9] =	ssyncadd.s32 $0xFFFFEC00  }
.LBB2_2:
0x16: {  	p0 =	sne.s32 s17, $0xC600;
	[tilespmem:s16+$0xD400] =	vst v1  }
0x17: {  	[tilespmem:s16+$0xD410] =	vst v0  }
0x18: {  	[tilespmem:s16+$0xD420] =	vst v0  }
.Ltmp0:
0x19: {  	[tilespmem:s16+$0xD430] =	vst v0;
	(pc) =	sbr.rel @p0 .LBB2_2-.Ltmp0, $4  }
0x1a: {  	[tilespmem:s16+$0xD440] =	vst v0  }
0x1b: {  	[tilespmem:s16+$0xD450] =	vst v0  }
0x1c: {  	[tilespmem:s16+$0xD460] =	vst v0  }
0x1d: {  	[tilespmem:s16+$0xD470] =	vst v0;
	s16 =	sshra.s32 s17, $0x2;
	s17 =	sadd.s32 $0x200, s17  }
0x1e: {  	[tilespmem:s16+$0xD400] =	vst v1  }
0x1f: {  	[tilespmem:s16+$0xD410] =	vst v0  }
0x20: {  	[tilespmem:s16+$0xD420] =	vst v0  }
0x21: {  	[tilespmem:s16+$0xD430] =	vst v0  }
0x22: {  	[tilespmem:s16+$0xD440] =	vst v0  }
0x23: {  	[tilespmem:s16+$0xD450] =	vst v0  }
0x24: {  	[tilespmem:s16+$0xD460] =	vst v0  }
0x25: {  	[tilespmem:s16+$0xD470] =	vst v0  }
0x26: {  	s31 =	simm.s32 $0xA000;
	[bflag:$0x0] =	sbarrier.arrive $0xFFFF  }
0x27: {  	[spmem:s2] =	stream.indirect.scatter.add.f32 [tilespmem:s13], [sflag:$0x1], $0x80, s31, s12, $0xb8;
	[tilespmem:$0x10800] =	vst v63  }
0x28: {  	s16 =	simm.s32 $0x200;
	_ =	swait.ge [sflag:s14], $0x3200  }
.LBB2_4:
0x29: {  	s17 =	sshra.s32 s16, $0x2;
	[sflag:s14] =	ssyncset.done $0x0;
	p0 =	sne.s32 s16, $0xC600  }
.Ltmp1:
0x2a: {  	s17 =	sadd.s32 $0xA000, s17;
	[sflag:s14] =	ssyncadd.s32 $0xFFFFCE00;
	(pc) =	sbr.rel @p0 .LBB2_4-.Ltmp1, $3  }
0x2b: {  	[spmem:s2] =	stream.indirect.scatter.add.f32 [tilespmem:s13], [sflag:$0x1], $0x80, s17, s12, $0xb8;
	[tilespmem:$0x10800] =	vst v63  }
0x2c: {  	s16 =	sadd.s32 $0x200, s16;
	_ =	sdelay $0x1  }
0x2d: {  	_ =	swait.ge [sflag:s14], $0x3200  }
0x2e: {  	[sflag:s14] =	ssyncset.done $0x0;
	s15 =	sadd.s32 $0x1, s15  }
0x2f: {  	[sflag:s14] =	ssyncadd.s32 $0xFFFFCE00;
	p0 =	sne.s32 s15, s7  }
.Ltmp2:
0x30: {  	[bflag:$0x0] =	sbarrier.arrive $0xFFFF;
	(pc) =	sbr.rel @p0 .LBB2_1-.Ltmp2, $4  }
0x31: {  	[hbm:s6], [sflag:s10] =	dma.local [spmem:s11], $0x1400  }
0x32: {  	_ =	swait.ge [sflag:s9], $0x1400  }
0x33: {  	[sflag:s9] =	ssyncset.done $0x0  }
0x34: {  	[sflag:s9] =	ssyncadd.s32 $0xFFFFEC00  }
0x35: {  	_ =	sfence.sel $0x180000  }
0x36: {  	[bflag:$0x0] =	sbarrier.arrive $0xFFFF  }
0x37: {  	p0 =	sne.s32 s0, $0x0;
	_ =	strace $0x90000053  }
0x38: {  	s0 =	sadd.s32 @!p0 $0x100000, s1;
	[bflag:$0x2] =	sbarrier.arrive $0xFFFF  }
0x39: {  	[sflag:s0] =	ssyncadd.tile.s32 @!p0 $0x1;
	_ =	shalt  }
.Lfunc_end2:
_tile_overlayer_lowered:
.L_overlay_start_2:
0x3a: {  	(tag) =	ssettag $0x2  }
0x3b: {  	s0 =	rddreg [dreg:$0x0];
	s2 =	stileid.u32  }
0x3c: {  	s1 =	rddreg [dreg:$0x1];
	p0 =	sne.s32 s2, $0x0  }
0x3d: {  	s3 =	rddreg [dreg:$0x2];
	[bflag:$0x3] =	sbarrier.arrive $0xFFFF;
	s2 =	simm.s32 @!p0 $0x1C02  }
0x3e: {  	[timem:s3], [sflag:s2] =	dma.local @!p0 [hbm:s0], s1  }
0x3f: {  	s0 =	simm.s32 @!p0 $0x2  }
0x40: {  	_ =	swait.ge @!p0 [sflag:s0], s1  }
0x41: {  	s1 =	ssub.s32 @!p0 $0x0, s1;
	[sflag:s0] =	ssyncset.done @!p0 $0x0  }
0x42: {  	[sflag:s0] =	ssyncadd.s32 @!p0 s1  }
0x43: {  	[bflag:$0x3] =	sbarrier.arrive $0xFFFF  }
0x44: {  	_ =	shalt  }

// kernel: kernel.28.cloned.1.call-start
scs
__scs_entry_jumppad:
0x0: {  	(pc) =	sbr.rel $0x88, $3  }
0x1: {  	(tag) =	ssettag $0x0;
	lr =	simm.s32 $0x1  }
0x2: {  	[smem:$0x3F95] =	sst lr;
	_ =	strace $0xD0000000  }
0x3: {  	_ = 	snop  }
0x4: {  	_ = 	snop  }
0x5: {  	_ = 	snop  }
0x6: {  	_ = 	snop  }
0x7: {  	_ = 	snop  }
__scs_overlays_trampoline_lowered:
0x8: {  	[smem:$0x3FA4] =	sst s0  }
0x9: {  	[smem:$0x3FA5] =	sst s1  }
0xa: {  	[smem:$0x3FA6] =	sst s2  }
0xb: {  	[smem:$0x3FA7] =	sst s3  }
0xc: {  	[smem:$0x3FA8] =	sst s4  }
0xd: {  	[smem:$0x3FA9] =	sst s5  }
0xe: {  	[smem:$0x3FAA] =	sst s6  }
0xf: {  	[smem:$0x3FAB] =	sst s7  }
0x10: {  	[smem:$0x3FAC] =	sst s8  }
0x11: {  	[smem:$0x3FAD] =	sst s9;
	s0 =	simm.s32 @!p0 $0x0  }
0x12: {  	s1 =	sld [smem:$0x3F93];
	s0 =	simm.s32 @p0 $0x1  }
0x13: {  	[smem:$0x3FAE] =	sst s0;
	s0 =	simm.s32 @!p1 $0x0  }
0x14: {  	s2 =	sld [smem:$0x3F92];
	s0 =	simm.s32 @p1 $0x1  }
0x15: {  	[smem:$0x3FAF] =	sst s0;
	s0 =	simm.s32 @!p2 $0x0  }
0x16: {  	s3 =	sld [smem:$0x3FDB];
	s0 =	simm.s32 @p2 $0x1  }
0x17: {  	s4 =	simm.s32 $0x1BF5;
	[smem:$0x3FB1] =	sst s0  }
0x18: {  	s0 =	sld [smem:$0x3F94];
	_ =	swait.ge [sflag:s4], $0x0  }
0x19: {  	s7 =	sld [smem:$0x3F95]  }
0x1a: {  	s8 =	sadd.s32 $0xFFFFE003, lr  }
0x1b: {  	s9 =	sadd.s32 $0xFFFFFEF7, lr;
	s5 =	simm.s32 $0xFFFFFFFF;
	p2 =	slt.u32 s8, $0xFFFFF086  }
0x1c: {  	p1 =	slt.u32 s9, $0xF7A;
	s5 =	simm.s32 @!p2 $0x0  }
0x1d: {  	s5 =	simm.s32 @p1 $0x1;
	p0 =	seq.s32 s7, s2  }
0x1e: {  	s7 =	smul.u32 @!p0 $0xF7A, s2;
	p2 =	seq.s32 @!p0 s5, $0x0  }
0x1f: {  	s9 =	smul.u32 $0xF7A, s1;
	s8 =	simm.s32 @!p0 $0x1BF5;
	p2 =	por !p2, p0  }
0x20: {  	[sflag:s8] =	ssyncset.s32 @!p0 $0xFFFFF086;
	s6 =	sadd.s32 @!p0 s3, s7;
	s7 =	simm.s32 @!p0 $0x108  }
0x21: {  	s3 =	sadd.s32 s3, s9;
	s6 =	sadd.s32 @!p0 $0x88, s6;
	s7 =	simm.s32 @p2 $0x1082  }
0x22: {  	[simem:s7], [sflag:s8] =	dma.local @!p0 [hbm:s6], $0xF7A  }
0x23: {  	s9 =	sor.u32 $0xD0000000, s2;
	s6 =	simm.s32 $0x108;
	_ =	swait.ge @!p0 [sflag:s8], $0x0  }
0x24: {  	s3 =	sadd.s32 $0x88, s3;
	s6 =	simm.s32 @!p1 $0x1082;
	[sflag:s4] =	ssyncset.s32 $0xFFFFF086  }
0x25: {  	[simem:s6], [sflag:s4] =	dma.local [hbm:s3], $0xF7A  }
0x26: {  	[smem:$0x3F95] =	sst s1;
	(tag) =	ssettag s2;
	_ =	strace s9  }
0x27: {  	s1 =	sld [smem:$0x3FA5]  }
0x28: {  	s2 =	sld [smem:$0x3FA6]  }
0x29: {  	s4 =	sld [smem:$0x3FA8]  }
0x2a: {  	p0 =	seq.s32 s5, $0x0;
	s5 =	sld [smem:$0x3FA9]  }
0x2b: {  	s6 =	sld [smem:$0x3FAA]  }
0x2c: {  	s7 =	sld [smem:$0x3FAB]  }
0x2d: {  	s3 =	simm.s32 $0x108;
	s8 =	sld [smem:$0x3FAC]  }
0x2e: {  	s3 =	simm.s32 @!p0 $0x1082;
	s9 =	sld [smem:$0x3FAD]  }
0x2f: {  	lr =	sadd.s32 s0, s3;
	s0 =	sld [smem:$0x3FA4]  }
0x30: {  	s3 =	sld [smem:$0x3FA7]  }
0x31: {  	[smem:$0x3FB0] =	sst s10  }
0x32: {  	s10 =	sld [smem:$0x3FAE];
	_ =	sdelay $0x3  }
0x33: {  	p0 =	seq.s32 s10, $0x1;
	s10 =	sld [smem:$0x3FB0];
	_ =	sdelay $0x3  }
0x34: {  	[smem:$0x3FB0] =	sst s10  }
0x35: {  	s10 =	sld [smem:$0x3FAF];
	_ =	sdelay $0x3  }
0x36: {  	p1 =	seq.s32 s10, $0x1;
	s10 =	sld [smem:$0x3FB0];
	_ =	sdelay $0x3  }
0x37: {  	[smem:$0x3FB0] =	sst s10  }
0x38: {  	s10 =	sld [smem:$0x3FB1]  }
0x39: {  	_ = 	snop;
	(pc) =	sbr.ind lr, $3  }
0x3a: {  	_ = 	snop  }
0x3b: {  	_ = 	snop  }
0x3c: {  	p2 =	seq.s32 s10, $0x1;
	s10 =	sld [smem:$0x3FB0]  }
0x3d: {  	_ =	shalt  }
0x3e: {  	_ =	shalt  }
0x3f: {  	_ =	shalt  }
0x40: {  	_ =	shalt  }
0x41: {  	_ =	shalt  }
0x42: {  	_ =	shalt  }
0x43: {  	_ =	shalt  }
0x44: {  	_ =	shalt  }
0x45: {  	_ =	shalt  }
0x46: {  	_ =	shalt  }
0x47: {  	_ =	shalt  }
0x48: {  	_ =	shalt  }
0x49: {  	_ =	shalt  }
0x4a: {  	_ =	shalt  }
0x4b: {  	_ =	shalt  }
0x4c: {  	_ =	shalt  }
0x4d: {  	_ =	shalt  }
0x4e: {  	_ =	shalt  }
0x4f: {  	_ =	shalt  }
0x50: {  	_ =	shalt  }
0x51: {  	_ =	shalt  }
0x52: {  	_ =	shalt  }
0x53: {  	_ =	shalt  }
0x54: {  	_ =	shalt  }
0x55: {  	_ =	shalt  }
0x56: {  	_ =	shalt  }
0x57: {  	_ =	shalt  }
0x58: {  	_ =	shalt  }
0x59: {  	_ =	shalt  }
0x5a: {  	_ =	shalt  }
0x5b: {  	_ =	shalt  }
0x5c: {  	_ =	shalt  }
0x5d: {  	_ =	shalt  }
0x5e: {  	_ =	shalt  }
0x5f: {  	_ =	shalt  }
0x60: {  	_ =	shalt  }
0x61: {  	_ =	shalt  }
0x62: {  	_ =	shalt  }
0x63: {  	_ =	shalt  }
0x64: {  	_ =	shalt  }
0x65: {  	_ =	shalt  }
0x66: {  	_ =	shalt  }
0x67: {  	_ =	shalt  }
0x68: {  	_ =	shalt  }
0x69: {  	_ =	shalt  }
0x6a: {  	_ =	shalt  }
0x6b: {  	_ =	shalt  }
0x6c: {  	_ =	shalt  }
0x6d: {  	_ =	shalt  }
0x6e: {  	_ =	shalt  }
0x6f: {  	_ =	shalt  }
0x70: {  	_ =	shalt  }
0x71: {  	_ =	shalt  }
0x72: {  	_ =	shalt  }
0x73: {  	_ =	shalt  }
0x74: {  	_ =	shalt  }
0x75: {  	_ =	shalt  }
0x76: {  	_ =	shalt  }
0x77: {  	_ =	shalt  }
0x78: {  	_ =	shalt  }
0x79: {  	_ =	shalt  }
0x7a: {  	_ =	shalt  }
0x7b: {  	_ =	shalt  }
0x7c: {  	_ =	shalt  }
0x7d: {  	_ =	shalt  }
0x7e: {  	_ =	shalt  }
0x7f: {  	_ =	shalt  }
0x80: {  	_ =	shalt  }
0x81: {  	_ =	shalt  }
0x82: {  	_ =	shalt  }
0x83: {  	_ =	shalt  }
0x84: {  	_ =	shalt  }
0x85: {  	_ =	shalt  }
0x86: {  	_ =	shalt  }
0x87: {  	_ =	shalt  }
.Lfunc_end0:
.L_simem_size_0:
called_computation.5_lowered:
.L_overlay_start_0:
0x88: {  	s2 =	sld [smem:$0x3FD9]  }
0x89: {  	s3 =	sld [smem:$0x3FFE];
	_ =	sdelay $0x1  }
0x8a: {  	s1 =	srdreg.scid  }
0x8b: {  	s0 =	sand.u32 $0x1, s1  }
0x8c: {  	s17 =	sshll.u32 s0, $0xA;
	s2 =	sadd.s32 s3, s2  }
0x8d: {  	s2 =	sadd.s32 s2, s17  }
0x8e: {  	[smem:$0x3FBC] =	sst s2  }
0x8f: {  	_ = 	snop  }
0x90: {  	(tm) =	ssettm $0x1  }
0x91: {  	s18 =	sld [smem:$0x3FFB];
	_ =	sdelay $0x3  }
0x92: {  	_ =	strace s18  }
0x93: {  	s2 =	sld [smem:$0x3FFC];
	_ =	sdelay $0x3  }
0x94: {  	_ =	strace s2  }
0x95: {  	s2 =	sld [smem:$0x3FFD];
	_ =	sdelay $0x3  }
0x96: {  	_ =	strace s2  }
0x97: {  	_ =	strace $0x8FFFFFFF  }
0x98: {  	s19 =	sld [smem:$0x3FDB];
	_ =	sdelay $0x1  }
0x99: {  	s20 =	simm.s32 $_scs_section_size  }
0x9a: {  	s4 =	simm.s32 $_size__tile_overlayer_lowered;
	s5 =	simm.s32 $_tile_overlayer_lowered  }
0x9b: {  	s6 =	simm.s32 $0x1BFF;
	s21 =	sshll.u32 s5, $0x1;
	s3 =	sadd.s32 s20, s19  }
0x9c: {  	s22 =	simm.s32 $0x0;
	s4 =	sshll.u32 s4, $0x1;
	s5 =	sadd.s32 s21, s3  }
0x9d: {  	[timem:s22], [sflag:s6] =	dma.local [hbm:s5], s4  }
0x9e: {  	_ =	swait.ge [sflag:s6], s4  }
0x9f: {  	s4 =	ssub.s32 $0x0, s4;
	[sflag:s6] =	ssyncset.done $0x0  }
0xa0: {  	[sflag:s6] =	ssyncadd.s32 s4;
	_ =	sdelay $0x1  }
0xa1: {  	s23 =	simm.s32 $0x1B8B  }
0xa2: {  	_ =	swait.ge [sflag:s23], $0x1  }
0xa3: {  	[sflag:s23] =	ssyncset.done $0x0  }
0xa4: {  	[sflag:s23] =	ssyncadd.s32 $0xFFFFFFFF  }
0xa5: {  	s4 =	sld [smem:$0x0]  }
0xa6: {  	s5 =	sand.u32 $0xFFFFFFFE, s1  }
0xa7: {  	p0 =	sne.s32 s1, s5  }
0xa8: {  	s5 =	sshll.u32 @p0 s5, $0xE  }
0xa9: {  	s5 =	sadd.s32 @p0 $0x11B8D, s5;
	s6 =	sshll.u32 @p0 s4, $0x11  }
0xaa: {  	s5 =	sor.u32 @p0 s6, s5  }
0xab: {  	[sflag:s5] =	ssyncadd.remote.s32 @p0 $0x1;
	_ =	sdelay $0x1  }
0xac: {  	s5 =	simm.s32 @p0 $0x1B8D  }
0xad: {  	_ =	swait.eq @p0 [sflag:s5], $0x1  }
0xae: {  	[sflag:s5] =	ssyncadd.s32 @p0 $0xFFFFFFFF  }
0xaf: {  	s6 =	sshll.u32 @!p0 s1, $0xE  }
0xb0: {  	s6 =	sor.u32 @!p0 $0x4000, s6;
	s5 =	simm.s32 @!p0 $0x1B8D  }
0xb1: {  	s4 =	sshll.u32 @!p0 s4, $0x11;
	s6 =	sadd.s32 @!p0 $0x11B8D, s6;
	_ =	swait.eq @!p0 [sflag:s5], $0x1  }
0xb2: {  	s4 =	sor.u32 @!p0 s4, s6;
	[sflag:s5] =	ssyncadd.s32 @!p0 $0xFFFFFFFF  }
0xb3: {  	s25 =	simm.s32 $0x1B8E;
	s24 =	sld [smem:$0x3FFE];
	[sflag:s4] =	ssyncadd.remote.s32 @!p0 $0x1  }
0xb4: {  	s26 =	simm.s32 $execute0_lowered;
	[smem:$0x3FD2] =	sst s25  }
0xb5: {  	s5 =	sshll.u32 s26, $0x1;
	_ =	strace $0x80000055;
	[dreg:$0x1] =	wrdreg $0xFFFFFFFF  }
0xb6: {  	s28 =	simm.s32 $_size_execute0_lowered;
	s3 =	sadd.s32 s3, s5;
	[dreg:$0x0] =	wrdreg $0x0  }
0xb7: {  	s5 =	sshll.u32 s28, $0x1;
	[dreg:$0x2] =	wrdreg s3  }
0xb8: {  	[dreg:$0x3] =	wrdreg s5  }
0xb9: {  	[dreg:$0x4] =	wrdreg $0xC0  }
0xba: {  	_ =	task [dreg:s22], $0x5FFFF  }
0xbb: {  	[dreg:$0x1] =	wrdreg $0xFFFFFFFF  }
0xbc: {  	[dreg:$0x0] =	wrdreg $0x60  }
0xbd: {  	[dreg:$0x2] =	wrdreg s24  }
0xbe: {  	[dreg:$0x3] =	wrdreg $0x0  }
0xbf: {  	[dreg:$0x4] =	wrdreg $0xA  }
0xc0: {  	_ =	task.clear_ibuf [dreg:s22], $0x5FFFF;
	_ =	strace $0x90000055  }
0xc1: {  	s29 =	simm.s32 $0xA;
	_ =	strace $0x80000057  }
0xc2: {  	_ =	swait.ge [sflag:s29], $0x1  }
0xc3: {  	[sflag:s29] =	ssyncadd.s32 $0xFFFFFFFF  }
0xc4: {  	_ =	strace $0x90000057  }
0xc5: {  	_ =	sfence  }
0xc6: {  	s30 =	sld [smem:$0x0];
	_ =	sdelay $0x2  }
0xc7: {  	s31 =	sshll.u32 s1, $0xD;
	s1 =	sshrl.u32 s1, $0x2  }
0xc8: {  	s4 =	sand.u32 $0x4000, s31;
	s1 =	sadd.s32 s1, s30  }
0xc9: {  	s0 =	sor.u32 s4, s0;
	s1 =	sshll.u32 s1, $0x11  }
0xca: {  	s0 =	sor.u32 s1, s0  }
0xcb: {  	s0 =	sadd.s32 $0x8F2B, s0  }
0xcc: {  	[sflag:s0] =	ssyncadd.remote.s32 $0x1  }
0xcd: {  	_ =	sfence.sel $0xFFFF  }
0xce: {  	[dreg:$0x0] =	wrdreg $0xFFFFFFFF;
	(pc) =	sbr.abs _section_cstart, $3  }
0xcf: {  	[dreg:$0x1] =	wrdreg $0xFFFFFFFF  }
0xd0: {  	_ =	task.clear_ibuf [dreg:s22], $0x2FFFF;
	_ =	strace $0x9FFFFFFF  }
0xd1: {  	(tm) =	ssettm $0x7FFFFFFF  }
tec
execute0_lowered:
.L_overlay_start_1:
0x0: {  	(tag) =	ssettag $0x1  }
0x1: {  	s1 =	srdreg.scid;
	s5 =	rddreg [dreg:$0x0]  }
0x2: {  	s0 =	stileid.u32;
	s2 =	rddreg [dreg:$0x1];
	s3 =	simm.s32 $0x0  }
0x3: {  	s12 =	simm.s32 $0xD400;
	s15 =	simm.s32 $0x64;
	s16 =	simm.s32 $0x10800  }
0x4: {  	s17 =	simm.s32 $0x1;
	s18 =	simm.s32 $0x2;
	s19 =	simm.s32 $0x0  }
0x5: {  	s6 =	sand.u32 $0x1, s1;
	s1 =	rddreg [dreg:$0x2];
	s8 =	smul.u32 $0x1400, s0  }
0x6: {  	s30 =	sshll.u32 s0, $0x1;
	[smem:$0x7FF] =	sst s3;
	s11 =	smul.u32 $0x28000, s0  }
0x7: {  	s13 =	sshll.u32 s0, $0x6;
	s4 =	sor.u32 s6, s30;
	_ =	strace $0x80000056  }
0x8: {  	s9 =	smul.u32 $0x14000, s6;
	s6 =	ssub.s32 $0x2, s6;
	s13 =	sor.u32 $0x1C03, s13  }
0x9: {  	s7 =	smul.u32 $0x680, s4;
	s4 =	sadd.s32 $0x36600, s5;
	s10 =	sshrl.u32 s6, $0x1  }
0xa: {  	s31 =	sshrl.u32 s11, $0x2;
	s11 =	simm.s32 $0x3;
	s9 =	sadd.s32 s8, s9  }
0xb: {  	s8 =	sadd.s32 s8, s5;
	s10 =	ssub.s32 s6, s10;
	s14 =	sadd.s32 s31, s2  }
0xc: {  	s7 =	sadd.s32 s7, s5;
	s9 =	sadd.s32 s9, s5;
	s14 =	sshrl.u32 s14, $0x3  }
0xd: {  	s5 =	sadd.s32 $0xA0000, s7;
	s6 =	sadd.s32 $0x93000, s7;
	s7 =	sadd.s32 $0xAD000, s8  }
0xe: {  	s8 =	sadd.s32 $0x4A600, s9;
	s9 =	smax.u32 s10, $0x1;
	s10 =	simm.s32 $0xA000  }
.LBB2_1:
0xf: {  	[tilespmem:s10], [sflag:$0x3] =	stream.linear.gather [hbm4b:s5+s3], $0x3200, $0x38;
	[tilespmem:$0x13C00] =	vst v63  }
0x10: {  	_ =	swait.ge [sflag:s11], $0x3200  }
0x11: {  	[sflag:s11] =	ssyncset.done $0x0  }
0x12: {  	[sflag:s11] =	ssyncadd.s32 $0xFFFFCE00  }
0x13: {  	[tilespmem:s12], [sflag:$0x3] =	stream.linear.gather [hbm4b:s6+s3], $0x3200, $0x38;
	[tilespmem:$0x13C00] =	vst v63  }
0x14: {  	_ =	swait.ge [sflag:s11], $0x3200  }
0x15: {  	[sflag:s11] =	ssyncset.done $0x0  }
0x16: {  	[sflag:s11] =	ssyncadd.s32 $0xFFFFCE00  }
0x17: {  	[spmem:s14], [sflag:s13] =	dma.local [hbm:s7], $0x1400  }
0x18: {  	_ =	swait.ge [sflag:s11], $0x1400  }
0x19: {  	[sflag:s11] =	ssyncset.done $0x0  }
0x1a: {  	[sflag:s11] =	ssyncadd.s32 $0xFFFFEC00  }
0x1b: {  	s20 =	simm.s32 $0xD400;
	[bflag:$0x0] =	sbarrier.arrive $0xFFFF  }
0x1c: {  	[tilespmem:s16], [sflag:$0x1] =	stream.indirect.gather [hbm4b:s4+s15], $0x80, s20, s15, $0xb8;
	[tilespmem:$0x13C00] =	vst v63  }
0x1d: {  	_ =	swait.ge [sflag:s17], $0x3200  }
0x1e: {  	[sflag:s17] =	ssyncset.done $0x0  }
0x1f: {  	s31 =	simm.s32 $0xA000;
	[sflag:s17] =	ssyncadd.s32 $0xFFFFCE00  }
0x20: {  	[spmem:s2] =	stream.indirect.scatter.add.f32 [tilespmem:s16], [sflag:$0x2], $0x80, s31, s15, $0xb8;
	[tilespmem:$0x13C00] =	vst v63  }
0x21: {  	_ =	swait.ge [sflag:s18], $0x3200  }
0x22: {  	s21 =	simm.s32 $0x400;
	s20 =	simm.s32 $0x80;
	[sflag:s18] =	ssyncset.done $0x0  }
.LBB2_2:
0x23: {  	s22 =	sadd.s32 $0xD400, s20  }
0x24: {  	[sflag:s18] =	ssyncadd.s32 $0xFFFFCE00;
	s23 =	smov.u32 s21;
	s24 =	sadd.s32 $0x200, s21  }
0x25: {  	[tilespmem:s16], [sflag:$0x1] =	stream.indirect.gather [hbm4b:s4+s15], $0x80, s22, s15, $0xb8;
	[tilespmem:$0x13C00] =	vst v63  }
0x26: {  	p0 =	sne.s32 s21, $0xC600;
	_ =	swait.ge [sflag:s17], $0x3200  }
.Ltmp0:
0x27: {  	[sflag:s17] =	ssyncset.done $0x0;
	(pc) =	sbr.rel @p0 .LBB2_2-.Ltmp0, $4  }
0x28: {  	s20 =	sadd.s32 $0xA000, s20;
	[sflag:s17] =	ssyncadd.s32 $0xFFFFCE00  }
0x29: {  	[spmem:s2] =	stream.indirect.scatter.add.f32 [tilespmem:s16], [sflag:$0x2], $0x80, s20, s15, $0xb8;
	[tilespmem:$0x13C00] =	vst v63  }
0x2a: {  	_ =	swait.ge [sflag:s18], $0x3200  }
0x2b: {  	s21 =	smov.u32 s24;
	s20 =	sshra.s32 s23, $0x2;
	[sflag:s18] =	ssyncset.done $0x0  }
0x2c: {  	s21 =	sadd.s32 $0xD400, s20;
	[sflag:s18] =	ssyncadd.s32 $0xFFFFCE00  }
0x2d: {  	[tilespmem:s16], [sflag:$0x1] =	stream.indirect.gather [hbm4b:s4+s15], $0x80, s21, s15, $0xb8;
	[tilespmem:$0x13C00] =	vst v63  }
0x2e: {  	_ =	swait.ge [sflag:s17], $0x3200  }
0x2f: {  	[sflag:s17] =	ssyncset.done $0x0  }
0x30: {  	s31 =	sadd.s32 $0xA000, s20;
	[sflag:s17] =	ssyncadd.s32 $0xFFFFCE00  }
0x31: {  	[spmem:s2] =	stream.indirect.scatter.add.f32 [tilespmem:s16], [sflag:$0x2], $0x80, s31, s15, $0xb8;
	[tilespmem:$0x13C00] =	vst v63  }
0x32: {  	_ =	swait.ge [sflag:s18], $0x3200  }
0x33: {  	s19 =	sadd.s32 $0x1, s19;
	[sflag:s18] =	ssyncset.done $0x0  }
0x34: {  	p0 =	sne.s32 s19, s9;
	[sflag:s18] =	ssyncadd.s32 $0xFFFFCE00  }
.Ltmp1:
0x35: {  	[bflag:$0x0] =	sbarrier.arrive $0xFFFF;
	(pc) =	sbr.rel @p0 .LBB2_1-.Ltmp1, $4  }
0x36: {  	[hbm:s8], [sflag:s13] =	dma.local [spmem:s14], $0x1400  }
0x37: {  	_ =	swait.ge [sflag:s11], $0x1400  }
0x38: {  	[sflag:s11] =	ssyncset.done $0x0  }
0x39: {  	[sflag:s11] =	ssyncadd.s32 $0xFFFFEC00  }
0x3a: {  	_ =	sfence.sel $0x180000  }
0x3b: {  	[bflag:$0x0] =	sbarrier.arrive $0xFFFF  }
0x3c: {  	p0 =	sne.s32 s0, $0x0;
	_ =	strace $0x90000056  }
0x3d: {  	s0 =	sadd.s32 @!p0 $0x100000, s1;
	[bflag:$0x2] =	sbarrier.arrive $0xFFFF  }
0x3e: {  	[sflag:s0] =	ssyncadd.tile.s32 @!p0 $0x1;
	_ =	shalt  }
.Lfunc_end2:
_tile_overlayer_lowered:
.L_overlay_start_2:
0x3f: {  	(tag) =	ssettag $0x2  }
0x40: {  	s0 =	rddreg [dreg:$0x0];
	s2 =	stileid.u32  }
0x41: {  	s1 =	rddreg [dreg:$0x1];
	p0 =	sne.s32 s2, $0x0  }
0x42: {  	s3 =	rddreg [dreg:$0x2];
	[bflag:$0x3] =	sbarrier.arrive $0xFFFF;
	s2 =	simm.s32 @!p0 $0x1C03  }
0x43: {  	[timem:s3], [sflag:s2] =	dma.local @!p0 [hbm:s0], s1  }
0x44: {  	s0 =	simm.s32 @!p0 $0x3  }
0x45: {  	_ =	swait.ge @!p0 [sflag:s0], s1  }
0x46: {  	s1 =	ssub.s32 @!p0 $0x0, s1;
	[sflag:s0] =	ssyncset.done @!p0 $0x0  }
0x47: {  	[sflag:s0] =	ssyncadd.s32 @!p0 s1  }
0x48: {  	[bflag:$0x3] =	sbarrier.arrive $0xFFFF  }
0x49: {  	_ =	shalt  }

// kernel: kernel.31.cloned.1.call-start
scs
__scs_entry_jumppad:
0x0: {  	(pc) =	sbr.rel $0x88, $3  }
0x1: {  	(tag) =	ssettag $0x0;
	lr =	simm.s32 $0x1  }
0x2: {  	[smem:$0x3F95] =	sst lr;
	_ =	strace $0xD0000000  }
0x3: {  	_ = 	snop  }
0x4: {  	_ = 	snop  }
0x5: {  	_ = 	snop  }
0x6: {  	_ = 	snop  }
0x7: {  	_ = 	snop  }
__scs_overlays_trampoline_lowered:
0x8: {  	[smem:$0x3FA4] =	sst s0  }
0x9: {  	[smem:$0x3FA5] =	sst s1  }
0xa: {  	[smem:$0x3FA6] =	sst s2  }
0xb: {  	[smem:$0x3FA7] =	sst s3  }
0xc: {  	[smem:$0x3FA8] =	sst s4  }
0xd: {  	[smem:$0x3FA9] =	sst s5  }
0xe: {  	[smem:$0x3FAA] =	sst s6  }
0xf: {  	[smem:$0x3FAB] =	sst s7  }
0x10: {  	[smem:$0x3FAC] =	sst s8  }
0x11: {  	[smem:$0x3FAD] =	sst s9;
	s0 =	simm.s32 @!p0 $0x0  }
0x12: {  	s1 =	sld [smem:$0x3F93];
	s0 =	simm.s32 @p0 $0x1  }
0x13: {  	[smem:$0x3FAE] =	sst s0;
	s0 =	simm.s32 @!p1 $0x0  }
0x14: {  	s2 =	sld [smem:$0x3F92];
	s0 =	simm.s32 @p1 $0x1  }
0x15: {  	[smem:$0x3FAF] =	sst s0;
	s0 =	simm.s32 @!p2 $0x0  }
0x16: {  	s3 =	sld [smem:$0x3FDB];
	s0 =	simm.s32 @p2 $0x1  }
0x17: {  	s4 =	simm.s32 $0x1BF5;
	[smem:$0x3FB1] =	sst s0  }
0x18: {  	s0 =	sld [smem:$0x3F94];
	_ =	swait.ge [sflag:s4], $0x0  }
0x19: {  	s7 =	sld [smem:$0x3F95]  }
0x1a: {  	s8 =	sadd.s32 $0xFFFFE003, lr  }
0x1b: {  	s9 =	sadd.s32 $0xFFFFFEF7, lr;
	s5 =	simm.s32 $0xFFFFFFFF;
	p2 =	slt.u32 s8, $0xFFFFF086  }
0x1c: {  	p1 =	slt.u32 s9, $0xF7A;
	s5 =	simm.s32 @!p2 $0x0  }
0x1d: {  	s5 =	simm.s32 @p1 $0x1;
	p0 =	seq.s32 s7, s2  }
0x1e: {  	s7 =	smul.u32 @!p0 $0xF7A, s2;
	p2 =	seq.s32 @!p0 s5, $0x0  }
0x1f: {  	s9 =	smul.u32 $0xF7A, s1;
	s8 =	simm.s32 @!p0 $0x1BF5;
	p2 =	por !p2, p0  }
0x20: {  	[sflag:s8] =	ssyncset.s32 @!p0 $0xFFFFF086;
	s6 =	sadd.s32 @!p0 s3, s7;
	s7 =	simm.s32 @!p0 $0x108  }
0x21: {  	s3 =	sadd.s32 s3, s9;
	s6 =	sadd.s32 @!p0 $0x88, s6;
	s7 =	simm.s32 @p2 $0x1082  }
0x22: {  	[simem:s7], [sflag:s8] =	dma.local @!p0 [hbm:s6], $0xF7A  }
0x23: {  	s9 =	sor.u32 $0xD0000000, s2;
	s6 =	simm.s32 $0x108;
	_ =	swait.ge @!p0 [sflag:s8], $0x0  }
0x24: {  	s3 =	sadd.s32 $0x88, s3;
	s6 =	simm.s32 @!p1 $0x1082;
	[sflag:s4] =	ssyncset.s32 $0xFFFFF086  }
0x25: {  	[simem:s6], [sflag:s4] =	dma.local [hbm:s3], $0xF7A  }
0x26: {  	[smem:$0x3F95] =	sst s1;
	(tag) =	ssettag s2;
	_ =	strace s9  }
0x27: {  	s1 =	sld [smem:$0x3FA5]  }
0x28: {  	s2 =	sld [smem:$0x3FA6]  }
0x29: {  	s4 =	sld [smem:$0x3FA8]  }
0x2a: {  	p0 =	seq.s32 s5, $0x0;
	s5 =	sld [smem:$0x3FA9]  }
0x2b: {  	s6 =	sld [smem:$0x3FAA]  }
0x2c: {  	s7 =	sld [smem:$0x3FAB]  }
0x2d: {  	s3 =	simm.s32 $0x108;
	s8 =	sld [smem:$0x3FAC]  }
0x2e: {  	s3 =	simm.s32 @!p0 $0x1082;
	s9 =	sld [smem:$0x3FAD]  }
0x2f: {  	lr =	sadd.s32 s0, s3;
	s0 =	sld [smem:$0x3FA4]  }
0x30: {  	s3 =	sld [smem:$0x3FA7]  }
0x31: {  	[smem:$0x3FB0] =	sst s10  }
0x32: {  	s10 =	sld [smem:$0x3FAE];
	_ =	sdelay $0x3  }
0x33: {  	p0 =	seq.s32 s10, $0x1;
	s10 =	sld [smem:$0x3FB0];
	_ =	sdelay $0x3  }
0x34: {  	[smem:$0x3FB0] =	sst s10  }
0x35: {  	s10 =	sld [smem:$0x3FAF];
	_ =	sdelay $0x3  }
0x36: {  	p1 =	seq.s32 s10, $0x1;
	s10 =	sld [smem:$0x3FB0];
	_ =	sdelay $0x3  }
0x37: {  	[smem:$0x3FB0] =	sst s10  }
0x38: {  	s10 =	sld [smem:$0x3FB1]  }
0x39: {  	_ = 	snop;
	(pc) =	sbr.ind lr, $3  }
0x3a: {  	_ = 	snop  }
0x3b: {  	_ = 	snop  }
0x3c: {  	p2 =	seq.s32 s10, $0x1;
	s10 =	sld [smem:$0x3FB0]  }
0x3d: {  	_ =	shalt  }
0x3e: {  	_ =	shalt  }
0x3f: {  	_ =	shalt  }
0x40: {  	_ =	shalt  }
0x41: {  	_ =	shalt  }
0x42: {  	_ =	shalt  }
0x43: {  	_ =	shalt  }
0x44: {  	_ =	shalt  }
0x45: {  	_ =	shalt  }
0x46: {  	_ =	shalt  }
0x47: {  	_ =	shalt  }
0x48: {  	_ =	shalt  }
0x49: {  	_ =	shalt  }
0x4a: {  	_ =	shalt  }
0x4b: {  	_ =	shalt  }
0x4c: {  	_ =	shalt  }
0x4d: {  	_ =	shalt  }
0x4e: {  	_ =	shalt  }
0x4f: {  	_ =	shalt  }
0x50: {  	_ =	shalt  }
0x51: {  	_ =	shalt  }
0x52: {  	_ =	shalt  }
0x53: {  	_ =	shalt  }
0x54: {  	_ =	shalt  }
0x55: {  	_ =	shalt  }
0x56: {  	_ =	shalt  }
0x57: {  	_ =	shalt  }
0x58: {  	_ =	shalt  }
0x59: {  	_ =	shalt  }
0x5a: {  	_ =	shalt  }
0x5b: {  	_ =	shalt  }
0x5c: {  	_ =	shalt  }
0x5d: {  	_ =	shalt  }
0x5e: {  	_ =	shalt  }
0x5f: {  	_ =	shalt  }
0x60: {  	_ =	shalt  }
0x61: {  	_ =	shalt  }
0x62: {  	_ =	shalt  }
0x63: {  	_ =	shalt  }
0x64: {  	_ =	shalt  }
0x65: {  	_ =	shalt  }
0x66: {  	_ =	shalt  }
0x67: {  	_ =	shalt  }
0x68: {  	_ =	shalt  }
0x69: {  	_ =	shalt  }
0x6a: {  	_ =	shalt  }
0x6b: {  	_ =	shalt  }
0x6c: {  	_ =	shalt  }
0x6d: {  	_ =	shalt  }
0x6e: {  	_ =	shalt  }
0x6f: {  	_ =	shalt  }
0x70: {  	_ =	shalt  }
0x71: {  	_ =	shalt  }
0x72: {  	_ =	shalt  }
0x73: {  	_ =	shalt  }
0x74: {  	_ =	shalt  }
0x75: {  	_ =	shalt  }
0x76: {  	_ =	shalt  }
0x77: {  	_ =	shalt  }
0x78: {  	_ =	shalt  }
0x79: {  	_ =	shalt  }
0x7a: {  	_ =	shalt  }
0x7b: {  	_ =	shalt  }
0x7c: {  	_ =	shalt  }
0x7d: {  	_ =	shalt  }
0x7e: {  	_ =	shalt  }
0x7f: {  	_ =	shalt  }
0x80: {  	_ =	shalt  }
0x81: {  	_ =	shalt  }
0x82: {  	_ =	shalt  }
0x83: {  	_ =	shalt  }
0x84: {  	_ =	shalt  }
0x85: {  	_ =	shalt  }
0x86: {  	_ =	shalt  }
0x87: {  	_ =	shalt  }
.Lfunc_end0:
.L_simem_size_0:
called_computation.6_lowered:
.L_overlay_start_0:
0x88: {  	s2 =	sld [smem:$0x3FD9]  }
0x89: {  	s3 =	sld [smem:$0x3FFE];
	_ =	sdelay $0x1  }
0x8a: {  	s1 =	srdreg.scid  }
0x8b: {  	s0 =	sand.u32 $0x1, s1  }
0x8c: {  	s17 =	sshll.u32 s0, $0xA;
	s2 =	sadd.s32 s3, s2  }
0x8d: {  	s2 =	sadd.s32 s2, s17  }
0x8e: {  	[smem:$0x3FBC] =	sst s2  }
0x8f: {  	_ = 	snop  }
0x90: {  	s18 =	sld [smem:$0x3FD0];
	(tm) =	ssettm $0x1  }
0x91: {  	s19 =	sld [smem:$0x3FFB];
	_ =	sdelay $0x3  }
0x92: {  	_ =	strace s19  }
0x93: {  	s2 =	sld [smem:$0x3FFC];
	_ =	sdelay $0x3  }
0x94: {  	_ =	strace s2  }
0x95: {  	s2 =	sld [smem:$0x3FFD];
	_ =	sdelay $0x3  }
0x96: {  	_ =	strace s2  }
0x97: {  	_ =	strace $0x8FFFFFFF  }
0x98: {  	s20 =	sld [smem:$0x3FDB];
	_ =	sdelay $0x1  }
0x99: {  	s4 =	simm.s32 $_scs_section_size  }
0x9a: {  	s5 =	simm.s32 $_size__tile_overlayer_lowered;
	s6 =	simm.s32 $_tile_overlayer_lowered  }
0x9b: {  	s7 =	simm.s32 $0x1BFF;
	s21 =	sshll.u32 s6, $0x1;
	s4 =	sadd.s32 s4, s20  }
0x9c: {  	s22 =	simm.s32 $0x0;
	s5 =	sshll.u32 s5, $0x1;
	s6 =	sadd.s32 s21, s4  }
0x9d: {  	[timem:s22], [sflag:s7] =	dma.local [hbm:s6], s5  }
0x9e: {  	_ =	swait.ge [sflag:s7], s5  }
0x9f: {  	s5 =	ssub.s32 $0x0, s5;
	[sflag:s7] =	ssyncset.done $0x0  }
0xa0: {  	[sflag:s7] =	ssyncadd.s32 s5;
	_ =	sdelay $0x1  }
0xa1: {  	s23 =	simm.s32 $0x1B8B  }
0xa2: {  	_ =	swait.ge [sflag:s23], $0x1  }
0xa3: {  	[sflag:s23] =	ssyncset.done $0x0  }
0xa4: {  	[sflag:s23] =	ssyncadd.s32 $0xFFFFFFFF  }
0xa5: {  	s5 =	sld [smem:$0x0]  }
0xa6: {  	s6 =	sand.u32 $0xFFFFFFFE, s1  }
0xa7: {  	p0 =	sne.s32 s1, s6  }
0xa8: {  	s6 =	sshll.u32 @p0 s6, $0xE  }
0xa9: {  	s6 =	sadd.s32 @p0 $0x11B8D, s6;
	s7 =	sshll.u32 @p0 s5, $0x11  }
0xaa: {  	s6 =	sor.u32 @p0 s7, s6  }
0xab: {  	[sflag:s6] =	ssyncadd.remote.s32 @p0 $0x1;
	_ =	sdelay $0x1  }
0xac: {  	s6 =	simm.s32 @p0 $0x1B8D  }
0xad: {  	_ =	swait.eq @p0 [sflag:s6], $0x1  }
0xae: {  	[sflag:s6] =	ssyncadd.s32 @p0 $0xFFFFFFFF  }
0xaf: {  	s7 =	sshll.u32 @!p0 s1, $0xE  }
0xb0: {  	s7 =	sor.u32 @!p0 $0x4000, s7;
	s6 =	simm.s32 @!p0 $0x1B8D  }
0xb1: {  	s5 =	sshll.u32 @!p0 s5, $0x11;
	s7 =	sadd.s32 @!p0 $0x11B8D, s7;
	_ =	swait.eq @!p0 [sflag:s6], $0x1  }
0xb2: {  	s5 =	sor.u32 @!p0 s5, s7;
	[sflag:s6] =	ssyncadd.s32 @!p0 $0xFFFFFFFF  }
0xb3: {  	s25 =	simm.s32 $0x1B8E;
	s24 =	sld [smem:$0x3FFE];
	[sflag:s5] =	ssyncadd.remote.s32 @!p0 $0x1  }
0xb4: {  	s26 =	simm.s32 $execute0_lowered;
	[smem:$0x3FD2] =	sst s25  }
0xb5: {  	s6 =	sshll.u32 s26, $0x1;
	_ =	strace $0x80000058;
	[dreg:$0x1] =	wrdreg $0xFFFFFFFF  }
0xb6: {  	s28 =	simm.s32 $_size_execute0_lowered;
	s4 =	sadd.s32 s4, s6;
	[dreg:$0x0] =	wrdreg $0x0  }
0xb7: {  	s6 =	sshll.u32 s28, $0x1;
	[dreg:$0x2] =	wrdreg s4  }
0xb8: {  	[dreg:$0x3] =	wrdreg s6  }
0xb9: {  	[dreg:$0x4] =	wrdreg $0xC0  }
0xba: {  	_ =	task [dreg:s22], $0x5FFFF  }
0xbb: {  	[dreg:$0x1] =	wrdreg $0xFFFFFFFF  }
0xbc: {  	[dreg:$0x0] =	wrdreg $0x60  }
0xbd: {  	[dreg:$0x2] =	wrdreg s18  }
0xbe: {  	[dreg:$0x3] =	wrdreg s24  }
0xbf: {  	[dreg:$0x4] =	wrdreg $0x0  }
0xc0: {  	[dreg:$0x5] =	wrdreg $0xB  }
0xc1: {  	_ =	task.clear_ibuf [dreg:s22], $0x6FFFF;
	_ =	strace $0x90000058  }
0xc2: {  	s29 =	simm.s32 $0xB;
	_ =	strace $0x8000005A  }
0xc3: {  	_ =	swait.ge [sflag:s29], $0x1  }
0xc4: {  	[sflag:s29] =	ssyncadd.s32 $0xFFFFFFFF  }
0xc5: {  	_ =	strace $0x9000005A  }
0xc6: {  	_ =	sfence  }
0xc7: {  	s30 =	sld [smem:$0x0];
	_ =	sdelay $0x2  }
0xc8: {  	s31 =	sshll.u32 s1, $0xD;
	s1 =	sshrl.u32 s1, $0x2  }
0xc9: {  	s4 =	sand.u32 $0x4000, s31;
	s1 =	sadd.s32 s1, s30  }
0xca: {  	s0 =	sor.u32 s4, s0;
	s1 =	sshll.u32 s1, $0x11  }
0xcb: {  	s0 =	sor.u32 s1, s0  }
0xcc: {  	s0 =	sadd.s32 $0x8F2B, s0  }
0xcd: {  	[sflag:s0] =	ssyncadd.remote.s32 $0x1  }
0xce: {  	_ =	sfence.sel $0xFFFF  }
0xcf: {  	[dreg:$0x0] =	wrdreg $0xFFFFFFFF;
	(pc) =	sbr.abs _section_cstart, $3  }
0xd0: {  	[dreg:$0x1] =	wrdreg $0xFFFFFFFF  }
0xd1: {  	_ =	task.clear_ibuf [dreg:s22], $0x2FFFF;
	_ =	strace $0x9FFFFFFF  }
0xd2: {  	(tm) =	ssettm $0x7FFFFFFF  }
0xd3: {  	_ =	shalt  }
tec
execute0_lowered:
.L_overlay_start_1:
0x0: {  	(tag) =	ssettag $0x1  }
0x1: {  	s1 =	rddreg [dreg:$0x0]  }
0x2: {  	s2 =	srdreg.scid;
	s6 =	rddreg [dreg:$0x1]  }
0x3: {  	s0 =	stileid.u32;
	s3 =	rddreg [dreg:$0x2]  }
0x4: {  	s4 =	simm.s32 $0x0;
	s12 =	simm.s32 $0xD400;
	s15 =	simm.s32 $0x64  }
0x5: {  	s16 =	simm.s32 $0x10800;
	s17 =	simm.s32 $0x1;
	s18 =	simm.s32 $0x2  }
0x6: {  	s19 =	simm.s32 $0x0;
	s5 =	sand.u32 $0x1, s2;
	s8 =	smul.u32 $0x1400, s0  }
0x7: {  	s30 =	sshll.u32 s0, $0x1;
	[smem:$0x7FF] =	sst s4;
	s11 =	smul.u32 $0x28000, s0  }
0x8: {  	s13 =	sshll.u32 s0, $0x6;
	s2 =	sor.u32 s5, s30;
	s9 =	smul.u32 $0x14000, s5  }
0x9: {  	s5 =	ssub.s32 $0x2, s5;
	s13 =	sor.u32 $0x1C03, s13;
	s7 =	smul.u32 $0x680, s2  }
0xa: {  	s2 =	rddreg [dreg:$0x3];
	_ =	strace $0x80000059;
	s10 =	sshrl.u32 s5, $0x1  }
0xb: {  	s31 =	sshrl.u32 s11, $0x2;
	s11 =	simm.s32 $0x3;
	s9 =	sadd.s32 s8, s9  }
0xc: {  	s8 =	sadd.s32 s8, s6;
	s10 =	ssub.s32 s5, s10;
	s14 =	sadd.s32 s31, s3  }
0xd: {  	s7 =	sadd.s32 s7, s6;
	s9 =	sadd.s32 s9, s6;
	s14 =	sshrl.u32 s14, $0x3  }
0xe: {  	s5 =	sadd.s32 $0xA0000, s7;
	s6 =	sadd.s32 $0x93000, s7;
	s7 =	sadd.s32 $0xAD000, s8  }
0xf: {  	s8 =	sadd.s32 $0xE9000, s9;
	s9 =	smax.u32 s10, $0x1;
	s10 =	simm.s32 $0xA000  }
.LBB2_1:
0x10: {  	[tilespmem:s10], [sflag:$0x3] =	stream.linear.gather [hbm4b:s5+s4], $0x3200, $0x38;
	[tilespmem:$0x13C00] =	vst v63  }
0x11: {  	_ =	swait.ge [sflag:s11], $0x3200  }
0x12: {  	[sflag:s11] =	ssyncset.done $0x0  }
0x13: {  	[sflag:s11] =	ssyncadd.s32 $0xFFFFCE00  }
0x14: {  	[tilespmem:s12], [sflag:$0x3] =	stream.linear.gather [hbm4b:s6+s4], $0x3200, $0x38;
	[tilespmem:$0x13C00] =	vst v63  }
0x15: {  	_ =	swait.ge [sflag:s11], $0x3200  }
0x16: {  	[sflag:s11] =	ssyncset.done $0x0  }
0x17: {  	[sflag:s11] =	ssyncadd.s32 $0xFFFFCE00  }
0x18: {  	[spmem:s14], [sflag:s13] =	dma.local [hbm:s7], $0x1400  }
0x19: {  	_ =	swait.ge [sflag:s11], $0x1400  }
0x1a: {  	[sflag:s11] =	ssyncset.done $0x0  }
0x1b: {  	[sflag:s11] =	ssyncadd.s32 $0xFFFFEC00  }
0x1c: {  	s20 =	simm.s32 $0xD400;
	[bflag:$0x0] =	sbarrier.arrive $0xFFFF  }
0x1d: {  	[tilespmem:s16], [sflag:$0x1] =	stream.indirect.gather [hbm4b:s1+s15], $0x80, s20, s15, $0xb8;
	[tilespmem:$0x13C00] =	vst v63  }
0x1e: {  	_ =	swait.ge [sflag:s17], $0x3200  }
0x1f: {  	[sflag:s17] =	ssyncset.done $0x0  }
0x20: {  	s31 =	simm.s32 $0xA000;
	[sflag:s17] =	ssyncadd.s32 $0xFFFFCE00  }
0x21: {  	[spmem:s3] =	stream.indirect.scatter.add.f32 [tilespmem:s16], [sflag:$0x2], $0x80, s31, s15, $0xb8;
	[tilespmem:$0x13C00] =	vst v63  }
0x22: {  	_ =	swait.ge [sflag:s18], $0x3200  }
0x23: {  	s21 =	simm.s32 $0x400;
	s20 =	simm.s32 $0x80;
	[sflag:s18] =	ssyncset.done $0x0  }
.LBB2_2:
0x24: {  	s22 =	sadd.s32 $0xD400, s20  }
0x25: {  	[sflag:s18] =	ssyncadd.s32 $0xFFFFCE00;
	s23 =	smov.u32 s21;
	s24 =	sadd.s32 $0x200, s21  }
0x26: {  	[tilespmem:s16], [sflag:$0x1] =	stream.indirect.gather [hbm4b:s1+s15], $0x80, s22, s15, $0xb8;
	[tilespmem:$0x13C00] =	vst v63  }
0x27: {  	p0 =	sne.s32 s21, $0xC600;
	_ =	swait.ge [sflag:s17], $0x3200  }
.Ltmp0:
0x28: {  	[sflag:s17] =	ssyncset.done $0x0;
	(pc) =	sbr.rel @p0 .LBB2_2-.Ltmp0, $4  }
0x29: {  	s20 =	sadd.s32 $0xA000, s20;
	[sflag:s17] =	ssyncadd.s32 $0xFFFFCE00  }
0x2a: {  	[spmem:s3] =	stream.indirect.scatter.add.f32 [tilespmem:s16], [sflag:$0x2], $0x80, s20, s15, $0xb8;
	[tilespmem:$0x13C00] =	vst v63  }
0x2b: {  	_ =	swait.ge [sflag:s18], $0x3200  }
0x2c: {  	s21 =	smov.u32 s24;
	s20 =	sshra.s32 s23, $0x2;
	[sflag:s18] =	ssyncset.done $0x0  }
0x2d: {  	s21 =	sadd.s32 $0xD400, s20;
	[sflag:s18] =	ssyncadd.s32 $0xFFFFCE00  }
0x2e: {  	[tilespmem:s16], [sflag:$0x1] =	stream.indirect.gather [hbm4b:s1+s15], $0x80, s21, s15, $0xb8;
	[tilespmem:$0x13C00] =	vst v63  }
0x2f: {  	_ =	swait.ge [sflag:s17], $0x3200  }
0x30: {  	[sflag:s17] =	ssyncset.done $0x0  }
0x31: {  	s31 =	sadd.s32 $0xA000, s20;
	[sflag:s17] =	ssyncadd.s32 $0xFFFFCE00  }
0x32: {  	[spmem:s3] =	stream.indirect.scatter.add.f32 [tilespmem:s16], [sflag:$0x2], $0x80, s31, s15, $0xb8;
	[tilespmem:$0x13C00] =	vst v63  }
0x33: {  	_ =	swait.ge [sflag:s18], $0x3200  }
0x34: {  	s19 =	sadd.s32 $0x1, s19;
	[sflag:s18] =	ssyncset.done $0x0  }
0x35: {  	p0 =	sne.s32 s19, s9;
	[sflag:s18] =	ssyncadd.s32 $0xFFFFCE00  }
.Ltmp1:
0x36: {  	[bflag:$0x0] =	sbarrier.arrive $0xFFFF;
	(pc) =	sbr.rel @p0 .LBB2_1-.Ltmp1, $4  }
0x37: {  	[hbm:s8], [sflag:s13] =	dma.local [spmem:s14], $0x1400  }
0x38: {  	_ =	swait.ge [sflag:s11], $0x1400  }
0x39: {  	[sflag:s11] =	ssyncset.done $0x0  }
0x3a: {  	[sflag:s11] =	ssyncadd.s32 $0xFFFFEC00  }
0x3b: {  	_ =	sfence.sel $0x180000  }
0x3c: {  	[bflag:$0x0] =	sbarrier.arrive $0xFFFF  }
0x3d: {  	p0 =	sne.s32 s0, $0x0;
	_ =	strace $0x90000059  }
0x3e: {  	s0 =	sadd.s32 @!p0 $0x100000, s2;
	[bflag:$0x2] =	sbarrier.arrive $0xFFFF  }
0x3f: {  	[sflag:s0] =	ssyncadd.tile.s32 @!p0 $0x1;
	_ =	shalt  }
.Lfunc_end2:
_tile_overlayer_lowered:
.L_overlay_start_2:
0x40: {  	(tag) =	ssettag $0x2  }
0x41: {  	s0 =	rddreg [dreg:$0x0];
	s2 =	stileid.u32  }
0x42: {  	s1 =	rddreg [dreg:$0x1];
	p0 =	sne.s32 s2, $0x0  }
0x43: {  	s3 =	rddreg [dreg:$0x2];
	[bflag:$0x3] =	sbarrier.arrive $0xFFFF;
	s2 =	simm.s32 @!p0 $0x1C03  }
0x44: {  	[timem:s3], [sflag:s2] =	dma.local @!p0 [hbm:s0], s1  }
0x45: {  	s0 =	simm.s32 @!p0 $0x3  }
0x46: {  	_ =	swait.ge @!p0 [sflag:s0], s1  }
0x47: {  	s1 =	ssub.s32 @!p0 $0x0, s1;
	[sflag:s0] =	ssyncset.done @!p0 $0x0  }
0x48: {  	[sflag:s0] =	ssyncadd.s32 @!p0 s1  }
0x49: {  	[bflag:$0x3] =	sbarrier.arrive $0xFFFF  }
0x4a: {  	_ =	shalt  }

// kernel: kernel.34.cloned.1.call-start
scs
__scs_entry_jumppad:
0x0: {  	(pc) =	sbr.rel $0x88, $3  }
0x1: {  	(tag) =	ssettag $0x0;
	lr =	simm.s32 $0x1  }
0x2: {  	[smem:$0x3F95] =	sst lr;
	_ =	strace $0xD0000000  }
0x3: {  	_ = 	snop  }
0x4: {  	_ = 	snop  }
0x5: {  	_ = 	snop  }
0x6: {  	_ = 	snop  }
0x7: {  	_ = 	snop  }
__scs_overlays_trampoline_lowered:
0x8: {  	[smem:$0x3FA4] =	sst s0  }
0x9: {  	[smem:$0x3FA5] =	sst s1  }
0xa: {  	[smem:$0x3FA6] =	sst s2  }
0xb: {  	[smem:$0x3FA7] =	sst s3  }
0xc: {  	[smem:$0x3FA8] =	sst s4  }
0xd: {  	[smem:$0x3FA9] =	sst s5  }
0xe: {  	[smem:$0x3FAA] =	sst s6  }
0xf: {  	[smem:$0x3FAB] =	sst s7  }
0x10: {  	[smem:$0x3FAC] =	sst s8  }
0x11: {  	[smem:$0x3FAD] =	sst s9;
	s0 =	simm.s32 @!p0 $0x0  }
0x12: {  	s1 =	sld [smem:$0x3F93];
	s0 =	simm.s32 @p0 $0x1  }
0x13: {  	[smem:$0x3FAE] =	sst s0;
	s0 =	simm.s32 @!p1 $0x0  }
0x14: {  	s2 =	sld [smem:$0x3F92];
	s0 =	simm.s32 @p1 $0x1  }
0x15: {  	[smem:$0x3FAF] =	sst s0;
	s0 =	simm.s32 @!p2 $0x0  }
0x16: {  	s3 =	sld [smem:$0x3FDB];
	s0 =	simm.s32 @p2 $0x1  }
0x17: {  	s4 =	simm.s32 $0x1BF5;
	[smem:$0x3FB1] =	sst s0  }
0x18: {  	s0 =	sld [smem:$0x3F94];
	_ =	swait.ge [sflag:s4], $0x0  }
0x19: {  	s7 =	sld [smem:$0x3F95]  }
0x1a: {  	s8 =	sadd.s32 $0xFFFFE003, lr  }
0x1b: {  	s9 =	sadd.s32 $0xFFFFFEF7, lr;
	s5 =	simm.s32 $0xFFFFFFFF;
	p2 =	slt.u32 s8, $0xFFFFF086  }
0x1c: {  	p1 =	slt.u32 s9, $0xF7A;
	s5 =	simm.s32 @!p2 $0x0  }
0x1d: {  	s5 =	simm.s32 @p1 $0x1;
	p0 =	seq.s32 s7, s2  }
0x1e: {  	s7 =	smul.u32 @!p0 $0xF7A, s2;
	p2 =	seq.s32 @!p0 s5, $0x0  }
0x1f: {  	s9 =	smul.u32 $0xF7A, s1;
	s8 =	simm.s32 @!p0 $0x1BF5;
	p2 =	por !p2, p0  }
0x20: {  	[sflag:s8] =	ssyncset.s32 @!p0 $0xFFFFF086;
	s6 =	sadd.s32 @!p0 s3, s7;
	s7 =	simm.s32 @!p0 $0x108  }
0x21: {  	s3 =	sadd.s32 s3, s9;
	s6 =	sadd.s32 @!p0 $0x88, s6;
	s7 =	simm.s32 @p2 $0x1082  }
0x22: {  	[simem:s7], [sflag:s8] =	dma.local @!p0 [hbm:s6], $0xF7A  }
0x23: {  	s9 =	sor.u32 $0xD0000000, s2;
	s6 =	simm.s32 $0x108;
	_ =	swait.ge @!p0 [sflag:s8], $0x0  }
0x24: {  	s3 =	sadd.s32 $0x88, s3;
	s6 =	simm.s32 @!p1 $0x1082;
	[sflag:s4] =	ssyncset.s32 $0xFFFFF086  }
0x25: {  	[simem:s6], [sflag:s4] =	dma.local [hbm:s3], $0xF7A  }
0x26: {  	[smem:$0x3F95] =	sst s1;
	(tag) =	ssettag s2;
	_ =	strace s9  }
0x27: {  	s1 =	sld [smem:$0x3FA5]  }
0x28: {  	s2 =	sld [smem:$0x3FA6]  }
0x29: {  	s4 =	sld [smem:$0x3FA8]  }
0x2a: {  	p0 =	seq.s32 s5, $0x0;
	s5 =	sld [smem:$0x3FA9]  }
0x2b: {  	s6 =	sld [smem:$0x3FAA]  }
0x2c: {  	s7 =	sld [smem:$0x3FAB]  }
0x2d: {  	s3 =	simm.s32 $0x108;
	s8 =	sld [smem:$0x3FAC]  }
0x2e: {  	s3 =	simm.s32 @!p0 $0x1082;
	s9 =	sld [smem:$0x3FAD]  }
0x2f: {  	lr =	sadd.s32 s0, s3;
	s0 =	sld [smem:$0x3FA4]  }
0x30: {  	s3 =	sld [smem:$0x3FA7]  }
0x31: {  	[smem:$0x3FB0] =	sst s10  }
0x32: {  	s10 =	sld [smem:$0x3FAE];
	_ =	sdelay $0x3  }
0x33: {  	p0 =	seq.s32 s10, $0x1;
	s10 =	sld [smem:$0x3FB0];
	_ =	sdelay $0x3  }
0x34: {  	[smem:$0x3FB0] =	sst s10  }
0x35: {  	s10 =	sld [smem:$0x3FAF];
	_ =	sdelay $0x3  }
0x36: {  	p1 =	seq.s32 s10, $0x1;
	s10 =	sld [smem:$0x3FB0];
	_ =	sdelay $0x3  }
0x37: {  	[smem:$0x3FB0] =	sst s10  }
0x38: {  	s10 =	sld [smem:$0x3FB1]  }
0x39: {  	_ = 	snop;
	(pc) =	sbr.ind lr, $3  }
0x3a: {  	_ = 	snop  }
0x3b: {  	_ = 	snop  }
0x3c: {  	p2 =	seq.s32 s10, $0x1;
	s10 =	sld [smem:$0x3FB0]  }
0x3d: {  	_ =	shalt  }
0x3e: {  	_ =	shalt  }
0x3f: {  	_ =	shalt  }
0x40: {  	_ =	shalt  }
0x41: {  	_ =	shalt  }
0x42: {  	_ =	shalt  }
0x43: {  	_ =	shalt  }
0x44: {  	_ =	shalt  }
0x45: {  	_ =	shalt  }
0x46: {  	_ =	shalt  }
0x47: {  	_ =	shalt  }
0x48: {  	_ =	shalt  }
0x49: {  	_ =	shalt  }
0x4a: {  	_ =	shalt  }
0x4b: {  	_ =	shalt  }
0x4c: {  	_ =	shalt  }
0x4d: {  	_ =	shalt  }
0x4e: {  	_ =	shalt  }
0x4f: {  	_ =	shalt  }
0x50: {  	_ =	shalt  }
0x51: {  	_ =	shalt  }
0x52: {  	_ =	shalt  }
0x53: {  	_ =	shalt  }
0x54: {  	_ =	shalt  }
0x55: {  	_ =	shalt  }
0x56: {  	_ =	shalt  }
0x57: {  	_ =	shalt  }
0x58: {  	_ =	shalt  }
0x59: {  	_ =	shalt  }
0x5a: {  	_ =	shalt  }
0x5b: {  	_ =	shalt  }
0x5c: {  	_ =	shalt  }
0x5d: {  	_ =	shalt  }
0x5e: {  	_ =	shalt  }
0x5f: {  	_ =	shalt  }
0x60: {  	_ =	shalt  }
0x61: {  	_ =	shalt  }
0x62: {  	_ =	shalt  }
0x63: {  	_ =	shalt  }
0x64: {  	_ =	shalt  }
0x65: {  	_ =	shalt  }
0x66: {  	_ =	shalt  }
0x67: {  	_ =	shalt  }
0x68: {  	_ =	shalt  }
0x69: {  	_ =	shalt  }
0x6a: {  	_ =	shalt  }
0x6b: {  	_ =	shalt  }
0x6c: {  	_ =	shalt  }
0x6d: {  	_ =	shalt  }
0x6e: {  	_ =	shalt  }
0x6f: {  	_ =	shalt  }
0x70: {  	_ =	shalt  }
0x71: {  	_ =	shalt  }
0x72: {  	_ =	shalt  }
0x73: {  	_ =	shalt  }
0x74: {  	_ =	shalt  }
0x75: {  	_ =	shalt  }
0x76: {  	_ =	shalt  }
0x77: {  	_ =	shalt  }
0x78: {  	_ =	shalt  }
0x79: {  	_ =	shalt  }
0x7a: {  	_ =	shalt  }
0x7b: {  	_ =	shalt  }
0x7c: {  	_ =	shalt  }
0x7d: {  	_ =	shalt  }
0x7e: {  	_ =	shalt  }
0x7f: {  	_ =	shalt  }
0x80: {  	_ =	shalt  }
0x81: {  	_ =	shalt  }
0x82: {  	_ =	shalt  }
0x83: {  	_ =	shalt  }
0x84: {  	_ =	shalt  }
0x85: {  	_ =	shalt  }
0x86: {  	_ =	shalt  }
0x87: {  	_ =	shalt  }
.Lfunc_end0:
.L_simem_size_0:
called_computation.7_lowered:
.L_overlay_start_0:
0x88: {  	s2 =	sld [smem:$0x3FD9]  }
0x89: {  	s3 =	sld [smem:$0x3FFE];
	_ =	sdelay $0x1  }
0x8a: {  	s1 =	srdreg.scid  }
0x8b: {  	s0 =	sand.u32 $0x1, s1  }
0x8c: {  	s16 =	sshll.u32 s0, $0xA;
	s2 =	sadd.s32 s3, s2  }
0x8d: {  	s2 =	sadd.s32 s2, s16  }
0x8e: {  	[smem:$0x3FBC] =	sst s2  }
0x8f: {  	_ = 	snop  }
0x90: {  	(tm) =	ssettm $0x1  }
0x91: {  	s17 =	sld [smem:$0x3FFB];
	_ =	sdelay $0x3  }
0x92: {  	_ =	strace s17  }
0x93: {  	s2 =	sld [smem:$0x3FFC];
	_ =	sdelay $0x3  }
0x94: {  	_ =	strace s2  }
0x95: {  	s2 =	sld [smem:$0x3FFD];
	_ =	sdelay $0x3  }
0x96: {  	_ =	strace s2  }
0x97: {  	_ =	strace $0x8FFFFFFF  }
0x98: {  	s18 =	sld [smem:$0x3FDB];
	_ =	sdelay $0x1  }
0x99: {  	s19 =	simm.s32 $_scs_section_size  }
0x9a: {  	s4 =	simm.s32 $_size__tile_overlayer_lowered;
	s5 =	simm.s32 $_tile_overlayer_lowered  }
0x9b: {  	s22 =	simm.s32 $0x1BFF;
	s21 =	sshll.u32 s5, $0x1;
	s2 =	sadd.s32 s19, s18  }
0x9c: {  	s6 =	simm.s32 $0x0;
	s20 =	sshll.u32 s4, $0x1;
	s4 =	sadd.s32 s21, s2  }
0x9d: {  	[timem:s6], [sflag:s22] =	dma.local [hbm:s4], s20  }
0x9e: {  	_ =	swait.ge [sflag:s22], s20  }
0x9f: {  	s3 =	ssub.s32 $0x0, s20;
	[sflag:s22] =	ssyncset.done $0x0  }
0xa0: {  	[sflag:s22] =	ssyncadd.s32 s3;
	_ =	sdelay $0x1  }
0xa1: {  	s23 =	simm.s32 $0x1B8B  }
0xa2: {  	_ =	swait.ge [sflag:s23], $0x1  }
0xa3: {  	[sflag:s23] =	ssyncset.done $0x0  }
0xa4: {  	s25 =	simm.s32 $0x1B8E;
	s24 =	sld [smem:$0x3FFE];
	[sflag:s23] =	ssyncadd.s32 $0xFFFFFFFF  }
0xa5: {  	s26 =	simm.s32 $execute0_lowered;
	[smem:$0x3FD2] =	sst s25  }
0xa6: {  	s4 =	sshll.u32 s26, $0x1;
	_ =	strace $0x8000005B;
	[dreg:$0x1] =	wrdreg $0xFFFFFFFF  }
0xa7: {  	s28 =	simm.s32 $_size_execute0_lowered;
	s2 =	sadd.s32 s2, s4;
	[dreg:$0x0] =	wrdreg $0x0  }
0xa8: {  	s4 =	sshll.u32 s28, $0x1;
	[dreg:$0x2] =	wrdreg s2  }
0xa9: {  	[dreg:$0x3] =	wrdreg s4  }
0xaa: {  	[dreg:$0x4] =	wrdreg $0xC0  }
0xab: {  	_ =	task [dreg:s6], $0x5FFFF  }
0xac: {  	[dreg:$0x1] =	wrdreg $0xFFFFFFFF  }
0xad: {  	[dreg:$0x0] =	wrdreg $0x60  }
0xae: {  	[dreg:$0x2] =	wrdreg s24  }
0xaf: {  	[dreg:$0x3] =	wrdreg $0x0  }
0xb0: {  	[dreg:$0x4] =	wrdreg $0x9  }
0xb1: {  	_ =	task.clear_ibuf [dreg:s6], $0x5FFFF;
	_ =	strace $0x9000005B  }
0xb2: {  	s29 =	simm.s32 $0x9;
	_ =	strace $0x8000005D  }
0xb3: {  	_ =	swait.ge [sflag:s29], $0x1  }
0xb4: {  	[sflag:s29] =	ssyncadd.s32 $0xFFFFFFFF  }
0xb5: {  	_ =	strace $0x9000005D  }
0xb6: {  	_ =	sfence  }
0xb7: {  	s30 =	sld [smem:$0x0];
	_ =	sdelay $0x2  }
0xb8: {  	s31 =	sshll.u32 s1, $0xD;
	s1 =	sshrl.u32 s1, $0x2  }
0xb9: {  	s3 =	sand.u32 $0x4000, s31;
	s1 =	sadd.s32 s1, s30  }
0xba: {  	s0 =	sor.u32 s3, s0;
	s1 =	sshll.u32 s1, $0x11  }
0xbb: {  	s0 =	sor.u32 s1, s0  }
0xbc: {  	s0 =	sadd.s32 $0x8F2B, s0  }
0xbd: {  	[sflag:s0] =	ssyncadd.remote.s32 $0x1  }
0xbe: {  	_ =	sfence.sel $0xFFFF  }
0xbf: {  	[dreg:$0x0] =	wrdreg $0xFFFFFFFF;
	(pc) =	sbr.abs _section_cstart, $3  }
0xc0: {  	[dreg:$0x1] =	wrdreg $0xFFFFFFFF  }
0xc1: {  	_ =	task.clear_ibuf [dreg:s6], $0x2FFFF;
	_ =	strace $0x9FFFFFFF  }
0xc2: {  	(tm) =	ssettm $0x7FFFFFFF  }
0xc3: {  	_ =	shalt  }
tec
execute0_lowered:
.L_overlay_start_1:
0x0: {  	(tag) =	ssettag $0x1  }
0x1: {  	s1 =	srdreg.scid;
	s5 =	rddreg [dreg:$0x0]  }
0x2: {  	s0 =	stileid.u32;
	s2 =	rddreg [dreg:$0x1];
	s3 =	simm.s32 $0x0  }
0x3: {  	s12 =	simm.s32 $0x17400;
	s15 =	simm.s32 $0x64;
	s16 =	simm.s32 $0x1A800  }
0x4: {  	s17 =	simm.s32 $0x1;
	s18 =	simm.s32 $0x2;
	s19 =	simm.s32 $0x0  }
0x5: {  	s6 =	sand.u32 $0x1, s1;
	s1 =	rddreg [dreg:$0x2];
	s8 =	smul.u32 $0x2800, s0  }
0x6: {  	s30 =	sshll.u32 s0, $0x1;
	[smem:$0x7FF] =	sst s3;
	s11 =	smul.u32 $0x50000, s0  }
0x7: {  	s13 =	sshll.u32 s0, $0x6;
	s4 =	sor.u32 s6, s30;
	_ =	strace $0x8000005C  }
0x8: {  	s9 =	smul.u32 $0x28000, s6;
	s6 =	ssub.s32 $0x2, s6;
	s13 =	sor.u32 $0x1C03, s13  }
0x9: {  	s7 =	smul.u32 $0x680, s4;
	s4 =	sadd.s32 $0x36600, s5;
	s10 =	sshrl.u32 s6, $0x1  }
0xa: {  	s31 =	sshrl.u32 s11, $0x2;
	s11 =	simm.s32 $0x3;
	s9 =	sadd.s32 s8, s9  }
0xb: {  	s8 =	sadd.s32 s8, s5;
	s10 =	ssub.s32 s6, s10;
	s14 =	sadd.s32 s31, s2  }
0xc: {  	s7 =	sadd.s32 s7, s5;
	s9 =	sadd.s32 s9, s5;
	s14 =	sshrl.u32 s14, $0x3  }
0xd: {  	s5 =	sadd.s32 $0x1000, s7;
	s6 =	sadd.s32 $0x86000, s7;
	s7 =	sadd.s32 $0xE000, s8  }
0xe: {  	s8 =	sadd.s32 $0x93000, s9;
	s9 =	smax.u32 s10, $0x1;
	s10 =	simm.s32 $0x14000  }
.LBB2_1:
0xf: {  	[tilespmem:s10], [sflag:$0x3] =	stream.linear.gather [hbm4b:s5+s3], $0x3200, $0x38;
	[tilespmem:$0x1DC00] =	vst v63  }
0x10: {  	_ =	swait.ge [sflag:s11], $0x3200  }
0x11: {  	[sflag:s11] =	ssyncset.done $0x0  }
0x12: {  	[sflag:s11] =	ssyncadd.s32 $0xFFFFCE00  }
0x13: {  	[tilespmem:s12], [sflag:$0x3] =	stream.linear.gather [hbm4b:s6+s3], $0x3200, $0x38;
	[tilespmem:$0x1DC00] =	vst v63  }
0x14: {  	_ =	swait.ge [sflag:s11], $0x3200  }
0x15: {  	[sflag:s11] =	ssyncset.done $0x0  }
0x16: {  	[sflag:s11] =	ssyncadd.s32 $0xFFFFCE00  }
0x17: {  	[spmem:s14], [sflag:s13] =	dma.local [hbm:s7], $0x2800  }
0x18: {  	_ =	swait.ge [sflag:s11], $0x2800  }
0x19: {  	[sflag:s11] =	ssyncset.done $0x0  }
0x1a: {  	[sflag:s11] =	ssyncadd.s32 $0xFFFFD800  }
0x1b: {  	s20 =	simm.s32 $0x17400;
	[bflag:$0x0] =	sbarrier.arrive $0xFFFF  }
0x1c: {  	[tilespmem:s16], [sflag:$0x1] =	stream.indirect.gather [hbm4b:s4+s15], $0x80, s20, s15, $0xb8;
	[tilespmem:$0x1DC00] =	vst v63  }
0x1d: {  	_ =	swait.ge [sflag:s17], $0x3200  }
0x1e: {  	[sflag:s17] =	ssyncset.done $0x0  }
0x1f: {  	s31 =	simm.s32 $0x14000;
	[sflag:s17] =	ssyncadd.s32 $0xFFFFCE00  }
0x20: {  	[spmem:s2] =	stream.indirect.scatter.add.f32 [tilespmem:s16], [sflag:$0x2], $0x80, s31, s15, $0xb8;
	[tilespmem:$0x1DC00] =	vst v63  }
0x21: {  	_ =	swait.ge [sflag:s18], $0x3200  }
0x22: {  	s21 =	simm.s32 $0x400;
	s20 =	simm.s32 $0x80;
	[sflag:s18] =	ssyncset.done $0x0  }
.LBB2_2:
0x23: {  	s22 =	sadd.s32 $0x17400, s20  }
0x24: {  	[sflag:s18] =	ssyncadd.s32 $0xFFFFCE00;
	s23 =	smov.u32 s21;
	s24 =	sadd.s32 $0x200, s21  }
0x25: {  	[tilespmem:s16], [sflag:$0x1] =	stream.indirect.gather [hbm4b:s4+s15], $0x80, s22, s15, $0xb8;
	[tilespmem:$0x1DC00] =	vst v63  }
0x26: {  	p0 =	sne.s32 s21, $0xC600;
	_ =	swait.ge [sflag:s17], $0x3200  }
.Ltmp0:
0x27: {  	[sflag:s17] =	ssyncset.done $0x0;
	(pc) =	sbr.rel @p0 .LBB2_2-.Ltmp0, $4  }
0x28: {  	s20 =	sadd.s32 $0x14000, s20;
	[sflag:s17] =	ssyncadd.s32 $0xFFFFCE00  }
0x29: {  	[spmem:s2] =	stream.indirect.scatter.add.f32 [tilespmem:s16], [sflag:$0x2], $0x80, s20, s15, $0xb8;
	[tilespmem:$0x1DC00] =	vst v63  }
0x2a: {  	_ =	swait.ge [sflag:s18], $0x3200  }
0x2b: {  	s21 =	smov.u32 s24;
	s20 =	sshra.s32 s23, $0x2;
	[sflag:s18] =	ssyncset.done $0x0  }
0x2c: {  	s21 =	sadd.s32 $0x17400, s20;
	[sflag:s18] =	ssyncadd.s32 $0xFFFFCE00  }
0x2d: {  	[tilespmem:s16], [sflag:$0x1] =	stream.indirect.gather [hbm4b:s4+s15], $0x80, s21, s15, $0xb8;
	[tilespmem:$0x1DC00] =	vst v63  }
0x2e: {  	_ =	swait.ge [sflag:s17], $0x3200  }
0x2f: {  	[sflag:s17] =	ssyncset.done $0x0  }
0x30: {  	s31 =	sadd.s32 $0x14000, s20;
	[sflag:s17] =	ssyncadd.s32 $0xFFFFCE00  }
0x31: {  	[spmem:s2] =	stream.indirect.scatter.add.f32 [tilespmem:s16], [sflag:$0x2], $0x80, s31, s15, $0xb8;
	[tilespmem:$0x1DC00] =	vst v63  }
0x32: {  	_ =	swait.ge [sflag:s18], $0x3200  }
0x33: {  	s19 =	sadd.s32 $0x1, s19;
	[sflag:s18] =	ssyncset.done $0x0  }
0x34: {  	p0 =	sne.s32 s19, s9;
	[sflag:s18] =	ssyncadd.s32 $0xFFFFCE00  }
.Ltmp1:
0x35: {  	[bflag:$0x0] =	sbarrier.arrive $0xFFFF;
	(pc) =	sbr.rel @p0 .LBB2_1-.Ltmp1, $4  }
0x36: {  	[hbm:s8], [sflag:s13] =	dma.local [spmem:s14], $0x2800  }
0x37: {  	_ =	swait.ge [sflag:s11], $0x2800  }
0x38: {  	[sflag:s11] =	ssyncset.done $0x0  }
0x39: {  	[sflag:s11] =	ssyncadd.s32 $0xFFFFD800  }
0x3a: {  	_ =	sfence.sel $0x180000  }
0x3b: {  	[bflag:$0x0] =	sbarrier.arrive $0xFFFF  }
0x3c: {  	p0 =	sne.s32 s0, $0x0;
	_ =	strace $0x9000005C  }
0x3d: {  	s0 =	sadd.s32 @!p0 $0x100000, s1;
	[bflag:$0x2] =	sbarrier.arrive $0xFFFF  }
0x3e: {  	[sflag:s0] =	ssyncadd.tile.s32 @!p0 $0x1;
	_ =	shalt  }
.Lfunc_end2:
_tile_overlayer_lowered:
.L_overlay_start_2:
0x3f: {  	(tag) =	ssettag $0x2  }
0x40: {  	s0 =	rddreg [dreg:$0x0];
	s2 =	stileid.u32  }
0x41: {  	s1 =	rddreg [dreg:$0x1];
	p0 =	sne.s32 s2, $0x0  }
0x42: {  	s3 =	rddreg [dreg:$0x2];
	[bflag:$0x3] =	sbarrier.arrive $0xFFFF;
	s2 =	simm.s32 @!p0 $0x1C03  }
0x43: {  	[timem:s3], [sflag:s2] =	dma.local @!p0 [hbm:s0], s1  }
0x44: {  	s0 =	simm.s32 @!p0 $0x3  }
0x45: {  	_ =	swait.ge @!p0 [sflag:s0], s1  }
0x46: {  	s1 =	ssub.s32 @!p0 $0x0, s1;
	[sflag:s0] =	ssyncset.done @!p0 $0x0  }
0x47: {  	[sflag:s0] =	ssyncadd.s32 @!p0 s1  }
0x48: {  	[bflag:$0x3] =	sbarrier.arrive $0xFFFF  }
0x49: {  	_ =	shalt  }

// kernel: kernel.37.cloned.1.call-start
scs
__scs_entry_jumppad:
0x0: {  	(pc) =	sbr.rel $0x88, $3  }
0x1: {  	(tag) =	ssettag $0x0;
	lr =	simm.s32 $0x1  }
0x2: {  	[smem:$0x3F95] =	sst lr;
	_ =	strace $0xD0000000  }
0x3: {  	_ = 	snop  }
0x4: {  	_ = 	snop  }
0x5: {  	_ = 	snop  }
0x6: {  	_ = 	snop  }
0x7: {  	_ = 	snop  }
__scs_overlays_trampoline_lowered:
0x8: {  	[smem:$0x3FA4] =	sst s0  }
0x9: {  	[smem:$0x3FA5] =	sst s1  }
0xa: {  	[smem:$0x3FA6] =	sst s2  }
0xb: {  	[smem:$0x3FA7] =	sst s3  }
0xc: {  	[smem:$0x3FA8] =	sst s4  }
0xd: {  	[smem:$0x3FA9] =	sst s5  }
0xe: {  	[smem:$0x3FAA] =	sst s6  }
0xf: {  	[smem:$0x3FAB] =	sst s7  }
0x10: {  	[smem:$0x3FAC] =	sst s8  }
0x11: {  	[smem:$0x3FAD] =	sst s9;
	s0 =	simm.s32 @!p0 $0x0  }
0x12: {  	s1 =	sld [smem:$0x3F93];
	s0 =	simm.s32 @p0 $0x1  }
0x13: {  	[smem:$0x3FAE] =	sst s0;
	s0 =	simm.s32 @!p1 $0x0  }
0x14: {  	s2 =	sld [smem:$0x3F92];
	s0 =	simm.s32 @p1 $0x1  }
0x15: {  	[smem:$0x3FAF] =	sst s0;
	s0 =	simm.s32 @!p2 $0x0  }
0x16: {  	s3 =	sld [smem:$0x3FDB];
	s0 =	simm.s32 @p2 $0x1  }
0x17: {  	s4 =	simm.s32 $0x1BF5;
	[smem:$0x3FB1] =	sst s0  }
0x18: {  	s0 =	sld [smem:$0x3F94];
	_ =	swait.ge [sflag:s4], $0x0  }
0x19: {  	s7 =	sld [smem:$0x3F95]  }
0x1a: {  	s8 =	sadd.s32 $0xFFFFE003, lr  }
0x1b: {  	s9 =	sadd.s32 $0xFFFFFEF7, lr;
	s5 =	simm.s32 $0xFFFFFFFF;
	p2 =	slt.u32 s8, $0xFFFFF086  }
0x1c: {  	p1 =	slt.u32 s9, $0xF7A;
	s5 =	simm.s32 @!p2 $0x0  }
0x1d: {  	s5 =	simm.s32 @p1 $0x1;
	p0 =	seq.s32 s7, s2  }
0x1e: {  	s7 =	smul.u32 @!p0 $0xF7A, s2;
	p2 =	seq.s32 @!p0 s5, $0x0  }
0x1f: {  	s9 =	smul.u32 $0xF7A, s1;
	s8 =	simm.s32 @!p0 $0x1BF5;
	p2 =	por !p2, p0  }
0x20: {  	[sflag:s8] =	ssyncset.s32 @!p0 $0xFFFFF086;
	s6 =	sadd.s32 @!p0 s3, s7;
	s7 =	simm.s32 @!p0 $0x108  }
0x21: {  	s3 =	sadd.s32 s3, s9;
	s6 =	sadd.s32 @!p0 $0x88, s6;
	s7 =	simm.s32 @p2 $0x1082  }
0x22: {  	[simem:s7], [sflag:s8] =	dma.local @!p0 [hbm:s6], $0xF7A  }
0x23: {  	s9 =	sor.u32 $0xD0000000, s2;
	s6 =	simm.s32 $0x108;
	_ =	swait.ge @!p0 [sflag:s8], $0x0  }
0x24: {  	s3 =	sadd.s32 $0x88, s3;
	s6 =	simm.s32 @!p1 $0x1082;
	[sflag:s4] =	ssyncset.s32 $0xFFFFF086  }
0x25: {  	[simem:s6], [sflag:s4] =	dma.local [hbm:s3], $0xF7A  }
0x26: {  	[smem:$0x3F95] =	sst s1;
	(tag) =	ssettag s2;
	_ =	strace s9  }
0x27: {  	s1 =	sld [smem:$0x3FA5]  }
0x28: {  	s2 =	sld [smem:$0x3FA6]  }
0x29: {  	s4 =	sld [smem:$0x3FA8]  }
0x2a: {  	p0 =	seq.s32 s5, $0x0;
	s5 =	sld [smem:$0x3FA9]  }
0x2b: {  	s6 =	sld [smem:$0x3FAA]  }
0x2c: {  	s7 =	sld [smem:$0x3FAB]  }
0x2d: {  	s3 =	simm.s32 $0x108;
	s8 =	sld [smem:$0x3FAC]  }
0x2e: {  	s3 =	simm.s32 @!p0 $0x1082;
	s9 =	sld [smem:$0x3FAD]  }
0x2f: {  	lr =	sadd.s32 s0, s3;
	s0 =	sld [smem:$0x3FA4]  }
0x30: {  	s3 =	sld [smem:$0x3FA7]  }
0x31: {  	[smem:$0x3FB0] =	sst s10  }
0x32: {  	s10 =	sld [smem:$0x3FAE];
	_ =	sdelay $0x3  }
0x33: {  	p0 =	seq.s32 s10, $0x1;
	s10 =	sld [smem:$0x3FB0];
	_ =	sdelay $0x3  }
0x34: {  	[smem:$0x3FB0] =	sst s10  }
0x35: {  	s10 =	sld [smem:$0x3FAF];
	_ =	sdelay $0x3  }
0x36: {  	p1 =	seq.s32 s10, $0x1;
	s10 =	sld [smem:$0x3FB0];
	_ =	sdelay $0x3  }
0x37: {  	[smem:$0x3FB0] =	sst s10  }
0x38: {  	s10 =	sld [smem:$0x3FB1]  }
0x39: {  	_ = 	snop;
	(pc) =	sbr.ind lr, $3  }
0x3a: {  	_ = 	snop  }
0x3b: {  	_ = 	snop  }
0x3c: {  	p2 =	seq.s32 s10, $0x1;
	s10 =	sld [smem:$0x3FB0]  }
0x3d: {  	_ =	shalt  }
0x3e: {  	_ =	shalt  }
0x3f: {  	_ =	shalt  }
0x40: {  	_ =	shalt  }
0x41: {  	_ =	shalt  }
0x42: {  	_ =	shalt  }
0x43: {  	_ =	shalt  }
0x44: {  	_ =	shalt  }
0x45: {  	_ =	shalt  }
0x46: {  	_ =	shalt  }
0x47: {  	_ =	shalt  }
0x48: {  	_ =	shalt  }
0x49: {  	_ =	shalt  }
0x4a: {  	_ =	shalt  }
0x4b: {  	_ =	shalt  }
0x4c: {  	_ =	shalt  }
0x4d: {  	_ =	shalt  }
0x4e: {  	_ =	shalt  }
0x4f: {  	_ =	shalt  }
0x50: {  	_ =	shalt  }
0x51: {  	_ =	shalt  }
0x52: {  	_ =	shalt  }
0x53: {  	_ =	shalt  }
0x54: {  	_ =	shalt  }
0x55: {  	_ =	shalt  }
0x56: {  	_ =	shalt  }
0x57: {  	_ =	shalt  }
0x58: {  	_ =	shalt  }
0x59: {  	_ =	shalt  }
0x5a: {  	_ =	shalt  }
0x5b: {  	_ =	shalt  }
0x5c: {  	_ =	shalt  }
0x5d: {  	_ =	shalt  }
0x5e: {  	_ =	shalt  }
0x5f: {  	_ =	shalt  }
0x60: {  	_ =	shalt  }
0x61: {  	_ =	shalt  }
0x62: {  	_ =	shalt  }
0x63: {  	_ =	shalt  }
0x64: {  	_ =	shalt  }
0x65: {  	_ =	shalt  }
0x66: {  	_ =	shalt  }
0x67: {  	_ =	shalt  }
0x68: {  	_ =	shalt  }
0x69: {  	_ =	shalt  }
0x6a: {  	_ =	shalt  }
0x6b: {  	_ =	shalt  }
0x6c: {  	_ =	shalt  }
0x6d: {  	_ =	shalt  }
0x6e: {  	_ =	shalt  }
0x6f: {  	_ =	shalt  }
0x70: {  	_ =	shalt  }
0x71: {  	_ =	shalt  }
0x72: {  	_ =	shalt  }
0x73: {  	_ =	shalt  }
0x74: {  	_ =	shalt  }
0x75: {  	_ =	shalt  }
0x76: {  	_ =	shalt  }
0x77: {  	_ =	shalt  }
0x78: {  	_ =	shalt  }
0x79: {  	_ =	shalt  }
0x7a: {  	_ =	shalt  }
0x7b: {  	_ =	shalt  }
0x7c: {  	_ =	shalt  }
0x7d: {  	_ =	shalt  }
0x7e: {  	_ =	shalt  }
0x7f: {  	_ =	shalt  }
0x80: {  	_ =	shalt  }
0x81: {  	_ =	shalt  }
0x82: {  	_ =	shalt  }
0x83: {  	_ =	shalt  }
0x84: {  	_ =	shalt  }
0x85: {  	_ =	shalt  }
0x86: {  	_ =	shalt  }
0x87: {  	_ =	shalt  }
.Lfunc_end0:
.L_simem_size_0:
called_computation.8_lowered:
.L_overlay_start_0:
0x88: {  	s2 =	sld [smem:$0x3FD9]  }
0x89: {  	s3 =	sld [smem:$0x3FFE];
	_ =	sdelay $0x1  }
0x8a: {  	s1 =	srdreg.scid  }
0x8b: {  	s0 =	sand.u32 $0x1, s1  }
0x8c: {  	s17 =	sshll.u32 s0, $0xA;
	s2 =	sadd.s32 s3, s2  }
0x8d: {  	s2 =	sadd.s32 s2, s17  }
0x8e: {  	[smem:$0x3FBC] =	sst s2  }
0x8f: {  	_ = 	snop  }
0x90: {  	(tm) =	ssettm $0x1  }
0x91: {  	s18 =	sld [smem:$0x3FFB];
	_ =	sdelay $0x3  }
0x92: {  	_ =	strace s18  }
0x93: {  	s2 =	sld [smem:$0x3FFC];
	_ =	sdelay $0x3  }
0x94: {  	_ =	strace s2  }
0x95: {  	s2 =	sld [smem:$0x3FFD];
	_ =	sdelay $0x3  }
0x96: {  	_ =	strace s2  }
0x97: {  	_ =	strace $0x8FFFFFFF  }
0x98: {  	s19 =	sld [smem:$0x3FDB];
	_ =	sdelay $0x1  }
0x99: {  	s20 =	simm.s32 $_scs_section_size  }
0x9a: {  	s4 =	simm.s32 $_size__tile_overlayer_lowered;
	s5 =	simm.s32 $_tile_overlayer_lowered  }
0x9b: {  	s6 =	simm.s32 $0x1BFF;
	s21 =	sshll.u32 s5, $0x1;
	s3 =	sadd.s32 s20, s19  }
0x9c: {  	s22 =	simm.s32 $0x0;
	s4 =	sshll.u32 s4, $0x1;
	s5 =	sadd.s32 s21, s3  }
0x9d: {  	[timem:s22], [sflag:s6] =	dma.local [hbm:s5], s4  }
0x9e: {  	_ =	swait.ge [sflag:s6], s4  }
0x9f: {  	s4 =	ssub.s32 $0x0, s4;
	[sflag:s6] =	ssyncset.done $0x0  }
0xa0: {  	[sflag:s6] =	ssyncadd.s32 s4;
	_ =	sdelay $0x1  }
0xa1: {  	s23 =	simm.s32 $0x1B8B  }
0xa2: {  	_ =	swait.ge [sflag:s23], $0x1  }
0xa3: {  	[sflag:s23] =	ssyncset.done $0x0  }
0xa4: {  	[sflag:s23] =	ssyncadd.s32 $0xFFFFFFFF  }
0xa5: {  	s4 =	sld [smem:$0x0]  }
0xa6: {  	s5 =	sand.u32 $0xFFFFFFFE, s1  }
0xa7: {  	p0 =	sne.s32 s1, s5  }
0xa8: {  	s5 =	sshll.u32 @p0 s5, $0xE  }
0xa9: {  	s5 =	sadd.s32 @p0 $0x11B8D, s5;
	s6 =	sshll.u32 @p0 s4, $0x11  }
0xaa: {  	s5 =	sor.u32 @p0 s6, s5  }
0xab: {  	[sflag:s5] =	ssyncadd.remote.s32 @p0 $0x1;
	_ =	sdelay $0x1  }
0xac: {  	s5 =	simm.s32 @p0 $0x1B8D  }
0xad: {  	_ =	swait.eq @p0 [sflag:s5], $0x1  }
0xae: {  	[sflag:s5] =	ssyncadd.s32 @p0 $0xFFFFFFFF  }
0xaf: {  	s6 =	sshll.u32 @!p0 s1, $0xE  }
0xb0: {  	s6 =	sor.u32 @!p0 $0x4000, s6;
	s5 =	simm.s32 @!p0 $0x1B8D  }
0xb1: {  	s4 =	sshll.u32 @!p0 s4, $0x11;
	s6 =	sadd.s32 @!p0 $0x11B8D, s6;
	_ =	swait.eq @!p0 [sflag:s5], $0x1  }
0xb2: {  	s4 =	sor.u32 @!p0 s4, s6;
	[sflag:s5] =	ssyncadd.s32 @!p0 $0xFFFFFFFF  }
0xb3: {  	s25 =	simm.s32 $0x1B8E;
	s24 =	sld [smem:$0x3FFE];
	[sflag:s4] =	ssyncadd.remote.s32 @!p0 $0x1  }
0xb4: {  	s26 =	simm.s32 $execute0_lowered;
	[smem:$0x3FD2] =	sst s25  }
0xb5: {  	s5 =	sshll.u32 s26, $0x1;
	_ =	strace $0x8000005E;
	[dreg:$0x1] =	wrdreg $0xFFFFFFFF  }
0xb6: {  	s28 =	simm.s32 $_size_execute0_lowered;
	s3 =	sadd.s32 s3, s5;
	[dreg:$0x0] =	wrdreg $0x0  }
0xb7: {  	s5 =	sshll.u32 s28, $0x1;
	[dreg:$0x2] =	wrdreg s3  }
0xb8: {  	[dreg:$0x3] =	wrdreg s5  }
0xb9: {  	[dreg:$0x4] =	wrdreg $0xC0  }
0xba: {  	_ =	task [dreg:s22], $0x5FFFF  }
0xbb: {  	[dreg:$0x1] =	wrdreg $0xFFFFFFFF  }
0xbc: {  	[dreg:$0x0] =	wrdreg $0x60  }
0xbd: {  	[dreg:$0x2] =	wrdreg s24  }
0xbe: {  	[dreg:$0x3] =	wrdreg $0x0  }
0xbf: {  	[dreg:$0x4] =	wrdreg $0xA  }
0xc0: {  	_ =	task.clear_ibuf [dreg:s22], $0x5FFFF;
	_ =	strace $0x9000005E  }
0xc1: {  	s29 =	simm.s32 $0xA;
	_ =	strace $0x80000060  }
0xc2: {  	_ =	swait.ge [sflag:s29], $0x1  }
0xc3: {  	[sflag:s29] =	ssyncadd.s32 $0xFFFFFFFF  }
0xc4: {  	_ =	strace $0x90000060  }
0xc5: {  	_ =	sfence  }
0xc6: {  	s30 =	sld [smem:$0x0];
	_ =	sdelay $0x2  }
0xc7: {  	s31 =	sshll.u32 s1, $0xD;
	s1 =	sshrl.u32 s1, $0x2  }
0xc8: {  	s4 =	sand.u32 $0x4000, s31;
	s1 =	sadd.s32 s1, s30  }
0xc9: {  	s0 =	sor.u32 s4, s0;
	s1 =	sshll.u32 s1, $0x11  }
0xca: {  	s0 =	sor.u32 s1, s0  }
0xcb: {  	s0 =	sadd.s32 $0x8F2B, s0  }
0xcc: {  	[sflag:s0] =	ssyncadd.remote.s32 $0x1  }
0xcd: {  	_ =	sfence.sel $0xFFFF  }
0xce: {  	[dreg:$0x0] =	wrdreg $0xFFFFFFFF;
	(pc) =	sbr.abs _section_cstart, $3  }
0xcf: {  	[dreg:$0x1] =	wrdreg $0xFFFFFFFF  }
0xd0: {  	_ =	task.clear_ibuf [dreg:s22], $0x2FFFF;
	_ =	strace $0x9FFFFFFF  }
0xd1: {  	(tm) =	ssettm $0x7FFFFFFF  }
tec
execute0_lowered:
.L_overlay_start_1:
0x0: {  	(tag) =	ssettag $0x1  }
0x1: {  	s1 =	srdreg.scid;
	s5 =	rddreg [dreg:$0x0]  }
0x2: {  	s0 =	stileid.u32;
	s2 =	rddreg [dreg:$0x1];
	s3 =	simm.s32 $0x0  }
0x3: {  	s12 =	simm.s32 $0x17400;
	s15 =	simm.s32 $0x64;
	s16 =	simm.s32 $0x1A800  }
0x4: {  	s17 =	simm.s32 $0x1;
	s18 =	simm.s32 $0x2;
	s19 =	simm.s32 $0x0  }
0x5: {  	s6 =	sand.u32 $0x1, s1;
	s1 =	rddreg [dreg:$0x2];
	s8 =	smul.u32 $0x2800, s0  }
0x6: {  	s30 =	sshll.u32 s0, $0x1;
	[smem:$0x7FF] =	sst s3;
	s11 =	smul.u32 $0x50000, s0  }
0x7: {  	s13 =	sshll.u32 s0, $0x6;
	s4 =	sor.u32 s6, s30;
	_ =	strace $0x8000005F  }
0x8: {  	s9 =	smul.u32 $0x28000, s6;
	s6 =	ssub.s32 $0x2, s6;
	s13 =	sor.u32 $0x1C03, s13  }
0x9: {  	s7 =	smul.u32 $0x680, s4;
	s4 =	sadd.s32 $0xE3000, s5;
	s10 =	sshrl.u32 s6, $0x1  }
0xa: {  	s31 =	sshrl.u32 s11, $0x2;
	s11 =	simm.s32 $0x3;
	s9 =	sadd.s32 s8, s9  }
0xb: {  	s8 =	sadd.s32 s8, s5;
	s10 =	ssub.s32 s6, s10;
	s14 =	sadd.s32 s31, s2  }
0xc: {  	s7 =	sadd.s32 s7, s5;
	s9 =	sadd.s32 s9, s5;
	s14 =	sshrl.u32 s14, $0x3  }
0xd: {  	s5 =	sadd.s32 $0x1000, s7;
	s6 =	sadd.s32 $0x86000, s7;
	s7 =	sadd.s32 $0xE000, s8  }
0xe: {  	s8 =	sadd.s32 $0x10B000, s9;
	s9 =	smax.u32 s10, $0x1;
	s10 =	simm.s32 $0x14000  }
.LBB2_1:
0xf: {  	[tilespmem:s10], [sflag:$0x3] =	stream.linear.gather [hbm4b:s5+s3], $0x3200, $0x38;
	[tilespmem:$0x1DC00] =	vst v63  }
0x10: {  	_ =	swait.ge [sflag:s11], $0x3200  }
0x11: {  	[sflag:s11] =	ssyncset.done $0x0  }
0x12: {  	[sflag:s11] =	ssyncadd.s32 $0xFFFFCE00  }
0x13: {  	[tilespmem:s12], [sflag:$0x3] =	stream.linear.gather [hbm4b:s6+s3], $0x3200, $0x38;
	[tilespmem:$0x1DC00] =	vst v63  }
0x14: {  	_ =	swait.ge [sflag:s11], $0x3200  }
0x15: {  	[sflag:s11] =	ssyncset.done $0x0  }
0x16: {  	[sflag:s11] =	ssyncadd.s32 $0xFFFFCE00  }
0x17: {  	[spmem:s14], [sflag:s13] =	dma.local [hbm:s7], $0x2800  }
0x18: {  	_ =	swait.ge [sflag:s11], $0x2800  }
0x19: {  	[sflag:s11] =	ssyncset.done $0x0  }
0x1a: {  	[sflag:s11] =	ssyncadd.s32 $0xFFFFD800  }
0x1b: {  	s20 =	simm.s32 $0x17400;
	[bflag:$0x0] =	sbarrier.arrive $0xFFFF  }
0x1c: {  	[tilespmem:s16], [sflag:$0x1] =	stream.indirect.gather [hbm4b:s4+s15], $0x80, s20, s15, $0xb8;
	[tilespmem:$0x1DC00] =	vst v63  }
0x1d: {  	_ =	swait.ge [sflag:s17], $0x3200  }
0x1e: {  	[sflag:s17] =	ssyncset.done $0x0  }
0x1f: {  	s31 =	simm.s32 $0x14000;
	[sflag:s17] =	ssyncadd.s32 $0xFFFFCE00  }
0x20: {  	[spmem:s2] =	stream.indirect.scatter.add.f32 [tilespmem:s16], [sflag:$0x2], $0x80, s31, s15, $0xb8;
	[tilespmem:$0x1DC00] =	vst v63  }
0x21: {  	_ =	swait.ge [sflag:s18], $0x3200  }
0x22: {  	s21 =	simm.s32 $0x400;
	s20 =	simm.s32 $0x80;
	[sflag:s18] =	ssyncset.done $0x0  }
.LBB2_2:
0x23: {  	s22 =	sadd.s32 $0x17400, s20  }
0x24: {  	[sflag:s18] =	ssyncadd.s32 $0xFFFFCE00;
	s23 =	smov.u32 s21;
	s24 =	sadd.s32 $0x200, s21  }
0x25: {  	[tilespmem:s16], [sflag:$0x1] =	stream.indirect.gather [hbm4b:s4+s15], $0x80, s22, s15, $0xb8;
	[tilespmem:$0x1DC00] =	vst v63  }
0x26: {  	p0 =	sne.s32 s21, $0xC600;
	_ =	swait.ge [sflag:s17], $0x3200  }
.Ltmp0:
0x27: {  	[sflag:s17] =	ssyncset.done $0x0;
	(pc) =	sbr.rel @p0 .LBB2_2-.Ltmp0, $4  }
0x28: {  	s20 =	sadd.s32 $0x14000, s20;
	[sflag:s17] =	ssyncadd.s32 $0xFFFFCE00  }
0x29: {  	[spmem:s2] =	stream.indirect.scatter.add.f32 [tilespmem:s16], [sflag:$0x2], $0x80, s20, s15, $0xb8;
	[tilespmem:$0x1DC00] =	vst v63  }
0x2a: {  	_ =	swait.ge [sflag:s18], $0x3200  }
0x2b: {  	s21 =	smov.u32 s24;
	s20 =	sshra.s32 s23, $0x2;
	[sflag:s18] =	ssyncset.done $0x0  }
0x2c: {  	s21 =	sadd.s32 $0x17400, s20;
	[sflag:s18] =	ssyncadd.s32 $0xFFFFCE00  }
0x2d: {  	[tilespmem:s16], [sflag:$0x1] =	stream.indirect.gather [hbm4b:s4+s15], $0x80, s21, s15, $0xb8;
	[tilespmem:$0x1DC00] =	vst v63  }
0x2e: {  	_ =	swait.ge [sflag:s17], $0x3200  }
0x2f: {  	[sflag:s17] =	ssyncset.done $0x0  }
0x30: {  	s31 =	sadd.s32 $0x14000, s20;
	[sflag:s17] =	ssyncadd.s32 $0xFFFFCE00  }
0x31: {  	[spmem:s2] =	stream.indirect.scatter.add.f32 [tilespmem:s16], [sflag:$0x2], $0x80, s31, s15, $0xb8;
	[tilespmem:$0x1DC00] =	vst v63  }
0x32: {  	_ =	swait.ge [sflag:s18], $0x3200  }
0x33: {  	s19 =	sadd.s32 $0x1, s19;
	[sflag:s18] =	ssyncset.done $0x0  }
0x34: {  	p0 =	sne.s32 s19, s9;
	[sflag:s18] =	ssyncadd.s32 $0xFFFFCE00  }
.Ltmp1:
0x35: {  	[bflag:$0x0] =	sbarrier.arrive $0xFFFF;
	(pc) =	sbr.rel @p0 .LBB2_1-.Ltmp1, $4  }
0x36: {  	[hbm:s8], [sflag:s13] =	dma.local [spmem:s14], $0x2800  }
0x37: {  	_ =	swait.ge [sflag:s11], $0x2800  }
0x38: {  	[sflag:s11] =	ssyncset.done $0x0  }
0x39: {  	[sflag:s11] =	ssyncadd.s32 $0xFFFFD800  }
0x3a: {  	_ =	sfence.sel $0x180000  }
0x3b: {  	[bflag:$0x0] =	sbarrier.arrive $0xFFFF  }
0x3c: {  	p0 =	sne.s32 s0, $0x0;
	_ =	strace $0x9000005F  }
0x3d: {  	s0 =	sadd.s32 @!p0 $0x100000, s1;
	[bflag:$0x2] =	sbarrier.arrive $0xFFFF  }
0x3e: {  	[sflag:s0] =	ssyncadd.tile.s32 @!p0 $0x1;
	_ =	shalt  }
.Lfunc_end2:
_tile_overlayer_lowered:
.L_overlay_start_2:
0x3f: {  	(tag) =	ssettag $0x2  }
0x40: {  	s0 =	rddreg [dreg:$0x0];
	s2 =	stileid.u32  }
0x41: {  	s1 =	rddreg [dreg:$0x1];
	p0 =	sne.s32 s2, $0x0  }
0x42: {  	s3 =	rddreg [dreg:$0x2];
	[bflag:$0x3] =	sbarrier.arrive $0xFFFF;
	s2 =	simm.s32 @!p0 $0x1C03  }
0x43: {  	[timem:s3], [sflag:s2] =	dma.local @!p0 [hbm:s0], s1  }
0x44: {  	s0 =	simm.s32 @!p0 $0x3  }
0x45: {  	_ =	swait.ge @!p0 [sflag:s0], s1  }
0x46: {  	s1 =	ssub.s32 @!p0 $0x0, s1;
	[sflag:s0] =	ssyncset.done @!p0 $0x0  }
0x47: {  	[sflag:s0] =	ssyncadd.s32 @!p0 s1  }
0x48: {  	[bflag:$0x3] =	sbarrier.arrive $0xFFFF  }
0x49: {  	_ =	shalt  }

// kernel: kernel.40.cloned.1.call-start
scs
__scs_entry_jumppad:
0x0: {  	(pc) =	sbr.rel $0x88, $3  }
0x1: {  	(tag) =	ssettag $0x0;
	lr =	simm.s32 $0x1  }
0x2: {  	[smem:$0x3F95] =	sst lr;
	_ =	strace $0xD0000000  }
0x3: {  	_ = 	snop  }
0x4: {  	_ = 	snop  }
0x5: {  	_ = 	snop  }
0x6: {  	_ = 	snop  }
0x7: {  	_ = 	snop  }
__scs_overlays_trampoline_lowered:
0x8: {  	[smem:$0x3FA4] =	sst s0  }
0x9: {  	[smem:$0x3FA5] =	sst s1  }
0xa: {  	[smem:$0x3FA6] =	sst s2  }
0xb: {  	[smem:$0x3FA7] =	sst s3  }
0xc: {  	[smem:$0x3FA8] =	sst s4  }
0xd: {  	[smem:$0x3FA9] =	sst s5  }
0xe: {  	[smem:$0x3FAA] =	sst s6  }
0xf: {  	[smem:$0x3FAB] =	sst s7  }
0x10: {  	[smem:$0x3FAC] =	sst s8  }
0x11: {  	[smem:$0x3FAD] =	sst s9;
	s0 =	simm.s32 @!p0 $0x0  }
0x12: {  	s1 =	sld [smem:$0x3F93];
	s0 =	simm.s32 @p0 $0x1  }
0x13: {  	[smem:$0x3FAE] =	sst s0;
	s0 =	simm.s32 @!p1 $0x0  }
0x14: {  	s2 =	sld [smem:$0x3F92];
	s0 =	simm.s32 @p1 $0x1  }
0x15: {  	[smem:$0x3FAF] =	sst s0;
	s0 =	simm.s32 @!p2 $0x0  }
0x16: {  	s3 =	sld [smem:$0x3FDB];
	s0 =	simm.s32 @p2 $0x1  }
0x17: {  	s4 =	simm.s32 $0x1BF5;
	[smem:$0x3FB1] =	sst s0  }
0x18: {  	s0 =	sld [smem:$0x3F94];
	_ =	swait.ge [sflag:s4], $0x0  }
0x19: {  	s7 =	sld [smem:$0x3F95]  }
0x1a: {  	s8 =	sadd.s32 $0xFFFFE003, lr  }
0x1b: {  	s9 =	sadd.s32 $0xFFFFFEF7, lr;
	s5 =	simm.s32 $0xFFFFFFFF;
	p2 =	slt.u32 s8, $0xFFFFF086  }
0x1c: {  	p1 =	slt.u32 s9, $0xF7A;
	s5 =	simm.s32 @!p2 $0x0  }
0x1d: {  	s5 =	simm.s32 @p1 $0x1;
	p0 =	seq.s32 s7, s2  }
0x1e: {  	s7 =	smul.u32 @!p0 $0xF7A, s2;
	p2 =	seq.s32 @!p0 s5, $0x0  }
0x1f: {  	s9 =	smul.u32 $0xF7A, s1;
	s8 =	simm.s32 @!p0 $0x1BF5;
	p2 =	por !p2, p0  }
0x20: {  	[sflag:s8] =	ssyncset.s32 @!p0 $0xFFFFF086;
	s6 =	sadd.s32 @!p0 s3, s7;
	s7 =	simm.s32 @!p0 $0x108  }
0x21: {  	s3 =	sadd.s32 s3, s9;
	s6 =	sadd.s32 @!p0 $0x88, s6;
	s7 =	simm.s32 @p2 $0x1082  }
0x22: {  	[simem:s7], [sflag:s8] =	dma.local @!p0 [hbm:s6], $0xF7A  }
0x23: {  	s9 =	sor.u32 $0xD0000000, s2;
	s6 =	simm.s32 $0x108;
	_ =	swait.ge @!p0 [sflag:s8], $0x0  }
0x24: {  	s3 =	sadd.s32 $0x88, s3;
	s6 =	simm.s32 @!p1 $0x1082;
	[sflag:s4] =	ssyncset.s32 $0xFFFFF086  }
0x25: {  	[simem:s6], [sflag:s4] =	dma.local [hbm:s3], $0xF7A  }
0x26: {  	[smem:$0x3F95] =	sst s1;
	(tag) =	ssettag s2;
	_ =	strace s9  }
0x27: {  	s1 =	sld [smem:$0x3FA5]  }
0x28: {  	s2 =	sld [smem:$0x3FA6]  }
0x29: {  	s4 =	sld [smem:$0x3FA8]  }
0x2a: {  	p0 =	seq.s32 s5, $0x0;
	s5 =	sld [smem:$0x3FA9]  }
0x2b: {  	s6 =	sld [smem:$0x3FAA]  }
0x2c: {  	s7 =	sld [smem:$0x3FAB]  }
0x2d: {  	s3 =	simm.s32 $0x108;
	s8 =	sld [smem:$0x3FAC]  }
0x2e: {  	s3 =	simm.s32 @!p0 $0x1082;
	s9 =	sld [smem:$0x3FAD]  }
0x2f: {  	lr =	sadd.s32 s0, s3;
	s0 =	sld [smem:$0x3FA4]  }
0x30: {  	s3 =	sld [smem:$0x3FA7]  }
0x31: {  	[smem:$0x3FB0] =	sst s10  }
0x32: {  	s10 =	sld [smem:$0x3FAE];
	_ =	sdelay $0x3  }
0x33: {  	p0 =	seq.s32 s10, $0x1;
	s10 =	sld [smem:$0x3FB0];
	_ =	sdelay $0x3  }
0x34: {  	[smem:$0x3FB0] =	sst s10  }
0x35: {  	s10 =	sld [smem:$0x3FAF];
	_ =	sdelay $0x3  }
0x36: {  	p1 =	seq.s32 s10, $0x1;
	s10 =	sld [smem:$0x3FB0];
	_ =	sdelay $0x3  }
0x37: {  	[smem:$0x3FB0] =	sst s10  }
0x38: {  	s10 =	sld [smem:$0x3FB1]  }
0x39: {  	_ = 	snop;
	(pc) =	sbr.ind lr, $3  }
0x3a: {  	_ = 	snop  }
0x3b: {  	_ = 	snop  }
0x3c: {  	p2 =	seq.s32 s10, $0x1;
	s10 =	sld [smem:$0x3FB0]  }
0x3d: {  	_ =	shalt  }
0x3e: {  	_ =	shalt  }
0x3f: {  	_ =	shalt  }
0x40: {  	_ =	shalt  }
0x41: {  	_ =	shalt  }
0x42: {  	_ =	shalt  }
0x43: {  	_ =	shalt  }
0x44: {  	_ =	shalt  }
0x45: {  	_ =	shalt  }
0x46: {  	_ =	shalt  }
0x47: {  	_ =	shalt  }
0x48: {  	_ =	shalt  }
0x49: {  	_ =	shalt  }
0x4a: {  	_ =	shalt  }
0x4b: {  	_ =	shalt  }
0x4c: {  	_ =	shalt  }
0x4d: {  	_ =	shalt  }
0x4e: {  	_ =	shalt  }
0x4f: {  	_ =	shalt  }
0x50: {  	_ =	shalt  }
0x51: {  	_ =	shalt  }
0x52: {  	_ =	shalt  }
0x53: {  	_ =	shalt  }
0x54: {  	_ =	shalt  }
0x55: {  	_ =	shalt  }
0x56: {  	_ =	shalt  }
0x57: {  	_ =	shalt  }
0x58: {  	_ =	shalt  }
0x59: {  	_ =	shalt  }
0x5a: {  	_ =	shalt  }
0x5b: {  	_ =	shalt  }
0x5c: {  	_ =	shalt  }
0x5d: {  	_ =	shalt  }
0x5e: {  	_ =	shalt  }
0x5f: {  	_ =	shalt  }
0x60: {  	_ =	shalt  }
0x61: {  	_ =	shalt  }
0x62: {  	_ =	shalt  }
0x63: {  	_ =	shalt  }
0x64: {  	_ =	shalt  }
0x65: {  	_ =	shalt  }
0x66: {  	_ =	shalt  }
0x67: {  	_ =	shalt  }
0x68: {  	_ =	shalt  }
0x69: {  	_ =	shalt  }
0x6a: {  	_ =	shalt  }
0x6b: {  	_ =	shalt  }
0x6c: {  	_ =	shalt  }
0x6d: {  	_ =	shalt  }
0x6e: {  	_ =	shalt  }
0x6f: {  	_ =	shalt  }
0x70: {  	_ =	shalt  }
0x71: {  	_ =	shalt  }
0x72: {  	_ =	shalt  }
0x73: {  	_ =	shalt  }
0x74: {  	_ =	shalt  }
0x75: {  	_ =	shalt  }
0x76: {  	_ =	shalt  }
0x77: {  	_ =	shalt  }
0x78: {  	_ =	shalt  }
0x79: {  	_ =	shalt  }
0x7a: {  	_ =	shalt  }
0x7b: {  	_ =	shalt  }
0x7c: {  	_ =	shalt  }
0x7d: {  	_ =	shalt  }
0x7e: {  	_ =	shalt  }
0x7f: {  	_ =	shalt  }
0x80: {  	_ =	shalt  }
0x81: {  	_ =	shalt  }
0x82: {  	_ =	shalt  }
0x83: {  	_ =	shalt  }
0x84: {  	_ =	shalt  }
0x85: {  	_ =	shalt  }
0x86: {  	_ =	shalt  }
0x87: {  	_ =	shalt  }
.Lfunc_end0:
.L_simem_size_0:
called_computation.9_lowered:
.L_overlay_start_0:
0x88: {  	s2 =	sld [smem:$0x3FD9]  }
0x89: {  	s3 =	sld [smem:$0x3FFE];
	_ =	sdelay $0x1  }
0x8a: {  	s1 =	srdreg.scid  }
0x8b: {  	s0 =	sand.u32 $0x1, s1  }
0x8c: {  	s16 =	sshll.u32 s0, $0xA;
	s2 =	sadd.s32 s3, s2  }
0x8d: {  	s2 =	sadd.s32 s2, s16  }
0x8e: {  	[smem:$0x3FBC] =	sst s2  }
0x8f: {  	_ = 	snop  }
0x90: {  	(tm) =	ssettm $0x1  }
0x91: {  	s17 =	sld [smem:$0x3FFB];
	_ =	sdelay $0x3  }
0x92: {  	_ =	strace s17  }
0x93: {  	s2 =	sld [smem:$0x3FFC];
	_ =	sdelay $0x3  }
0x94: {  	_ =	strace s2  }
0x95: {  	s2 =	sld [smem:$0x3FFD];
	_ =	sdelay $0x3  }
0x96: {  	_ =	strace s2  }
0x97: {  	_ =	strace $0x8FFFFFFF  }
0x98: {  	s18 =	sld [smem:$0x3FDB];
	_ =	sdelay $0x1  }
0x99: {  	s19 =	simm.s32 $_scs_section_size  }
0x9a: {  	s4 =	simm.s32 $_size__tile_overlayer_lowered;
	s5 =	simm.s32 $_tile_overlayer_lowered  }
0x9b: {  	s22 =	simm.s32 $0x1BFF;
	s21 =	sshll.u32 s5, $0x1;
	s2 =	sadd.s32 s19, s18  }
0x9c: {  	s6 =	simm.s32 $0x0;
	s20 =	sshll.u32 s4, $0x1;
	s4 =	sadd.s32 s21, s2  }
0x9d: {  	[timem:s6], [sflag:s22] =	dma.local [hbm:s4], s20  }
0x9e: {  	_ =	swait.ge [sflag:s22], s20  }
0x9f: {  	s3 =	ssub.s32 $0x0, s20;
	[sflag:s22] =	ssyncset.done $0x0  }
0xa0: {  	[sflag:s22] =	ssyncadd.s32 s3;
	_ =	sdelay $0x1  }
0xa1: {  	s23 =	simm.s32 $0x1B8B  }
0xa2: {  	_ =	swait.ge [sflag:s23], $0x1  }
0xa3: {  	[sflag:s23] =	ssyncset.done $0x0  }
0xa4: {  	s25 =	simm.s32 $0x1B8E;
	s24 =	sld [smem:$0x3FFE];
	[sflag:s23] =	ssyncadd.s32 $0xFFFFFFFF  }
0xa5: {  	s26 =	simm.s32 $execute0_lowered;
	[smem:$0x3FD2] =	sst s25  }
0xa6: {  	s4 =	sshll.u32 s26, $0x1;
	_ =	strace $0x80000061;
	[dreg:$0x1] =	wrdreg $0xFFFFFFFF  }
0xa7: {  	s28 =	simm.s32 $_size_execute0_lowered;
	s2 =	sadd.s32 s2, s4;
	[dreg:$0x0] =	wrdreg $0x0  }
0xa8: {  	s4 =	sshll.u32 s28, $0x1;
	[dreg:$0x2] =	wrdreg s2  }
0xa9: {  	[dreg:$0x3] =	wrdreg s4  }
0xaa: {  	[dreg:$0x4] =	wrdreg $0xC0  }
0xab: {  	_ =	task [dreg:s6], $0x5FFFF  }
0xac: {  	[dreg:$0x1] =	wrdreg $0xFFFFFFFF  }
0xad: {  	[dreg:$0x0] =	wrdreg $0x60  }
0xae: {  	[dreg:$0x2] =	wrdreg s24  }
0xaf: {  	[dreg:$0x3] =	wrdreg $0x0  }
0xb0: {  	[dreg:$0x4] =	wrdreg $0x9  }
0xb1: {  	_ =	task.clear_ibuf [dreg:s6], $0x5FFFF;
	_ =	strace $0x90000061  }
0xb2: {  	s29 =	simm.s32 $0x9;
	_ =	strace $0x80000063  }
0xb3: {  	_ =	swait.ge [sflag:s29], $0x1  }
0xb4: {  	[sflag:s29] =	ssyncadd.s32 $0xFFFFFFFF  }
0xb5: {  	_ =	strace $0x90000063  }
0xb6: {  	_ =	sfence  }
0xb7: {  	s30 =	sld [smem:$0x0];
	_ =	sdelay $0x2  }
0xb8: {  	s31 =	sshll.u32 s1, $0xD;
	s1 =	sshrl.u32 s1, $0x2  }
0xb9: {  	s3 =	sand.u32 $0x4000, s31;
	s1 =	sadd.s32 s1, s30  }
0xba: {  	s0 =	sor.u32 s3, s0;
	s1 =	sshll.u32 s1, $0x11  }
0xbb: {  	s0 =	sor.u32 s1, s0  }
0xbc: {  	s0 =	sadd.s32 $0x8F2B, s0  }
0xbd: {  	[sflag:s0] =	ssyncadd.remote.s32 $0x1  }
0xbe: {  	_ =	sfence.sel $0xFFFF  }
0xbf: {  	[dreg:$0x0] =	wrdreg $0xFFFFFFFF;
	(pc) =	sbr.abs _section_cstart, $3  }
0xc0: {  	[dreg:$0x1] =	wrdreg $0xFFFFFFFF  }
0xc1: {  	_ =	task.clear_ibuf [dreg:s6], $0x2FFFF;
	_ =	strace $0x9FFFFFFF  }
0xc2: {  	(tm) =	ssettm $0x7FFFFFFF  }
0xc3: {  	_ =	shalt  }
tec
execute0_lowered:
.L_overlay_start_1:
0x0: {  	(tag) =	ssettag $0x1  }
0x1: {  	s1 =	srdreg.scid;
	s5 =	rddreg [dreg:$0x0]  }
0x2: {  	s0 =	stileid.u32;
	s2 =	rddreg [dreg:$0x1];
	s3 =	simm.s32 $0x0  }
0x3: {  	s12 =	simm.s32 $0x17400;
	s15 =	simm.s32 $0x64;
	s16 =	simm.s32 $0x1A800  }
0x4: {  	s17 =	simm.s32 $0x1;
	s18 =	simm.s32 $0x2;
	s19 =	simm.s32 $0x0  }
0x5: {  	s6 =	sand.u32 $0x1, s1;
	s1 =	rddreg [dreg:$0x2];
	s8 =	smul.u32 $0x2800, s0  }
0x6: {  	s30 =	sshll.u32 s0, $0x1;
	[smem:$0x7FF] =	sst s3;
	s11 =	smul.u32 $0x50000, s0  }
0x7: {  	s13 =	sshll.u32 s0, $0x6;
	s4 =	sor.u32 s6, s30;
	_ =	strace $0x80000062  }
0x8: {  	s9 =	smul.u32 $0x28000, s6;
	s6 =	ssub.s32 $0x2, s6;
	s13 =	sor.u32 $0x1C03, s13  }
0x9: {  	s7 =	smul.u32 $0x680, s4;
	s4 =	sadd.s32 $0x36000, s5;
	s10 =	sshrl.u32 s6, $0x1  }
0xa: {  	s31 =	sshrl.u32 s11, $0x2;
	s11 =	simm.s32 $0x3;
	s9 =	sadd.s32 s8, s9  }
0xb: {  	s8 =	sadd.s32 s8, s5;
	s10 =	ssub.s32 s6, s10;
	s14 =	sadd.s32 s31, s2  }
0xc: {  	s7 =	sadd.s32 s7, s5;
	s9 =	sadd.s32 s9, s5;
	s14 =	sshrl.u32 s14, $0x3  }
0xd: {  	s5 =	sadd.s32 $0x1000, s7;
	s6 =	sadd.s32 $0x86000, s7;
	s7 =	sadd.s32 $0xE000, s8  }
0xe: {  	s8 =	sadd.s32 $0x93000, s9;
	s9 =	smax.u32 s10, $0x1;
	s10 =	simm.s32 $0x14000  }
.LBB2_1:
0xf: {  	[tilespmem:s10], [sflag:$0x3] =	stream.linear.gather [hbm4b:s5+s3], $0x3200, $0x38;
	[tilespmem:$0x1DC00] =	vst v63  }
0x10: {  	_ =	swait.ge [sflag:s11], $0x3200  }
0x11: {  	[sflag:s11] =	ssyncset.done $0x0  }
0x12: {  	[sflag:s11] =	ssyncadd.s32 $0xFFFFCE00  }
0x13: {  	[tilespmem:s12], [sflag:$0x3] =	stream.linear.gather [hbm4b:s6+s3], $0x3200, $0x38;
	[tilespmem:$0x1DC00] =	vst v63  }
0x14: {  	_ =	swait.ge [sflag:s11], $0x3200  }
0x15: {  	[sflag:s11] =	ssyncset.done $0x0  }
0x16: {  	[sflag:s11] =	ssyncadd.s32 $0xFFFFCE00  }
0x17: {  	[spmem:s14], [sflag:s13] =	dma.local [hbm:s7], $0x2800  }
0x18: {  	_ =	swait.ge [sflag:s11], $0x2800  }
0x19: {  	[sflag:s11] =	ssyncset.done $0x0  }
0x1a: {  	[sflag:s11] =	ssyncadd.s32 $0xFFFFD800  }
0x1b: {  	s20 =	simm.s32 $0x17400;
	[bflag:$0x0] =	sbarrier.arrive $0xFFFF  }
0x1c: {  	[tilespmem:s16], [sflag:$0x1] =	stream.indirect.gather [hbm4b:s4+s15], $0x80, s20, s15, $0xb8;
	[tilespmem:$0x1DC00] =	vst v63  }
0x1d: {  	_ =	swait.ge [sflag:s17], $0x3200  }
0x1e: {  	[sflag:s17] =	ssyncset.done $0x0  }
0x1f: {  	s31 =	simm.s32 $0x14000;
	[sflag:s17] =	ssyncadd.s32 $0xFFFFCE00  }
0x20: {  	[spmem:s2] =	stream.indirect.scatter.add.f32 [tilespmem:s16], [sflag:$0x2], $0x80, s31, s15, $0xb8;
	[tilespmem:$0x1DC00] =	vst v63  }
0x21: {  	_ =	swait.ge [sflag:s18], $0x3200  }
0x22: {  	s21 =	simm.s32 $0x400;
	s20 =	simm.s32 $0x80;
	[sflag:s18] =	ssyncset.done $0x0  }
.LBB2_2:
0x23: {  	s22 =	sadd.s32 $0x17400, s20  }
0x24: {  	[sflag:s18] =	ssyncadd.s32 $0xFFFFCE00;
	s23 =	smov.u32 s21;
	s24 =	sadd.s32 $0x200, s21  }
0x25: {  	[tilespmem:s16], [sflag:$0x1] =	stream.indirect.gather [hbm4b:s4+s15], $0x80, s22, s15, $0xb8;
	[tilespmem:$0x1DC00] =	vst v63  }
0x26: {  	p0 =	sne.s32 s21, $0xC600;
	_ =	swait.ge [sflag:s17], $0x3200  }
.Ltmp0:
0x27: {  	[sflag:s17] =	ssyncset.done $0x0;
	(pc) =	sbr.rel @p0 .LBB2_2-.Ltmp0, $4  }
0x28: {  	s20 =	sadd.s32 $0x14000, s20;
	[sflag:s17] =	ssyncadd.s32 $0xFFFFCE00  }
0x29: {  	[spmem:s2] =	stream.indirect.scatter.add.f32 [tilespmem:s16], [sflag:$0x2], $0x80, s20, s15, $0xb8;
	[tilespmem:$0x1DC00] =	vst v63  }
0x2a: {  	_ =	swait.ge [sflag:s18], $0x3200  }
0x2b: {  	s21 =	smov.u32 s24;
	s20 =	sshra.s32 s23, $0x2;
	[sflag:s18] =	ssyncset.done $0x0  }
0x2c: {  	s21 =	sadd.s32 $0x17400, s20;
	[sflag:s18] =	ssyncadd.s32 $0xFFFFCE00  }
0x2d: {  	[tilespmem:s16], [sflag:$0x1] =	stream.indirect.gather [hbm4b:s4+s15], $0x80, s21, s15, $0xb8;
	[tilespmem:$0x1DC00] =	vst v63  }
0x2e: {  	_ =	swait.ge [sflag:s17], $0x3200  }
0x2f: {  	[sflag:s17] =	ssyncset.done $0x0  }
0x30: {  	s31 =	sadd.s32 $0x14000, s20;
	[sflag:s17] =	ssyncadd.s32 $0xFFFFCE00  }
0x31: {  	[spmem:s2] =	stream.indirect.scatter.add.f32 [tilespmem:s16], [sflag:$0x2], $0x80, s31, s15, $0xb8;
	[tilespmem:$0x1DC00] =	vst v63  }
0x32: {  	_ =	swait.ge [sflag:s18], $0x3200  }
0x33: {  	s19 =	sadd.s32 $0x1, s19;
	[sflag:s18] =	ssyncset.done $0x0  }
0x34: {  	p0 =	sne.s32 s19, s9;
	[sflag:s18] =	ssyncadd.s32 $0xFFFFCE00  }
.Ltmp1:
0x35: {  	[bflag:$0x0] =	sbarrier.arrive $0xFFFF;
	(pc) =	sbr.rel @p0 .LBB2_1-.Ltmp1, $4  }
0x36: {  	[hbm:s8], [sflag:s13] =	dma.local [spmem:s14], $0x2800  }
0x37: {  	_ =	swait.ge [sflag:s11], $0x2800  }
0x38: {  	[sflag:s11] =	ssyncset.done $0x0  }
0x39: {  	[sflag:s11] =	ssyncadd.s32 $0xFFFFD800  }
0x3a: {  	_ =	sfence.sel $0x180000  }
0x3b: {  	[bflag:$0x0] =	sbarrier.arrive $0xFFFF  }
0x3c: {  	p0 =	sne.s32 s0, $0x0;
	_ =	strace $0x90000062  }
0x3d: {  	s0 =	sadd.s32 @!p0 $0x100000, s1;
	[bflag:$0x2] =	sbarrier.arrive $0xFFFF  }
0x3e: {  	[sflag:s0] =	ssyncadd.tile.s32 @!p0 $0x1;
	_ =	shalt  }
.Lfunc_end2:
_tile_overlayer_lowered:
.L_overlay_start_2:
0x3f: {  	(tag) =	ssettag $0x2  }
0x40: {  	s0 =	rddreg [dreg:$0x0];
	s2 =	stileid.u32  }
0x41: {  	s1 =	rddreg [dreg:$0x1];
	p0 =	sne.s32 s2, $0x0  }
0x42: {  	s3 =	rddreg [dreg:$0x2];
	[bflag:$0x3] =	sbarrier.arrive $0xFFFF;
	s2 =	simm.s32 @!p0 $0x1C03  }
0x43: {  	[timem:s3], [sflag:s2] =	dma.local @!p0 [hbm:s0], s1  }
0x44: {  	s0 =	simm.s32 @!p0 $0x3  }
0x45: {  	_ =	swait.ge @!p0 [sflag:s0], s1  }
0x46: {  	s1 =	ssub.s32 @!p0 $0x0, s1;
	[sflag:s0] =	ssyncset.done @!p0 $0x0  }
0x47: {  	[sflag:s0] =	ssyncadd.s32 @!p0 s1  }
0x48: {  	[bflag:$0x3] =	sbarrier.arrive $0xFFFF  }
0x49: {  	_ =	shalt  }

</sc_bundles>
